<compile_context>
chip_gen: v7x
topology: tpu7x:2x2x1
jax: 0.10.2.dev20260603
libtpu: 0.0.44.dev20260713+nightly
codegen_flags: <defaults>
</compile_context>

<pallas_src>
import functools

import jax
import jax.numpy as jnp
from jax import lax
from jax.experimental import pallas as pl
from jax.experimental.pallas import tpu as pltpu
from jax.experimental.pallas import tpu_sc as plsc

B, L, D = 16, 4096, 300
BLK = 8
CT = 128
CB = CT // BLK
DPAD = 304
NJ = 18
NSUB = 16
NW = 2 * NSUB

_mesh = plsc.VectorSubcoreMesh(core_axis_name="c", subcore_axis_name="s")


@functools.partial(
    pl.kernel,
    mesh=_mesh,
    out_type=jax.ShapeDtypeStruct((NW, B, DPAD), jnp.float32),
    scratch_types=[
        pltpu.VMEM((CT, D), jnp.float32),
        pltpu.VMEM((CT, D), jnp.float32),
        pltpu.VMEM((B, DPAD), jnp.float32),
        pltpu.VMEM((B,), jnp.int32),
        pltpu.VMEM((B,), jnp.int32),
        pltpu.SemaphoreType.DMA,
        pltpu.SemaphoreType.DMA,
    ],
    compiler_params=pltpu.CompilerParams(needs_layout_passes=False),
)
def _awe_pool(x_hbm, len_hbm, part_hbm, bufa, bufb, prows, lens_v, gcnt_v,
              sema, semb):
    sid = lax.axis_index("s")
    cid = lax.axis_index("c")
    wid = cid * NSUB + sid
    zero16 = jnp.zeros((16,), jnp.float32)
    lane = lax.iota(jnp.int32, 16)

    pltpu.sync_copy(len_hbm, lens_v)
    lens_vec = lens_v[...]
    gvec = (lens_vec + (BLK - 1)) // BLK
    gcnt_v[...] = gvec

    def vext(ref, gidx):
        return plsc.load_gather(ref, [jnp.full((16,), gidx, jnp.int32)])[0]

    def add_token(buf, t, accs):
        out = [accs[j] + buf[t, pl.ds(16 * j, 16)] for j in range(NJ)]
        v = buf[t, pl.ds(D - 16, 16)]
        out.append(accs[NJ] + jnp.where(lane >= 4, v, 0.0))
        return tuple(out)

    def acc_chunk(buf, accs):
        def q4(q, accs):
            t = q * 4
            for u in range(4):
                accs = add_token(buf, t + u, accs)
            return accs

        return lax.fori_loop(0, CT // 4, q4, accs)

    total = jnp.int32(0)
    for s in range(B):
        total = total + vext(gcnt_v, s)
    quota = (total + NW - 1) // NW
    lo = jnp.minimum(wid * quota, total)
    hi = jnp.minimum(lo + quota, total)

    def sent_body(s, base):
        gcount = vext(gcnt_v, s)
        a = jnp.clip(lo - base, 0, gcount)
        b = jnp.clip(hi - base, 0, gcount)
        lenT = vext(lens_v, s)

        def start(buf, sem, i, a=a, s=s):
            t0 = (a + i * CB) * BLK
            pltpu.async_copy(x_hbm.at[s, pl.ds(t0, CT), :], buf, sem)

        def wait(buf, sem, s=s):
            pltpu.make_async_copy(x_hbm.at[s, pl.ds(0, CT), :], buf, sem).wait()

        def compute(a=a, b=b, lenT=lenT, s=s, start=start, wait=wait):
            accs = tuple(zero16 for _ in range(NJ + 1))
            ragged = (b * BLK > lenT).astype(jnp.int32)
            nfull = (b - a - ragged) // CB
            ntail = (b - a) - nfull * CB

            @pl.when(nfull > 0)
            def _():
                start(bufa, sema, 0)

            @pl.when(nfull > 1)
            def _():
                start(bufb, semb, 1)

            def pair_body(p, accs):
                i0 = 2 * p
                wait(bufa, sema)

                @pl.when(i0 + 2 < nfull)
                def _():
                    start(bufa, sema, i0 + 2)

                accs = acc_chunk(bufa, accs)
                wait(bufb, semb)

                @pl.when(i0 + 3 < nfull)
                def _():
                    start(bufb, semb, i0 + 3)

                return acc_chunk(bufb, accs)

            accs = lax.fori_loop(0, nfull // 2, pair_body, accs)

            def odd_chunk(accs):
                wait(bufa, sema)
                return acc_chunk(bufa, accs)

            accs = lax.cond(nfull % 2 == 1, odd_chunk, lambda x: x, accs)

            def tail_body(i, accs):
                blk = a + nfull * CB + i
                t0 = blk * BLK
                pltpu.sync_copy(
                    x_hbm.at[s, pl.ds(t0, BLK), :], bufa.at[pl.ds(0, BLK), :]
                )
                nv = jnp.clip(lenT - t0, 0, BLK)

                def tb(t, accs):
                    return add_token(bufa, t, accs)

                return lax.fori_loop(0, nv, tb, accs)

            return lax.fori_loop(0, ntail, tail_body, accs)

        def empty():
            return tuple(zero16 for _ in range(NJ + 1))

        accs = lax.cond(b > a, compute, empty)

        for j in range(NJ + 1):
            prows[s, pl.ds(16 * j, 16)] = accs[j]
        return base + gcount

    lax.fori_loop(0, B, sent_body, jnp.int32(0))

    pltpu.sync_copy(prows, part_hbm.at[wid])


def _combine_body(part_ref, len_ref, out_ref):
    acc = part_ref[0]
    for w in range(1, NW):
        acc = acc + part_ref[w]
    head = acc[:, : NJ * 16]
    tail = acc[:, NJ * 16 + 4:]
    pad = jnp.zeros((B, 4), jnp.float32)
    full = jnp.concatenate([head, tail, pad], axis=1)
    out_ref[...] = full / len_ref[...]


_combine = pl.pallas_call(
    _combine_body,
    out_shape=jax.ShapeDtypeStruct((B, DPAD), jnp.float32),
)


def kernel(sentences, sentence_lengths):
    parts = _awe_pool(sentences, sentence_lengths)
    lens_f = sentence_lengths.astype(jnp.float32).reshape(B, 1)
    out = _combine(parts, lens_f)
    return out[:, :D]

# --- scband reference (transcript-rebuilt; emitter-appended) ---
"""Pipeline reference for scband-aweencoder-13159779795128 (READ-ONLY COPY).

The authoritative reference and input builder live on the scoring server;
editing this copy changes nothing except your own understanding.
"""

import jax, jax.numpy as jnp
import numpy as np


def setup_inputs(seed: int = 0) -> dict:
    key = jax.random.key(seed)
    k1, k2 = jax.random.split(key)
    sentences = jax.random.normal(k1, (16, 4096, 300), dtype=jnp.float32)
    # lengths in [1, max_seqlen] to avoid empty-sentence division
    sentence_lengths = jax.random.randint(k2, (16,), 1, 4096 + 1, dtype=jnp.int64 if jax.config.jax_enable_x64 else jnp.int32).astype(jnp.int32)
    return {"sentences": sentences, "sentence_lengths": sentence_lengths}


def reference(sentences, sentence_lengths):
    # Faithful translation of AWEEncoder.forward:
    # for each sentence i, mean over the first sentence_lengths[i] tokens.
    B, L, D = sentences.shape
    positions = jnp.arange(L, dtype=sentence_lengths.dtype)
    mask = (positions[None, :] < sentence_lengths[:, None]).astype(sentences.dtype)  # [B, L]
    summed = jnp.sum(sentences * mask[:, :, None], axis=1)  # [B, D]
    sentence_representations = summed / sentence_lengths[:, None].astype(sentences.dtype)
    return sentence_representations

if __name__ == "__main__":
    import jax
    _d = setup_inputs()
    print(jax.jit(kernel)(*tuple(_d.values())))

</pallas_src>

<mosaic_0001>
#map = affine_map<(d0, d1) -> (0, 0, 0)>
#map1 = affine_map<(d0, d1) -> (0)>
module attributes {stable_mosaic.version = 14 : i64} {
  func.func @_awe_pool(%arg0: i32, %arg1: i32, %arg2: memref<16x4096x300xf32, #tpu.memory_space<hbm>>, %arg3: memref<16xi32, #tpu.memory_space<hbm>>, %arg4: memref<32x16x304xf32, #tpu.memory_space<hbm>>, %arg5: memref<128x300xf32, #tpu.memory_space<vmem>>, %arg6: memref<128x300xf32, #tpu.memory_space<vmem>>, %arg7: memref<16x304xf32, #tpu.memory_space<vmem>>, %arg8: memref<16xi32, #tpu.memory_space<vmem>>, %arg9: memref<16xi32, #tpu.memory_space<vmem>>, %arg10: memref<!tpu.dma_semaphore, #tpu.memory_space<semaphore_mem>>, %arg11: memref<!tpu.dma_semaphore, #tpu.memory_space<semaphore_mem>>) attributes {dimension_semantics = [#tpu.dimension_semantics<core_parallel>, #tpu.dimension_semantics<subcore_parallel>], iteration_bounds = array<i64: 2, 16>, scalar_prefetch = 0 : i64, scratch_operands = 7 : i64, tpu.core_type = #tpu.core_type<sc_vector_subcore>, window_params = [{transform_indices = #map}, {transform_indices = #map1}, {transform_indices = #map}]} {
    %mul3A = arith.constant 16 : i32
    %mul3A_0 = arith.muli %arg0, %mul3A : i32
    %add3A = arith.addi %mul3A_0, %arg1 : i32
    %broadcast_in_dim3A = arith.constant 0.000000e+00 : f32
    %broadcast_in_dim3A_1 = vector.broadcast %broadcast_in_dim3A : f32 to vector<16xf32>
    %iota3A = tpu.iota {dimensions = array<i32: 0>} : vector<16xi32>
    "tpu.region"() ({
      %run_scoped3A = tpu.sem_alloc : memref<!tpu.dma_semaphore, #tpu.memory_space<semaphore_mem>>
      tpu.enqueue_dma source(%arg3 : memref<16xi32, #tpu.memory_space<hbm>>) target(%arg8 : memref<16xi32, #tpu.memory_space<vmem>>) target_semaphore(%run_scoped3A : memref<!tpu.dma_semaphore, #tpu.memory_space<semaphore_mem>>)
      tpu.wait_dma2 semaphore(%run_scoped3A : memref<!tpu.dma_semaphore, #tpu.memory_space<semaphore_mem>>) src(%arg3 : memref<16xi32, #tpu.memory_space<hbm>>) dst(%arg8 : memref<16xi32, #tpu.memory_space<vmem>>)
      tpu.yield
    }) : () -> ()
    %get3A = arith.constant 0 : index
    %get3A_2 = tpu.vector_load %arg8[%get3A] {strides = array<i32>} : memref<16xi32, #tpu.memory_space<vmem>>, vector<16xi32>,
    %add3A_3 = arith.constant 7 : i32
    %add3A_4 = vector.broadcast %add3A_3 : i32 to vector<16xi32>
    %add3A_5 = arith.addi %get3A_2, %add3A_4 : vector<16xi32>
    %jit3A = arith.constant 8 : i32
    %div3A = vector.broadcast %jit3A : i32 to vector<16xi32>
    %div3A_6 = arith.divsi %add3A_5, %div3A : vector<16xi32>
    %sign3A = arith.constant 0 : i32
    %sign3A_7 = vector.broadcast %sign3A : i32 to vector<16xi32>
    %sign3A_8 = arith.cmpi sgt, %add3A_5, %sign3A_7 : vector<16xi32>
    %sign3A_9 = arith.extui %sign3A_8 : vector<16xi1> to vector<16xi32>
    %sign3A_10 = arith.constant 0 : i32
    %sign3A_11 = vector.broadcast %sign3A_10 : i32 to vector<16xi32>
    %sign3A_12 = arith.cmpi slt, %add3A_5, %sign3A_11 : vector<16xi32>
    %sign3A_13 = arith.extui %sign3A_12 : vector<16xi1> to vector<16xi32>
    %sign3A_14 = arith.subi %sign3A_9, %sign3A_13 : vector<16xi32>
    %sign3A_15 = arith.constant 0 : i32
    %sign3A_16 = arith.cmpi sgt, %jit3A, %sign3A_15 : i32
    %sign3A_17 = arith.extui %sign3A_16 : i1 to i32
    %sign3A_18 = arith.constant 0 : i32
    %sign3A_19 = arith.cmpi slt, %jit3A, %sign3A_18 : i32
    %sign3A_20 = arith.extui %sign3A_19 : i1 to i32
    %sign3A_21 = arith.subi %sign3A_17, %sign3A_20 : i32
    %ne3A = vector.broadcast %sign3A_21 : i32 to vector<16xi32>
    %ne3A_22 = arith.cmpi ne, %sign3A_14, %ne3A : vector<16xi32>
    %rem3A = vector.broadcast %jit3A : i32 to vector<16xi32>
    %rem3A_23 = arith.remsi %add3A_5, %rem3A : vector<16xi32>
    %ne3A_24 = arith.constant 0 : i32
    %ne3A_25 = vector.broadcast %ne3A_24 : i32 to vector<16xi32>
    %ne3A_26 = arith.cmpi ne, %rem3A_23, %ne3A_25 : vector<16xi32>
    %and3A = arith.andi %ne3A_22, %ne3A_26 : vector<16xi1>
    %sub3A = arith.constant 1 : i32
    %sub3A_27 = vector.broadcast %sub3A : i32 to vector<16xi32>
    %sub3A_28 = arith.subi %div3A_6, %sub3A_27 : vector<16xi32>
    %select_n3A = arith.select %and3A, %sub3A_28, %div3A_6 : vector<16xi1>, vector<16xi32>
    %swap3A = arith.constant 0 : index
    %swap3A_29 = tpu.vector_load %arg9[%swap3A] {strides = array<i32>} : memref<16xi32, #tpu.memory_space<vmem>>, vector<16xi32>,
    tpu.vector_store %arg9[%swap3A], %select_n3A {strides = array<i32>} : memref<16xi32, #tpu.memory_space<vmem>>, vector<16xi32>,
    %broadcast_in_dim3A_30 = arith.constant 0 : i32
    %broadcast_in_dim3A_31 = vector.broadcast %broadcast_in_dim3A_30 : i32 to vector<16xi32>
    %gather3A = tpu.vector_load_idx %arg9[%broadcast_in_dim3A_31] : memref<16xi32, #tpu.memory_space<vmem>>[vector<16xi32>], vector<16xi32>,
    %slice3A = vector.extract_strided_slice %gather3A {offsets = [0], sizes = [1], strides = [1]} : vector<16xi32> to vector<1xi32>
    %squeeze3A = vector.extract %slice3A[0] : i32 from vector<1xi32>
    %add3A_32 = arith.constant 0 : i32
    %add3A_33 = arith.addi %add3A_32, %squeeze3A : i32
    %broadcast_in_dim3A_34 = arith.constant 1 : i32
    %broadcast_in_dim3A_35 = vector.broadcast %broadcast_in_dim3A_34 : i32 to vector<16xi32>
    %gather3A_36 = tpu.vector_load_idx %arg9[%broadcast_in_dim3A_35] : memref<16xi32, #tpu.memory_space<vmem>>[vector<16xi32>], vector<16xi32>,
    %slice3A_37 = vector.extract_strided_slice %gather3A_36 {offsets = [0], sizes = [1], strides = [1]} : vector<16xi32> to vector<1xi32>
    %squeeze3A_38 = vector.extract %slice3A_37[0] : i32 from vector<1xi32>
    %add3A_39 = arith.addi %add3A_33, %squeeze3A_38 : i32
    %broadcast_in_dim3A_40 = arith.constant 2 : i32
    %broadcast_in_dim3A_41 = vector.broadcast %broadcast_in_dim3A_40 : i32 to vector<16xi32>
    %gather3A_42 = tpu.vector_load_idx %arg9[%broadcast_in_dim3A_41] : memref<16xi32, #tpu.memory_space<vmem>>[vector<16xi32>], vector<16xi32>,
    %slice3A_43 = vector.extract_strided_slice %gather3A_42 {offsets = [0], sizes = [1], strides = [1]} : vector<16xi32> to vector<1xi32>
    %squeeze3A_44 = vector.extract %slice3A_43[0] : i32 from vector<1xi32>
    %add3A_45 = arith.addi %add3A_39, %squeeze3A_44 : i32
    %broadcast_in_dim3A_46 = arith.constant 3 : i32
    %broadcast_in_dim3A_47 = vector.broadcast %broadcast_in_dim3A_46 : i32 to vector<16xi32>
    %gather3A_48 = tpu.vector_load_idx %arg9[%broadcast_in_dim3A_47] : memref<16xi32, #tpu.memory_space<vmem>>[vector<16xi32>], vector<16xi32>,
    %slice3A_49 = vector.extract_strided_slice %gather3A_48 {offsets = [0], sizes = [1], strides = [1]} : vector<16xi32> to vector<1xi32>
    %squeeze3A_50 = vector.extract %slice3A_49[0] : i32 from vector<1xi32>
    %add3A_51 = arith.addi %add3A_45, %squeeze3A_50 : i32
    %broadcast_in_dim3A_52 = arith.constant 4 : i32
    %broadcast_in_dim3A_53 = vector.broadcast %broadcast_in_dim3A_52 : i32 to vector<16xi32>
    %gather3A_54 = tpu.vector_load_idx %arg9[%broadcast_in_dim3A_53] : memref<16xi32, #tpu.memory_space<vmem>>[vector<16xi32>], vector<16xi32>,
    %slice3A_55 = vector.extract_strided_slice %gather3A_54 {offsets = [0], sizes = [1], strides = [1]} : vector<16xi32> to vector<1xi32>
    %squeeze3A_56 = vector.extract %slice3A_55[0] : i32 from vector<1xi32>
    %add3A_57 = arith.addi %add3A_51, %squeeze3A_56 : i32
    %broadcast_in_dim3A_58 = arith.constant 5 : i32
    %broadcast_in_dim3A_59 = vector.broadcast %broadcast_in_dim3A_58 : i32 to vector<16xi32>
    %gather3A_60 = tpu.vector_load_idx %arg9[%broadcast_in_dim3A_59] : memref<16xi32, #tpu.memory_space<vmem>>[vector<16xi32>], vector<16xi32>,
    %slice3A_61 = vector.extract_strided_slice %gather3A_60 {offsets = [0], sizes = [1], strides = [1]} : vector<16xi32> to vector<1xi32>
    %squeeze3A_62 = vector.extract %slice3A_61[0] : i32 from vector<1xi32>
    %add3A_63 = arith.addi %add3A_57, %squeeze3A_62 : i32
    %broadcast_in_dim3A_64 = arith.constant 6 : i32
    %broadcast_in_dim3A_65 = vector.broadcast %broadcast_in_dim3A_64 : i32 to vector<16xi32>
    %gather3A_66 = tpu.vector_load_idx %arg9[%broadcast_in_dim3A_65] : memref<16xi32, #tpu.memory_space<vmem>>[vector<16xi32>], vector<16xi32>,
    %slice3A_67 = vector.extract_strided_slice %gather3A_66 {offsets = [0], sizes = [1], strides = [1]} : vector<16xi32> to vector<1xi32>
    %squeeze3A_68 = vector.extract %slice3A_67[0] : i32 from vector<1xi32>
    %add3A_69 = arith.addi %add3A_63, %squeeze3A_68 : i32
    %broadcast_in_dim3A_70 = arith.constant 7 : i32
    %broadcast_in_dim3A_71 = vector.broadcast %broadcast_in_dim3A_70 : i32 to vector<16xi32>
    %gather3A_72 = tpu.vector_load_idx %arg9[%broadcast_in_dim3A_71] : memref<16xi32, #tpu.memory_space<vmem>>[vector<16xi32>], vector<16xi32>,
    %slice3A_73 = vector.extract_strided_slice %gather3A_72 {offsets = [0], sizes = [1], strides = [1]} : vector<16xi32> to vector<1xi32>
    %squeeze3A_74 = vector.extract %slice3A_73[0] : i32 from vector<1xi32>
    %add3A_75 = arith.addi %add3A_69, %squeeze3A_74 : i32
    %broadcast_in_dim3A_76 = arith.constant 8 : i32
    %broadcast_in_dim3A_77 = vector.broadcast %broadcast_in_dim3A_76 : i32 to vector<16xi32>
    %gather3A_78 = tpu.vector_load_idx %arg9[%broadcast_in_dim3A_77] : memref<16xi32, #tpu.memory_space<vmem>>[vector<16xi32>], vector<16xi32>,
    %slice3A_79 = vector.extract_strided_slice %gather3A_78 {offsets = [0], sizes = [1], strides = [1]} : vector<16xi32> to vector<1xi32>
    %squeeze3A_80 = vector.extract %slice3A_79[0] : i32 from vector<1xi32>
    %add3A_81 = arith.addi %add3A_75, %squeeze3A_80 : i32
    %broadcast_in_dim3A_82 = arith.constant 9 : i32
    %broadcast_in_dim3A_83 = vector.broadcast %broadcast_in_dim3A_82 : i32 to vector<16xi32>
    %gather3A_84 = tpu.vector_load_idx %arg9[%broadcast_in_dim3A_83] : memref<16xi32, #tpu.memory_space<vmem>>[vector<16xi32>], vector<16xi32>,
    %slice3A_85 = vector.extract_strided_slice %gather3A_84 {offsets = [0], sizes = [1], strides = [1]} : vector<16xi32> to vector<1xi32>
    %squeeze3A_86 = vector.extract %slice3A_85[0] : i32 from vector<1xi32>
    %add3A_87 = arith.addi %add3A_81, %squeeze3A_86 : i32
    %broadcast_in_dim3A_88 = arith.constant 10 : i32
    %broadcast_in_dim3A_89 = vector.broadcast %broadcast_in_dim3A_88 : i32 to vector<16xi32>
    %gather3A_90 = tpu.vector_load_idx %arg9[%broadcast_in_dim3A_89] : memref<16xi32, #tpu.memory_space<vmem>>[vector<16xi32>], vector<16xi32>,
    %slice3A_91 = vector.extract_strided_slice %gather3A_90 {offsets = [0], sizes = [1], strides = [1]} : vector<16xi32> to vector<1xi32>
    %squeeze3A_92 = vector.extract %slice3A_91[0] : i32 from vector<1xi32>
    %add3A_93 = arith.addi %add3A_87, %squeeze3A_92 : i32
    %broadcast_in_dim3A_94 = arith.constant 11 : i32
    %broadcast_in_dim3A_95 = vector.broadcast %broadcast_in_dim3A_94 : i32 to vector<16xi32>
    %gather3A_96 = tpu.vector_load_idx %arg9[%broadcast_in_dim3A_95] : memref<16xi32, #tpu.memory_space<vmem>>[vector<16xi32>], vector<16xi32>,
    %slice3A_97 = vector.extract_strided_slice %gather3A_96 {offsets = [0], sizes = [1], strides = [1]} : vector<16xi32> to vector<1xi32>
    %squeeze3A_98 = vector.extract %slice3A_97[0] : i32 from vector<1xi32>
    %add3A_99 = arith.addi %add3A_93, %squeeze3A_98 : i32
    %broadcast_in_dim3A_100 = arith.constant 12 : i32
    %broadcast_in_dim3A_101 = vector.broadcast %broadcast_in_dim3A_100 : i32 to vector<16xi32>
    %gather3A_102 = tpu.vector_load_idx %arg9[%broadcast_in_dim3A_101] : memref<16xi32, #tpu.memory_space<vmem>>[vector<16xi32>], vector<16xi32>,
    %slice3A_103 = vector.extract_strided_slice %gather3A_102 {offsets = [0], sizes = [1], strides = [1]} : vector<16xi32> to vector<1xi32>
    %squeeze3A_104 = vector.extract %slice3A_103[0] : i32 from vector<1xi32>
    %add3A_105 = arith.addi %add3A_99, %squeeze3A_104 : i32
    %broadcast_in_dim3A_106 = arith.constant 13 : i32
    %broadcast_in_dim3A_107 = vector.broadcast %broadcast_in_dim3A_106 : i32 to vector<16xi32>
    %gather3A_108 = tpu.vector_load_idx %arg9[%broadcast_in_dim3A_107] : memref<16xi32, #tpu.memory_space<vmem>>[vector<16xi32>], vector<16xi32>,
    %slice3A_109 = vector.extract_strided_slice %gather3A_108 {offsets = [0], sizes = [1], strides = [1]} : vector<16xi32> to vector<1xi32>
    %squeeze3A_110 = vector.extract %slice3A_109[0] : i32 from vector<1xi32>
    %add3A_111 = arith.addi %add3A_105, %squeeze3A_110 : i32
    %broadcast_in_dim3A_112 = arith.constant 14 : i32
    %broadcast_in_dim3A_113 = vector.broadcast %broadcast_in_dim3A_112 : i32 to vector<16xi32>
    %gather3A_114 = tpu.vector_load_idx %arg9[%broadcast_in_dim3A_113] : memref<16xi32, #tpu.memory_space<vmem>>[vector<16xi32>], vector<16xi32>,
    %slice3A_115 = vector.extract_strided_slice %gather3A_114 {offsets = [0], sizes = [1], strides = [1]} : vector<16xi32> to vector<1xi32>
    %squeeze3A_116 = vector.extract %slice3A_115[0] : i32 from vector<1xi32>
    %add3A_117 = arith.addi %add3A_111, %squeeze3A_116 : i32
    %broadcast_in_dim3A_118 = arith.constant 15 : i32
    %broadcast_in_dim3A_119 = vector.broadcast %broadcast_in_dim3A_118 : i32 to vector<16xi32>
    %gather3A_120 = tpu.vector_load_idx %arg9[%broadcast_in_dim3A_119] : memref<16xi32, #tpu.memory_space<vmem>>[vector<16xi32>], vector<16xi32>,
    %slice3A_121 = vector.extract_strided_slice %gather3A_120 {offsets = [0], sizes = [1], strides = [1]} : vector<16xi32> to vector<1xi32>
    %squeeze3A_122 = vector.extract %slice3A_121[0] : i32 from vector<1xi32>
    %add3A_123 = arith.addi %add3A_117, %squeeze3A_122 : i32
    %add3A_124 = arith.constant 32 : i32
    %add3A_125 = arith.addi %add3A_123, %add3A_124 : i32
    %sub3A_126 = arith.constant 1 : i32
    %sub3A_127 = arith.subi %add3A_125, %sub3A_126 : i32
    %jit3A_128 = arith.constant 32 : i32
    %div3A_129 = arith.divsi %sub3A_127, %jit3A_128 : i32
    %sign3A_130 = arith.constant 0 : i32
    %sign3A_131 = arith.cmpi sgt, %sub3A_127, %sign3A_130 : i32
    %sign3A_132 = arith.extui %sign3A_131 : i1 to i32
    %sign3A_133 = arith.constant 0 : i32
    %sign3A_134 = arith.cmpi slt, %sub3A_127, %sign3A_133 : i32
    %sign3A_135 = arith.extui %sign3A_134 : i1 to i32
    %sign3A_136 = arith.subi %sign3A_132, %sign3A_135 : i32
    %sign3A_137 = arith.constant 0 : i32
    %sign3A_138 = arith.cmpi sgt, %jit3A_128, %sign3A_137 : i32
    %sign3A_139 = arith.extui %sign3A_138 : i1 to i32
    %sign3A_140 = arith.constant 0 : i32
    %sign3A_141 = arith.cmpi slt, %jit3A_128, %sign3A_140 : i32
    %sign3A_142 = arith.extui %sign3A_141 : i1 to i32
    %sign3A_143 = arith.subi %sign3A_139, %sign3A_142 : i32
    %ne3A_144 = arith.cmpi ne, %sign3A_136, %sign3A_143 : i32
    %rem3A_145 = arith.remsi %sub3A_127, %jit3A_128 : i32
    %ne3A_146 = arith.constant 0 : i32
    %ne3A_147 = arith.cmpi ne, %rem3A_145, %ne3A_146 : i32
    %and3A_148 = arith.andi %ne3A_144, %ne3A_147 : i1
    %sub3A_149 = arith.constant 1 : i32
    %sub3A_150 = arith.subi %div3A_129, %sub3A_149 : i32
    %select_n3A_151 = arith.select %and3A_148, %sub3A_150, %div3A_129 : i32
    %mul3A_152 = arith.muli %add3A, %select_n3A_151 : i32
    %min3A = arith.minsi %mul3A_152, %add3A_123 : i32
    %add3A_153 = arith.addi %min3A, %select_n3A_151 : i32
    %min3A_154 = arith.minsi %add3A_153, %add3A_123 : i32
    %scan3A = arith.constant 0 : i32
    %scan3A_155 = arith.constant 0 : i32
    %scan3A_156 = arith.constant 16 : i32
    %scan3A_157 = arith.addi %scan3A_155, %scan3A_156 : i32
    %scan3A_158 = arith.constant 1 : i32
    %scan3A_159 = scf.for %scan3A_161 = %scan3A_155 to %scan3A_157 step %scan3A_158 iter_args(%scan3A_162 = %scan3A) -> (i32)  : i32 {
      %broadcast_in_dim3A_163 = vector.broadcast %scan3A_161 : i32 to vector<16xi32>
      %gather3A_164 = tpu.vector_load_idx %arg9[%broadcast_in_dim3A_163] : memref<16xi32, #tpu.memory_space<vmem>>[vector<16xi32>], vector<16xi32>,
      %slice3A_165 = vector.extract_strided_slice %gather3A_164 {offsets = [0], sizes = [1], strides = [1]} : vector<16xi32> to vector<1xi32>
      %squeeze3A_166 = vector.extract %slice3A_165[0] : i32 from vector<1xi32>
      %sub3A_167 = arith.subi %min3A, %scan3A_162 : i32
      %jit3A_168 = arith.constant 0 : i32
      %max3A = arith.maxsi %jit3A_168, %sub3A_167 : i32
      %min3A_169 = arith.minsi %squeeze3A_166, %max3A : i32
      %sub3A_170 = arith.subi %min3A_154, %scan3A_162 : i32
      %jit3A_171 = arith.constant 0 : i32
      %max3A_172 = arith.maxsi %jit3A_171, %sub3A_170 : i32
      %min3A_173 = arith.minsi %squeeze3A_166, %max3A_172 : i32
      %broadcast_in_dim3A_174 = vector.broadcast %scan3A_161 : i32 to vector<16xi32>
      %gather3A_175 = tpu.vector_load_idx %arg8[%broadcast_in_dim3A_174] : memref<16xi32, #tpu.memory_space<vmem>>[vector<16xi32>], vector<16xi32>,
      %slice3A_176 = vector.extract_strided_slice %gather3A_175 {offsets = [0], sizes = [1], strides = [1]} : vector<16xi32> to vector<1xi32>
      %squeeze3A_177 = vector.extract %slice3A_176[0] : i32 from vector<1xi32>
      %gt3A = arith.cmpi sgt, %min3A_173, %min3A_169 : i32
      %convert_element_type3A = arith.extui %gt3A : i1 to i32
      %cond3A = arith.constant 0 : i32
      %cond3A_178 = arith.cmpi ne, %convert_element_type3A, %cond3A : i32
      %cond3A_179:19 = scf.if %cond3A_178 -> (vector<16xf32>, vector<16xf32>, vector<16xf32>, vector<16xf32>, vector<16xf32>, vector<16xf32>, vector<16xf32>, vector<16xf32>, vector<16xf32>, vector<16xf32>, vector<16xf32>, vector<16xf32>, vector<16xf32>, vector<16xf32>, vector<16xf32>, vector<16xf32>, vector<16xf32>, vector<16xf32>, vector<16xf32>) {
        %mul3A_238 = arith.constant 8 : i32
        %mul3A_239 = arith.muli %min3A_173, %mul3A_238 : i32
        %gt3A_240 = arith.cmpi sgt, %mul3A_239, %squeeze3A_177 : i32
        %convert_element_type3A_241 = arith.extui %gt3A_240 : i1 to i32
        %sub3A_242 = arith.subi %min3A_173, %min3A_169 : i32
        %sub3A_243 = arith.subi %sub3A_242, %convert_element_type3A_241 : i32
        %jit3A_244 = arith.constant 16 : i32
        %div3A_245 = arith.divsi %sub3A_243, %jit3A_244 : i32
        %sign3A_246 = arith.constant 0 : i32
        %sign3A_247 = arith.cmpi sgt, %sub3A_243, %sign3A_246 : i32
        %sign3A_248 = arith.extui %sign3A_247 : i1 to i32
        %sign3A_249 = arith.constant 0 : i32
        %sign3A_250 = arith.cmpi slt, %sub3A_243, %sign3A_249 : i32
        %sign3A_251 = arith.extui %sign3A_250 : i1 to i32
        %sign3A_252 = arith.subi %sign3A_248, %sign3A_251 : i32
        %sign3A_253 = arith.constant 0 : i32
        %sign3A_254 = arith.cmpi sgt, %jit3A_244, %sign3A_253 : i32
        %sign3A_255 = arith.extui %sign3A_254 : i1 to i32
        %sign3A_256 = arith.constant 0 : i32
        %sign3A_257 = arith.cmpi slt, %jit3A_244, %sign3A_256 : i32
        %sign3A_258 = arith.extui %sign3A_257 : i1 to i32
        %sign3A_259 = arith.subi %sign3A_255, %sign3A_258 : i32
        %ne3A_260 = arith.cmpi ne, %sign3A_252, %sign3A_259 : i32
        %rem3A_261 = arith.remsi %sub3A_243, %jit3A_244 : i32
        %ne3A_262 = arith.constant 0 : i32
        %ne3A_263 = arith.cmpi ne, %rem3A_261, %ne3A_262 : i32
        %and3A_264 = arith.andi %ne3A_260, %ne3A_263 : i1
        %sub3A_265 = arith.constant 1 : i32
        %sub3A_266 = arith.subi %div3A_245, %sub3A_265 : i32
        %select_n3A_267 = arith.select %and3A_264, %sub3A_266, %div3A_245 : i32
        %sub3A_268 = arith.subi %min3A_173, %min3A_169 : i32
        %mul3A_269 = arith.constant 16 : i32
        %mul3A_270 = arith.muli %select_n3A_267, %mul3A_269 : i32
        %sub3A_271 = arith.subi %sub3A_268, %mul3A_270 : i32
        %gt3A_272 = arith.constant 0 : i32
        %gt3A_273 = arith.cmpi sgt, %select_n3A_267, %gt3A_272 : i32
        %convert_element_type3A_274 = arith.extui %gt3A_273 : i1 to i32
        %cond3A_275 = arith.constant 0 : i32
        %cond3A_276 = arith.cmpi ne, %convert_element_type3A_274, %cond3A_275 : i32
        scf.if %cond3A_276 {
          %add3A_347 = arith.constant 0 : i32
          %add3A_348 = arith.addi %min3A_169, %add3A_347 : i32
          %mul3A_349 = arith.constant 8 : i32
          %mul3A_350 = arith.muli %add3A_348, %mul3A_349 : i32
          %dma_start3A = arith.constant 0 : i32
          %dma_start3A_351 = tpu.memref_slice %arg2[%scan3A_161, %mul3A_350, %dma_start3A] : memref<16x4096x300xf32, #tpu.memory_space<hbm>> -> memref<1x128x300xf32, #tpu.memory_space<hbm>>
          %dma_start3A_352 = tpu.memref_squeeze %dma_start3A_351 : memref<1x128x300xf32, #tpu.memory_space<hbm>> -> memref<128x300xf32, #tpu.memory_space<hbm>>
          %dma_start3A_353 = arith.constant 0 : i32
          %dma_start3A_354 = tpu.memref_slice %arg2[%scan3A_161, %mul3A_350, %dma_start3A_353] : memref<16x4096x300xf32, #tpu.memory_space<hbm>> -> memref<1x128x300xf32, #tpu.memory_space<hbm>>
          %dma_start3A_355 = tpu.memref_squeeze %dma_start3A_354 : memref<1x128x300xf32, #tpu.memory_space<hbm>> -> memref<128x300xf32, #tpu.memory_space<hbm>>
          tpu.enqueue_dma source(%dma_start3A_355 : memref<128x300xf32, #tpu.memory_space<hbm>>) target(%arg5 : memref<128x300xf32, #tpu.memory_space<vmem>>) target_semaphore(%arg10 : memref<!tpu.dma_semaphore, #tpu.memory_space<semaphore_mem>>)
        } else {
        }
        %gt3A_277 = arith.constant 1 : i32
        %gt3A_278 = arith.cmpi sgt, %select_n3A_267, %gt3A_277 : i32
        %convert_element_type3A_279 = arith.extui %gt3A_278 : i1 to i32
        %cond3A_280 = arith.constant 0 : i32
        %cond3A_281 = arith.cmpi ne, %convert_element_type3A_279, %cond3A_280 : i32
        scf.if %cond3A_281 {
          %add3A_347 = arith.constant 16 : i32
          %add3A_348 = arith.addi %min3A_169, %add3A_347 : i32
          %mul3A_349 = arith.constant 8 : i32
          %mul3A_350 = arith.muli %add3A_348, %mul3A_349 : i32
          %dma_start3A = arith.constant 0 : i32
          %dma_start3A_351 = tpu.memref_slice %arg2[%scan3A_161, %mul3A_350, %dma_start3A] : memref<16x4096x300xf32, #tpu.memory_space<hbm>> -> memref<1x128x300xf32, #tpu.memory_space<hbm>>
          %dma_start3A_352 = tpu.memref_squeeze %dma_start3A_351 : memref<1x128x300xf32, #tpu.memory_space<hbm>> -> memref<128x300xf32, #tpu.memory_space<hbm>>
          %dma_start3A_353 = arith.constant 0 : i32
          %dma_start3A_354 = tpu.memref_slice %arg2[%scan3A_161, %mul3A_350, %dma_start3A_353] : memref<16x4096x300xf32, #tpu.memory_space<hbm>> -> memref<1x128x300xf32, #tpu.memory_space<hbm>>
          %dma_start3A_355 = tpu.memref_squeeze %dma_start3A_354 : memref<1x128x300xf32, #tpu.memory_space<hbm>> -> memref<128x300xf32, #tpu.memory_space<hbm>>
          tpu.enqueue_dma source(%dma_start3A_355 : memref<128x300xf32, #tpu.memory_space<hbm>>) target(%arg6 : memref<128x300xf32, #tpu.memory_space<vmem>>) target_semaphore(%arg11 : memref<!tpu.dma_semaphore, #tpu.memory_space<semaphore_mem>>)
        } else {
        }
        %jit3A_282 = arith.constant 2 : i32
        %div3A_283 = arith.divsi %select_n3A_267, %jit3A_282 : i32
        %sign3A_284 = arith.constant 0 : i32
        %sign3A_285 = arith.cmpi sgt, %select_n3A_267, %sign3A_284 : i32
        %sign3A_286 = arith.extui %sign3A_285 : i1 to i32
        %sign3A_287 = arith.constant 0 : i32
        %sign3A_288 = arith.cmpi slt, %select_n3A_267, %sign3A_287 : i32
        %sign3A_289 = arith.extui %sign3A_288 : i1 to i32
        %sign3A_290 = arith.subi %sign3A_286, %sign3A_289 : i32
        %sign3A_291 = arith.constant 0 : i32
        %sign3A_292 = arith.cmpi sgt, %jit3A_282, %sign3A_291 : i32
        %sign3A_293 = arith.extui %sign3A_292 : i1 to i32
        %sign3A_294 = arith.constant 0 : i32
        %sign3A_295 = arith.cmpi slt, %jit3A_282, %sign3A_294 : i32
        %sign3A_296 = arith.extui %sign3A_295 : i1 to i32
        %sign3A_297 = arith.subi %sign3A_293, %sign3A_296 : i32
        %ne3A_298 = arith.cmpi ne, %sign3A_290, %sign3A_297 : i32
        %rem3A_299 = arith.remsi %select_n3A_267, %jit3A_282 : i32
        %ne3A_300 = arith.constant 0 : i32
        %ne3A_301 = arith.cmpi ne, %rem3A_299, %ne3A_300 : i32
        %and3A_302 = arith.andi %ne3A_298, %ne3A_301 : i1
        %sub3A_303 = arith.constant 1 : i32
        %sub3A_304 = arith.subi %div3A_283, %sub3A_303 : i32
        %select_n3A_305 = arith.select %and3A_302, %sub3A_304, %div3A_283 : i32
        %while3A = arith.constant 0 : i32
        %while3A_306 = arith.subi %select_n3A_305, %while3A : i32
        %while3A_307 = arith.addi %while3A, %while3A_306 : i32
        %while3A_308 = arith.constant 1 : i32
        %while3A_309 = arith.divsi %while3A_306, %while3A_308 : i32
        %while3A_310 = arith.muli %while3A_309, %while3A_308 : i32
        %while3A_311 = arith.addi %while3A, %while3A_310 : i32
        %while3A_312 = arith.constant 1 : i32
        %while3A_313:19 = scf.for %while3A_347 = %while3A to %while3A_311 step %while3A_312 iter_args(%while3A_348 = %broadcast_in_dim3A_1, %while3A_349 = %broadcast_in_dim3A_1, %while3A_350 = %broadcast_in_dim3A_1, %while3A_351 = %broadcast_in_dim3A_1, %while3A_352 = %broadcast_in_dim3A_1, %while3A_353 = %broadcast_in_dim3A_1, %while3A_354 = %broadcast_in_dim3A_1, %while3A_355 = %broadcast_in_dim3A_1, %while3A_356 = %broadcast_in_dim3A_1, %while3A_357 = %broadcast_in_dim3A_1, %while3A_358 = %broadcast_in_dim3A_1, %while3A_359 = %broadcast_in_dim3A_1, %while3A_360 = %broadcast_in_dim3A_1, %while3A_361 = %broadcast_in_dim3A_1, %while3A_362 = %broadcast_in_dim3A_1, %while3A_363 = %broadcast_in_dim3A_1, %while3A_364 = %broadcast_in_dim3A_1, %while3A_365 = %broadcast_in_dim3A_1, %while3A_366 = %broadcast_in_dim3A_1) -> (vector<16xf32>, vector<16xf32>, vector<16xf32>, vector<16xf32>, vector<16xf32>, vector<16xf32>, vector<16xf32>, vector<16xf32>, vector<16xf32>, vector<16xf32>, vector<16xf32>, vector<16xf32>, vector<16xf32>, vector<16xf32>, vector<16xf32>, vector<16xf32>, vector<16xf32>, vector<16xf32>, vector<16xf32>)  : i32 {
          %mul3A_367 = arith.constant 2 : i32
          %mul3A_368 = arith.muli %mul3A_367, %while3A_347 : i32
          %dma_wait3A = arith.constant 0 : i32
          %dma_wait3A_369 = arith.constant 0 : i32
          %dma_wait3A_370 = tpu.memref_slice %arg2[%scan3A_161, %dma_wait3A, %dma_wait3A_369] : memref<16x4096x300xf32, #tpu.memory_space<hbm>> -> memref<1x128x300xf32, #tpu.memory_space<hbm>>
          %dma_wait3A_371 = tpu.memref_squeeze %dma_wait3A_370 : memref<1x128x300xf32, #tpu.memory_space<hbm>> -> memref<128x300xf32, #tpu.memory_space<hbm>>
          %dma_wait3A_372 = arith.constant 0 : i32
          %dma_wait3A_373 = arith.constant 0 : i32
          %dma_wait3A_374 = tpu.memref_slice %arg2[%scan3A_161, %dma_wait3A_372, %dma_wait3A_373] : memref<16x4096x300xf32, #tpu.memory_space<hbm>> -> memref<1x128x300xf32, #tpu.memory_space<hbm>>
          %dma_wait3A_375 = tpu.memref_squeeze %dma_wait3A_374 : memref<1x128x300xf32, #tpu.memory_space<hbm>> -> memref<128x300xf32, #tpu.memory_space<hbm>>
          tpu.wait_dma2 semaphore(%arg10 : memref<!tpu.dma_semaphore, #tpu.memory_space<semaphore_mem>>) src(%dma_wait3A_375 : memref<128x300xf32, #tpu.memory_space<hbm>>) dst(%arg5 : memref<128x300xf32, #tpu.memory_space<vmem>>)
          %add3A_376 = arith.constant 2 : i32
          %add3A_377 = arith.addi %mul3A_368, %add3A_376 : i32
          %lt3A_378 = arith.cmpi slt, %add3A_377, %select_n3A_267 : i32
          %convert_element_type3A_379 = arith.extui %lt3A_378 : i1 to i32
          %cond3A_380 = arith.constant 0 : i32
          %cond3A_381 = arith.cmpi ne, %convert_element_type3A_379, %cond3A_380 : i32
          scf.if %cond3A_381 {
            %add3A_408 = arith.constant 2 : i32
            %add3A_409 = arith.addi %mul3A_368, %add3A_408 : i32
            %mul3A_410 = arith.constant 16 : i32
            %mul3A_411 = arith.muli %add3A_409, %mul3A_410 : i32
            %add3A_412 = arith.addi %min3A_169, %mul3A_411 : i32
            %mul3A_413 = arith.constant 8 : i32
            %mul3A_414 = arith.muli %add3A_412, %mul3A_413 : i32
            %dma_start3A = arith.constant 0 : i32
            %dma_start3A_415 = tpu.memref_slice %arg2[%scan3A_161, %mul3A_414, %dma_start3A] : memref<16x4096x300xf32, #tpu.memory_space<hbm>> -> memref<1x128x300xf32, #tpu.memory_space<hbm>>
            %dma_start3A_416 = tpu.memref_squeeze %dma_start3A_415 : memref<1x128x300xf32, #tpu.memory_space<hbm>> -> memref<128x300xf32, #tpu.memory_space<hbm>>
            %dma_start3A_417 = arith.constant 0 : i32
            %dma_start3A_418 = tpu.memref_slice %arg2[%scan3A_161, %mul3A_414, %dma_start3A_417] : memref<16x4096x300xf32, #tpu.memory_space<hbm>> -> memref<1x128x300xf32, #tpu.memory_space<hbm>>
            %dma_start3A_419 = tpu.memref_squeeze %dma_start3A_418 : memref<1x128x300xf32, #tpu.memory_space<hbm>> -> memref<128x300xf32, #tpu.memory_space<hbm>>
            tpu.enqueue_dma source(%dma_start3A_419 : memref<128x300xf32, #tpu.memory_space<hbm>>) target(%arg5 : memref<128x300xf32, #tpu.memory_space<vmem>>) target_semaphore(%arg10 : memref<!tpu.dma_semaphore, #tpu.memory_space<semaphore_mem>>)
          } else {
          }
          %scan3A_382 = arith.constant 0 : i32
          %scan3A_383 = arith.constant 32 : i32
          %scan3A_384 = arith.addi %scan3A_382, %scan3A_383 : i32
          %scan3A_385 = arith.constant 1 : i32
          %scan3A_386:19 = scf.for %scan3A_408 = %scan3A_382 to %scan3A_384 step %scan3A_385 iter_args(%scan3A_409 = %while3A_348, %scan3A_410 = %while3A_349, %scan3A_411 = %while3A_350, %scan3A_412 = %while3A_351, %scan3A_413 = %while3A_352, %scan3A_414 = %while3A_353, %scan3A_415 = %while3A_354, %scan3A_416 = %while3A_355, %scan3A_417 = %while3A_356, %scan3A_418 = %while3A_357, %scan3A_419 = %while3A_358, %scan3A_420 = %while3A_359, %scan3A_421 = %while3A_360, %scan3A_422 = %while3A_361, %scan3A_423 = %while3A_362, %scan3A_424 = %while3A_363, %scan3A_425 = %while3A_364, %scan3A_426 = %while3A_365, %scan3A_427 = %while3A_366) -> (vector<16xf32>, vector<16xf32>, vector<16xf32>, vector<16xf32>, vector<16xf32>, vector<16xf32>, vector<16xf32>, vector<16xf32>, vector<16xf32>, vector<16xf32>, vector<16xf32>, vector<16xf32>, vector<16xf32>, vector<16xf32>, vector<16xf32>, vector<16xf32>, vector<16xf32>, vector<16xf32>, vector<16xf32>)  : i32 {
            %mul3A_428 = arith.constant 4 : i32
            %mul3A_429 = arith.muli %scan3A_408, %mul3A_428 : i32
            %add3A_430 = arith.constant 0 : i32
            %add3A_431 = arith.addi %mul3A_429, %add3A_430 : i32
            %get3A_432 = arith.index_cast %add3A_431 : i32 to index
            %get3A_433 = arith.constant 0 : index
            %get3A_434 = tpu.vector_load %arg5[%get3A_432, %get3A_433] {strides = array<i32>} : memref<128x300xf32, #tpu.memory_space<vmem>>, vector<16xf32>,
            %add3A_435 = arith.addf %scan3A_409, %get3A_434 : vector<16xf32>
            %get3A_436 = arith.index_cast %add3A_431 : i32 to index
            %get3A_437 = arith.constant 16 : index
            %get3A_438 = tpu.vector_load %arg5[%get3A_436, %get3A_437] {strides = array<i32>} : memref<128x300xf32, #tpu.memory_space<vmem>>, vector<16xf32>,
            %add3A_439 = arith.addf %scan3A_410, %get3A_438 : vector<16xf32>
            %get3A_440 = arith.index_cast %add3A_431 : i32 to index
            %get3A_441 = arith.constant 32 : index
            %get3A_442 = tpu.vector_load %arg5[%get3A_440, %get3A_441] {strides = array<i32>} : memref<128x300xf32, #tpu.memory_space<vmem>>, vector<16xf32>,
            %add3A_443 = arith.addf %scan3A_411, %get3A_442 : vector<16xf32>
            %get3A_444 = arith.index_cast %add3A_431 : i32 to index
            %get3A_445 = arith.constant 48 : index
            %get3A_446 = tpu.vector_load %arg5[%get3A_444, %get3A_445] {strides = array<i32>} : memref<128x300xf32, #tpu.memory_space<vmem>>, vector<16xf32>,
            %add3A_447 = arith.addf %scan3A_412, %get3A_446 : vector<16xf32>
            %get3A_448 = arith.index_cast %add3A_431 : i32 to index
            %get3A_449 = arith.constant 64 : index
            %get3A_450 = tpu.vector_load %arg5[%get3A_448, %get3A_449] {strides = array<i32>} : memref<128x300xf32, #tpu.memory_space<vmem>>, vector<16xf32>,
            %add3A_451 = arith.addf %scan3A_413, %get3A_450 : vector<16xf32>
            %get3A_452 = arith.index_cast %add3A_431 : i32 to index
            %get3A_453 = arith.constant 80 : index
            %get3A_454 = tpu.vector_load %arg5[%get3A_452, %get3A_453] {strides = array<i32>} : memref<128x300xf32, #tpu.memory_space<vmem>>, vector<16xf32>,
            %add3A_455 = arith.addf %scan3A_414, %get3A_454 : vector<16xf32>
            %get3A_456 = arith.index_cast %add3A_431 : i32 to index
            %get3A_457 = arith.constant 96 : index
            %get3A_458 = tpu.vector_load %arg5[%get3A_456, %get3A_457] {strides = array<i32>} : memref<128x300xf32, #tpu.memory_space<vmem>>, vector<16xf32>,
            %add3A_459 = arith.addf %scan3A_415, %get3A_458 : vector<16xf32>
            %get3A_460 = arith.index_cast %add3A_431 : i32 to index
            %get3A_461 = arith.constant 112 : index
            %get3A_462 = tpu.vector_load %arg5[%get3A_460, %get3A_461] {strides = array<i32>} : memref<128x300xf32, #tpu.memory_space<vmem>>, vector<16xf32>,
            %add3A_463 = arith.addf %scan3A_416, %get3A_462 : vector<16xf32>
            %get3A_464 = arith.index_cast %add3A_431 : i32 to index
            %get3A_465 = arith.constant 128 : index
            %get3A_466 = tpu.vector_load %arg5[%get3A_464, %get3A_465] {strides = array<i32>} : memref<128x300xf32, #tpu.memory_space<vmem>>, vector<16xf32>,
            %add3A_467 = arith.addf %scan3A_417, %get3A_466 : vector<16xf32>
            %get3A_468 = arith.index_cast %add3A_431 : i32 to index
            %get3A_469 = arith.constant 144 : index
            %get3A_470 = tpu.vector_load %arg5[%get3A_468, %get3A_469] {strides = array<i32>} : memref<128x300xf32, #tpu.memory_space<vmem>>, vector<16xf32>,
            %add3A_471 = arith.addf %scan3A_418, %get3A_470 : vector<16xf32>
            %get3A_472 = arith.index_cast %add3A_431 : i32 to index
            %get3A_473 = arith.constant 160 : index
            %get3A_474 = tpu.vector_load %arg5[%get3A_472, %get3A_473] {strides = array<i32>} : memref<128x300xf32, #tpu.memory_space<vmem>>, vector<16xf32>,
            %add3A_475 = arith.addf %scan3A_419, %get3A_474 : vector<16xf32>
            %get3A_476 = arith.index_cast %add3A_431 : i32 to index
            %get3A_477 = arith.constant 176 : index
            %get3A_478 = tpu.vector_load %arg5[%get3A_476, %get3A_477] {strides = array<i32>} : memref<128x300xf32, #tpu.memory_space<vmem>>, vector<16xf32>,
            %add3A_479 = arith.addf %scan3A_420, %get3A_478 : vector<16xf32>
            %get3A_480 = arith.index_cast %add3A_431 : i32 to index
            %get3A_481 = arith.constant 192 : index
            %get3A_482 = tpu.vector_load %arg5[%get3A_480, %get3A_481] {strides = array<i32>} : memref<128x300xf32, #tpu.memory_space<vmem>>, vector<16xf32>,
            %add3A_483 = arith.addf %scan3A_421, %get3A_482 : vector<16xf32>
            %get3A_484 = arith.index_cast %add3A_431 : i32 to index
            %get3A_485 = arith.constant 208 : index
            %get3A_486 = tpu.vector_load %arg5[%get3A_484, %get3A_485] {strides = array<i32>} : memref<128x300xf32, #tpu.memory_space<vmem>>, vector<16xf32>,
            %add3A_487 = arith.addf %scan3A_422, %get3A_486 : vector<16xf32>
            %get3A_488 = arith.index_cast %add3A_431 : i32 to index
            %get3A_489 = arith.constant 224 : index
            %get3A_490 = tpu.vector_load %arg5[%get3A_488, %get3A_489] {strides = array<i32>} : memref<128x300xf32, #tpu.memory_space<vmem>>, vector<16xf32>,
            %add3A_491 = arith.addf %scan3A_423, %get3A_490 : vector<16xf32>
            %get3A_492 = arith.index_cast %add3A_431 : i32 to index
            %get3A_493 = arith.constant 240 : index
            %get3A_494 = tpu.vector_load %arg5[%get3A_492, %get3A_493] {strides = array<i32>} : memref<128x300xf32, #tpu.memory_space<vmem>>, vector<16xf32>,
            %add3A_495 = arith.addf %scan3A_424, %get3A_494 : vector<16xf32>
            %get3A_496 = arith.index_cast %add3A_431 : i32 to index
            %get3A_497 = arith.constant 256 : index
            %get3A_498 = tpu.vector_load %arg5[%get3A_496, %get3A_497] {strides = array<i32>} : memref<128x300xf32, #tpu.memory_space<vmem>>, vector<16xf32>,
            %add3A_499 = arith.addf %scan3A_425, %get3A_498 : vector<16xf32>
            %get3A_500 = arith.index_cast %add3A_431 : i32 to index
            %get3A_501 = arith.constant 272 : index
            %get3A_502 = tpu.vector_load %arg5[%get3A_500, %get3A_501] {strides = array<i32>} : memref<128x300xf32, #tpu.memory_space<vmem>>, vector<16xf32>,
            %add3A_503 = arith.addf %scan3A_426, %get3A_502 : vector<16xf32>
            %get3A_504 = arith.index_cast %add3A_431 : i32 to index
            %get3A_505 = arith.constant 284 : index
            %get3A_506 = tpu.vector_load %arg5[%get3A_504, %get3A_505] {strides = array<i32>} : memref<128x300xf32, #tpu.memory_space<vmem>>, vector<16xf32>,
            %ge3A = arith.constant 4 : i32
            %ge3A_507 = vector.broadcast %ge3A : i32 to vector<16xi32>
            %ge3A_508 = arith.cmpi sge, %iota3A, %ge3A_507 : vector<16xi32>
            %jit3A_509 = arith.constant 0.000000e+00 : f32
            %broadcast_in_dim3A_510 = vector.broadcast %jit3A_509 : f32 to vector<16xf32>
            %select_n3A_511 = arith.select %ge3A_508, %get3A_506, %broadcast_in_dim3A_510 : vector<16xi1>, vector<16xf32>
            %add3A_512 = arith.addf %scan3A_427, %select_n3A_511 : vector<16xf32>
            %add3A_513 = arith.constant 1 : i32
            %add3A_514 = arith.addi %mul3A_429, %add3A_513 : i32
            %get3A_515 = arith.index_cast %add3A_514 : i32 to index
            %get3A_516 = arith.constant 0 : index
            %get3A_517 = tpu.vector_load %arg5[%get3A_515, %get3A_516] {strides = array<i32>} : memref<128x300xf32, #tpu.memory_space<vmem>>, vector<16xf32>,
            %add3A_518 = arith.addf %add3A_435, %get3A_517 : vector<16xf32>
            %get3A_519 = arith.index_cast %add3A_514 : i32 to index
            %get3A_520 = arith.constant 16 : index
            %get3A_521 = tpu.vector_load %arg5[%get3A_519, %get3A_520] {strides = array<i32>} : memref<128x300xf32, #tpu.memory_space<vmem>>, vector<16xf32>,
            %add3A_522 = arith.addf %add3A_439, %get3A_521 : vector<16xf32>
            %get3A_523 = arith.index_cast %add3A_514 : i32 to index
            %get3A_524 = arith.constant 32 : index
            %get3A_525 = tpu.vector_load %arg5[%get3A_523, %get3A_524] {strides = array<i32>} : memref<128x300xf32, #tpu.memory_space<vmem>>, vector<16xf32>,
            %add3A_526 = arith.addf %add3A_443, %get3A_525 : vector<16xf32>
            %get3A_527 = arith.index_cast %add3A_514 : i32 to index
            %get3A_528 = arith.constant 48 : index
            %get3A_529 = tpu.vector_load %arg5[%get3A_527, %get3A_528] {strides = array<i32>} : memref<128x300xf32, #tpu.memory_space<vmem>>, vector<16xf32>,
            %add3A_530 = arith.addf %add3A_447, %get3A_529 : vector<16xf32>
            %get3A_531 = arith.index_cast %add3A_514 : i32 to index
            %get3A_532 = arith.constant 64 : index
            %get3A_533 = tpu.vector_load %arg5[%get3A_531, %get3A_532] {strides = array<i32>} : memref<128x300xf32, #tpu.memory_space<vmem>>, vector<16xf32>,
            %add3A_534 = arith.addf %add3A_451, %get3A_533 : vector<16xf32>
            %get3A_535 = arith.index_cast %add3A_514 : i32 to index
            %get3A_536 = arith.constant 80 : index
            %get3A_537 = tpu.vector_load %arg5[%get3A_535, %get3A_536] {strides = array<i32>} : memref<128x300xf32, #tpu.memory_space<vmem>>, vector<16xf32>,
            %add3A_538 = arith.addf %add3A_455, %get3A_537 : vector<16xf32>
            %get3A_539 = arith.index_cast %add3A_514 : i32 to index
            %get3A_540 = arith.constant 96 : index
            %get3A_541 = tpu.vector_load %arg5[%get3A_539, %get3A_540] {strides = array<i32>} : memref<128x300xf32, #tpu.memory_space<vmem>>, vector<16xf32>,
            %add3A_542 = arith.addf %add3A_459, %get3A_541 : vector<16xf32>
            %get3A_543 = arith.index_cast %add3A_514 : i32 to index
            %get3A_544 = arith.constant 112 : index
            %get3A_545 = tpu.vector_load %arg5[%get3A_543, %get3A_544] {strides = array<i32>} : memref<128x300xf32, #tpu.memory_space<vmem>>, vector<16xf32>,
            %add3A_546 = arith.addf %add3A_463, %get3A_545 : vector<16xf32>
            %get3A_547 = arith.index_cast %add3A_514 : i32 to index
            %get3A_548 = arith.constant 128 : index
            %get3A_549 = tpu.vector_load %arg5[%get3A_547, %get3A_548] {strides = array<i32>} : memref<128x300xf32, #tpu.memory_space<vmem>>, vector<16xf32>,
            %add3A_550 = arith.addf %add3A_467, %get3A_549 : vector<16xf32>
            %get3A_551 = arith.index_cast %add3A_514 : i32 to index
            %get3A_552 = arith.constant 144 : index
            %get3A_553 = tpu.vector_load %arg5[%get3A_551, %get3A_552] {strides = array<i32>} : memref<128x300xf32, #tpu.memory_space<vmem>>, vector<16xf32>,
            %add3A_554 = arith.addf %add3A_471, %get3A_553 : vector<16xf32>
            %get3A_555 = arith.index_cast %add3A_514 : i32 to index
            %get3A_556 = arith.constant 160 : index
            %get3A_557 = tpu.vector_load %arg5[%get3A_555, %get3A_556] {strides = array<i32>} : memref<128x300xf32, #tpu.memory_space<vmem>>, vector<16xf32>,
            %add3A_558 = arith.addf %add3A_475, %get3A_557 : vector<16xf32>
            %get3A_559 = arith.index_cast %add3A_514 : i32 to index
            %get3A_560 = arith.constant 176 : index
            %get3A_561 = tpu.vector_load %arg5[%get3A_559, %get3A_560] {strides = array<i32>} : memref<128x300xf32, #tpu.memory_space<vmem>>, vector<16xf32>,
            %add3A_562 = arith.addf %add3A_479, %get3A_561 : vector<16xf32>
            %get3A_563 = arith.index_cast %add3A_514 : i32 to index
            %get3A_564 = arith.constant 192 : index
            %get3A_565 = tpu.vector_load %arg5[%get3A_563, %get3A_564] {strides = array<i32>} : memref<128x300xf32, #tpu.memory_space<vmem>>, vector<16xf32>,
            %add3A_566 = arith.addf %add3A_483, %get3A_565 : vector<16xf32>
            %get3A_567 = arith.index_cast %add3A_514 : i32 to index
            %get3A_568 = arith.constant 208 : index
            %get3A_569 = tpu.vector_load %arg5[%get3A_567, %get3A_568] {strides = array<i32>} : memref<128x300xf32, #tpu.memory_space<vmem>>, vector<16xf32>,
            %add3A_570 = arith.addf %add3A_487, %get3A_569 : vector<16xf32>
            %get3A_571 = arith.index_cast %add3A_514 : i32 to index
            %get3A_572 = arith.constant 224 : index
            %get3A_573 = tpu.vector_load %arg5[%get3A_571, %get3A_572] {strides = array<i32>} : memref<128x300xf32, #tpu.memory_space<vmem>>, vector<16xf32>,
            %add3A_574 = arith.addf %add3A_491, %get3A_573 : vector<16xf32>
            %get3A_575 = arith.index_cast %add3A_514 : i32 to index
            %get3A_576 = arith.constant 240 : index
            %get3A_577 = tpu.vector_load %arg5[%get3A_575, %get3A_576] {strides = array<i32>} : memref<128x300xf32, #tpu.memory_space<vmem>>, vector<16xf32>,
            %add3A_578 = arith.addf %add3A_495, %get3A_577 : vector<16xf32>
            %get3A_579 = arith.index_cast %add3A_514 : i32 to index
            %get3A_580 = arith.constant 256 : index
            %get3A_581 = tpu.vector_load %arg5[%get3A_579, %get3A_580] {strides = array<i32>} : memref<128x300xf32, #tpu.memory_space<vmem>>, vector<16xf32>,
            %add3A_582 = arith.addf %add3A_499, %get3A_581 : vector<16xf32>
            %get3A_583 = arith.index_cast %add3A_514 : i32 to index
            %get3A_584 = arith.constant 272 : index
            %get3A_585 = tpu.vector_load %arg5[%get3A_583, %get3A_584] {strides = array<i32>} : memref<128x300xf32, #tpu.memory_space<vmem>>, vector<16xf32>,
            %add3A_586 = arith.addf %add3A_503, %get3A_585 : vector<16xf32>
            %get3A_587 = arith.index_cast %add3A_514 : i32 to index
            %get3A_588 = arith.constant 284 : index
            %get3A_589 = tpu.vector_load %arg5[%get3A_587, %get3A_588] {strides = array<i32>} : memref<128x300xf32, #tpu.memory_space<vmem>>, vector<16xf32>,
            %ge3A_590 = arith.constant 4 : i32
            %ge3A_591 = vector.broadcast %ge3A_590 : i32 to vector<16xi32>
            %ge3A_592 = arith.cmpi sge, %iota3A, %ge3A_591 : vector<16xi32>
            %jit3A_593 = arith.constant 0.000000e+00 : f32
            %broadcast_in_dim3A_594 = vector.broadcast %jit3A_593 : f32 to vector<16xf32>
            %select_n3A_595 = arith.select %ge3A_592, %get3A_589, %broadcast_in_dim3A_594 : vector<16xi1>, vector<16xf32>
            %add3A_596 = arith.addf %add3A_512, %select_n3A_595 : vector<16xf32>
            %add3A_597 = arith.constant 2 : i32
            %add3A_598 = arith.addi %mul3A_429, %add3A_597 : i32
            %get3A_599 = arith.index_cast %add3A_598 : i32 to index
            %get3A_600 = arith.constant 0 : index
            %get3A_601 = tpu.vector_load %arg5[%get3A_599, %get3A_600] {strides = array<i32>} : memref<128x300xf32, #tpu.memory_space<vmem>>, vector<16xf32>,
            %add3A_602 = arith.addf %add3A_518, %get3A_601 : vector<16xf32>
            %get3A_603 = arith.index_cast %add3A_598 : i32 to index
            %get3A_604 = arith.constant 16 : index
            %get3A_605 = tpu.vector_load %arg5[%get3A_603, %get3A_604] {strides = array<i32>} : memref<128x300xf32, #tpu.memory_space<vmem>>, vector<16xf32>,
            %add3A_606 = arith.addf %add3A_522, %get3A_605 : vector<16xf32>
            %get3A_607 = arith.index_cast %add3A_598 : i32 to index
            %get3A_608 = arith.constant 32 : index
            %get3A_609 = tpu.vector_load %arg5[%get3A_607, %get3A_608] {strides = array<i32>} : memref<128x300xf32, #tpu.memory_space<vmem>>, vector<16xf32>,
            %add3A_610 = arith.addf %add3A_526, %get3A_609 : vector<16xf32>
            %get3A_611 = arith.index_cast %add3A_598 : i32 to index
            %get3A_612 = arith.constant 48 : index
            %get3A_613 = tpu.vector_load %arg5[%get3A_611, %get3A_612] {strides = array<i32>} : memref<128x300xf32, #tpu.memory_space<vmem>>, vector<16xf32>,
            %add3A_614 = arith.addf %add3A_530, %get3A_613 : vector<16xf32>
            %get3A_615 = arith.index_cast %add3A_598 : i32 to index
            %get3A_616 = arith.constant 64 : index
            %get3A_617 = tpu.vector_load %arg5[%get3A_615, %get3A_616] {strides = array<i32>} : memref<128x300xf32, #tpu.memory_space<vmem>>, vector<16xf32>,
            %add3A_618 = arith.addf %add3A_534, %get3A_617 : vector<16xf32>
            %get3A_619 = arith.index_cast %add3A_598 : i32 to index
            %get3A_620 = arith.constant 80 : index
            %get3A_621 = tpu.vector_load %arg5[%get3A_619, %get3A_620] {strides = array<i32>} : memref<128x300xf32, #tpu.memory_space<vmem>>, vector<16xf32>,
            %add3A_622 = arith.addf %add3A_538, %get3A_621 : vector<16xf32>
            %get3A_623 = arith.index_cast %add3A_598 : i32 to index
            %get3A_624 = arith.constant 96 : index
            %get3A_625 = tpu.vector_load %arg5[%get3A_623, %get3A_624] {strides = array<i32>} : memref<128x300xf32, #tpu.memory_space<vmem>>, vector<16xf32>,
            %add3A_626 = arith.addf %add3A_542, %get3A_625 : vector<16xf32>
            %get3A_627 = arith.index_cast %add3A_598 : i32 to index
            %get3A_628 = arith.constant 112 : index
            %get3A_629 = tpu.vector_load %arg5[%get3A_627, %get3A_628] {strides = array<i32>} : memref<128x300xf32, #tpu.memory_space<vmem>>, vector<16xf32>,
            %add3A_630 = arith.addf %add3A_546, %get3A_629 : vector<16xf32>
            %get3A_631 = arith.index_cast %add3A_598 : i32 to index
            %get3A_632 = arith.constant 128 : index
            %get3A_633 = tpu.vector_load %arg5[%get3A_631, %get3A_632] {strides = array<i32>} : memref<128x300xf32, #tpu.memory_space<vmem>>, vector<16xf32>,
            %add3A_634 = arith.addf %add3A_550, %get3A_633 : vector<16xf32>
            %get3A_635 = arith.index_cast %add3A_598 : i32 to index
            %get3A_636 = arith.constant 144 : index
            %get3A_637 = tpu.vector_load %arg5[%get3A_635, %get3A_636] {strides = array<i32>} : memref<128x300xf32, #tpu.memory_space<vmem>>, vector<16xf32>,
            %add3A_638 = arith.addf %add3A_554, %get3A_637 : vector<16xf32>
            %get3A_639 = arith.index_cast %add3A_598 : i32 to index
            %get3A_640 = arith.constant 160 : index
            %get3A_641 = tpu.vector_load %arg5[%get3A_639, %get3A_640] {strides = array<i32>} : memref<128x300xf32, #tpu.memory_space<vmem>>, vector<16xf32>,
            %add3A_642 = arith.addf %add3A_558, %get3A_641 : vector<16xf32>
            %get3A_643 = arith.index_cast %add3A_598 : i32 to index
            %get3A_644 = arith.constant 176 : index
            %get3A_645 = tpu.vector_load %arg5[%get3A_643, %get3A_644] {strides = array<i32>} : memref<128x300xf32, #tpu.memory_space<vmem>>, vector<16xf32>,
            %add3A_646 = arith.addf %add3A_562, %get3A_645 : vector<16xf32>
            %get3A_647 = arith.index_cast %add3A_598 : i32 to index
            %get3A_648 = arith.constant 192 : index
            %get3A_649 = tpu.vector_load %arg5[%get3A_647, %get3A_648] {strides = array<i32>} : memref<128x300xf32, #tpu.memory_space<vmem>>, vector<16xf32>,
            %add3A_650 = arith.addf %add3A_566, %get3A_649 : vector<16xf32>
            %get3A_651 = arith.index_cast %add3A_598 : i32 to index
            %get3A_652 = arith.constant 208 : index
            %get3A_653 = tpu.vector_load %arg5[%get3A_651, %get3A_652] {strides = array<i32>} : memref<128x300xf32, #tpu.memory_space<vmem>>, vector<16xf32>,
            %add3A_654 = arith.addf %add3A_570, %get3A_653 : vector<16xf32>
            %get3A_655 = arith.index_cast %add3A_598 : i32 to index
            %get3A_656 = arith.constant 224 : index
            %get3A_657 = tpu.vector_load %arg5[%get3A_655, %get3A_656] {strides = array<i32>} : memref<128x300xf32, #tpu.memory_space<vmem>>, vector<16xf32>,
            %add3A_658 = arith.addf %add3A_574, %get3A_657 : vector<16xf32>
            %get3A_659 = arith.index_cast %add3A_598 : i32 to index
            %get3A_660 = arith.constant 240 : index
            %get3A_661 = tpu.vector_load %arg5[%get3A_659, %get3A_660] {strides = array<i32>} : memref<128x300xf32, #tpu.memory_space<vmem>>, vector<16xf32>,
            %add3A_662 = arith.addf %add3A_578, %get3A_661 : vector<16xf32>
            %get3A_663 = arith.index_cast %add3A_598 : i32 to index
            %get3A_664 = arith.constant 256 : index
            %get3A_665 = tpu.vector_load %arg5[%get3A_663, %get3A_664] {strides = array<i32>} : memref<128x300xf32, #tpu.memory_space<vmem>>, vector<16xf32>,
            %add3A_666 = arith.addf %add3A_582, %get3A_665 : vector<16xf32>
            %get3A_667 = arith.index_cast %add3A_598 : i32 to index
            %get3A_668 = arith.constant 272 : index
            %get3A_669 = tpu.vector_load %arg5[%get3A_667, %get3A_668] {strides = array<i32>} : memref<128x300xf32, #tpu.memory_space<vmem>>, vector<16xf32>,
            %add3A_670 = arith.addf %add3A_586, %get3A_669 : vector<16xf32>
            %get3A_671 = arith.index_cast %add3A_598 : i32 to index
            %get3A_672 = arith.constant 284 : index
            %get3A_673 = tpu.vector_load %arg5[%get3A_671, %get3A_672] {strides = array<i32>} : memref<128x300xf32, #tpu.memory_space<vmem>>, vector<16xf32>,
            %ge3A_674 = arith.constant 4 : i32
            %ge3A_675 = vector.broadcast %ge3A_674 : i32 to vector<16xi32>
            %ge3A_676 = arith.cmpi sge, %iota3A, %ge3A_675 : vector<16xi32>
            %jit3A_677 = arith.constant 0.000000e+00 : f32
            %broadcast_in_dim3A_678 = vector.broadcast %jit3A_677 : f32 to vector<16xf32>
            %select_n3A_679 = arith.select %ge3A_676, %get3A_673, %broadcast_in_dim3A_678 : vector<16xi1>, vector<16xf32>
            %add3A_680 = arith.addf %add3A_596, %select_n3A_679 : vector<16xf32>
            %add3A_681 = arith.constant 3 : i32
            %add3A_682 = arith.addi %mul3A_429, %add3A_681 : i32
            %get3A_683 = arith.index_cast %add3A_682 : i32 to index
            %get3A_684 = arith.constant 0 : index
            %get3A_685 = tpu.vector_load %arg5[%get3A_683, %get3A_684] {strides = array<i32>} : memref<128x300xf32, #tpu.memory_space<vmem>>, vector<16xf32>,
            %add3A_686 = arith.addf %add3A_602, %get3A_685 : vector<16xf32>
            %get3A_687 = arith.index_cast %add3A_682 : i32 to index
            %get3A_688 = arith.constant 16 : index
            %get3A_689 = tpu.vector_load %arg5[%get3A_687, %get3A_688] {strides = array<i32>} : memref<128x300xf32, #tpu.memory_space<vmem>>, vector<16xf32>,
            %add3A_690 = arith.addf %add3A_606, %get3A_689 : vector<16xf32>
            %get3A_691 = arith.index_cast %add3A_682 : i32 to index
            %get3A_692 = arith.constant 32 : index
            %get3A_693 = tpu.vector_load %arg5[%get3A_691, %get3A_692] {strides = array<i32>} : memref<128x300xf32, #tpu.memory_space<vmem>>, vector<16xf32>,
            %add3A_694 = arith.addf %add3A_610, %get3A_693 : vector<16xf32>
            %get3A_695 = arith.index_cast %add3A_682 : i32 to index
            %get3A_696 = arith.constant 48 : index
            %get3A_697 = tpu.vector_load %arg5[%get3A_695, %get3A_696] {strides = array<i32>} : memref<128x300xf32, #tpu.memory_space<vmem>>, vector<16xf32>,
            %add3A_698 = arith.addf %add3A_614, %get3A_697 : vector<16xf32>
            %get3A_699 = arith.index_cast %add3A_682 : i32 to index
            %get3A_700 = arith.constant 64 : index
            %get3A_701 = tpu.vector_load %arg5[%get3A_699, %get3A_700] {strides = array<i32>} : memref<128x300xf32, #tpu.memory_space<vmem>>, vector<16xf32>,
            %add3A_702 = arith.addf %add3A_618, %get3A_701 : vector<16xf32>
            %get3A_703 = arith.index_cast %add3A_682 : i32 to index
            %get3A_704 = arith.constant 80 : index
            %get3A_705 = tpu.vector_load %arg5[%get3A_703, %get3A_704] {strides = array<i32>} : memref<128x300xf32, #tpu.memory_space<vmem>>, vector<16xf32>,
            %add3A_706 = arith.addf %add3A_622, %get3A_705 : vector<16xf32>
            %get3A_707 = arith.index_cast %add3A_682 : i32 to index
            %get3A_708 = arith.constant 96 : index
            %get3A_709 = tpu.vector_load %arg5[%get3A_707, %get3A_708] {strides = array<i32>} : memref<128x300xf32, #tpu.memory_space<vmem>>, vector<16xf32>,
            %add3A_710 = arith.addf %add3A_626, %get3A_709 : vector<16xf32>
            %get3A_711 = arith.index_cast %add3A_682 : i32 to index
            %get3A_712 = arith.constant 112 : index
            %get3A_713 = tpu.vector_load %arg5[%get3A_711, %get3A_712] {strides = array<i32>} : memref<128x300xf32, #tpu.memory_space<vmem>>, vector<16xf32>,
            %add3A_714 = arith.addf %add3A_630, %get3A_713 : vector<16xf32>
            %get3A_715 = arith.index_cast %add3A_682 : i32 to index
            %get3A_716 = arith.constant 128 : index
            %get3A_717 = tpu.vector_load %arg5[%get3A_715, %get3A_716] {strides = array<i32>} : memref<128x300xf32, #tpu.memory_space<vmem>>, vector<16xf32>,
            %add3A_718 = arith.addf %add3A_634, %get3A_717 : vector<16xf32>
            %get3A_719 = arith.index_cast %add3A_682 : i32 to index
            %get3A_720 = arith.constant 144 : index
            %get3A_721 = tpu.vector_load %arg5[%get3A_719, %get3A_720] {strides = array<i32>} : memref<128x300xf32, #tpu.memory_space<vmem>>, vector<16xf32>,
            %add3A_722 = arith.addf %add3A_638, %get3A_721 : vector<16xf32>
            %get3A_723 = arith.index_cast %add3A_682 : i32 to index
            %get3A_724 = arith.constant 160 : index
            %get3A_725 = tpu.vector_load %arg5[%get3A_723, %get3A_724] {strides = array<i32>} : memref<128x300xf32, #tpu.memory_space<vmem>>, vector<16xf32>,
            %add3A_726 = arith.addf %add3A_642, %get3A_725 : vector<16xf32>
            %get3A_727 = arith.index_cast %add3A_682 : i32 to index
            %get3A_728 = arith.constant 176 : index
            %get3A_729 = tpu.vector_load %arg5[%get3A_727, %get3A_728] {strides = array<i32>} : memref<128x300xf32, #tpu.memory_space<vmem>>, vector<16xf32>,
            %add3A_730 = arith.addf %add3A_646, %get3A_729 : vector<16xf32>
            %get3A_731 = arith.index_cast %add3A_682 : i32 to index
            %get3A_732 = arith.constant 192 : index
            %get3A_733 = tpu.vector_load %arg5[%get3A_731, %get3A_732] {strides = array<i32>} : memref<128x300xf32, #tpu.memory_space<vmem>>, vector<16xf32>,
            %add3A_734 = arith.addf %add3A_650, %get3A_733 : vector<16xf32>
            %get3A_735 = arith.index_cast %add3A_682 : i32 to index
            %get3A_736 = arith.constant 208 : index
            %get3A_737 = tpu.vector_load %arg5[%get3A_735, %get3A_736] {strides = array<i32>} : memref<128x300xf32, #tpu.memory_space<vmem>>, vector<16xf32>,
            %add3A_738 = arith.addf %add3A_654, %get3A_737 : vector<16xf32>
            %get3A_739 = arith.index_cast %add3A_682 : i32 to index
            %get3A_740 = arith.constant 224 : index
            %get3A_741 = tpu.vector_load %arg5[%get3A_739, %get3A_740] {strides = array<i32>} : memref<128x300xf32, #tpu.memory_space<vmem>>, vector<16xf32>,
            %add3A_742 = arith.addf %add3A_658, %get3A_741 : vector<16xf32>
            %get3A_743 = arith.index_cast %add3A_682 : i32 to index
            %get3A_744 = arith.constant 240 : index
            %get3A_745 = tpu.vector_load %arg5[%get3A_743, %get3A_744] {strides = array<i32>} : memref<128x300xf32, #tpu.memory_space<vmem>>, vector<16xf32>,
            %add3A_746 = arith.addf %add3A_662, %get3A_745 : vector<16xf32>
            %get3A_747 = arith.index_cast %add3A_682 : i32 to index
            %get3A_748 = arith.constant 256 : index
            %get3A_749 = tpu.vector_load %arg5[%get3A_747, %get3A_748] {strides = array<i32>} : memref<128x300xf32, #tpu.memory_space<vmem>>, vector<16xf32>,
            %add3A_750 = arith.addf %add3A_666, %get3A_749 : vector<16xf32>
            %get3A_751 = arith.index_cast %add3A_682 : i32 to index
            %get3A_752 = arith.constant 272 : index
            %get3A_753 = tpu.vector_load %arg5[%get3A_751, %get3A_752] {strides = array<i32>} : memref<128x300xf32, #tpu.memory_space<vmem>>, vector<16xf32>,
            %add3A_754 = arith.addf %add3A_670, %get3A_753 : vector<16xf32>
            %get3A_755 = arith.index_cast %add3A_682 : i32 to index
            %get3A_756 = arith.constant 284 : index
            %get3A_757 = tpu.vector_load %arg5[%get3A_755, %get3A_756] {strides = array<i32>} : memref<128x300xf32, #tpu.memory_space<vmem>>, vector<16xf32>,
            %ge3A_758 = arith.constant 4 : i32
            %ge3A_759 = vector.broadcast %ge3A_758 : i32 to vector<16xi32>
            %ge3A_760 = arith.cmpi sge, %iota3A, %ge3A_759 : vector<16xi32>
            %jit3A_761 = arith.constant 0.000000e+00 : f32
            %broadcast_in_dim3A_762 = vector.broadcast %jit3A_761 : f32 to vector<16xf32>
            %select_n3A_763 = arith.select %ge3A_760, %get3A_757, %broadcast_in_dim3A_762 : vector<16xi1>, vector<16xf32>
            %add3A_764 = arith.addf %add3A_680, %select_n3A_763 : vector<16xf32>
            scf.yield %add3A_686, %add3A_690, %add3A_694, %add3A_698, %add3A_702, %add3A_706, %add3A_710, %add3A_714, %add3A_718, %add3A_722, %add3A_726, %add3A_730, %add3A_734, %add3A_738, %add3A_742, %add3A_746, %add3A_750, %add3A_754, %add3A_764 : vector<16xf32>, vector<16xf32>, vector<16xf32>, vector<16xf32>, vector<16xf32>, vector<16xf32>, vector<16xf32>, vector<16xf32>, vector<16xf32>, vector<16xf32>, vector<16xf32>, vector<16xf32>, vector<16xf32>, vector<16xf32>, vector<16xf32>, vector<16xf32>, vector<16xf32>, vector<16xf32>, vector<16xf32>
          }
          %scan3A_387 = arith.constant 32 : i32
          %dma_wait3A_388 = arith.constant 0 : i32
          %dma_wait3A_389 = arith.constant 0 : i32
          %dma_wait3A_390 = tpu.memref_slice %arg2[%scan3A_161, %dma_wait3A_388, %dma_wait3A_389] : memref<16x4096x300xf32, #tpu.memory_space<hbm>> -> memref<1x128x300xf32, #tpu.memory_space<hbm>>
          %dma_wait3A_391 = tpu.memref_squeeze %dma_wait3A_390 : memref<1x128x300xf32, #tpu.memory_space<hbm>> -> memref<128x300xf32, #tpu.memory_space<hbm>>
          %dma_wait3A_392 = arith.constant 0 : i32
          %dma_wait3A_393 = arith.constant 0 : i32
          %dma_wait3A_394 = tpu.memref_slice %arg2[%scan3A_161, %dma_wait3A_392, %dma_wait3A_393] : memref<16x4096x300xf32, #tpu.memory_space<hbm>> -> memref<1x128x300xf32, #tpu.memory_space<hbm>>
          %dma_wait3A_395 = tpu.memref_squeeze %dma_wait3A_394 : memref<1x128x300xf32, #tpu.memory_space<hbm>> -> memref<128x300xf32, #tpu.memory_space<hbm>>
          tpu.wait_dma2 semaphore(%arg11 : memref<!tpu.dma_semaphore, #tpu.memory_space<semaphore_mem>>) src(%dma_wait3A_395 : memref<128x300xf32, #tpu.memory_space<hbm>>) dst(%arg6 : memref<128x300xf32, #tpu.memory_space<vmem>>)
          %add3A_396 = arith.constant 3 : i32
          %add3A_397 = arith.addi %mul3A_368, %add3A_396 : i32
          %lt3A_398 = arith.cmpi slt, %add3A_397, %select_n3A_267 : i32
          %convert_element_type3A_399 = arith.extui %lt3A_398 : i1 to i32
          %cond3A_400 = arith.constant 0 : i32
          %cond3A_401 = arith.cmpi ne, %convert_element_type3A_399, %cond3A_400 : i32
          scf.if %cond3A_401 {
            %add3A_408 = arith.constant 3 : i32
            %add3A_409 = arith.addi %mul3A_368, %add3A_408 : i32
            %mul3A_410 = arith.constant 16 : i32
            %mul3A_411 = arith.muli %add3A_409, %mul3A_410 : i32
            %add3A_412 = arith.addi %min3A_169, %mul3A_411 : i32
            %mul3A_413 = arith.constant 8 : i32
            %mul3A_414 = arith.muli %add3A_412, %mul3A_413 : i32
            %dma_start3A = arith.constant 0 : i32
            %dma_start3A_415 = tpu.memref_slice %arg2[%scan3A_161, %mul3A_414, %dma_start3A] : memref<16x4096x300xf32, #tpu.memory_space<hbm>> -> memref<1x128x300xf32, #tpu.memory_space<hbm>>
            %dma_start3A_416 = tpu.memref_squeeze %dma_start3A_415 : memref<1x128x300xf32, #tpu.memory_space<hbm>> -> memref<128x300xf32, #tpu.memory_space<hbm>>
            %dma_start3A_417 = arith.constant 0 : i32
            %dma_start3A_418 = tpu.memref_slice %arg2[%scan3A_161, %mul3A_414, %dma_start3A_417] : memref<16x4096x300xf32, #tpu.memory_space<hbm>> -> memref<1x128x300xf32, #tpu.memory_space<hbm>>
            %dma_start3A_419 = tpu.memref_squeeze %dma_start3A_418 : memref<1x128x300xf32, #tpu.memory_space<hbm>> -> memref<128x300xf32, #tpu.memory_space<hbm>>
            tpu.enqueue_dma source(%dma_start3A_419 : memref<128x300xf32, #tpu.memory_space<hbm>>) target(%arg6 : memref<128x300xf32, #tpu.memory_space<vmem>>) target_semaphore(%arg11 : memref<!tpu.dma_semaphore, #tpu.memory_space<semaphore_mem>>)
          } else {
          }
          %scan3A_402 = arith.constant 0 : i32
          %scan3A_403 = arith.constant 32 : i32
          %scan3A_404 = arith.addi %scan3A_402, %scan3A_403 : i32
          %scan3A_405 = arith.constant 1 : i32
          %scan3A_406:19 = scf.for %scan3A_408 = %scan3A_402 to %scan3A_404 step %scan3A_405 iter_args(%scan3A_409 = %scan3A_386#0, %scan3A_410 = %scan3A_386#1, %scan3A_411 = %scan3A_386#2, %scan3A_412 = %scan3A_386#3, %scan3A_413 = %scan3A_386#4, %scan3A_414 = %scan3A_386#5, %scan3A_415 = %scan3A_386#6, %scan3A_416 = %scan3A_386#7, %scan3A_417 = %scan3A_386#8, %scan3A_418 = %scan3A_386#9, %scan3A_419 = %scan3A_386#10, %scan3A_420 = %scan3A_386#11, %scan3A_421 = %scan3A_386#12, %scan3A_422 = %scan3A_386#13, %scan3A_423 = %scan3A_386#14, %scan3A_424 = %scan3A_386#15, %scan3A_425 = %scan3A_386#16, %scan3A_426 = %scan3A_386#17, %scan3A_427 = %scan3A_386#18) -> (vector<16xf32>, vector<16xf32>, vector<16xf32>, vector<16xf32>, vector<16xf32>, vector<16xf32>, vector<16xf32>, vector<16xf32>, vector<16xf32>, vector<16xf32>, vector<16xf32>, vector<16xf32>, vector<16xf32>, vector<16xf32>, vector<16xf32>, vector<16xf32>, vector<16xf32>, vector<16xf32>, vector<16xf32>)  : i32 {
            %mul3A_428 = arith.constant 4 : i32
            %mul3A_429 = arith.muli %scan3A_408, %mul3A_428 : i32
            %add3A_430 = arith.constant 0 : i32
            %add3A_431 = arith.addi %mul3A_429, %add3A_430 : i32
            %get3A_432 = arith.index_cast %add3A_431 : i32 to index
            %get3A_433 = arith.constant 0 : index
            %get3A_434 = tpu.vector_load %arg6[%get3A_432, %get3A_433] {strides = array<i32>} : memref<128x300xf32, #tpu.memory_space<vmem>>, vector<16xf32>,
            %add3A_435 = arith.addf %scan3A_409, %get3A_434 : vector<16xf32>
            %get3A_436 = arith.index_cast %add3A_431 : i32 to index
            %get3A_437 = arith.constant 16 : index
            %get3A_438 = tpu.vector_load %arg6[%get3A_436, %get3A_437] {strides = array<i32>} : memref<128x300xf32, #tpu.memory_space<vmem>>, vector<16xf32>,
            %add3A_439 = arith.addf %scan3A_410, %get3A_438 : vector<16xf32>
            %get3A_440 = arith.index_cast %add3A_431 : i32 to index
            %get3A_441 = arith.constant 32 : index
            %get3A_442 = tpu.vector_load %arg6[%get3A_440, %get3A_441] {strides = array<i32>} : memref<128x300xf32, #tpu.memory_space<vmem>>, vector<16xf32>,
            %add3A_443 = arith.addf %scan3A_411, %get3A_442 : vector<16xf32>
            %get3A_444 = arith.index_cast %add3A_431 : i32 to index
            %get3A_445 = arith.constant 48 : index
            %get3A_446 = tpu.vector_load %arg6[%get3A_444, %get3A_445] {strides = array<i32>} : memref<128x300xf32, #tpu.memory_space<vmem>>, vector<16xf32>,
            %add3A_447 = arith.addf %scan3A_412, %get3A_446 : vector<16xf32>
            %get3A_448 = arith.index_cast %add3A_431 : i32 to index
            %get3A_449 = arith.constant 64 : index
            %get3A_450 = tpu.vector_load %arg6[%get3A_448, %get3A_449] {strides = array<i32>} : memref<128x300xf32, #tpu.memory_space<vmem>>, vector<16xf32>,
            %add3A_451 = arith.addf %scan3A_413, %get3A_450 : vector<16xf32>
            %get3A_452 = arith.index_cast %add3A_431 : i32 to index
            %get3A_453 = arith.constant 80 : index
            %get3A_454 = tpu.vector_load %arg6[%get3A_452, %get3A_453] {strides = array<i32>} : memref<128x300xf32, #tpu.memory_space<vmem>>, vector<16xf32>,
            %add3A_455 = arith.addf %scan3A_414, %get3A_454 : vector<16xf32>
            %get3A_456 = arith.index_cast %add3A_431 : i32 to index
            %get3A_457 = arith.constant 96 : index
            %get3A_458 = tpu.vector_load %arg6[%get3A_456, %get3A_457] {strides = array<i32>} : memref<128x300xf32, #tpu.memory_space<vmem>>, vector<16xf32>,
            %add3A_459 = arith.addf %scan3A_415, %get3A_458 : vector<16xf32>
            %get3A_460 = arith.index_cast %add3A_431 : i32 to index
            %get3A_461 = arith.constant 112 : index
            %get3A_462 = tpu.vector_load %arg6[%get3A_460, %get3A_461] {strides = array<i32>} : memref<128x300xf32, #tpu.memory_space<vmem>>, vector<16xf32>,
            %add3A_463 = arith.addf %scan3A_416, %get3A_462 : vector<16xf32>
            %get3A_464 = arith.index_cast %add3A_431 : i32 to index
            %get3A_465 = arith.constant 128 : index
            %get3A_466 = tpu.vector_load %arg6[%get3A_464, %get3A_465] {strides = array<i32>} : memref<128x300xf32, #tpu.memory_space<vmem>>, vector<16xf32>,
            %add3A_467 = arith.addf %scan3A_417, %get3A_466 : vector<16xf32>
            %get3A_468 = arith.index_cast %add3A_431 : i32 to index
            %get3A_469 = arith.constant 144 : index
            %get3A_470 = tpu.vector_load %arg6[%get3A_468, %get3A_469] {strides = array<i32>} : memref<128x300xf32, #tpu.memory_space<vmem>>, vector<16xf32>,
            %add3A_471 = arith.addf %scan3A_418, %get3A_470 : vector<16xf32>
            %get3A_472 = arith.index_cast %add3A_431 : i32 to index
            %get3A_473 = arith.constant 160 : index
            %get3A_474 = tpu.vector_load %arg6[%get3A_472, %get3A_473] {strides = array<i32>} : memref<128x300xf32, #tpu.memory_space<vmem>>, vector<16xf32>,
            %add3A_475 = arith.addf %scan3A_419, %get3A_474 : vector<16xf32>
            %get3A_476 = arith.index_cast %add3A_431 : i32 to index
            %get3A_477 = arith.constant 176 : index
            %get3A_478 = tpu.vector_load %arg6[%get3A_476, %get3A_477] {strides = array<i32>} : memref<128x300xf32, #tpu.memory_space<vmem>>, vector<16xf32>,
            %add3A_479 = arith.addf %scan3A_420, %get3A_478 : vector<16xf32>
            %get3A_480 = arith.index_cast %add3A_431 : i32 to index
            %get3A_481 = arith.constant 192 : index
            %get3A_482 = tpu.vector_load %arg6[%get3A_480, %get3A_481] {strides = array<i32>} : memref<128x300xf32, #tpu.memory_space<vmem>>, vector<16xf32>,
            %add3A_483 = arith.addf %scan3A_421, %get3A_482 : vector<16xf32>
            %get3A_484 = arith.index_cast %add3A_431 : i32 to index
            %get3A_485 = arith.constant 208 : index
            %get3A_486 = tpu.vector_load %arg6[%get3A_484, %get3A_485] {strides = array<i32>} : memref<128x300xf32, #tpu.memory_space<vmem>>, vector<16xf32>,
            %add3A_487 = arith.addf %scan3A_422, %get3A_486 : vector<16xf32>
            %get3A_488 = arith.index_cast %add3A_431 : i32 to index
            %get3A_489 = arith.constant 224 : index
            %get3A_490 = tpu.vector_load %arg6[%get3A_488, %get3A_489] {strides = array<i32>} : memref<128x300xf32, #tpu.memory_space<vmem>>, vector<16xf32>,
            %add3A_491 = arith.addf %scan3A_423, %get3A_490 : vector<16xf32>
            %get3A_492 = arith.index_cast %add3A_431 : i32 to index
            %get3A_493 = arith.constant 240 : index
            %get3A_494 = tpu.vector_load %arg6[%get3A_492, %get3A_493] {strides = array<i32>} : memref<128x300xf32, #tpu.memory_space<vmem>>, vector<16xf32>,
            %add3A_495 = arith.addf %scan3A_424, %get3A_494 : vector<16xf32>
            %get3A_496 = arith.index_cast %add3A_431 : i32 to index
            %get3A_497 = arith.constant 256 : index
            %get3A_498 = tpu.vector_load %arg6[%get3A_496, %get3A_497] {strides = array<i32>} : memref<128x300xf32, #tpu.memory_space<vmem>>, vector<16xf32>,
            %add3A_499 = arith.addf %scan3A_425, %get3A_498 : vector<16xf32>
            %get3A_500 = arith.index_cast %add3A_431 : i32 to index
            %get3A_501 = arith.constant 272 : index
            %get3A_502 = tpu.vector_load %arg6[%get3A_500, %get3A_501] {strides = array<i32>} : memref<128x300xf32, #tpu.memory_space<vmem>>, vector<16xf32>,
            %add3A_503 = arith.addf %scan3A_426, %get3A_502 : vector<16xf32>
            %get3A_504 = arith.index_cast %add3A_431 : i32 to index
            %get3A_505 = arith.constant 284 : index
            %get3A_506 = tpu.vector_load %arg6[%get3A_504, %get3A_505] {strides = array<i32>} : memref<128x300xf32, #tpu.memory_space<vmem>>, vector<16xf32>,
            %ge3A = arith.constant 4 : i32
            %ge3A_507 = vector.broadcast %ge3A : i32 to vector<16xi32>
            %ge3A_508 = arith.cmpi sge, %iota3A, %ge3A_507 : vector<16xi32>
            %jit3A_509 = arith.constant 0.000000e+00 : f32
            %broadcast_in_dim3A_510 = vector.broadcast %jit3A_509 : f32 to vector<16xf32>
            %select_n3A_511 = arith.select %ge3A_508, %get3A_506, %broadcast_in_dim3A_510 : vector<16xi1>, vector<16xf32>
            %add3A_512 = arith.addf %scan3A_427, %select_n3A_511 : vector<16xf32>
            %add3A_513 = arith.constant 1 : i32
            %add3A_514 = arith.addi %mul3A_429, %add3A_513 : i32
            %get3A_515 = arith.index_cast %add3A_514 : i32 to index
            %get3A_516 = arith.constant 0 : index
            %get3A_517 = tpu.vector_load %arg6[%get3A_515, %get3A_516] {strides = array<i32>} : memref<128x300xf32, #tpu.memory_space<vmem>>, vector<16xf32>,
            %add3A_518 = arith.addf %add3A_435, %get3A_517 : vector<16xf32>
            %get3A_519 = arith.index_cast %add3A_514 : i32 to index
            %get3A_520 = arith.constant 16 : index
            %get3A_521 = tpu.vector_load %arg6[%get3A_519, %get3A_520] {strides = array<i32>} : memref<128x300xf32, #tpu.memory_space<vmem>>, vector<16xf32>,
            %add3A_522 = arith.addf %add3A_439, %get3A_521 : vector<16xf32>
            %get3A_523 = arith.index_cast %add3A_514 : i32 to index
            %get3A_524 = arith.constant 32 : index
            %get3A_525 = tpu.vector_load %arg6[%get3A_523, %get3A_524] {strides = array<i32>} : memref<128x300xf32, #tpu.memory_space<vmem>>, vector<16xf32>,
            %add3A_526 = arith.addf %add3A_443, %get3A_525 : vector<16xf32>
            %get3A_527 = arith.index_cast %add3A_514 : i32 to index
            %get3A_528 = arith.constant 48 : index
            %get3A_529 = tpu.vector_load %arg6[%get3A_527, %get3A_528] {strides = array<i32>} : memref<128x300xf32, #tpu.memory_space<vmem>>, vector<16xf32>,
            %add3A_530 = arith.addf %add3A_447, %get3A_529 : vector<16xf32>
            %get3A_531 = arith.index_cast %add3A_514 : i32 to index
            %get3A_532 = arith.constant 64 : index
            %get3A_533 = tpu.vector_load %arg6[%get3A_531, %get3A_532] {strides = array<i32>} : memref<128x300xf32, #tpu.memory_space<vmem>>, vector<16xf32>,
            %add3A_534 = arith.addf %add3A_451, %get3A_533 : vector<16xf32>
            %get3A_535 = arith.index_cast %add3A_514 : i32 to index
            %get3A_536 = arith.constant 80 : index
            %get3A_537 = tpu.vector_load %arg6[%get3A_535, %get3A_536] {strides = array<i32>} : memref<128x300xf32, #tpu.memory_space<vmem>>, vector<16xf32>,
            %add3A_538 = arith.addf %add3A_455, %get3A_537 : vector<16xf32>
            %get3A_539 = arith.index_cast %add3A_514 : i32 to index
            %get3A_540 = arith.constant 96 : index
            %get3A_541 = tpu.vector_load %arg6[%get3A_539, %get3A_540] {strides = array<i32>} : memref<128x300xf32, #tpu.memory_space<vmem>>, vector<16xf32>,
            %add3A_542 = arith.addf %add3A_459, %get3A_541 : vector<16xf32>
            %get3A_543 = arith.index_cast %add3A_514 : i32 to index
            %get3A_544 = arith.constant 112 : index
            %get3A_545 = tpu.vector_load %arg6[%get3A_543, %get3A_544] {strides = array<i32>} : memref<128x300xf32, #tpu.memory_space<vmem>>, vector<16xf32>,
            %add3A_546 = arith.addf %add3A_463, %get3A_545 : vector<16xf32>
            %get3A_547 = arith.index_cast %add3A_514 : i32 to index
            %get3A_548 = arith.constant 128 : index
            %get3A_549 = tpu.vector_load %arg6[%get3A_547, %get3A_548] {strides = array<i32>} : memref<128x300xf32, #tpu.memory_space<vmem>>, vector<16xf32>,
            %add3A_550 = arith.addf %add3A_467, %get3A_549 : vector<16xf32>
            %get3A_551 = arith.index_cast %add3A_514 : i32 to index
            %get3A_552 = arith.constant 144 : index
            %get3A_553 = tpu.vector_load %arg6[%get3A_551, %get3A_552] {strides = array<i32>} : memref<128x300xf32, #tpu.memory_space<vmem>>, vector<16xf32>,
            %add3A_554 = arith.addf %add3A_471, %get3A_553 : vector<16xf32>
            %get3A_555 = arith.index_cast %add3A_514 : i32 to index
            %get3A_556 = arith.constant 160 : index
            %get3A_557 = tpu.vector_load %arg6[%get3A_555, %get3A_556] {strides = array<i32>} : memref<128x300xf32, #tpu.memory_space<vmem>>, vector<16xf32>,
            %add3A_558 = arith.addf %add3A_475, %get3A_557 : vector<16xf32>
            %get3A_559 = arith.index_cast %add3A_514 : i32 to index
            %get3A_560 = arith.constant 176 : index
            %get3A_561 = tpu.vector_load %arg6[%get3A_559, %get3A_560] {strides = array<i32>} : memref<128x300xf32, #tpu.memory_space<vmem>>, vector<16xf32>,
            %add3A_562 = arith.addf %add3A_479, %get3A_561 : vector<16xf32>
            %get3A_563 = arith.index_cast %add3A_514 : i32 to index
            %get3A_564 = arith.constant 192 : index
            %get3A_565 = tpu.vector_load %arg6[%get3A_563, %get3A_564] {strides = array<i32>} : memref<128x300xf32, #tpu.memory_space<vmem>>, vector<16xf32>,
            %add3A_566 = arith.addf %add3A_483, %get3A_565 : vector<16xf32>
            %get3A_567 = arith.index_cast %add3A_514 : i32 to index
            %get3A_568 = arith.constant 208 : index
            %get3A_569 = tpu.vector_load %arg6[%get3A_567, %get3A_568] {strides = array<i32>} : memref<128x300xf32, #tpu.memory_space<vmem>>, vector<16xf32>,
            %add3A_570 = arith.addf %add3A_487, %get3A_569 : vector<16xf32>
            %get3A_571 = arith.index_cast %add3A_514 : i32 to index
            %get3A_572 = arith.constant 224 : index
            %get3A_573 = tpu.vector_load %arg6[%get3A_571, %get3A_572] {strides = array<i32>} : memref<128x300xf32, #tpu.memory_space<vmem>>, vector<16xf32>,
            %add3A_574 = arith.addf %add3A_491, %get3A_573 : vector<16xf32>
            %get3A_575 = arith.index_cast %add3A_514 : i32 to index
            %get3A_576 = arith.constant 240 : index
            %get3A_577 = tpu.vector_load %arg6[%get3A_575, %get3A_576] {strides = array<i32>} : memref<128x300xf32, #tpu.memory_space<vmem>>, vector<16xf32>,
            %add3A_578 = arith.addf %add3A_495, %get3A_577 : vector<16xf32>
            %get3A_579 = arith.index_cast %add3A_514 : i32 to index
            %get3A_580 = arith.constant 256 : index
            %get3A_581 = tpu.vector_load %arg6[%get3A_579, %get3A_580] {strides = array<i32>} : memref<128x300xf32, #tpu.memory_space<vmem>>, vector<16xf32>,
            %add3A_582 = arith.addf %add3A_499, %get3A_581 : vector<16xf32>
            %get3A_583 = arith.index_cast %add3A_514 : i32 to index
            %get3A_584 = arith.constant 272 : index
            %get3A_585 = tpu.vector_load %arg6[%get3A_583, %get3A_584] {strides = array<i32>} : memref<128x300xf32, #tpu.memory_space<vmem>>, vector<16xf32>,
            %add3A_586 = arith.addf %add3A_503, %get3A_585 : vector<16xf32>
            %get3A_587 = arith.index_cast %add3A_514 : i32 to index
            %get3A_588 = arith.constant 284 : index
            %get3A_589 = tpu.vector_load %arg6[%get3A_587, %get3A_588] {strides = array<i32>} : memref<128x300xf32, #tpu.memory_space<vmem>>, vector<16xf32>,
            %ge3A_590 = arith.constant 4 : i32
            %ge3A_591 = vector.broadcast %ge3A_590 : i32 to vector<16xi32>
            %ge3A_592 = arith.cmpi sge, %iota3A, %ge3A_591 : vector<16xi32>
            %jit3A_593 = arith.constant 0.000000e+00 : f32
            %broadcast_in_dim3A_594 = vector.broadcast %jit3A_593 : f32 to vector<16xf32>
            %select_n3A_595 = arith.select %ge3A_592, %get3A_589, %broadcast_in_dim3A_594 : vector<16xi1>, vector<16xf32>
            %add3A_596 = arith.addf %add3A_512, %select_n3A_595 : vector<16xf32>
            %add3A_597 = arith.constant 2 : i32
            %add3A_598 = arith.addi %mul3A_429, %add3A_597 : i32
            %get3A_599 = arith.index_cast %add3A_598 : i32 to index
            %get3A_600 = arith.constant 0 : index
            %get3A_601 = tpu.vector_load %arg6[%get3A_599, %get3A_600] {strides = array<i32>} : memref<128x300xf32, #tpu.memory_space<vmem>>, vector<16xf32>,
            %add3A_602 = arith.addf %add3A_518, %get3A_601 : vector<16xf32>
            %get3A_603 = arith.index_cast %add3A_598 : i32 to index
            %get3A_604 = arith.constant 16 : index
            %get3A_605 = tpu.vector_load %arg6[%get3A_603, %get3A_604] {strides = array<i32>} : memref<128x300xf32, #tpu.memory_space<vmem>>, vector<16xf32>,
            %add3A_606 = arith.addf %add3A_522, %get3A_605 : vector<16xf32>
            %get3A_607 = arith.index_cast %add3A_598 : i32 to index
            %get3A_608 = arith.constant 32 : index
            %get3A_609 = tpu.vector_load %arg6[%get3A_607, %get3A_608] {strides = array<i32>} : memref<128x300xf32, #tpu.memory_space<vmem>>, vector<16xf32>,
            %add3A_610 = arith.addf %add3A_526, %get3A_609 : vector<16xf32>
            %get3A_611 = arith.index_cast %add3A_598 : i32 to index
            %get3A_612 = arith.constant 48 : index
            %get3A_613 = tpu.vector_load %arg6[%get3A_611, %get3A_612] {strides = array<i32>} : memref<128x300xf32, #tpu.memory_space<vmem>>, vector<16xf32>,
            %add3A_614 = arith.addf %add3A_530, %get3A_613 : vector<16xf32>
            %get3A_615 = arith.index_cast %add3A_598 : i32 to index
            %get3A_616 = arith.constant 64 : index
            %get3A_617 = tpu.vector_load %arg6[%get3A_615, %get3A_616] {strides = array<i32>} : memref<128x300xf32, #tpu.memory_space<vmem>>, vector<16xf32>,
            %add3A_618 = arith.addf %add3A_534, %get3A_617 : vector<16xf32>
            %get3A_619 = arith.index_cast %add3A_598 : i32 to index
            %get3A_620 = arith.constant 80 : index
            %get3A_621 = tpu.vector_load %arg6[%get3A_619, %get3A_620] {strides = array<i32>} : memref<128x300xf32, #tpu.memory_space<vmem>>, vector<16xf32>,
            %add3A_622 = arith.addf %add3A_538, %get3A_621 : vector<16xf32>
            %get3A_623 = arith.index_cast %add3A_598 : i32 to index
            %get3A_624 = arith.constant 96 : index
            %get3A_625 = tpu.vector_load %arg6[%get3A_623, %get3A_624] {strides = array<i32>} : memref<128x300xf32, #tpu.memory_space<vmem>>, vector<16xf32>,
            %add3A_626 = arith.addf %add3A_542, %get3A_625 : vector<16xf32>
            %get3A_627 = arith.index_cast %add3A_598 : i32 to index
            %get3A_628 = arith.constant 112 : index
            %get3A_629 = tpu.vector_load %arg6[%get3A_627, %get3A_628] {strides = array<i32>} : memref<128x300xf32, #tpu.memory_space<vmem>>, vector<16xf32>,
            %add3A_630 = arith.addf %add3A_546, %get3A_629 : vector<16xf32>
            %get3A_631 = arith.index_cast %add3A_598 : i32 to index
            %get3A_632 = arith.constant 128 : index
            %get3A_633 = tpu.vector_load %arg6[%get3A_631, %get3A_632] {strides = array<i32>} : memref<128x300xf32, #tpu.memory_space<vmem>>, vector<16xf32>,
            %add3A_634 = arith.addf %add3A_550, %get3A_633 : vector<16xf32>
            %get3A_635 = arith.index_cast %add3A_598 : i32 to index
            %get3A_636 = arith.constant 144 : index
            %get3A_637 = tpu.vector_load %arg6[%get3A_635, %get3A_636] {strides = array<i32>} : memref<128x300xf32, #tpu.memory_space<vmem>>, vector<16xf32>,
            %add3A_638 = arith.addf %add3A_554, %get3A_637 : vector<16xf32>
            %get3A_639 = arith.index_cast %add3A_598 : i32 to index
            %get3A_640 = arith.constant 160 : index
            %get3A_641 = tpu.vector_load %arg6[%get3A_639, %get3A_640] {strides = array<i32>} : memref<128x300xf32, #tpu.memory_space<vmem>>, vector<16xf32>,
            %add3A_642 = arith.addf %add3A_558, %get3A_641 : vector<16xf32>
            %get3A_643 = arith.index_cast %add3A_598 : i32 to index
            %get3A_644 = arith.constant 176 : index
            %get3A_645 = tpu.vector_load %arg6[%get3A_643, %get3A_644] {strides = array<i32>} : memref<128x300xf32, #tpu.memory_space<vmem>>, vector<16xf32>,
            %add3A_646 = arith.addf %add3A_562, %get3A_645 : vector<16xf32>
            %get3A_647 = arith.index_cast %add3A_598 : i32 to index
            %get3A_648 = arith.constant 192 : index
            %get3A_649 = tpu.vector_load %arg6[%get3A_647, %get3A_648] {strides = array<i32>} : memref<128x300xf32, #tpu.memory_space<vmem>>, vector<16xf32>,
            %add3A_650 = arith.addf %add3A_566, %get3A_649 : vector<16xf32>
            %get3A_651 = arith.index_cast %add3A_598 : i32 to index
            %get3A_652 = arith.constant 208 : index
            %get3A_653 = tpu.vector_load %arg6[%get3A_651, %get3A_652] {strides = array<i32>} : memref<128x300xf32, #tpu.memory_space<vmem>>, vector<16xf32>,
            %add3A_654 = arith.addf %add3A_570, %get3A_653 : vector<16xf32>
            %get3A_655 = arith.index_cast %add3A_598 : i32 to index
            %get3A_656 = arith.constant 224 : index
            %get3A_657 = tpu.vector_load %arg6[%get3A_655, %get3A_656] {strides = array<i32>} : memref<128x300xf32, #tpu.memory_space<vmem>>, vector<16xf32>,
            %add3A_658 = arith.addf %add3A_574, %get3A_657 : vector<16xf32>
            %get3A_659 = arith.index_cast %add3A_598 : i32 to index
            %get3A_660 = arith.constant 240 : index
            %get3A_661 = tpu.vector_load %arg6[%get3A_659, %get3A_660] {strides = array<i32>} : memref<128x300xf32, #tpu.memory_space<vmem>>, vector<16xf32>,
            %add3A_662 = arith.addf %add3A_578, %get3A_661 : vector<16xf32>
            %get3A_663 = arith.index_cast %add3A_598 : i32 to index
            %get3A_664 = arith.constant 256 : index
            %get3A_665 = tpu.vector_load %arg6[%get3A_663, %get3A_664] {strides = array<i32>} : memref<128x300xf32, #tpu.memory_space<vmem>>, vector<16xf32>,
            %add3A_666 = arith.addf %add3A_582, %get3A_665 : vector<16xf32>
            %get3A_667 = arith.index_cast %add3A_598 : i32 to index
            %get3A_668 = arith.constant 272 : index
            %get3A_669 = tpu.vector_load %arg6[%get3A_667, %get3A_668] {strides = array<i32>} : memref<128x300xf32, #tpu.memory_space<vmem>>, vector<16xf32>,
            %add3A_670 = arith.addf %add3A_586, %get3A_669 : vector<16xf32>
            %get3A_671 = arith.index_cast %add3A_598 : i32 to index
            %get3A_672 = arith.constant 284 : index
            %get3A_673 = tpu.vector_load %arg6[%get3A_671, %get3A_672] {strides = array<i32>} : memref<128x300xf32, #tpu.memory_space<vmem>>, vector<16xf32>,
            %ge3A_674 = arith.constant 4 : i32
            %ge3A_675 = vector.broadcast %ge3A_674 : i32 to vector<16xi32>
            %ge3A_676 = arith.cmpi sge, %iota3A, %ge3A_675 : vector<16xi32>
            %jit3A_677 = arith.constant 0.000000e+00 : f32
            %broadcast_in_dim3A_678 = vector.broadcast %jit3A_677 : f32 to vector<16xf32>
            %select_n3A_679 = arith.select %ge3A_676, %get3A_673, %broadcast_in_dim3A_678 : vector<16xi1>, vector<16xf32>
            %add3A_680 = arith.addf %add3A_596, %select_n3A_679 : vector<16xf32>
            %add3A_681 = arith.constant 3 : i32
            %add3A_682 = arith.addi %mul3A_429, %add3A_681 : i32
            %get3A_683 = arith.index_cast %add3A_682 : i32 to index
            %get3A_684 = arith.constant 0 : index
            %get3A_685 = tpu.vector_load %arg6[%get3A_683, %get3A_684] {strides = array<i32>} : memref<128x300xf32, #tpu.memory_space<vmem>>, vector<16xf32>,
            %add3A_686 = arith.addf %add3A_602, %get3A_685 : vector<16xf32>
            %get3A_687 = arith.index_cast %add3A_682 : i32 to index
            %get3A_688 = arith.constant 16 : index
            %get3A_689 = tpu.vector_load %arg6[%get3A_687, %get3A_688] {strides = array<i32>} : memref<128x300xf32, #tpu.memory_space<vmem>>, vector<16xf32>,
            %add3A_690 = arith.addf %add3A_606, %get3A_689 : vector<16xf32>
            %get3A_691 = arith.index_cast %add3A_682 : i32 to index
            %get3A_692 = arith.constant 32 : index
            %get3A_693 = tpu.vector_load %arg6[%get3A_691, %get3A_692] {strides = array<i32>} : memref<128x300xf32, #tpu.memory_space<vmem>>, vector<16xf32>,
            %add3A_694 = arith.addf %add3A_610, %get3A_693 : vector<16xf32>
            %get3A_695 = arith.index_cast %add3A_682 : i32 to index
            %get3A_696 = arith.constant 48 : index
            %get3A_697 = tpu.vector_load %arg6[%get3A_695, %get3A_696] {strides = array<i32>} : memref<128x300xf32, #tpu.memory_space<vmem>>, vector<16xf32>,
            %add3A_698 = arith.addf %add3A_614, %get3A_697 : vector<16xf32>
            %get3A_699 = arith.index_cast %add3A_682 : i32 to index
            %get3A_700 = arith.constant 64 : index
            %get3A_701 = tpu.vector_load %arg6[%get3A_699, %get3A_700] {strides = array<i32>} : memref<128x300xf32, #tpu.memory_space<vmem>>, vector<16xf32>,
            %add3A_702 = arith.addf %add3A_618, %get3A_701 : vector<16xf32>
            %get3A_703 = arith.index_cast %add3A_682 : i32 to index
            %get3A_704 = arith.constant 80 : index
            %get3A_705 = tpu.vector_load %arg6[%get3A_703, %get3A_704] {strides = array<i32>} : memref<128x300xf32, #tpu.memory_space<vmem>>, vector<16xf32>,
            %add3A_706 = arith.addf %add3A_622, %get3A_705 : vector<16xf32>
            %get3A_707 = arith.index_cast %add3A_682 : i32 to index
            %get3A_708 = arith.constant 96 : index
            %get3A_709 = tpu.vector_load %arg6[%get3A_707, %get3A_708] {strides = array<i32>} : memref<128x300xf32, #tpu.memory_space<vmem>>, vector<16xf32>,
            %add3A_710 = arith.addf %add3A_626, %get3A_709 : vector<16xf32>
            %get3A_711 = arith.index_cast %add3A_682 : i32 to index
            %get3A_712 = arith.constant 112 : index
            %get3A_713 = tpu.vector_load %arg6[%get3A_711, %get3A_712] {strides = array<i32>} : memref<128x300xf32, #tpu.memory_space<vmem>>, vector<16xf32>,
            %add3A_714 = arith.addf %add3A_630, %get3A_713 : vector<16xf32>
            %get3A_715 = arith.index_cast %add3A_682 : i32 to index
            %get3A_716 = arith.constant 128 : index
            %get3A_717 = tpu.vector_load %arg6[%get3A_715, %get3A_716] {strides = array<i32>} : memref<128x300xf32, #tpu.memory_space<vmem>>, vector<16xf32>,
            %add3A_718 = arith.addf %add3A_634, %get3A_717 : vector<16xf32>
            %get3A_719 = arith.index_cast %add3A_682 : i32 to index
            %get3A_720 = arith.constant 144 : index
            %get3A_721 = tpu.vector_load %arg6[%get3A_719, %get3A_720] {strides = array<i32>} : memref<128x300xf32, #tpu.memory_space<vmem>>, vector<16xf32>,
            %add3A_722 = arith.addf %add3A_638, %get3A_721 : vector<16xf32>
            %get3A_723 = arith.index_cast %add3A_682 : i32 to index
            %get3A_724 = arith.constant 160 : index
            %get3A_725 = tpu.vector_load %arg6[%get3A_723, %get3A_724] {strides = array<i32>} : memref<128x300xf32, #tpu.memory_space<vmem>>, vector<16xf32>,
            %add3A_726 = arith.addf %add3A_642, %get3A_725 : vector<16xf32>
            %get3A_727 = arith.index_cast %add3A_682 : i32 to index
            %get3A_728 = arith.constant 176 : index
            %get3A_729 = tpu.vector_load %arg6[%get3A_727, %get3A_728] {strides = array<i32>} : memref<128x300xf32, #tpu.memory_space<vmem>>, vector<16xf32>,
            %add3A_730 = arith.addf %add3A_646, %get3A_729 : vector<16xf32>
            %get3A_731 = arith.index_cast %add3A_682 : i32 to index
            %get3A_732 = arith.constant 192 : index
            %get3A_733 = tpu.vector_load %arg6[%get3A_731, %get3A_732] {strides = array<i32>} : memref<128x300xf32, #tpu.memory_space<vmem>>, vector<16xf32>,
            %add3A_734 = arith.addf %add3A_650, %get3A_733 : vector<16xf32>
            %get3A_735 = arith.index_cast %add3A_682 : i32 to index
            %get3A_736 = arith.constant 208 : index
            %get3A_737 = tpu.vector_load %arg6[%get3A_735, %get3A_736] {strides = array<i32>} : memref<128x300xf32, #tpu.memory_space<vmem>>, vector<16xf32>,
            %add3A_738 = arith.addf %add3A_654, %get3A_737 : vector<16xf32>
            %get3A_739 = arith.index_cast %add3A_682 : i32 to index
            %get3A_740 = arith.constant 224 : index
            %get3A_741 = tpu.vector_load %arg6[%get3A_739, %get3A_740] {strides = array<i32>} : memref<128x300xf32, #tpu.memory_space<vmem>>, vector<16xf32>,
            %add3A_742 = arith.addf %add3A_658, %get3A_741 : vector<16xf32>
            %get3A_743 = arith.index_cast %add3A_682 : i32 to index
            %get3A_744 = arith.constant 240 : index
            %get3A_745 = tpu.vector_load %arg6[%get3A_743, %get3A_744] {strides = array<i32>} : memref<128x300xf32, #tpu.memory_space<vmem>>, vector<16xf32>,
            %add3A_746 = arith.addf %add3A_662, %get3A_745 : vector<16xf32>
            %get3A_747 = arith.index_cast %add3A_682 : i32 to index
            %get3A_748 = arith.constant 256 : index
            %get3A_749 = tpu.vector_load %arg6[%get3A_747, %get3A_748] {strides = array<i32>} : memref<128x300xf32, #tpu.memory_space<vmem>>, vector<16xf32>,
            %add3A_750 = arith.addf %add3A_666, %get3A_749 : vector<16xf32>
            %get3A_751 = arith.index_cast %add3A_682 : i32 to index
            %get3A_752 = arith.constant 272 : index
            %get3A_753 = tpu.vector_load %arg6[%get3A_751, %get3A_752] {strides = array<i32>} : memref<128x300xf32, #tpu.memory_space<vmem>>, vector<16xf32>,
            %add3A_754 = arith.addf %add3A_670, %get3A_753 : vector<16xf32>
            %get3A_755 = arith.index_cast %add3A_682 : i32 to index
            %get3A_756 = arith.constant 284 : index
            %get3A_757 = tpu.vector_load %arg6[%get3A_755, %get3A_756] {strides = array<i32>} : memref<128x300xf32, #tpu.memory_space<vmem>>, vector<16xf32>,
            %ge3A_758 = arith.constant 4 : i32
            %ge3A_759 = vector.broadcast %ge3A_758 : i32 to vector<16xi32>
            %ge3A_760 = arith.cmpi sge, %iota3A, %ge3A_759 : vector<16xi32>
            %jit3A_761 = arith.constant 0.000000e+00 : f32
            %broadcast_in_dim3A_762 = vector.broadcast %jit3A_761 : f32 to vector<16xf32>
            %select_n3A_763 = arith.select %ge3A_760, %get3A_757, %broadcast_in_dim3A_762 : vector<16xi1>, vector<16xf32>
            %add3A_764 = arith.addf %add3A_680, %select_n3A_763 : vector<16xf32>
            scf.yield %add3A_686, %add3A_690, %add3A_694, %add3A_698, %add3A_702, %add3A_706, %add3A_710, %add3A_714, %add3A_718, %add3A_722, %add3A_726, %add3A_730, %add3A_734, %add3A_738, %add3A_742, %add3A_746, %add3A_750, %add3A_754, %add3A_764 : vector<16xf32>, vector<16xf32>, vector<16xf32>, vector<16xf32>, vector<16xf32>, vector<16xf32>, vector<16xf32>, vector<16xf32>, vector<16xf32>, vector<16xf32>, vector<16xf32>, vector<16xf32>, vector<16xf32>, vector<16xf32>, vector<16xf32>, vector<16xf32>, vector<16xf32>, vector<16xf32>, vector<16xf32>
          }
          %scan3A_407 = arith.constant 32 : i32
          scf.yield %scan3A_406#0, %scan3A_406#1, %scan3A_406#2, %scan3A_406#3, %scan3A_406#4, %scan3A_406#5, %scan3A_406#6, %scan3A_406#7, %scan3A_406#8, %scan3A_406#9, %scan3A_406#10, %scan3A_406#11, %scan3A_406#12, %scan3A_406#13, %scan3A_406#14, %scan3A_406#15, %scan3A_406#16, %scan3A_406#17, %scan3A_406#18 : vector<16xf32>, vector<16xf32>, vector<16xf32>, vector<16xf32>, vector<16xf32>, vector<16xf32>, vector<16xf32>, vector<16xf32>, vector<16xf32>, vector<16xf32>, vector<16xf32>, vector<16xf32>, vector<16xf32>, vector<16xf32>, vector<16xf32>, vector<16xf32>, vector<16xf32>, vector<16xf32>, vector<16xf32>
        }
        %while3A_314 = arith.constant 1 : i32
        %while3A_315:19 = scf.for %while3A_347 = %while3A_311 to %while3A_307 step %while3A_314 iter_args(%while3A_348 = %while3A_313#0, %while3A_349 = %while3A_313#1, %while3A_350 = %while3A_313#2, %while3A_351 = %while3A_313#3, %while3A_352 = %while3A_313#4, %while3A_353 = %while3A_313#5, %while3A_354 = %while3A_313#6, %while3A_355 = %while3A_313#7, %while3A_356 = %while3A_313#8, %while3A_357 = %while3A_313#9, %while3A_358 = %while3A_313#10, %while3A_359 = %while3A_313#11, %while3A_360 = %while3A_313#12, %while3A_361 = %while3A_313#13, %while3A_362 = %while3A_313#14, %while3A_363 = %while3A_313#15, %while3A_364 = %while3A_313#16, %while3A_365 = %while3A_313#17, %while3A_366 = %while3A_313#18) -> (vector<16xf32>, vector<16xf32>, vector<16xf32>, vector<16xf32>, vector<16xf32>, vector<16xf32>, vector<16xf32>, vector<16xf32>, vector<16xf32>, vector<16xf32>, vector<16xf32>, vector<16xf32>, vector<16xf32>, vector<16xf32>, vector<16xf32>, vector<16xf32>, vector<16xf32>, vector<16xf32>, vector<16xf32>)  : i32 {
          %mul3A_367 = arith.constant 2 : i32
          %mul3A_368 = arith.muli %mul3A_367, %while3A_347 : i32
          %dma_wait3A = arith.constant 0 : i32
          %dma_wait3A_369 = arith.constant 0 : i32
          %dma_wait3A_370 = tpu.memref_slice %arg2[%scan3A_161, %dma_wait3A, %dma_wait3A_369] : memref<16x4096x300xf32, #tpu.memory_space<hbm>> -> memref<1x128x300xf32, #tpu.memory_space<hbm>>
          %dma_wait3A_371 = tpu.memref_squeeze %dma_wait3A_370 : memref<1x128x300xf32, #tpu.memory_space<hbm>> -> memref<128x300xf32, #tpu.memory_space<hbm>>
          %dma_wait3A_372 = arith.constant 0 : i32
          %dma_wait3A_373 = arith.constant 0 : i32
          %dma_wait3A_374 = tpu.memref_slice %arg2[%scan3A_161, %dma_wait3A_372, %dma_wait3A_373] : memref<16x4096x300xf32, #tpu.memory_space<hbm>> -> memref<1x128x300xf32, #tpu.memory_space<hbm>>
          %dma_wait3A_375 = tpu.memref_squeeze %dma_wait3A_374 : memref<1x128x300xf32, #tpu.memory_space<hbm>> -> memref<128x300xf32, #tpu.memory_space<hbm>>
          tpu.wait_dma2 semaphore(%arg10 : memref<!tpu.dma_semaphore, #tpu.memory_space<semaphore_mem>>) src(%dma_wait3A_375 : memref<128x300xf32, #tpu.memory_space<hbm>>) dst(%arg5 : memref<128x300xf32, #tpu.memory_space<vmem>>)
          %add3A_376 = arith.constant 2 : i32
          %add3A_377 = arith.addi %mul3A_368, %add3A_376 : i32
          %lt3A_378 = arith.cmpi slt, %add3A_377, %select_n3A_267 : i32
          %convert_element_type3A_379 = arith.extui %lt3A_378 : i1 to i32
          %cond3A_380 = arith.constant 0 : i32
          %cond3A_381 = arith.cmpi ne, %convert_element_type3A_379, %cond3A_380 : i32
          scf.if %cond3A_381 {
            %add3A_408 = arith.constant 2 : i32
            %add3A_409 = arith.addi %mul3A_368, %add3A_408 : i32
            %mul3A_410 = arith.constant 16 : i32
            %mul3A_411 = arith.muli %add3A_409, %mul3A_410 : i32
            %add3A_412 = arith.addi %min3A_169, %mul3A_411 : i32
            %mul3A_413 = arith.constant 8 : i32
            %mul3A_414 = arith.muli %add3A_412, %mul3A_413 : i32
            %dma_start3A = arith.constant 0 : i32
            %dma_start3A_415 = tpu.memref_slice %arg2[%scan3A_161, %mul3A_414, %dma_start3A] : memref<16x4096x300xf32, #tpu.memory_space<hbm>> -> memref<1x128x300xf32, #tpu.memory_space<hbm>>
            %dma_start3A_416 = tpu.memref_squeeze %dma_start3A_415 : memref<1x128x300xf32, #tpu.memory_space<hbm>> -> memref<128x300xf32, #tpu.memory_space<hbm>>
            %dma_start3A_417 = arith.constant 0 : i32
            %dma_start3A_418 = tpu.memref_slice %arg2[%scan3A_161, %mul3A_414, %dma_start3A_417] : memref<16x4096x300xf32, #tpu.memory_space<hbm>> -> memref<1x128x300xf32, #tpu.memory_space<hbm>>
            %dma_start3A_419 = tpu.memref_squeeze %dma_start3A_418 : memref<1x128x300xf32, #tpu.memory_space<hbm>> -> memref<128x300xf32, #tpu.memory_space<hbm>>
            tpu.enqueue_dma source(%dma_start3A_419 : memref<128x300xf32, #tpu.memory_space<hbm>>) target(%arg5 : memref<128x300xf32, #tpu.memory_space<vmem>>) target_semaphore(%arg10 : memref<!tpu.dma_semaphore, #tpu.memory_space<semaphore_mem>>)
          } else {
          }
          %scan3A_382 = arith.constant 0 : i32
          %scan3A_383 = arith.constant 32 : i32
          %scan3A_384 = arith.addi %scan3A_382, %scan3A_383 : i32
          %scan3A_385 = arith.constant 1 : i32
          %scan3A_386:19 = scf.for %scan3A_408 = %scan3A_382 to %scan3A_384 step %scan3A_385 iter_args(%scan3A_409 = %while3A_348, %scan3A_410 = %while3A_349, %scan3A_411 = %while3A_350, %scan3A_412 = %while3A_351, %scan3A_413 = %while3A_352, %scan3A_414 = %while3A_353, %scan3A_415 = %while3A_354, %scan3A_416 = %while3A_355, %scan3A_417 = %while3A_356, %scan3A_418 = %while3A_357, %scan3A_419 = %while3A_358, %scan3A_420 = %while3A_359, %scan3A_421 = %while3A_360, %scan3A_422 = %while3A_361, %scan3A_423 = %while3A_362, %scan3A_424 = %while3A_363, %scan3A_425 = %while3A_364, %scan3A_426 = %while3A_365, %scan3A_427 = %while3A_366) -> (vector<16xf32>, vector<16xf32>, vector<16xf32>, vector<16xf32>, vector<16xf32>, vector<16xf32>, vector<16xf32>, vector<16xf32>, vector<16xf32>, vector<16xf32>, vector<16xf32>, vector<16xf32>, vector<16xf32>, vector<16xf32>, vector<16xf32>, vector<16xf32>, vector<16xf32>, vector<16xf32>, vector<16xf32>)  : i32 {
            %mul3A_428 = arith.constant 4 : i32
            %mul3A_429 = arith.muli %scan3A_408, %mul3A_428 : i32
            %add3A_430 = arith.constant 0 : i32
            %add3A_431 = arith.addi %mul3A_429, %add3A_430 : i32
            %get3A_432 = arith.index_cast %add3A_431 : i32 to index
            %get3A_433 = arith.constant 0 : index
            %get3A_434 = tpu.vector_load %arg5[%get3A_432, %get3A_433] {strides = array<i32>} : memref<128x300xf32, #tpu.memory_space<vmem>>, vector<16xf32>,
            %add3A_435 = arith.addf %scan3A_409, %get3A_434 : vector<16xf32>
            %get3A_436 = arith.index_cast %add3A_431 : i32 to index
            %get3A_437 = arith.constant 16 : index
            %get3A_438 = tpu.vector_load %arg5[%get3A_436, %get3A_437] {strides = array<i32>} : memref<128x300xf32, #tpu.memory_space<vmem>>, vector<16xf32>,
            %add3A_439 = arith.addf %scan3A_410, %get3A_438 : vector<16xf32>
            %get3A_440 = arith.index_cast %add3A_431 : i32 to index
            %get3A_441 = arith.constant 32 : index
            %get3A_442 = tpu.vector_load %arg5[%get3A_440, %get3A_441] {strides = array<i32>} : memref<128x300xf32, #tpu.memory_space<vmem>>, vector<16xf32>,
            %add3A_443 = arith.addf %scan3A_411, %get3A_442 : vector<16xf32>
            %get3A_444 = arith.index_cast %add3A_431 : i32 to index
            %get3A_445 = arith.constant 48 : index
            %get3A_446 = tpu.vector_load %arg5[%get3A_444, %get3A_445] {strides = array<i32>} : memref<128x300xf32, #tpu.memory_space<vmem>>, vector<16xf32>,
            %add3A_447 = arith.addf %scan3A_412, %get3A_446 : vector<16xf32>
            %get3A_448 = arith.index_cast %add3A_431 : i32 to index
            %get3A_449 = arith.constant 64 : index
            %get3A_450 = tpu.vector_load %arg5[%get3A_448, %get3A_449] {strides = array<i32>} : memref<128x300xf32, #tpu.memory_space<vmem>>, vector<16xf32>,
            %add3A_451 = arith.addf %scan3A_413, %get3A_450 : vector<16xf32>
            %get3A_452 = arith.index_cast %add3A_431 : i32 to index
            %get3A_453 = arith.constant 80 : index
            %get3A_454 = tpu.vector_load %arg5[%get3A_452, %get3A_453] {strides = array<i32>} : memref<128x300xf32, #tpu.memory_space<vmem>>, vector<16xf32>,
            %add3A_455 = arith.addf %scan3A_414, %get3A_454 : vector<16xf32>
            %get3A_456 = arith.index_cast %add3A_431 : i32 to index
            %get3A_457 = arith.constant 96 : index
            %get3A_458 = tpu.vector_load %arg5[%get3A_456, %get3A_457] {strides = array<i32>} : memref<128x300xf32, #tpu.memory_space<vmem>>, vector<16xf32>,
            %add3A_459 = arith.addf %scan3A_415, %get3A_458 : vector<16xf32>
            %get3A_460 = arith.index_cast %add3A_431 : i32 to index
            %get3A_461 = arith.constant 112 : index
            %get3A_462 = tpu.vector_load %arg5[%get3A_460, %get3A_461] {strides = array<i32>} : memref<128x300xf32, #tpu.memory_space<vmem>>, vector<16xf32>,
            %add3A_463 = arith.addf %scan3A_416, %get3A_462 : vector<16xf32>
            %get3A_464 = arith.index_cast %add3A_431 : i32 to index
            %get3A_465 = arith.constant 128 : index
            %get3A_466 = tpu.vector_load %arg5[%get3A_464, %get3A_465] {strides = array<i32>} : memref<128x300xf32, #tpu.memory_space<vmem>>, vector<16xf32>,
            %add3A_467 = arith.addf %scan3A_417, %get3A_466 : vector<16xf32>
            %get3A_468 = arith.index_cast %add3A_431 : i32 to index
            %get3A_469 = arith.constant 144 : index
            %get3A_470 = tpu.vector_load %arg5[%get3A_468, %get3A_469] {strides = array<i32>} : memref<128x300xf32, #tpu.memory_space<vmem>>, vector<16xf32>,
            %add3A_471 = arith.addf %scan3A_418, %get3A_470 : vector<16xf32>
            %get3A_472 = arith.index_cast %add3A_431 : i32 to index
            %get3A_473 = arith.constant 160 : index
            %get3A_474 = tpu.vector_load %arg5[%get3A_472, %get3A_473] {strides = array<i32>} : memref<128x300xf32, #tpu.memory_space<vmem>>, vector<16xf32>,
            %add3A_475 = arith.addf %scan3A_419, %get3A_474 : vector<16xf32>
            %get3A_476 = arith.index_cast %add3A_431 : i32 to index
            %get3A_477 = arith.constant 176 : index
            %get3A_478 = tpu.vector_load %arg5[%get3A_476, %get3A_477] {strides = array<i32>} : memref<128x300xf32, #tpu.memory_space<vmem>>, vector<16xf32>,
            %add3A_479 = arith.addf %scan3A_420, %get3A_478 : vector<16xf32>
            %get3A_480 = arith.index_cast %add3A_431 : i32 to index
            %get3A_481 = arith.constant 192 : index
            %get3A_482 = tpu.vector_load %arg5[%get3A_480, %get3A_481] {strides = array<i32>} : memref<128x300xf32, #tpu.memory_space<vmem>>, vector<16xf32>,
            %add3A_483 = arith.addf %scan3A_421, %get3A_482 : vector<16xf32>
            %get3A_484 = arith.index_cast %add3A_431 : i32 to index
            %get3A_485 = arith.constant 208 : index
            %get3A_486 = tpu.vector_load %arg5[%get3A_484, %get3A_485] {strides = array<i32>} : memref<128x300xf32, #tpu.memory_space<vmem>>, vector<16xf32>,
            %add3A_487 = arith.addf %scan3A_422, %get3A_486 : vector<16xf32>
            %get3A_488 = arith.index_cast %add3A_431 : i32 to index
            %get3A_489 = arith.constant 224 : index
            %get3A_490 = tpu.vector_load %arg5[%get3A_488, %get3A_489] {strides = array<i32>} : memref<128x300xf32, #tpu.memory_space<vmem>>, vector<16xf32>,
            %add3A_491 = arith.addf %scan3A_423, %get3A_490 : vector<16xf32>
            %get3A_492 = arith.index_cast %add3A_431 : i32 to index
            %get3A_493 = arith.constant 240 : index
            %get3A_494 = tpu.vector_load %arg5[%get3A_492, %get3A_493] {strides = array<i32>} : memref<128x300xf32, #tpu.memory_space<vmem>>, vector<16xf32>,
            %add3A_495 = arith.addf %scan3A_424, %get3A_494 : vector<16xf32>
            %get3A_496 = arith.index_cast %add3A_431 : i32 to index
            %get3A_497 = arith.constant 256 : index
            %get3A_498 = tpu.vector_load %arg5[%get3A_496, %get3A_497] {strides = array<i32>} : memref<128x300xf32, #tpu.memory_space<vmem>>, vector<16xf32>,
            %add3A_499 = arith.addf %scan3A_425, %get3A_498 : vector<16xf32>
            %get3A_500 = arith.index_cast %add3A_431 : i32 to index
            %get3A_501 = arith.constant 272 : index
            %get3A_502 = tpu.vector_load %arg5[%get3A_500, %get3A_501] {strides = array<i32>} : memref<128x300xf32, #tpu.memory_space<vmem>>, vector<16xf32>,
            %add3A_503 = arith.addf %scan3A_426, %get3A_502 : vector<16xf32>
            %get3A_504 = arith.index_cast %add3A_431 : i32 to index
            %get3A_505 = arith.constant 284 : index
            %get3A_506 = tpu.vector_load %arg5[%get3A_504, %get3A_505] {strides = array<i32>} : memref<128x300xf32, #tpu.memory_space<vmem>>, vector<16xf32>,
            %ge3A = arith.constant 4 : i32
            %ge3A_507 = vector.broadcast %ge3A : i32 to vector<16xi32>
            %ge3A_508 = arith.cmpi sge, %iota3A, %ge3A_507 : vector<16xi32>
            %jit3A_509 = arith.constant 0.000000e+00 : f32
            %broadcast_in_dim3A_510 = vector.broadcast %jit3A_509 : f32 to vector<16xf32>
            %select_n3A_511 = arith.select %ge3A_508, %get3A_506, %broadcast_in_dim3A_510 : vector<16xi1>, vector<16xf32>
            %add3A_512 = arith.addf %scan3A_427, %select_n3A_511 : vector<16xf32>
            %add3A_513 = arith.constant 1 : i32
            %add3A_514 = arith.addi %mul3A_429, %add3A_513 : i32
            %get3A_515 = arith.index_cast %add3A_514 : i32 to index
            %get3A_516 = arith.constant 0 : index
            %get3A_517 = tpu.vector_load %arg5[%get3A_515, %get3A_516] {strides = array<i32>} : memref<128x300xf32, #tpu.memory_space<vmem>>, vector<16xf32>,
            %add3A_518 = arith.addf %add3A_435, %get3A_517 : vector<16xf32>
            %get3A_519 = arith.index_cast %add3A_514 : i32 to index
            %get3A_520 = arith.constant 16 : index
            %get3A_521 = tpu.vector_load %arg5[%get3A_519, %get3A_520] {strides = array<i32>} : memref<128x300xf32, #tpu.memory_space<vmem>>, vector<16xf32>,
            %add3A_522 = arith.addf %add3A_439, %get3A_521 : vector<16xf32>
            %get3A_523 = arith.index_cast %add3A_514 : i32 to index
            %get3A_524 = arith.constant 32 : index
            %get3A_525 = tpu.vector_load %arg5[%get3A_523, %get3A_524] {strides = array<i32>} : memref<128x300xf32, #tpu.memory_space<vmem>>, vector<16xf32>,
            %add3A_526 = arith.addf %add3A_443, %get3A_525 : vector<16xf32>
            %get3A_527 = arith.index_cast %add3A_514 : i32 to index
            %get3A_528 = arith.constant 48 : index
            %get3A_529 = tpu.vector_load %arg5[%get3A_527, %get3A_528] {strides = array<i32>} : memref<128x300xf32, #tpu.memory_space<vmem>>, vector<16xf32>,
            %add3A_530 = arith.addf %add3A_447, %get3A_529 : vector<16xf32>
            %get3A_531 = arith.index_cast %add3A_514 : i32 to index
            %get3A_532 = arith.constant 64 : index
            %get3A_533 = tpu.vector_load %arg5[%get3A_531, %get3A_532] {strides = array<i32>} : memref<128x300xf32, #tpu.memory_space<vmem>>, vector<16xf32>,
            %add3A_534 = arith.addf %add3A_451, %get3A_533 : vector<16xf32>
            %get3A_535 = arith.index_cast %add3A_514 : i32 to index
            %get3A_536 = arith.constant 80 : index
            %get3A_537 = tpu.vector_load %arg5[%get3A_535, %get3A_536] {strides = array<i32>} : memref<128x300xf32, #tpu.memory_space<vmem>>, vector<16xf32>,
            %add3A_538 = arith.addf %add3A_455, %get3A_537 : vector<16xf32>
            %get3A_539 = arith.index_cast %add3A_514 : i32 to index
            %get3A_540 = arith.constant 96 : index
            %get3A_541 = tpu.vector_load %arg5[%get3A_539, %get3A_540] {strides = array<i32>} : memref<128x300xf32, #tpu.memory_space<vmem>>, vector<16xf32>,
            %add3A_542 = arith.addf %add3A_459, %get3A_541 : vector<16xf32>
            %get3A_543 = arith.index_cast %add3A_514 : i32 to index
            %get3A_544 = arith.constant 112 : index
            %get3A_545 = tpu.vector_load %arg5[%get3A_543, %get3A_544] {strides = array<i32>} : memref<128x300xf32, #tpu.memory_space<vmem>>, vector<16xf32>,
            %add3A_546 = arith.addf %add3A_463, %get3A_545 : vector<16xf32>
            %get3A_547 = arith.index_cast %add3A_514 : i32 to index
            %get3A_548 = arith.constant 128 : index
            %get3A_549 = tpu.vector_load %arg5[%get3A_547, %get3A_548] {strides = array<i32>} : memref<128x300xf32, #tpu.memory_space<vmem>>, vector<16xf32>,
            %add3A_550 = arith.addf %add3A_467, %get3A_549 : vector<16xf32>
            %get3A_551 = arith.index_cast %add3A_514 : i32 to index
            %get3A_552 = arith.constant 144 : index
            %get3A_553 = tpu.vector_load %arg5[%get3A_551, %get3A_552] {strides = array<i32>} : memref<128x300xf32, #tpu.memory_space<vmem>>, vector<16xf32>,
            %add3A_554 = arith.addf %add3A_471, %get3A_553 : vector<16xf32>
            %get3A_555 = arith.index_cast %add3A_514 : i32 to index
            %get3A_556 = arith.constant 160 : index
            %get3A_557 = tpu.vector_load %arg5[%get3A_555, %get3A_556] {strides = array<i32>} : memref<128x300xf32, #tpu.memory_space<vmem>>, vector<16xf32>,
            %add3A_558 = arith.addf %add3A_475, %get3A_557 : vector<16xf32>
            %get3A_559 = arith.index_cast %add3A_514 : i32 to index
            %get3A_560 = arith.constant 176 : index
            %get3A_561 = tpu.vector_load %arg5[%get3A_559, %get3A_560] {strides = array<i32>} : memref<128x300xf32, #tpu.memory_space<vmem>>, vector<16xf32>,
            %add3A_562 = arith.addf %add3A_479, %get3A_561 : vector<16xf32>
            %get3A_563 = arith.index_cast %add3A_514 : i32 to index
            %get3A_564 = arith.constant 192 : index
            %get3A_565 = tpu.vector_load %arg5[%get3A_563, %get3A_564] {strides = array<i32>} : memref<128x300xf32, #tpu.memory_space<vmem>>, vector<16xf32>,
            %add3A_566 = arith.addf %add3A_483, %get3A_565 : vector<16xf32>
            %get3A_567 = arith.index_cast %add3A_514 : i32 to index
            %get3A_568 = arith.constant 208 : index
            %get3A_569 = tpu.vector_load %arg5[%get3A_567, %get3A_568] {strides = array<i32>} : memref<128x300xf32, #tpu.memory_space<vmem>>, vector<16xf32>,
            %add3A_570 = arith.addf %add3A_487, %get3A_569 : vector<16xf32>
            %get3A_571 = arith.index_cast %add3A_514 : i32 to index
            %get3A_572 = arith.constant 224 : index
            %get3A_573 = tpu.vector_load %arg5[%get3A_571, %get3A_572] {strides = array<i32>} : memref<128x300xf32, #tpu.memory_space<vmem>>, vector<16xf32>,
            %add3A_574 = arith.addf %add3A_491, %get3A_573 : vector<16xf32>
            %get3A_575 = arith.index_cast %add3A_514 : i32 to index
            %get3A_576 = arith.constant 240 : index
            %get3A_577 = tpu.vector_load %arg5[%get3A_575, %get3A_576] {strides = array<i32>} : memref<128x300xf32, #tpu.memory_space<vmem>>, vector<16xf32>,
            %add3A_578 = arith.addf %add3A_495, %get3A_577 : vector<16xf32>
            %get3A_579 = arith.index_cast %add3A_514 : i32 to index
            %get3A_580 = arith.constant 256 : index
            %get3A_581 = tpu.vector_load %arg5[%get3A_579, %get3A_580] {strides = array<i32>} : memref<128x300xf32, #tpu.memory_space<vmem>>, vector<16xf32>,
            %add3A_582 = arith.addf %add3A_499, %get3A_581 : vector<16xf32>
            %get3A_583 = arith.index_cast %add3A_514 : i32 to index
            %get3A_584 = arith.constant 272 : index
            %get3A_585 = tpu.vector_load %arg5[%get3A_583, %get3A_584] {strides = array<i32>} : memref<128x300xf32, #tpu.memory_space<vmem>>, vector<16xf32>,
            %add3A_586 = arith.addf %add3A_503, %get3A_585 : vector<16xf32>
            %get3A_587 = arith.index_cast %add3A_514 : i32 to index
            %get3A_588 = arith.constant 284 : index
            %get3A_589 = tpu.vector_load %arg5[%get3A_587, %get3A_588] {strides = array<i32>} : memref<128x300xf32, #tpu.memory_space<vmem>>, vector<16xf32>,
            %ge3A_590 = arith.constant 4 : i32
            %ge3A_591 = vector.broadcast %ge3A_590 : i32 to vector<16xi32>
            %ge3A_592 = arith.cmpi sge, %iota3A, %ge3A_591 : vector<16xi32>
            %jit3A_593 = arith.constant 0.000000e+00 : f32
            %broadcast_in_dim3A_594 = vector.broadcast %jit3A_593 : f32 to vector<16xf32>
            %select_n3A_595 = arith.select %ge3A_592, %get3A_589, %broadcast_in_dim3A_594 : vector<16xi1>, vector<16xf32>
            %add3A_596 = arith.addf %add3A_512, %select_n3A_595 : vector<16xf32>
            %add3A_597 = arith.constant 2 : i32
            %add3A_598 = arith.addi %mul3A_429, %add3A_597 : i32
            %get3A_599 = arith.index_cast %add3A_598 : i32 to index
            %get3A_600 = arith.constant 0 : index
            %get3A_601 = tpu.vector_load %arg5[%get3A_599, %get3A_600] {strides = array<i32>} : memref<128x300xf32, #tpu.memory_space<vmem>>, vector<16xf32>,
            %add3A_602 = arith.addf %add3A_518, %get3A_601 : vector<16xf32>
            %get3A_603 = arith.index_cast %add3A_598 : i32 to index
            %get3A_604 = arith.constant 16 : index
            %get3A_605 = tpu.vector_load %arg5[%get3A_603, %get3A_604] {strides = array<i32>} : memref<128x300xf32, #tpu.memory_space<vmem>>, vector<16xf32>,
            %add3A_606 = arith.addf %add3A_522, %get3A_605 : vector<16xf32>
            %get3A_607 = arith.index_cast %add3A_598 : i32 to index
            %get3A_608 = arith.constant 32 : index
            %get3A_609 = tpu.vector_load %arg5[%get3A_607, %get3A_608] {strides = array<i32>} : memref<128x300xf32, #tpu.memory_space<vmem>>, vector<16xf32>,
            %add3A_610 = arith.addf %add3A_526, %get3A_609 : vector<16xf32>
            %get3A_611 = arith.index_cast %add3A_598 : i32 to index
            %get3A_612 = arith.constant 48 : index
            %get3A_613 = tpu.vector_load %arg5[%get3A_611, %get3A_612] {strides = array<i32>} : memref<128x300xf32, #tpu.memory_space<vmem>>, vector<16xf32>,
            %add3A_614 = arith.addf %add3A_530, %get3A_613 : vector<16xf32>
            %get3A_615 = arith.index_cast %add3A_598 : i32 to index
            %get3A_616 = arith.constant 64 : index
            %get3A_617 = tpu.vector_load %arg5[%get3A_615, %get3A_616] {strides = array<i32>} : memref<128x300xf32, #tpu.memory_space<vmem>>, vector<16xf32>,
            %add3A_618 = arith.addf %add3A_534, %get3A_617 : vector<16xf32>
            %get3A_619 = arith.index_cast %add3A_598 : i32 to index
            %get3A_620 = arith.constant 80 : index
            %get3A_621 = tpu.vector_load %arg5[%get3A_619, %get3A_620] {strides = array<i32>} : memref<128x300xf32, #tpu.memory_space<vmem>>, vector<16xf32>,
            %add3A_622 = arith.addf %add3A_538, %get3A_621 : vector<16xf32>
            %get3A_623 = arith.index_cast %add3A_598 : i32 to index
            %get3A_624 = arith.constant 96 : index
            %get3A_625 = tpu.vector_load %arg5[%get3A_623, %get3A_624] {strides = array<i32>} : memref<128x300xf32, #tpu.memory_space<vmem>>, vector<16xf32>,
            %add3A_626 = arith.addf %add3A_542, %get3A_625 : vector<16xf32>
            %get3A_627 = arith.index_cast %add3A_598 : i32 to index
            %get3A_628 = arith.constant 112 : index
            %get3A_629 = tpu.vector_load %arg5[%get3A_627, %get3A_628] {strides = array<i32>} : memref<128x300xf32, #tpu.memory_space<vmem>>, vector<16xf32>,
            %add3A_630 = arith.addf %add3A_546, %get3A_629 : vector<16xf32>
            %get3A_631 = arith.index_cast %add3A_598 : i32 to index
            %get3A_632 = arith.constant 128 : index
            %get3A_633 = tpu.vector_load %arg5[%get3A_631, %get3A_632] {strides = array<i32>} : memref<128x300xf32, #tpu.memory_space<vmem>>, vector<16xf32>,
            %add3A_634 = arith.addf %add3A_550, %get3A_633 : vector<16xf32>
            %get3A_635 = arith.index_cast %add3A_598 : i32 to index
            %get3A_636 = arith.constant 144 : index
            %get3A_637 = tpu.vector_load %arg5[%get3A_635, %get3A_636] {strides = array<i32>} : memref<128x300xf32, #tpu.memory_space<vmem>>, vector<16xf32>,
            %add3A_638 = arith.addf %add3A_554, %get3A_637 : vector<16xf32>
            %get3A_639 = arith.index_cast %add3A_598 : i32 to index
            %get3A_640 = arith.constant 160 : index
            %get3A_641 = tpu.vector_load %arg5[%get3A_639, %get3A_640] {strides = array<i32>} : memref<128x300xf32, #tpu.memory_space<vmem>>, vector<16xf32>,
            %add3A_642 = arith.addf %add3A_558, %get3A_641 : vector<16xf32>
            %get3A_643 = arith.index_cast %add3A_598 : i32 to index
            %get3A_644 = arith.constant 176 : index
            %get3A_645 = tpu.vector_load %arg5[%get3A_643, %get3A_644] {strides = array<i32>} : memref<128x300xf32, #tpu.memory_space<vmem>>, vector<16xf32>,
            %add3A_646 = arith.addf %add3A_562, %get3A_645 : vector<16xf32>
            %get3A_647 = arith.index_cast %add3A_598 : i32 to index
            %get3A_648 = arith.constant 192 : index
            %get3A_649 = tpu.vector_load %arg5[%get3A_647, %get3A_648] {strides = array<i32>} : memref<128x300xf32, #tpu.memory_space<vmem>>, vector<16xf32>,
            %add3A_650 = arith.addf %add3A_566, %get3A_649 : vector<16xf32>
            %get3A_651 = arith.index_cast %add3A_598 : i32 to index
            %get3A_652 = arith.constant 208 : index
            %get3A_653 = tpu.vector_load %arg5[%get3A_651, %get3A_652] {strides = array<i32>} : memref<128x300xf32, #tpu.memory_space<vmem>>, vector<16xf32>,
            %add3A_654 = arith.addf %add3A_570, %get3A_653 : vector<16xf32>
            %get3A_655 = arith.index_cast %add3A_598 : i32 to index
            %get3A_656 = arith.constant 224 : index
            %get3A_657 = tpu.vector_load %arg5[%get3A_655, %get3A_656] {strides = array<i32>} : memref<128x300xf32, #tpu.memory_space<vmem>>, vector<16xf32>,
            %add3A_658 = arith.addf %add3A_574, %get3A_657 : vector<16xf32>
            %get3A_659 = arith.index_cast %add3A_598 : i32 to index
            %get3A_660 = arith.constant 240 : index
            %get3A_661 = tpu.vector_load %arg5[%get3A_659, %get3A_660] {strides = array<i32>} : memref<128x300xf32, #tpu.memory_space<vmem>>, vector<16xf32>,
            %add3A_662 = arith.addf %add3A_578, %get3A_661 : vector<16xf32>
            %get3A_663 = arith.index_cast %add3A_598 : i32 to index
            %get3A_664 = arith.constant 256 : index
            %get3A_665 = tpu.vector_load %arg5[%get3A_663, %get3A_664] {strides = array<i32>} : memref<128x300xf32, #tpu.memory_space<vmem>>, vector<16xf32>,
            %add3A_666 = arith.addf %add3A_582, %get3A_665 : vector<16xf32>
            %get3A_667 = arith.index_cast %add3A_598 : i32 to index
            %get3A_668 = arith.constant 272 : index
            %get3A_669 = tpu.vector_load %arg5[%get3A_667, %get3A_668] {strides = array<i32>} : memref<128x300xf32, #tpu.memory_space<vmem>>, vector<16xf32>,
            %add3A_670 = arith.addf %add3A_586, %get3A_669 : vector<16xf32>
            %get3A_671 = arith.index_cast %add3A_598 : i32 to index
            %get3A_672 = arith.constant 284 : index
            %get3A_673 = tpu.vector_load %arg5[%get3A_671, %get3A_672] {strides = array<i32>} : memref<128x300xf32, #tpu.memory_space<vmem>>, vector<16xf32>,
            %ge3A_674 = arith.constant 4 : i32
            %ge3A_675 = vector.broadcast %ge3A_674 : i32 to vector<16xi32>
            %ge3A_676 = arith.cmpi sge, %iota3A, %ge3A_675 : vector<16xi32>
            %jit3A_677 = arith.constant 0.000000e+00 : f32
            %broadcast_in_dim3A_678 = vector.broadcast %jit3A_677 : f32 to vector<16xf32>
            %select_n3A_679 = arith.select %ge3A_676, %get3A_673, %broadcast_in_dim3A_678 : vector<16xi1>, vector<16xf32>
            %add3A_680 = arith.addf %add3A_596, %select_n3A_679 : vector<16xf32>
            %add3A_681 = arith.constant 3 : i32
            %add3A_682 = arith.addi %mul3A_429, %add3A_681 : i32
            %get3A_683 = arith.index_cast %add3A_682 : i32 to index
            %get3A_684 = arith.constant 0 : index
            %get3A_685 = tpu.vector_load %arg5[%get3A_683, %get3A_684] {strides = array<i32>} : memref<128x300xf32, #tpu.memory_space<vmem>>, vector<16xf32>,
            %add3A_686 = arith.addf %add3A_602, %get3A_685 : vector<16xf32>
            %get3A_687 = arith.index_cast %add3A_682 : i32 to index
            %get3A_688 = arith.constant 16 : index
            %get3A_689 = tpu.vector_load %arg5[%get3A_687, %get3A_688] {strides = array<i32>} : memref<128x300xf32, #tpu.memory_space<vmem>>, vector<16xf32>,
            %add3A_690 = arith.addf %add3A_606, %get3A_689 : vector<16xf32>
            %get3A_691 = arith.index_cast %add3A_682 : i32 to index
            %get3A_692 = arith.constant 32 : index
            %get3A_693 = tpu.vector_load %arg5[%get3A_691, %get3A_692] {strides = array<i32>} : memref<128x300xf32, #tpu.memory_space<vmem>>, vector<16xf32>,
            %add3A_694 = arith.addf %add3A_610, %get3A_693 : vector<16xf32>
            %get3A_695 = arith.index_cast %add3A_682 : i32 to index
            %get3A_696 = arith.constant 48 : index
            %get3A_697 = tpu.vector_load %arg5[%get3A_695, %get3A_696] {strides = array<i32>} : memref<128x300xf32, #tpu.memory_space<vmem>>, vector<16xf32>,
            %add3A_698 = arith.addf %add3A_614, %get3A_697 : vector<16xf32>
            %get3A_699 = arith.index_cast %add3A_682 : i32 to index
            %get3A_700 = arith.constant 64 : index
            %get3A_701 = tpu.vector_load %arg5[%get3A_699, %get3A_700] {strides = array<i32>} : memref<128x300xf32, #tpu.memory_space<vmem>>, vector<16xf32>,
            %add3A_702 = arith.addf %add3A_618, %get3A_701 : vector<16xf32>
            %get3A_703 = arith.index_cast %add3A_682 : i32 to index
            %get3A_704 = arith.constant 80 : index
            %get3A_705 = tpu.vector_load %arg5[%get3A_703, %get3A_704] {strides = array<i32>} : memref<128x300xf32, #tpu.memory_space<vmem>>, vector<16xf32>,
            %add3A_706 = arith.addf %add3A_622, %get3A_705 : vector<16xf32>
            %get3A_707 = arith.index_cast %add3A_682 : i32 to index
            %get3A_708 = arith.constant 96 : index
            %get3A_709 = tpu.vector_load %arg5[%get3A_707, %get3A_708] {strides = array<i32>} : memref<128x300xf32, #tpu.memory_space<vmem>>, vector<16xf32>,
            %add3A_710 = arith.addf %add3A_626, %get3A_709 : vector<16xf32>
            %get3A_711 = arith.index_cast %add3A_682 : i32 to index
            %get3A_712 = arith.constant 112 : index
            %get3A_713 = tpu.vector_load %arg5[%get3A_711, %get3A_712] {strides = array<i32>} : memref<128x300xf32, #tpu.memory_space<vmem>>, vector<16xf32>,
            %add3A_714 = arith.addf %add3A_630, %get3A_713 : vector<16xf32>
            %get3A_715 = arith.index_cast %add3A_682 : i32 to index
            %get3A_716 = arith.constant 128 : index
            %get3A_717 = tpu.vector_load %arg5[%get3A_715, %get3A_716] {strides = array<i32>} : memref<128x300xf32, #tpu.memory_space<vmem>>, vector<16xf32>,
            %add3A_718 = arith.addf %add3A_634, %get3A_717 : vector<16xf32>
            %get3A_719 = arith.index_cast %add3A_682 : i32 to index
            %get3A_720 = arith.constant 144 : index
            %get3A_721 = tpu.vector_load %arg5[%get3A_719, %get3A_720] {strides = array<i32>} : memref<128x300xf32, #tpu.memory_space<vmem>>, vector<16xf32>,
            %add3A_722 = arith.addf %add3A_638, %get3A_721 : vector<16xf32>
            %get3A_723 = arith.index_cast %add3A_682 : i32 to index
            %get3A_724 = arith.constant 160 : index
            %get3A_725 = tpu.vector_load %arg5[%get3A_723, %get3A_724] {strides = array<i32>} : memref<128x300xf32, #tpu.memory_space<vmem>>, vector<16xf32>,
            %add3A_726 = arith.addf %add3A_642, %get3A_725 : vector<16xf32>
            %get3A_727 = arith.index_cast %add3A_682 : i32 to index
            %get3A_728 = arith.constant 176 : index
            %get3A_729 = tpu.vector_load %arg5[%get3A_727, %get3A_728] {strides = array<i32>} : memref<128x300xf32, #tpu.memory_space<vmem>>, vector<16xf32>,
            %add3A_730 = arith.addf %add3A_646, %get3A_729 : vector<16xf32>
            %get3A_731 = arith.index_cast %add3A_682 : i32 to index
            %get3A_732 = arith.constant 192 : index
            %get3A_733 = tpu.vector_load %arg5[%get3A_731, %get3A_732] {strides = array<i32>} : memref<128x300xf32, #tpu.memory_space<vmem>>, vector<16xf32>,
            %add3A_734 = arith.addf %add3A_650, %get3A_733 : vector<16xf32>
            %get3A_735 = arith.index_cast %add3A_682 : i32 to index
            %get3A_736 = arith.constant 208 : index
            %get3A_737 = tpu.vector_load %arg5[%get3A_735, %get3A_736] {strides = array<i32>} : memref<128x300xf32, #tpu.memory_space<vmem>>, vector<16xf32>,
            %add3A_738 = arith.addf %add3A_654, %get3A_737 : vector<16xf32>
            %get3A_739 = arith.index_cast %add3A_682 : i32 to index
            %get3A_740 = arith.constant 224 : index
            %get3A_741 = tpu.vector_load %arg5[%get3A_739, %get3A_740] {strides = array<i32>} : memref<128x300xf32, #tpu.memory_space<vmem>>, vector<16xf32>,
            %add3A_742 = arith.addf %add3A_658, %get3A_741 : vector<16xf32>
            %get3A_743 = arith.index_cast %add3A_682 : i32 to index
            %get3A_744 = arith.constant 240 : index
            %get3A_745 = tpu.vector_load %arg5[%get3A_743, %get3A_744] {strides = array<i32>} : memref<128x300xf32, #tpu.memory_space<vmem>>, vector<16xf32>,
            %add3A_746 = arith.addf %add3A_662, %get3A_745 : vector<16xf32>
            %get3A_747 = arith.index_cast %add3A_682 : i32 to index
            %get3A_748 = arith.constant 256 : index
            %get3A_749 = tpu.vector_load %arg5[%get3A_747, %get3A_748] {strides = array<i32>} : memref<128x300xf32, #tpu.memory_space<vmem>>, vector<16xf32>,
            %add3A_750 = arith.addf %add3A_666, %get3A_749 : vector<16xf32>
            %get3A_751 = arith.index_cast %add3A_682 : i32 to index
            %get3A_752 = arith.constant 272 : index
            %get3A_753 = tpu.vector_load %arg5[%get3A_751, %get3A_752] {strides = array<i32>} : memref<128x300xf32, #tpu.memory_space<vmem>>, vector<16xf32>,
            %add3A_754 = arith.addf %add3A_670, %get3A_753 : vector<16xf32>
            %get3A_755 = arith.index_cast %add3A_682 : i32 to index
            %get3A_756 = arith.constant 284 : index
            %get3A_757 = tpu.vector_load %arg5[%get3A_755, %get3A_756] {strides = array<i32>} : memref<128x300xf32, #tpu.memory_space<vmem>>, vector<16xf32>,
            %ge3A_758 = arith.constant 4 : i32
            %ge3A_759 = vector.broadcast %ge3A_758 : i32 to vector<16xi32>
            %ge3A_760 = arith.cmpi sge, %iota3A, %ge3A_759 : vector<16xi32>
            %jit3A_761 = arith.constant 0.000000e+00 : f32
            %broadcast_in_dim3A_762 = vector.broadcast %jit3A_761 : f32 to vector<16xf32>
            %select_n3A_763 = arith.select %ge3A_760, %get3A_757, %broadcast_in_dim3A_762 : vector<16xi1>, vector<16xf32>
            %add3A_764 = arith.addf %add3A_680, %select_n3A_763 : vector<16xf32>
            scf.yield %add3A_686, %add3A_690, %add3A_694, %add3A_698, %add3A_702, %add3A_706, %add3A_710, %add3A_714, %add3A_718, %add3A_722, %add3A_726, %add3A_730, %add3A_734, %add3A_738, %add3A_742, %add3A_746, %add3A_750, %add3A_754, %add3A_764 : vector<16xf32>, vector<16xf32>, vector<16xf32>, vector<16xf32>, vector<16xf32>, vector<16xf32>, vector<16xf32>, vector<16xf32>, vector<16xf32>, vector<16xf32>, vector<16xf32>, vector<16xf32>, vector<16xf32>, vector<16xf32>, vector<16xf32>, vector<16xf32>, vector<16xf32>, vector<16xf32>, vector<16xf32>
          }
          %scan3A_387 = arith.constant 32 : i32
          %dma_wait3A_388 = arith.constant 0 : i32
          %dma_wait3A_389 = arith.constant 0 : i32
          %dma_wait3A_390 = tpu.memref_slice %arg2[%scan3A_161, %dma_wait3A_388, %dma_wait3A_389] : memref<16x4096x300xf32, #tpu.memory_space<hbm>> -> memref<1x128x300xf32, #tpu.memory_space<hbm>>
          %dma_wait3A_391 = tpu.memref_squeeze %dma_wait3A_390 : memref<1x128x300xf32, #tpu.memory_space<hbm>> -> memref<128x300xf32, #tpu.memory_space<hbm>>
          %dma_wait3A_392 = arith.constant 0 : i32
          %dma_wait3A_393 = arith.constant 0 : i32
          %dma_wait3A_394 = tpu.memref_slice %arg2[%scan3A_161, %dma_wait3A_392, %dma_wait3A_393] : memref<16x4096x300xf32, #tpu.memory_space<hbm>> -> memref<1x128x300xf32, #tpu.memory_space<hbm>>
          %dma_wait3A_395 = tpu.memref_squeeze %dma_wait3A_394 : memref<1x128x300xf32, #tpu.memory_space<hbm>> -> memref<128x300xf32, #tpu.memory_space<hbm>>
          tpu.wait_dma2 semaphore(%arg11 : memref<!tpu.dma_semaphore, #tpu.memory_space<semaphore_mem>>) src(%dma_wait3A_395 : memref<128x300xf32, #tpu.memory_space<hbm>>) dst(%arg6 : memref<128x300xf32, #tpu.memory_space<vmem>>)
          %add3A_396 = arith.constant 3 : i32
          %add3A_397 = arith.addi %mul3A_368, %add3A_396 : i32
          %lt3A_398 = arith.cmpi slt, %add3A_397, %select_n3A_267 : i32
          %convert_element_type3A_399 = arith.extui %lt3A_398 : i1 to i32
          %cond3A_400 = arith.constant 0 : i32
          %cond3A_401 = arith.cmpi ne, %convert_element_type3A_399, %cond3A_400 : i32
          scf.if %cond3A_401 {
            %add3A_408 = arith.constant 3 : i32
            %add3A_409 = arith.addi %mul3A_368, %add3A_408 : i32
            %mul3A_410 = arith.constant 16 : i32
            %mul3A_411 = arith.muli %add3A_409, %mul3A_410 : i32
            %add3A_412 = arith.addi %min3A_169, %mul3A_411 : i32
            %mul3A_413 = arith.constant 8 : i32
            %mul3A_414 = arith.muli %add3A_412, %mul3A_413 : i32
            %dma_start3A = arith.constant 0 : i32
            %dma_start3A_415 = tpu.memref_slice %arg2[%scan3A_161, %mul3A_414, %dma_start3A] : memref<16x4096x300xf32, #tpu.memory_space<hbm>> -> memref<1x128x300xf32, #tpu.memory_space<hbm>>
            %dma_start3A_416 = tpu.memref_squeeze %dma_start3A_415 : memref<1x128x300xf32, #tpu.memory_space<hbm>> -> memref<128x300xf32, #tpu.memory_space<hbm>>
            %dma_start3A_417 = arith.constant 0 : i32
            %dma_start3A_418 = tpu.memref_slice %arg2[%scan3A_161, %mul3A_414, %dma_start3A_417] : memref<16x4096x300xf32, #tpu.memory_space<hbm>> -> memref<1x128x300xf32, #tpu.memory_space<hbm>>
            %dma_start3A_419 = tpu.memref_squeeze %dma_start3A_418 : memref<1x128x300xf32, #tpu.memory_space<hbm>> -> memref<128x300xf32, #tpu.memory_space<hbm>>
            tpu.enqueue_dma source(%dma_start3A_419 : memref<128x300xf32, #tpu.memory_space<hbm>>) target(%arg6 : memref<128x300xf32, #tpu.memory_space<vmem>>) target_semaphore(%arg11 : memref<!tpu.dma_semaphore, #tpu.memory_space<semaphore_mem>>)
          } else {
          }
          %scan3A_402 = arith.constant 0 : i32
          %scan3A_403 = arith.constant 32 : i32
          %scan3A_404 = arith.addi %scan3A_402, %scan3A_403 : i32
          %scan3A_405 = arith.constant 1 : i32
          %scan3A_406:19 = scf.for %scan3A_408 = %scan3A_402 to %scan3A_404 step %scan3A_405 iter_args(%scan3A_409 = %scan3A_386#0, %scan3A_410 = %scan3A_386#1, %scan3A_411 = %scan3A_386#2, %scan3A_412 = %scan3A_386#3, %scan3A_413 = %scan3A_386#4, %scan3A_414 = %scan3A_386#5, %scan3A_415 = %scan3A_386#6, %scan3A_416 = %scan3A_386#7, %scan3A_417 = %scan3A_386#8, %scan3A_418 = %scan3A_386#9, %scan3A_419 = %scan3A_386#10, %scan3A_420 = %scan3A_386#11, %scan3A_421 = %scan3A_386#12, %scan3A_422 = %scan3A_386#13, %scan3A_423 = %scan3A_386#14, %scan3A_424 = %scan3A_386#15, %scan3A_425 = %scan3A_386#16, %scan3A_426 = %scan3A_386#17, %scan3A_427 = %scan3A_386#18) -> (vector<16xf32>, vector<16xf32>, vector<16xf32>, vector<16xf32>, vector<16xf32>, vector<16xf32>, vector<16xf32>, vector<16xf32>, vector<16xf32>, vector<16xf32>, vector<16xf32>, vector<16xf32>, vector<16xf32>, vector<16xf32>, vector<16xf32>, vector<16xf32>, vector<16xf32>, vector<16xf32>, vector<16xf32>)  : i32 {
            %mul3A_428 = arith.constant 4 : i32
            %mul3A_429 = arith.muli %scan3A_408, %mul3A_428 : i32
            %add3A_430 = arith.constant 0 : i32
            %add3A_431 = arith.addi %mul3A_429, %add3A_430 : i32
            %get3A_432 = arith.index_cast %add3A_431 : i32 to index
            %get3A_433 = arith.constant 0 : index
            %get3A_434 = tpu.vector_load %arg6[%get3A_432, %get3A_433] {strides = array<i32>} : memref<128x300xf32, #tpu.memory_space<vmem>>, vector<16xf32>,
            %add3A_435 = arith.addf %scan3A_409, %get3A_434 : vector<16xf32>
            %get3A_436 = arith.index_cast %add3A_431 : i32 to index
            %get3A_437 = arith.constant 16 : index
            %get3A_438 = tpu.vector_load %arg6[%get3A_436, %get3A_437] {strides = array<i32>} : memref<128x300xf32, #tpu.memory_space<vmem>>, vector<16xf32>,
            %add3A_439 = arith.addf %scan3A_410, %get3A_438 : vector<16xf32>
            %get3A_440 = arith.index_cast %add3A_431 : i32 to index
            %get3A_441 = arith.constant 32 : index
            %get3A_442 = tpu.vector_load %arg6[%get3A_440, %get3A_441] {strides = array<i32>} : memref<128x300xf32, #tpu.memory_space<vmem>>, vector<16xf32>,
            %add3A_443 = arith.addf %scan3A_411, %get3A_442 : vector<16xf32>
            %get3A_444 = arith.index_cast %add3A_431 : i32 to index
            %get3A_445 = arith.constant 48 : index
            %get3A_446 = tpu.vector_load %arg6[%get3A_444, %get3A_445] {strides = array<i32>} : memref<128x300xf32, #tpu.memory_space<vmem>>, vector<16xf32>,
            %add3A_447 = arith.addf %scan3A_412, %get3A_446 : vector<16xf32>
            %get3A_448 = arith.index_cast %add3A_431 : i32 to index
            %get3A_449 = arith.constant 64 : index
            %get3A_450 = tpu.vector_load %arg6[%get3A_448, %get3A_449] {strides = array<i32>} : memref<128x300xf32, #tpu.memory_space<vmem>>, vector<16xf32>,
            %add3A_451 = arith.addf %scan3A_413, %get3A_450 : vector<16xf32>
            %get3A_452 = arith.index_cast %add3A_431 : i32 to index
            %get3A_453 = arith.constant 80 : index
            %get3A_454 = tpu.vector_load %arg6[%get3A_452, %get3A_453] {strides = array<i32>} : memref<128x300xf32, #tpu.memory_space<vmem>>, vector<16xf32>,
            %add3A_455 = arith.addf %scan3A_414, %get3A_454 : vector<16xf32>
            %get3A_456 = arith.index_cast %add3A_431 : i32 to index
            %get3A_457 = arith.constant 96 : index
            %get3A_458 = tpu.vector_load %arg6[%get3A_456, %get3A_457] {strides = array<i32>} : memref<128x300xf32, #tpu.memory_space<vmem>>, vector<16xf32>,
            %add3A_459 = arith.addf %scan3A_415, %get3A_458 : vector<16xf32>
            %get3A_460 = arith.index_cast %add3A_431 : i32 to index
            %get3A_461 = arith.constant 112 : index
            %get3A_462 = tpu.vector_load %arg6[%get3A_460, %get3A_461] {strides = array<i32>} : memref<128x300xf32, #tpu.memory_space<vmem>>, vector<16xf32>,
            %add3A_463 = arith.addf %scan3A_416, %get3A_462 : vector<16xf32>
            %get3A_464 = arith.index_cast %add3A_431 : i32 to index
            %get3A_465 = arith.constant 128 : index
            %get3A_466 = tpu.vector_load %arg6[%get3A_464, %get3A_465] {strides = array<i32>} : memref<128x300xf32, #tpu.memory_space<vmem>>, vector<16xf32>,
            %add3A_467 = arith.addf %scan3A_417, %get3A_466 : vector<16xf32>
            %get3A_468 = arith.index_cast %add3A_431 : i32 to index
            %get3A_469 = arith.constant 144 : index
            %get3A_470 = tpu.vector_load %arg6[%get3A_468, %get3A_469] {strides = array<i32>} : memref<128x300xf32, #tpu.memory_space<vmem>>, vector<16xf32>,
            %add3A_471 = arith.addf %scan3A_418, %get3A_470 : vector<16xf32>
            %get3A_472 = arith.index_cast %add3A_431 : i32 to index
            %get3A_473 = arith.constant 160 : index
            %get3A_474 = tpu.vector_load %arg6[%get3A_472, %get3A_473] {strides = array<i32>} : memref<128x300xf32, #tpu.memory_space<vmem>>, vector<16xf32>,
            %add3A_475 = arith.addf %scan3A_419, %get3A_474 : vector<16xf32>
            %get3A_476 = arith.index_cast %add3A_431 : i32 to index
            %get3A_477 = arith.constant 176 : index
            %get3A_478 = tpu.vector_load %arg6[%get3A_476, %get3A_477] {strides = array<i32>} : memref<128x300xf32, #tpu.memory_space<vmem>>, vector<16xf32>,
            %add3A_479 = arith.addf %scan3A_420, %get3A_478 : vector<16xf32>
            %get3A_480 = arith.index_cast %add3A_431 : i32 to index
            %get3A_481 = arith.constant 192 : index
            %get3A_482 = tpu.vector_load %arg6[%get3A_480, %get3A_481] {strides = array<i32>} : memref<128x300xf32, #tpu.memory_space<vmem>>, vector<16xf32>,
            %add3A_483 = arith.addf %scan3A_421, %get3A_482 : vector<16xf32>
            %get3A_484 = arith.index_cast %add3A_431 : i32 to index
            %get3A_485 = arith.constant 208 : index
            %get3A_486 = tpu.vector_load %arg6[%get3A_484, %get3A_485] {strides = array<i32>} : memref<128x300xf32, #tpu.memory_space<vmem>>, vector<16xf32>,
            %add3A_487 = arith.addf %scan3A_422, %get3A_486 : vector<16xf32>
            %get3A_488 = arith.index_cast %add3A_431 : i32 to index
            %get3A_489 = arith.constant 224 : index
            %get3A_490 = tpu.vector_load %arg6[%get3A_488, %get3A_489] {strides = array<i32>} : memref<128x300xf32, #tpu.memory_space<vmem>>, vector<16xf32>,
            %add3A_491 = arith.addf %scan3A_423, %get3A_490 : vector<16xf32>
            %get3A_492 = arith.index_cast %add3A_431 : i32 to index
            %get3A_493 = arith.constant 240 : index
            %get3A_494 = tpu.vector_load %arg6[%get3A_492, %get3A_493] {strides = array<i32>} : memref<128x300xf32, #tpu.memory_space<vmem>>, vector<16xf32>,
            %add3A_495 = arith.addf %scan3A_424, %get3A_494 : vector<16xf32>
            %get3A_496 = arith.index_cast %add3A_431 : i32 to index
            %get3A_497 = arith.constant 256 : index
            %get3A_498 = tpu.vector_load %arg6[%get3A_496, %get3A_497] {strides = array<i32>} : memref<128x300xf32, #tpu.memory_space<vmem>>, vector<16xf32>,
            %add3A_499 = arith.addf %scan3A_425, %get3A_498 : vector<16xf32>
            %get3A_500 = arith.index_cast %add3A_431 : i32 to index
            %get3A_501 = arith.constant 272 : index
            %get3A_502 = tpu.vector_load %arg6[%get3A_500, %get3A_501] {strides = array<i32>} : memref<128x300xf32, #tpu.memory_space<vmem>>, vector<16xf32>,
            %add3A_503 = arith.addf %scan3A_426, %get3A_502 : vector<16xf32>
            %get3A_504 = arith.index_cast %add3A_431 : i32 to index
            %get3A_505 = arith.constant 284 : index
            %get3A_506 = tpu.vector_load %arg6[%get3A_504, %get3A_505] {strides = array<i32>} : memref<128x300xf32, #tpu.memory_space<vmem>>, vector<16xf32>,
            %ge3A = arith.constant 4 : i32
            %ge3A_507 = vector.broadcast %ge3A : i32 to vector<16xi32>
            %ge3A_508 = arith.cmpi sge, %iota3A, %ge3A_507 : vector<16xi32>
            %jit3A_509 = arith.constant 0.000000e+00 : f32
            %broadcast_in_dim3A_510 = vector.broadcast %jit3A_509 : f32 to vector<16xf32>
            %select_n3A_511 = arith.select %ge3A_508, %get3A_506, %broadcast_in_dim3A_510 : vector<16xi1>, vector<16xf32>
            %add3A_512 = arith.addf %scan3A_427, %select_n3A_511 : vector<16xf32>
            %add3A_513 = arith.constant 1 : i32
            %add3A_514 = arith.addi %mul3A_429, %add3A_513 : i32
            %get3A_515 = arith.index_cast %add3A_514 : i32 to index
            %get3A_516 = arith.constant 0 : index
            %get3A_517 = tpu.vector_load %arg6[%get3A_515, %get3A_516] {strides = array<i32>} : memref<128x300xf32, #tpu.memory_space<vmem>>, vector<16xf32>,
            %add3A_518 = arith.addf %add3A_435, %get3A_517 : vector<16xf32>
            %get3A_519 = arith.index_cast %add3A_514 : i32 to index
            %get3A_520 = arith.constant 16 : index
            %get3A_521 = tpu.vector_load %arg6[%get3A_519, %get3A_520] {strides = array<i32>} : memref<128x300xf32, #tpu.memory_space<vmem>>, vector<16xf32>,
            %add3A_522 = arith.addf %add3A_439, %get3A_521 : vector<16xf32>
            %get3A_523 = arith.index_cast %add3A_514 : i32 to index
            %get3A_524 = arith.constant 32 : index
            %get3A_525 = tpu.vector_load %arg6[%get3A_523, %get3A_524] {strides = array<i32>} : memref<128x300xf32, #tpu.memory_space<vmem>>, vector<16xf32>,
            %add3A_526 = arith.addf %add3A_443, %get3A_525 : vector<16xf32>
            %get3A_527 = arith.index_cast %add3A_514 : i32 to index
            %get3A_528 = arith.constant 48 : index
            %get3A_529 = tpu.vector_load %arg6[%get3A_527, %get3A_528] {strides = array<i32>} : memref<128x300xf32, #tpu.memory_space<vmem>>, vector<16xf32>,
            %add3A_530 = arith.addf %add3A_447, %get3A_529 : vector<16xf32>
            %get3A_531 = arith.index_cast %add3A_514 : i32 to index
            %get3A_532 = arith.constant 64 : index
            %get3A_533 = tpu.vector_load %arg6[%get3A_531, %get3A_532] {strides = array<i32>} : memref<128x300xf32, #tpu.memory_space<vmem>>, vector<16xf32>,
            %add3A_534 = arith.addf %add3A_451, %get3A_533 : vector<16xf32>
            %get3A_535 = arith.index_cast %add3A_514 : i32 to index
            %get3A_536 = arith.constant 80 : index
            %get3A_537 = tpu.vector_load %arg6[%get3A_535, %get3A_536] {strides = array<i32>} : memref<128x300xf32, #tpu.memory_space<vmem>>, vector<16xf32>,
            %add3A_538 = arith.addf %add3A_455, %get3A_537 : vector<16xf32>
            %get3A_539 = arith.index_cast %add3A_514 : i32 to index
            %get3A_540 = arith.constant 96 : index
            %get3A_541 = tpu.vector_load %arg6[%get3A_539, %get3A_540] {strides = array<i32>} : memref<128x300xf32, #tpu.memory_space<vmem>>, vector<16xf32>,
            %add3A_542 = arith.addf %add3A_459, %get3A_541 : vector<16xf32>
            %get3A_543 = arith.index_cast %add3A_514 : i32 to index
            %get3A_544 = arith.constant 112 : index
            %get3A_545 = tpu.vector_load %arg6[%get3A_543, %get3A_544] {strides = array<i32>} : memref<128x300xf32, #tpu.memory_space<vmem>>, vector<16xf32>,
            %add3A_546 = arith.addf %add3A_463, %get3A_545 : vector<16xf32>
            %get3A_547 = arith.index_cast %add3A_514 : i32 to index
            %get3A_548 = arith.constant 128 : index
            %get3A_549 = tpu.vector_load %arg6[%get3A_547, %get3A_548] {strides = array<i32>} : memref<128x300xf32, #tpu.memory_space<vmem>>, vector<16xf32>,
            %add3A_550 = arith.addf %add3A_467, %get3A_549 : vector<16xf32>
            %get3A_551 = arith.index_cast %add3A_514 : i32 to index
            %get3A_552 = arith.constant 144 : index
            %get3A_553 = tpu.vector_load %arg6[%get3A_551, %get3A_552] {strides = array<i32>} : memref<128x300xf32, #tpu.memory_space<vmem>>, vector<16xf32>,
            %add3A_554 = arith.addf %add3A_471, %get3A_553 : vector<16xf32>
            %get3A_555 = arith.index_cast %add3A_514 : i32 to index
            %get3A_556 = arith.constant 160 : index
            %get3A_557 = tpu.vector_load %arg6[%get3A_555, %get3A_556] {strides = array<i32>} : memref<128x300xf32, #tpu.memory_space<vmem>>, vector<16xf32>,
            %add3A_558 = arith.addf %add3A_475, %get3A_557 : vector<16xf32>
            %get3A_559 = arith.index_cast %add3A_514 : i32 to index
            %get3A_560 = arith.constant 176 : index
            %get3A_561 = tpu.vector_load %arg6[%get3A_559, %get3A_560] {strides = array<i32>} : memref<128x300xf32, #tpu.memory_space<vmem>>, vector<16xf32>,
            %add3A_562 = arith.addf %add3A_479, %get3A_561 : vector<16xf32>
            %get3A_563 = arith.index_cast %add3A_514 : i32 to index
            %get3A_564 = arith.constant 192 : index
            %get3A_565 = tpu.vector_load %arg6[%get3A_563, %get3A_564] {strides = array<i32>} : memref<128x300xf32, #tpu.memory_space<vmem>>, vector<16xf32>,
            %add3A_566 = arith.addf %add3A_483, %get3A_565 : vector<16xf32>
            %get3A_567 = arith.index_cast %add3A_514 : i32 to index
            %get3A_568 = arith.constant 208 : index
            %get3A_569 = tpu.vector_load %arg6[%get3A_567, %get3A_568] {strides = array<i32>} : memref<128x300xf32, #tpu.memory_space<vmem>>, vector<16xf32>,
            %add3A_570 = arith.addf %add3A_487, %get3A_569 : vector<16xf32>
            %get3A_571 = arith.index_cast %add3A_514 : i32 to index
            %get3A_572 = arith.constant 224 : index
            %get3A_573 = tpu.vector_load %arg6[%get3A_571, %get3A_572] {strides = array<i32>} : memref<128x300xf32, #tpu.memory_space<vmem>>, vector<16xf32>,
            %add3A_574 = arith.addf %add3A_491, %get3A_573 : vector<16xf32>
            %get3A_575 = arith.index_cast %add3A_514 : i32 to index
            %get3A_576 = arith.constant 240 : index
            %get3A_577 = tpu.vector_load %arg6[%get3A_575, %get3A_576] {strides = array<i32>} : memref<128x300xf32, #tpu.memory_space<vmem>>, vector<16xf32>,
            %add3A_578 = arith.addf %add3A_495, %get3A_577 : vector<16xf32>
            %get3A_579 = arith.index_cast %add3A_514 : i32 to index
            %get3A_580 = arith.constant 256 : index
            %get3A_581 = tpu.vector_load %arg6[%get3A_579, %get3A_580] {strides = array<i32>} : memref<128x300xf32, #tpu.memory_space<vmem>>, vector<16xf32>,
            %add3A_582 = arith.addf %add3A_499, %get3A_581 : vector<16xf32>
            %get3A_583 = arith.index_cast %add3A_514 : i32 to index
            %get3A_584 = arith.constant 272 : index
            %get3A_585 = tpu.vector_load %arg6[%get3A_583, %get3A_584] {strides = array<i32>} : memref<128x300xf32, #tpu.memory_space<vmem>>, vector<16xf32>,
            %add3A_586 = arith.addf %add3A_503, %get3A_585 : vector<16xf32>
            %get3A_587 = arith.index_cast %add3A_514 : i32 to index
            %get3A_588 = arith.constant 284 : index
            %get3A_589 = tpu.vector_load %arg6[%get3A_587, %get3A_588] {strides = array<i32>} : memref<128x300xf32, #tpu.memory_space<vmem>>, vector<16xf32>,
            %ge3A_590 = arith.constant 4 : i32
            %ge3A_591 = vector.broadcast %ge3A_590 : i32 to vector<16xi32>
            %ge3A_592 = arith.cmpi sge, %iota3A, %ge3A_591 : vector<16xi32>
            %jit3A_593 = arith.constant 0.000000e+00 : f32
            %broadcast_in_dim3A_594 = vector.broadcast %jit3A_593 : f32 to vector<16xf32>
            %select_n3A_595 = arith.select %ge3A_592, %get3A_589, %broadcast_in_dim3A_594 : vector<16xi1>, vector<16xf32>
            %add3A_596 = arith.addf %add3A_512, %select_n3A_595 : vector<16xf32>
            %add3A_597 = arith.constant 2 : i32
            %add3A_598 = arith.addi %mul3A_429, %add3A_597 : i32
            %get3A_599 = arith.index_cast %add3A_598 : i32 to index
            %get3A_600 = arith.constant 0 : index
            %get3A_601 = tpu.vector_load %arg6[%get3A_599, %get3A_600] {strides = array<i32>} : memref<128x300xf32, #tpu.memory_space<vmem>>, vector<16xf32>,
            %add3A_602 = arith.addf %add3A_518, %get3A_601 : vector<16xf32>
            %get3A_603 = arith.index_cast %add3A_598 : i32 to index
            %get3A_604 = arith.constant 16 : index
            %get3A_605 = tpu.vector_load %arg6[%get3A_603, %get3A_604] {strides = array<i32>} : memref<128x300xf32, #tpu.memory_space<vmem>>, vector<16xf32>,
            %add3A_606 = arith.addf %add3A_522, %get3A_605 : vector<16xf32>
            %get3A_607 = arith.index_cast %add3A_598 : i32 to index
            %get3A_608 = arith.constant 32 : index
            %get3A_609 = tpu.vector_load %arg6[%get3A_607, %get3A_608] {strides = array<i32>} : memref<128x300xf32, #tpu.memory_space<vmem>>, vector<16xf32>,
            %add3A_610 = arith.addf %add3A_526, %get3A_609 : vector<16xf32>
            %get3A_611 = arith.index_cast %add3A_598 : i32 to index
            %get3A_612 = arith.constant 48 : index
            %get3A_613 = tpu.vector_load %arg6[%get3A_611, %get3A_612] {strides = array<i32>} : memref<128x300xf32, #tpu.memory_space<vmem>>, vector<16xf32>,
            %add3A_614 = arith.addf %add3A_530, %get3A_613 : vector<16xf32>
            %get3A_615 = arith.index_cast %add3A_598 : i32 to index
            %get3A_616 = arith.constant 64 : index
            %get3A_617 = tpu.vector_load %arg6[%get3A_615, %get3A_616] {strides = array<i32>} : memref<128x300xf32, #tpu.memory_space<vmem>>, vector<16xf32>,
            %add3A_618 = arith.addf %add3A_534, %get3A_617 : vector<16xf32>
            %get3A_619 = arith.index_cast %add3A_598 : i32 to index
            %get3A_620 = arith.constant 80 : index
            %get3A_621 = tpu.vector_load %arg6[%get3A_619, %get3A_620] {strides = array<i32>} : memref<128x300xf32, #tpu.memory_space<vmem>>, vector<16xf32>,
            %add3A_622 = arith.addf %add3A_538, %get3A_621 : vector<16xf32>
            %get3A_623 = arith.index_cast %add3A_598 : i32 to index
            %get3A_624 = arith.constant 96 : index
            %get3A_625 = tpu.vector_load %arg6[%get3A_623, %get3A_624] {strides = array<i32>} : memref<128x300xf32, #tpu.memory_space<vmem>>, vector<16xf32>,
            %add3A_626 = arith.addf %add3A_542, %get3A_625 : vector<16xf32>
            %get3A_627 = arith.index_cast %add3A_598 : i32 to index
            %get3A_628 = arith.constant 112 : index
            %get3A_629 = tpu.vector_load %arg6[%get3A_627, %get3A_628] {strides = array<i32>} : memref<128x300xf32, #tpu.memory_space<vmem>>, vector<16xf32>,
            %add3A_630 = arith.addf %add3A_546, %get3A_629 : vector<16xf32>
            %get3A_631 = arith.index_cast %add3A_598 : i32 to index
            %get3A_632 = arith.constant 128 : index
            %get3A_633 = tpu.vector_load %arg6[%get3A_631, %get3A_632] {strides = array<i32>} : memref<128x300xf32, #tpu.memory_space<vmem>>, vector<16xf32>,
            %add3A_634 = arith.addf %add3A_550, %get3A_633 : vector<16xf32>
            %get3A_635 = arith.index_cast %add3A_598 : i32 to index
            %get3A_636 = arith.constant 144 : index
            %get3A_637 = tpu.vector_load %arg6[%get3A_635, %get3A_636] {strides = array<i32>} : memref<128x300xf32, #tpu.memory_space<vmem>>, vector<16xf32>,
            %add3A_638 = arith.addf %add3A_554, %get3A_637 : vector<16xf32>
            %get3A_639 = arith.index_cast %add3A_598 : i32 to index
            %get3A_640 = arith.constant 160 : index
            %get3A_641 = tpu.vector_load %arg6[%get3A_639, %get3A_640] {strides = array<i32>} : memref<128x300xf32, #tpu.memory_space<vmem>>, vector<16xf32>,
            %add3A_642 = arith.addf %add3A_558, %get3A_641 : vector<16xf32>
            %get3A_643 = arith.index_cast %add3A_598 : i32 to index
            %get3A_644 = arith.constant 176 : index
            %get3A_645 = tpu.vector_load %arg6[%get3A_643, %get3A_644] {strides = array<i32>} : memref<128x300xf32, #tpu.memory_space<vmem>>, vector<16xf32>,
            %add3A_646 = arith.addf %add3A_562, %get3A_645 : vector<16xf32>
            %get3A_647 = arith.index_cast %add3A_598 : i32 to index
            %get3A_648 = arith.constant 192 : index
            %get3A_649 = tpu.vector_load %arg6[%get3A_647, %get3A_648] {strides = array<i32>} : memref<128x300xf32, #tpu.memory_space<vmem>>, vector<16xf32>,
            %add3A_650 = arith.addf %add3A_566, %get3A_649 : vector<16xf32>
            %get3A_651 = arith.index_cast %add3A_598 : i32 to index
            %get3A_652 = arith.constant 208 : index
            %get3A_653 = tpu.vector_load %arg6[%get3A_651, %get3A_652] {strides = array<i32>} : memref<128x300xf32, #tpu.memory_space<vmem>>, vector<16xf32>,
            %add3A_654 = arith.addf %add3A_570, %get3A_653 : vector<16xf32>
            %get3A_655 = arith.index_cast %add3A_598 : i32 to index
            %get3A_656 = arith.constant 224 : index
            %get3A_657 = tpu.vector_load %arg6[%get3A_655, %get3A_656] {strides = array<i32>} : memref<128x300xf32, #tpu.memory_space<vmem>>, vector<16xf32>,
            %add3A_658 = arith.addf %add3A_574, %get3A_657 : vector<16xf32>
            %get3A_659 = arith.index_cast %add3A_598 : i32 to index
            %get3A_660 = arith.constant 240 : index
            %get3A_661 = tpu.vector_load %arg6[%get3A_659, %get3A_660] {strides = array<i32>} : memref<128x300xf32, #tpu.memory_space<vmem>>, vector<16xf32>,
            %add3A_662 = arith.addf %add3A_578, %get3A_661 : vector<16xf32>
            %get3A_663 = arith.index_cast %add3A_598 : i32 to index
            %get3A_664 = arith.constant 256 : index
            %get3A_665 = tpu.vector_load %arg6[%get3A_663, %get3A_664] {strides = array<i32>} : memref<128x300xf32, #tpu.memory_space<vmem>>, vector<16xf32>,
            %add3A_666 = arith.addf %add3A_582, %get3A_665 : vector<16xf32>
            %get3A_667 = arith.index_cast %add3A_598 : i32 to index
            %get3A_668 = arith.constant 272 : index
            %get3A_669 = tpu.vector_load %arg6[%get3A_667, %get3A_668] {strides = array<i32>} : memref<128x300xf32, #tpu.memory_space<vmem>>, vector<16xf32>,
            %add3A_670 = arith.addf %add3A_586, %get3A_669 : vector<16xf32>
            %get3A_671 = arith.index_cast %add3A_598 : i32 to index
            %get3A_672 = arith.constant 284 : index
            %get3A_673 = tpu.vector_load %arg6[%get3A_671, %get3A_672] {strides = array<i32>} : memref<128x300xf32, #tpu.memory_space<vmem>>, vector<16xf32>,
            %ge3A_674 = arith.constant 4 : i32
            %ge3A_675 = vector.broadcast %ge3A_674 : i32 to vector<16xi32>
            %ge3A_676 = arith.cmpi sge, %iota3A, %ge3A_675 : vector<16xi32>
            %jit3A_677 = arith.constant 0.000000e+00 : f32
            %broadcast_in_dim3A_678 = vector.broadcast %jit3A_677 : f32 to vector<16xf32>
            %select_n3A_679 = arith.select %ge3A_676, %get3A_673, %broadcast_in_dim3A_678 : vector<16xi1>, vector<16xf32>
            %add3A_680 = arith.addf %add3A_596, %select_n3A_679 : vector<16xf32>
            %add3A_681 = arith.constant 3 : i32
            %add3A_682 = arith.addi %mul3A_429, %add3A_681 : i32
            %get3A_683 = arith.index_cast %add3A_682 : i32 to index
            %get3A_684 = arith.constant 0 : index
            %get3A_685 = tpu.vector_load %arg6[%get3A_683, %get3A_684] {strides = array<i32>} : memref<128x300xf32, #tpu.memory_space<vmem>>, vector<16xf32>,
            %add3A_686 = arith.addf %add3A_602, %get3A_685 : vector<16xf32>
            %get3A_687 = arith.index_cast %add3A_682 : i32 to index
            %get3A_688 = arith.constant 16 : index
            %get3A_689 = tpu.vector_load %arg6[%get3A_687, %get3A_688] {strides = array<i32>} : memref<128x300xf32, #tpu.memory_space<vmem>>, vector<16xf32>,
            %add3A_690 = arith.addf %add3A_606, %get3A_689 : vector<16xf32>
            %get3A_691 = arith.index_cast %add3A_682 : i32 to index
            %get3A_692 = arith.constant 32 : index
            %get3A_693 = tpu.vector_load %arg6[%get3A_691, %get3A_692] {strides = array<i32>} : memref<128x300xf32, #tpu.memory_space<vmem>>, vector<16xf32>,
            %add3A_694 = arith.addf %add3A_610, %get3A_693 : vector<16xf32>
            %get3A_695 = arith.index_cast %add3A_682 : i32 to index
            %get3A_696 = arith.constant 48 : index
            %get3A_697 = tpu.vector_load %arg6[%get3A_695, %get3A_696] {strides = array<i32>} : memref<128x300xf32, #tpu.memory_space<vmem>>, vector<16xf32>,
            %add3A_698 = arith.addf %add3A_614, %get3A_697 : vector<16xf32>
            %get3A_699 = arith.index_cast %add3A_682 : i32 to index
            %get3A_700 = arith.constant 64 : index
            %get3A_701 = tpu.vector_load %arg6[%get3A_699, %get3A_700] {strides = array<i32>} : memref<128x300xf32, #tpu.memory_space<vmem>>, vector<16xf32>,
            %add3A_702 = arith.addf %add3A_618, %get3A_701 : vector<16xf32>
            %get3A_703 = arith.index_cast %add3A_682 : i32 to index
            %get3A_704 = arith.constant 80 : index
            %get3A_705 = tpu.vector_load %arg6[%get3A_703, %get3A_704] {strides = array<i32>} : memref<128x300xf32, #tpu.memory_space<vmem>>, vector<16xf32>,
            %add3A_706 = arith.addf %add3A_622, %get3A_705 : vector<16xf32>
            %get3A_707 = arith.index_cast %add3A_682 : i32 to index
            %get3A_708 = arith.constant 96 : index
            %get3A_709 = tpu.vector_load %arg6[%get3A_707, %get3A_708] {strides = array<i32>} : memref<128x300xf32, #tpu.memory_space<vmem>>, vector<16xf32>,
            %add3A_710 = arith.addf %add3A_626, %get3A_709 : vector<16xf32>
            %get3A_711 = arith.index_cast %add3A_682 : i32 to index
            %get3A_712 = arith.constant 112 : index
            %get3A_713 = tpu.vector_load %arg6[%get3A_711, %get3A_712] {strides = array<i32>} : memref<128x300xf32, #tpu.memory_space<vmem>>, vector<16xf32>,
            %add3A_714 = arith.addf %add3A_630, %get3A_713 : vector<16xf32>
            %get3A_715 = arith.index_cast %add3A_682 : i32 to index
            %get3A_716 = arith.constant 128 : index
            %get3A_717 = tpu.vector_load %arg6[%get3A_715, %get3A_716] {strides = array<i32>} : memref<128x300xf32, #tpu.memory_space<vmem>>, vector<16xf32>,
            %add3A_718 = arith.addf %add3A_634, %get3A_717 : vector<16xf32>
            %get3A_719 = arith.index_cast %add3A_682 : i32 to index
            %get3A_720 = arith.constant 144 : index
            %get3A_721 = tpu.vector_load %arg6[%get3A_719, %get3A_720] {strides = array<i32>} : memref<128x300xf32, #tpu.memory_space<vmem>>, vector<16xf32>,
            %add3A_722 = arith.addf %add3A_638, %get3A_721 : vector<16xf32>
            %get3A_723 = arith.index_cast %add3A_682 : i32 to index
            %get3A_724 = arith.constant 160 : index
            %get3A_725 = tpu.vector_load %arg6[%get3A_723, %get3A_724] {strides = array<i32>} : memref<128x300xf32, #tpu.memory_space<vmem>>, vector<16xf32>,
            %add3A_726 = arith.addf %add3A_642, %get3A_725 : vector<16xf32>
            %get3A_727 = arith.index_cast %add3A_682 : i32 to index
            %get3A_728 = arith.constant 176 : index
            %get3A_729 = tpu.vector_load %arg6[%get3A_727, %get3A_728] {strides = array<i32>} : memref<128x300xf32, #tpu.memory_space<vmem>>, vector<16xf32>,
            %add3A_730 = arith.addf %add3A_646, %get3A_729 : vector<16xf32>
            %get3A_731 = arith.index_cast %add3A_682 : i32 to index
            %get3A_732 = arith.constant 192 : index
            %get3A_733 = tpu.vector_load %arg6[%get3A_731, %get3A_732] {strides = array<i32>} : memref<128x300xf32, #tpu.memory_space<vmem>>, vector<16xf32>,
            %add3A_734 = arith.addf %add3A_650, %get3A_733 : vector<16xf32>
            %get3A_735 = arith.index_cast %add3A_682 : i32 to index
            %get3A_736 = arith.constant 208 : index
            %get3A_737 = tpu.vector_load %arg6[%get3A_735, %get3A_736] {strides = array<i32>} : memref<128x300xf32, #tpu.memory_space<vmem>>, vector<16xf32>,
            %add3A_738 = arith.addf %add3A_654, %get3A_737 : vector<16xf32>
            %get3A_739 = arith.index_cast %add3A_682 : i32 to index
            %get3A_740 = arith.constant 224 : index
            %get3A_741 = tpu.vector_load %arg6[%get3A_739, %get3A_740] {strides = array<i32>} : memref<128x300xf32, #tpu.memory_space<vmem>>, vector<16xf32>,
            %add3A_742 = arith.addf %add3A_658, %get3A_741 : vector<16xf32>
            %get3A_743 = arith.index_cast %add3A_682 : i32 to index
            %get3A_744 = arith.constant 240 : index
            %get3A_745 = tpu.vector_load %arg6[%get3A_743, %get3A_744] {strides = array<i32>} : memref<128x300xf32, #tpu.memory_space<vmem>>, vector<16xf32>,
            %add3A_746 = arith.addf %add3A_662, %get3A_745 : vector<16xf32>
            %get3A_747 = arith.index_cast %add3A_682 : i32 to index
            %get3A_748 = arith.constant 256 : index
            %get3A_749 = tpu.vector_load %arg6[%get3A_747, %get3A_748] {strides = array<i32>} : memref<128x300xf32, #tpu.memory_space<vmem>>, vector<16xf32>,
            %add3A_750 = arith.addf %add3A_666, %get3A_749 : vector<16xf32>
            %get3A_751 = arith.index_cast %add3A_682 : i32 to index
            %get3A_752 = arith.constant 272 : index
            %get3A_753 = tpu.vector_load %arg6[%get3A_751, %get3A_752] {strides = array<i32>} : memref<128x300xf32, #tpu.memory_space<vmem>>, vector<16xf32>,
            %add3A_754 = arith.addf %add3A_670, %get3A_753 : vector<16xf32>
            %get3A_755 = arith.index_cast %add3A_682 : i32 to index
            %get3A_756 = arith.constant 284 : index
            %get3A_757 = tpu.vector_load %arg6[%get3A_755, %get3A_756] {strides = array<i32>} : memref<128x300xf32, #tpu.memory_space<vmem>>, vector<16xf32>,
            %ge3A_758 = arith.constant 4 : i32
            %ge3A_759 = vector.broadcast %ge3A_758 : i32 to vector<16xi32>
            %ge3A_760 = arith.cmpi sge, %iota3A, %ge3A_759 : vector<16xi32>
            %jit3A_761 = arith.constant 0.000000e+00 : f32
            %broadcast_in_dim3A_762 = vector.broadcast %jit3A_761 : f32 to vector<16xf32>
            %select_n3A_763 = arith.select %ge3A_760, %get3A_757, %broadcast_in_dim3A_762 : vector<16xi1>, vector<16xf32>
            %add3A_764 = arith.addf %add3A_680, %select_n3A_763 : vector<16xf32>
            scf.yield %add3A_686, %add3A_690, %add3A_694, %add3A_698, %add3A_702, %add3A_706, %add3A_710, %add3A_714, %add3A_718, %add3A_722, %add3A_726, %add3A_730, %add3A_734, %add3A_738, %add3A_742, %add3A_746, %add3A_750, %add3A_754, %add3A_764 : vector<16xf32>, vector<16xf32>, vector<16xf32>, vector<16xf32>, vector<16xf32>, vector<16xf32>, vector<16xf32>, vector<16xf32>, vector<16xf32>, vector<16xf32>, vector<16xf32>, vector<16xf32>, vector<16xf32>, vector<16xf32>, vector<16xf32>, vector<16xf32>, vector<16xf32>, vector<16xf32>, vector<16xf32>
          }
          %scan3A_407 = arith.constant 32 : i32
          scf.yield %scan3A_406#0, %scan3A_406#1, %scan3A_406#2, %scan3A_406#3, %scan3A_406#4, %scan3A_406#5, %scan3A_406#6, %scan3A_406#7, %scan3A_406#8, %scan3A_406#9, %scan3A_406#10, %scan3A_406#11, %scan3A_406#12, %scan3A_406#13, %scan3A_406#14, %scan3A_406#15, %scan3A_406#16, %scan3A_406#17, %scan3A_406#18 : vector<16xf32>, vector<16xf32>, vector<16xf32>, vector<16xf32>, vector<16xf32>, vector<16xf32>, vector<16xf32>, vector<16xf32>, vector<16xf32>, vector<16xf32>, vector<16xf32>, vector<16xf32>, vector<16xf32>, vector<16xf32>, vector<16xf32>, vector<16xf32>, vector<16xf32>, vector<16xf32>, vector<16xf32>
        }
        %jit3A_316 = arith.constant 2 : i32
        %eq3A = arith.constant 0 : i32
        %eq3A_317 = arith.cmpi eq, %jit3A_316, %eq3A : i32
        %jit3A_318 = arith.constant 1 : i32
        %select_n3A_319 = arith.select %eq3A_317, %jit3A_318, %jit3A_316 : i32
        %rem3A_320 = arith.remsi %select_n3A_267, %select_n3A_319 : i32
        %ne3A_321 = arith.constant 0 : i32
        %ne3A_322 = arith.cmpi ne, %rem3A_320, %ne3A_321 : i32
        %lt3A = arith.constant 0 : i32
        %lt3A_323 = arith.cmpi slt, %rem3A_320, %lt3A : i32
        %lt3A_324 = arith.constant 0 : i32
        %lt3A_325 = arith.cmpi slt, %select_n3A_319, %lt3A_324 : i32
        %ne3A_326 = arith.xori %lt3A_323, %lt3A_325 : i1
        %and3A_327 = arith.andi %ne3A_326, %ne3A_322 : i1
        %add3A_328 = arith.addi %rem3A_320, %select_n3A_319 : i32
        %select_n3A_329 = arith.select %and3A_327, %add3A_328, %rem3A_320 : i32
        %eq3A_330 = arith.constant 1 : i32
        %eq3A_331 = arith.cmpi eq, %select_n3A_329, %eq3A_330 : i32
        %convert_element_type3A_332 = arith.extui %eq3A_331 : i1 to i32
        %cond3A_333 = arith.constant 0 : i32
        %cond3A_334 = arith.cmpi ne, %convert_element_type3A_332, %cond3A_333 : i32
        %cond3A_335:19 = scf.if %cond3A_334 -> (vector<16xf32>, vector<16xf32>, vector<16xf32>, vector<16xf32>, vector<16xf32>, vector<16xf32>, vector<16xf32>, vector<16xf32>, vector<16xf32>, vector<16xf32>, vector<16xf32>, vector<16xf32>, vector<16xf32>, vector<16xf32>, vector<16xf32>, vector<16xf32>, vector<16xf32>, vector<16xf32>, vector<16xf32>) {
          %dma_wait3A = arith.constant 0 : i32
          %dma_wait3A_347 = arith.constant 0 : i32
          %dma_wait3A_348 = tpu.memref_slice %arg2[%scan3A_161, %dma_wait3A, %dma_wait3A_347] : memref<16x4096x300xf32, #tpu.memory_space<hbm>> -> memref<1x128x300xf32, #tpu.memory_space<hbm>>
          %dma_wait3A_349 = tpu.memref_squeeze %dma_wait3A_348 : memref<1x128x300xf32, #tpu.memory_space<hbm>> -> memref<128x300xf32, #tpu.memory_space<hbm>>
          %dma_wait3A_350 = arith.constant 0 : i32
          %dma_wait3A_351 = arith.constant 0 : i32
          %dma_wait3A_352 = tpu.memref_slice %arg2[%scan3A_161, %dma_wait3A_350, %dma_wait3A_351] : memref<16x4096x300xf32, #tpu.memory_space<hbm>> -> memref<1x128x300xf32, #tpu.memory_space<hbm>>
          %dma_wait3A_353 = tpu.memref_squeeze %dma_wait3A_352 : memref<1x128x300xf32, #tpu.memory_space<hbm>> -> memref<128x300xf32, #tpu.memory_space<hbm>>
          tpu.wait_dma2 semaphore(%arg10 : memref<!tpu.dma_semaphore, #tpu.memory_space<semaphore_mem>>) src(%dma_wait3A_353 : memref<128x300xf32, #tpu.memory_space<hbm>>) dst(%arg5 : memref<128x300xf32, #tpu.memory_space<vmem>>)
          %scan3A_354 = arith.constant 0 : i32
          %scan3A_355 = arith.constant 32 : i32
          %scan3A_356 = arith.addi %scan3A_354, %scan3A_355 : i32
          %scan3A_357 = arith.constant 1 : i32
          %scan3A_358:19 = scf.for %scan3A_360 = %scan3A_354 to %scan3A_356 step %scan3A_357 iter_args(%scan3A_361 = %while3A_315#0, %scan3A_362 = %while3A_315#1, %scan3A_363 = %while3A_315#2, %scan3A_364 = %while3A_315#3, %scan3A_365 = %while3A_315#4, %scan3A_366 = %while3A_315#5, %scan3A_367 = %while3A_315#6, %scan3A_368 = %while3A_315#7, %scan3A_369 = %while3A_315#8, %scan3A_370 = %while3A_315#9, %scan3A_371 = %while3A_315#10, %scan3A_372 = %while3A_315#11, %scan3A_373 = %while3A_315#12, %scan3A_374 = %while3A_315#13, %scan3A_375 = %while3A_315#14, %scan3A_376 = %while3A_315#15, %scan3A_377 = %while3A_315#16, %scan3A_378 = %while3A_315#17, %scan3A_379 = %while3A_315#18) -> (vector<16xf32>, vector<16xf32>, vector<16xf32>, vector<16xf32>, vector<16xf32>, vector<16xf32>, vector<16xf32>, vector<16xf32>, vector<16xf32>, vector<16xf32>, vector<16xf32>, vector<16xf32>, vector<16xf32>, vector<16xf32>, vector<16xf32>, vector<16xf32>, vector<16xf32>, vector<16xf32>, vector<16xf32>)  : i32 {
            %mul3A_380 = arith.constant 4 : i32
            %mul3A_381 = arith.muli %scan3A_360, %mul3A_380 : i32
            %add3A_382 = arith.constant 0 : i32
            %add3A_383 = arith.addi %mul3A_381, %add3A_382 : i32
            %get3A_384 = arith.index_cast %add3A_383 : i32 to index
            %get3A_385 = arith.constant 0 : index
            %get3A_386 = tpu.vector_load %arg5[%get3A_384, %get3A_385] {strides = array<i32>} : memref<128x300xf32, #tpu.memory_space<vmem>>, vector<16xf32>,
            %add3A_387 = arith.addf %scan3A_361, %get3A_386 : vector<16xf32>
            %get3A_388 = arith.index_cast %add3A_383 : i32 to index
            %get3A_389 = arith.constant 16 : index
            %get3A_390 = tpu.vector_load %arg5[%get3A_388, %get3A_389] {strides = array<i32>} : memref<128x300xf32, #tpu.memory_space<vmem>>, vector<16xf32>,
            %add3A_391 = arith.addf %scan3A_362, %get3A_390 : vector<16xf32>
            %get3A_392 = arith.index_cast %add3A_383 : i32 to index
            %get3A_393 = arith.constant 32 : index
            %get3A_394 = tpu.vector_load %arg5[%get3A_392, %get3A_393] {strides = array<i32>} : memref<128x300xf32, #tpu.memory_space<vmem>>, vector<16xf32>,
            %add3A_395 = arith.addf %scan3A_363, %get3A_394 : vector<16xf32>
            %get3A_396 = arith.index_cast %add3A_383 : i32 to index
            %get3A_397 = arith.constant 48 : index
            %get3A_398 = tpu.vector_load %arg5[%get3A_396, %get3A_397] {strides = array<i32>} : memref<128x300xf32, #tpu.memory_space<vmem>>, vector<16xf32>,
            %add3A_399 = arith.addf %scan3A_364, %get3A_398 : vector<16xf32>
            %get3A_400 = arith.index_cast %add3A_383 : i32 to index
            %get3A_401 = arith.constant 64 : index
            %get3A_402 = tpu.vector_load %arg5[%get3A_400, %get3A_401] {strides = array<i32>} : memref<128x300xf32, #tpu.memory_space<vmem>>, vector<16xf32>,
            %add3A_403 = arith.addf %scan3A_365, %get3A_402 : vector<16xf32>
            %get3A_404 = arith.index_cast %add3A_383 : i32 to index
            %get3A_405 = arith.constant 80 : index
            %get3A_406 = tpu.vector_load %arg5[%get3A_404, %get3A_405] {strides = array<i32>} : memref<128x300xf32, #tpu.memory_space<vmem>>, vector<16xf32>,
            %add3A_407 = arith.addf %scan3A_366, %get3A_406 : vector<16xf32>
            %get3A_408 = arith.index_cast %add3A_383 : i32 to index
            %get3A_409 = arith.constant 96 : index
            %get3A_410 = tpu.vector_load %arg5[%get3A_408, %get3A_409] {strides = array<i32>} : memref<128x300xf32, #tpu.memory_space<vmem>>, vector<16xf32>,
            %add3A_411 = arith.addf %scan3A_367, %get3A_410 : vector<16xf32>
            %get3A_412 = arith.index_cast %add3A_383 : i32 to index
            %get3A_413 = arith.constant 112 : index
            %get3A_414 = tpu.vector_load %arg5[%get3A_412, %get3A_413] {strides = array<i32>} : memref<128x300xf32, #tpu.memory_space<vmem>>, vector<16xf32>,
            %add3A_415 = arith.addf %scan3A_368, %get3A_414 : vector<16xf32>
            %get3A_416 = arith.index_cast %add3A_383 : i32 to index
            %get3A_417 = arith.constant 128 : index
            %get3A_418 = tpu.vector_load %arg5[%get3A_416, %get3A_417] {strides = array<i32>} : memref<128x300xf32, #tpu.memory_space<vmem>>, vector<16xf32>,
            %add3A_419 = arith.addf %scan3A_369, %get3A_418 : vector<16xf32>
            %get3A_420 = arith.index_cast %add3A_383 : i32 to index
            %get3A_421 = arith.constant 144 : index
            %get3A_422 = tpu.vector_load %arg5[%get3A_420, %get3A_421] {strides = array<i32>} : memref<128x300xf32, #tpu.memory_space<vmem>>, vector<16xf32>,
            %add3A_423 = arith.addf %scan3A_370, %get3A_422 : vector<16xf32>
            %get3A_424 = arith.index_cast %add3A_383 : i32 to index
            %get3A_425 = arith.constant 160 : index
            %get3A_426 = tpu.vector_load %arg5[%get3A_424, %get3A_425] {strides = array<i32>} : memref<128x300xf32, #tpu.memory_space<vmem>>, vector<16xf32>,
            %add3A_427 = arith.addf %scan3A_371, %get3A_426 : vector<16xf32>
            %get3A_428 = arith.index_cast %add3A_383 : i32 to index
            %get3A_429 = arith.constant 176 : index
            %get3A_430 = tpu.vector_load %arg5[%get3A_428, %get3A_429] {strides = array<i32>} : memref<128x300xf32, #tpu.memory_space<vmem>>, vector<16xf32>,
            %add3A_431 = arith.addf %scan3A_372, %get3A_430 : vector<16xf32>
            %get3A_432 = arith.index_cast %add3A_383 : i32 to index
            %get3A_433 = arith.constant 192 : index
            %get3A_434 = tpu.vector_load %arg5[%get3A_432, %get3A_433] {strides = array<i32>} : memref<128x300xf32, #tpu.memory_space<vmem>>, vector<16xf32>,
            %add3A_435 = arith.addf %scan3A_373, %get3A_434 : vector<16xf32>
            %get3A_436 = arith.index_cast %add3A_383 : i32 to index
            %get3A_437 = arith.constant 208 : index
            %get3A_438 = tpu.vector_load %arg5[%get3A_436, %get3A_437] {strides = array<i32>} : memref<128x300xf32, #tpu.memory_space<vmem>>, vector<16xf32>,
            %add3A_439 = arith.addf %scan3A_374, %get3A_438 : vector<16xf32>
            %get3A_440 = arith.index_cast %add3A_383 : i32 to index
            %get3A_441 = arith.constant 224 : index
            %get3A_442 = tpu.vector_load %arg5[%get3A_440, %get3A_441] {strides = array<i32>} : memref<128x300xf32, #tpu.memory_space<vmem>>, vector<16xf32>,
            %add3A_443 = arith.addf %scan3A_375, %get3A_442 : vector<16xf32>
            %get3A_444 = arith.index_cast %add3A_383 : i32 to index
            %get3A_445 = arith.constant 240 : index
            %get3A_446 = tpu.vector_load %arg5[%get3A_444, %get3A_445] {strides = array<i32>} : memref<128x300xf32, #tpu.memory_space<vmem>>, vector<16xf32>,
            %add3A_447 = arith.addf %scan3A_376, %get3A_446 : vector<16xf32>
            %get3A_448 = arith.index_cast %add3A_383 : i32 to index
            %get3A_449 = arith.constant 256 : index
            %get3A_450 = tpu.vector_load %arg5[%get3A_448, %get3A_449] {strides = array<i32>} : memref<128x300xf32, #tpu.memory_space<vmem>>, vector<16xf32>,
            %add3A_451 = arith.addf %scan3A_377, %get3A_450 : vector<16xf32>
            %get3A_452 = arith.index_cast %add3A_383 : i32 to index
            %get3A_453 = arith.constant 272 : index
            %get3A_454 = tpu.vector_load %arg5[%get3A_452, %get3A_453] {strides = array<i32>} : memref<128x300xf32, #tpu.memory_space<vmem>>, vector<16xf32>,
            %add3A_455 = arith.addf %scan3A_378, %get3A_454 : vector<16xf32>
            %get3A_456 = arith.index_cast %add3A_383 : i32 to index
            %get3A_457 = arith.constant 284 : index
            %get3A_458 = tpu.vector_load %arg5[%get3A_456, %get3A_457] {strides = array<i32>} : memref<128x300xf32, #tpu.memory_space<vmem>>, vector<16xf32>,
            %ge3A = arith.constant 4 : i32
            %ge3A_459 = vector.broadcast %ge3A : i32 to vector<16xi32>
            %ge3A_460 = arith.cmpi sge, %iota3A, %ge3A_459 : vector<16xi32>
            %jit3A_461 = arith.constant 0.000000e+00 : f32
            %broadcast_in_dim3A_462 = vector.broadcast %jit3A_461 : f32 to vector<16xf32>
            %select_n3A_463 = arith.select %ge3A_460, %get3A_458, %broadcast_in_dim3A_462 : vector<16xi1>, vector<16xf32>
            %add3A_464 = arith.addf %scan3A_379, %select_n3A_463 : vector<16xf32>
            %add3A_465 = arith.constant 1 : i32
            %add3A_466 = arith.addi %mul3A_381, %add3A_465 : i32
            %get3A_467 = arith.index_cast %add3A_466 : i32 to index
            %get3A_468 = arith.constant 0 : index
            %get3A_469 = tpu.vector_load %arg5[%get3A_467, %get3A_468] {strides = array<i32>} : memref<128x300xf32, #tpu.memory_space<vmem>>, vector<16xf32>,
            %add3A_470 = arith.addf %add3A_387, %get3A_469 : vector<16xf32>
            %get3A_471 = arith.index_cast %add3A_466 : i32 to index
            %get3A_472 = arith.constant 16 : index
            %get3A_473 = tpu.vector_load %arg5[%get3A_471, %get3A_472] {strides = array<i32>} : memref<128x300xf32, #tpu.memory_space<vmem>>, vector<16xf32>,
            %add3A_474 = arith.addf %add3A_391, %get3A_473 : vector<16xf32>
            %get3A_475 = arith.index_cast %add3A_466 : i32 to index
            %get3A_476 = arith.constant 32 : index
            %get3A_477 = tpu.vector_load %arg5[%get3A_475, %get3A_476] {strides = array<i32>} : memref<128x300xf32, #tpu.memory_space<vmem>>, vector<16xf32>,
            %add3A_478 = arith.addf %add3A_395, %get3A_477 : vector<16xf32>
            %get3A_479 = arith.index_cast %add3A_466 : i32 to index
            %get3A_480 = arith.constant 48 : index
            %get3A_481 = tpu.vector_load %arg5[%get3A_479, %get3A_480] {strides = array<i32>} : memref<128x300xf32, #tpu.memory_space<vmem>>, vector<16xf32>,
            %add3A_482 = arith.addf %add3A_399, %get3A_481 : vector<16xf32>
            %get3A_483 = arith.index_cast %add3A_466 : i32 to index
            %get3A_484 = arith.constant 64 : index
            %get3A_485 = tpu.vector_load %arg5[%get3A_483, %get3A_484] {strides = array<i32>} : memref<128x300xf32, #tpu.memory_space<vmem>>, vector<16xf32>,
            %add3A_486 = arith.addf %add3A_403, %get3A_485 : vector<16xf32>
            %get3A_487 = arith.index_cast %add3A_466 : i32 to index
            %get3A_488 = arith.constant 80 : index
            %get3A_489 = tpu.vector_load %arg5[%get3A_487, %get3A_488] {strides = array<i32>} : memref<128x300xf32, #tpu.memory_space<vmem>>, vector<16xf32>,
            %add3A_490 = arith.addf %add3A_407, %get3A_489 : vector<16xf32>
            %get3A_491 = arith.index_cast %add3A_466 : i32 to index
            %get3A_492 = arith.constant 96 : index
            %get3A_493 = tpu.vector_load %arg5[%get3A_491, %get3A_492] {strides = array<i32>} : memref<128x300xf32, #tpu.memory_space<vmem>>, vector<16xf32>,
            %add3A_494 = arith.addf %add3A_411, %get3A_493 : vector<16xf32>
            %get3A_495 = arith.index_cast %add3A_466 : i32 to index
            %get3A_496 = arith.constant 112 : index
            %get3A_497 = tpu.vector_load %arg5[%get3A_495, %get3A_496] {strides = array<i32>} : memref<128x300xf32, #tpu.memory_space<vmem>>, vector<16xf32>,
            %add3A_498 = arith.addf %add3A_415, %get3A_497 : vector<16xf32>
            %get3A_499 = arith.index_cast %add3A_466 : i32 to index
            %get3A_500 = arith.constant 128 : index
            %get3A_501 = tpu.vector_load %arg5[%get3A_499, %get3A_500] {strides = array<i32>} : memref<128x300xf32, #tpu.memory_space<vmem>>, vector<16xf32>,
            %add3A_502 = arith.addf %add3A_419, %get3A_501 : vector<16xf32>
            %get3A_503 = arith.index_cast %add3A_466 : i32 to index
            %get3A_504 = arith.constant 144 : index
            %get3A_505 = tpu.vector_load %arg5[%get3A_503, %get3A_504] {strides = array<i32>} : memref<128x300xf32, #tpu.memory_space<vmem>>, vector<16xf32>,
            %add3A_506 = arith.addf %add3A_423, %get3A_505 : vector<16xf32>
            %get3A_507 = arith.index_cast %add3A_466 : i32 to index
            %get3A_508 = arith.constant 160 : index
            %get3A_509 = tpu.vector_load %arg5[%get3A_507, %get3A_508] {strides = array<i32>} : memref<128x300xf32, #tpu.memory_space<vmem>>, vector<16xf32>,
            %add3A_510 = arith.addf %add3A_427, %get3A_509 : vector<16xf32>
            %get3A_511 = arith.index_cast %add3A_466 : i32 to index
            %get3A_512 = arith.constant 176 : index
            %get3A_513 = tpu.vector_load %arg5[%get3A_511, %get3A_512] {strides = array<i32>} : memref<128x300xf32, #tpu.memory_space<vmem>>, vector<16xf32>,
            %add3A_514 = arith.addf %add3A_431, %get3A_513 : vector<16xf32>
            %get3A_515 = arith.index_cast %add3A_466 : i32 to index
            %get3A_516 = arith.constant 192 : index
            %get3A_517 = tpu.vector_load %arg5[%get3A_515, %get3A_516] {strides = array<i32>} : memref<128x300xf32, #tpu.memory_space<vmem>>, vector<16xf32>,
            %add3A_518 = arith.addf %add3A_435, %get3A_517 : vector<16xf32>
            %get3A_519 = arith.index_cast %add3A_466 : i32 to index
            %get3A_520 = arith.constant 208 : index
            %get3A_521 = tpu.vector_load %arg5[%get3A_519, %get3A_520] {strides = array<i32>} : memref<128x300xf32, #tpu.memory_space<vmem>>, vector<16xf32>,
            %add3A_522 = arith.addf %add3A_439, %get3A_521 : vector<16xf32>
            %get3A_523 = arith.index_cast %add3A_466 : i32 to index
            %get3A_524 = arith.constant 224 : index
            %get3A_525 = tpu.vector_load %arg5[%get3A_523, %get3A_524] {strides = array<i32>} : memref<128x300xf32, #tpu.memory_space<vmem>>, vector<16xf32>,
            %add3A_526 = arith.addf %add3A_443, %get3A_525 : vector<16xf32>
            %get3A_527 = arith.index_cast %add3A_466 : i32 to index
            %get3A_528 = arith.constant 240 : index
            %get3A_529 = tpu.vector_load %arg5[%get3A_527, %get3A_528] {strides = array<i32>} : memref<128x300xf32, #tpu.memory_space<vmem>>, vector<16xf32>,
            %add3A_530 = arith.addf %add3A_447, %get3A_529 : vector<16xf32>
            %get3A_531 = arith.index_cast %add3A_466 : i32 to index
            %get3A_532 = arith.constant 256 : index
            %get3A_533 = tpu.vector_load %arg5[%get3A_531, %get3A_532] {strides = array<i32>} : memref<128x300xf32, #tpu.memory_space<vmem>>, vector<16xf32>,
            %add3A_534 = arith.addf %add3A_451, %get3A_533 : vector<16xf32>
            %get3A_535 = arith.index_cast %add3A_466 : i32 to index
            %get3A_536 = arith.constant 272 : index
            %get3A_537 = tpu.vector_load %arg5[%get3A_535, %get3A_536] {strides = array<i32>} : memref<128x300xf32, #tpu.memory_space<vmem>>, vector<16xf32>,
            %add3A_538 = arith.addf %add3A_455, %get3A_537 : vector<16xf32>
            %get3A_539 = arith.index_cast %add3A_466 : i32 to index
            %get3A_540 = arith.constant 284 : index
            %get3A_541 = tpu.vector_load %arg5[%get3A_539, %get3A_540] {strides = array<i32>} : memref<128x300xf32, #tpu.memory_space<vmem>>, vector<16xf32>,
            %ge3A_542 = arith.constant 4 : i32
            %ge3A_543 = vector.broadcast %ge3A_542 : i32 to vector<16xi32>
            %ge3A_544 = arith.cmpi sge, %iota3A, %ge3A_543 : vector<16xi32>
            %jit3A_545 = arith.constant 0.000000e+00 : f32
            %broadcast_in_dim3A_546 = vector.broadcast %jit3A_545 : f32 to vector<16xf32>
            %select_n3A_547 = arith.select %ge3A_544, %get3A_541, %broadcast_in_dim3A_546 : vector<16xi1>, vector<16xf32>
            %add3A_548 = arith.addf %add3A_464, %select_n3A_547 : vector<16xf32>
            %add3A_549 = arith.constant 2 : i32
            %add3A_550 = arith.addi %mul3A_381, %add3A_549 : i32
            %get3A_551 = arith.index_cast %add3A_550 : i32 to index
            %get3A_552 = arith.constant 0 : index
            %get3A_553 = tpu.vector_load %arg5[%get3A_551, %get3A_552] {strides = array<i32>} : memref<128x300xf32, #tpu.memory_space<vmem>>, vector<16xf32>,
            %add3A_554 = arith.addf %add3A_470, %get3A_553 : vector<16xf32>
            %get3A_555 = arith.index_cast %add3A_550 : i32 to index
            %get3A_556 = arith.constant 16 : index
            %get3A_557 = tpu.vector_load %arg5[%get3A_555, %get3A_556] {strides = array<i32>} : memref<128x300xf32, #tpu.memory_space<vmem>>, vector<16xf32>,
            %add3A_558 = arith.addf %add3A_474, %get3A_557 : vector<16xf32>
            %get3A_559 = arith.index_cast %add3A_550 : i32 to index
            %get3A_560 = arith.constant 32 : index
            %get3A_561 = tpu.vector_load %arg5[%get3A_559, %get3A_560] {strides = array<i32>} : memref<128x300xf32, #tpu.memory_space<vmem>>, vector<16xf32>,
            %add3A_562 = arith.addf %add3A_478, %get3A_561 : vector<16xf32>
            %get3A_563 = arith.index_cast %add3A_550 : i32 to index
            %get3A_564 = arith.constant 48 : index
            %get3A_565 = tpu.vector_load %arg5[%get3A_563, %get3A_564] {strides = array<i32>} : memref<128x300xf32, #tpu.memory_space<vmem>>, vector<16xf32>,
            %add3A_566 = arith.addf %add3A_482, %get3A_565 : vector<16xf32>
            %get3A_567 = arith.index_cast %add3A_550 : i32 to index
            %get3A_568 = arith.constant 64 : index
            %get3A_569 = tpu.vector_load %arg5[%get3A_567, %get3A_568] {strides = array<i32>} : memref<128x300xf32, #tpu.memory_space<vmem>>, vector<16xf32>,
            %add3A_570 = arith.addf %add3A_486, %get3A_569 : vector<16xf32>
            %get3A_571 = arith.index_cast %add3A_550 : i32 to index
            %get3A_572 = arith.constant 80 : index
            %get3A_573 = tpu.vector_load %arg5[%get3A_571, %get3A_572] {strides = array<i32>} : memref<128x300xf32, #tpu.memory_space<vmem>>, vector<16xf32>,
            %add3A_574 = arith.addf %add3A_490, %get3A_573 : vector<16xf32>
            %get3A_575 = arith.index_cast %add3A_550 : i32 to index
            %get3A_576 = arith.constant 96 : index
            %get3A_577 = tpu.vector_load %arg5[%get3A_575, %get3A_576] {strides = array<i32>} : memref<128x300xf32, #tpu.memory_space<vmem>>, vector<16xf32>,
            %add3A_578 = arith.addf %add3A_494, %get3A_577 : vector<16xf32>
            %get3A_579 = arith.index_cast %add3A_550 : i32 to index
            %get3A_580 = arith.constant 112 : index
            %get3A_581 = tpu.vector_load %arg5[%get3A_579, %get3A_580] {strides = array<i32>} : memref<128x300xf32, #tpu.memory_space<vmem>>, vector<16xf32>,
            %add3A_582 = arith.addf %add3A_498, %get3A_581 : vector<16xf32>
            %get3A_583 = arith.index_cast %add3A_550 : i32 to index
            %get3A_584 = arith.constant 128 : index
            %get3A_585 = tpu.vector_load %arg5[%get3A_583, %get3A_584] {strides = array<i32>} : memref<128x300xf32, #tpu.memory_space<vmem>>, vector<16xf32>,
            %add3A_586 = arith.addf %add3A_502, %get3A_585 : vector<16xf32>
            %get3A_587 = arith.index_cast %add3A_550 : i32 to index
            %get3A_588 = arith.constant 144 : index
            %get3A_589 = tpu.vector_load %arg5[%get3A_587, %get3A_588] {strides = array<i32>} : memref<128x300xf32, #tpu.memory_space<vmem>>, vector<16xf32>,
            %add3A_590 = arith.addf %add3A_506, %get3A_589 : vector<16xf32>
            %get3A_591 = arith.index_cast %add3A_550 : i32 to index
            %get3A_592 = arith.constant 160 : index
            %get3A_593 = tpu.vector_load %arg5[%get3A_591, %get3A_592] {strides = array<i32>} : memref<128x300xf32, #tpu.memory_space<vmem>>, vector<16xf32>,
            %add3A_594 = arith.addf %add3A_510, %get3A_593 : vector<16xf32>
            %get3A_595 = arith.index_cast %add3A_550 : i32 to index
            %get3A_596 = arith.constant 176 : index
            %get3A_597 = tpu.vector_load %arg5[%get3A_595, %get3A_596] {strides = array<i32>} : memref<128x300xf32, #tpu.memory_space<vmem>>, vector<16xf32>,
            %add3A_598 = arith.addf %add3A_514, %get3A_597 : vector<16xf32>
            %get3A_599 = arith.index_cast %add3A_550 : i32 to index
            %get3A_600 = arith.constant 192 : index
            %get3A_601 = tpu.vector_load %arg5[%get3A_599, %get3A_600] {strides = array<i32>} : memref<128x300xf32, #tpu.memory_space<vmem>>, vector<16xf32>,
            %add3A_602 = arith.addf %add3A_518, %get3A_601 : vector<16xf32>
            %get3A_603 = arith.index_cast %add3A_550 : i32 to index
            %get3A_604 = arith.constant 208 : index
            %get3A_605 = tpu.vector_load %arg5[%get3A_603, %get3A_604] {strides = array<i32>} : memref<128x300xf32, #tpu.memory_space<vmem>>, vector<16xf32>,
            %add3A_606 = arith.addf %add3A_522, %get3A_605 : vector<16xf32>
            %get3A_607 = arith.index_cast %add3A_550 : i32 to index
            %get3A_608 = arith.constant 224 : index
            %get3A_609 = tpu.vector_load %arg5[%get3A_607, %get3A_608] {strides = array<i32>} : memref<128x300xf32, #tpu.memory_space<vmem>>, vector<16xf32>,
            %add3A_610 = arith.addf %add3A_526, %get3A_609 : vector<16xf32>
            %get3A_611 = arith.index_cast %add3A_550 : i32 to index
            %get3A_612 = arith.constant 240 : index
            %get3A_613 = tpu.vector_load %arg5[%get3A_611, %get3A_612] {strides = array<i32>} : memref<128x300xf32, #tpu.memory_space<vmem>>, vector<16xf32>,
            %add3A_614 = arith.addf %add3A_530, %get3A_613 : vector<16xf32>
            %get3A_615 = arith.index_cast %add3A_550 : i32 to index
            %get3A_616 = arith.constant 256 : index
            %get3A_617 = tpu.vector_load %arg5[%get3A_615, %get3A_616] {strides = array<i32>} : memref<128x300xf32, #tpu.memory_space<vmem>>, vector<16xf32>,
            %add3A_618 = arith.addf %add3A_534, %get3A_617 : vector<16xf32>
            %get3A_619 = arith.index_cast %add3A_550 : i32 to index
            %get3A_620 = arith.constant 272 : index
            %get3A_621 = tpu.vector_load %arg5[%get3A_619, %get3A_620] {strides = array<i32>} : memref<128x300xf32, #tpu.memory_space<vmem>>, vector<16xf32>,
            %add3A_622 = arith.addf %add3A_538, %get3A_621 : vector<16xf32>
            %get3A_623 = arith.index_cast %add3A_550 : i32 to index
            %get3A_624 = arith.constant 284 : index
            %get3A_625 = tpu.vector_load %arg5[%get3A_623, %get3A_624] {strides = array<i32>} : memref<128x300xf32, #tpu.memory_space<vmem>>, vector<16xf32>,
            %ge3A_626 = arith.constant 4 : i32
            %ge3A_627 = vector.broadcast %ge3A_626 : i32 to vector<16xi32>
            %ge3A_628 = arith.cmpi sge, %iota3A, %ge3A_627 : vector<16xi32>
            %jit3A_629 = arith.constant 0.000000e+00 : f32
            %broadcast_in_dim3A_630 = vector.broadcast %jit3A_629 : f32 to vector<16xf32>
            %select_n3A_631 = arith.select %ge3A_628, %get3A_625, %broadcast_in_dim3A_630 : vector<16xi1>, vector<16xf32>
            %add3A_632 = arith.addf %add3A_548, %select_n3A_631 : vector<16xf32>
            %add3A_633 = arith.constant 3 : i32
            %add3A_634 = arith.addi %mul3A_381, %add3A_633 : i32
            %get3A_635 = arith.index_cast %add3A_634 : i32 to index
            %get3A_636 = arith.constant 0 : index
            %get3A_637 = tpu.vector_load %arg5[%get3A_635, %get3A_636] {strides = array<i32>} : memref<128x300xf32, #tpu.memory_space<vmem>>, vector<16xf32>,
            %add3A_638 = arith.addf %add3A_554, %get3A_637 : vector<16xf32>
            %get3A_639 = arith.index_cast %add3A_634 : i32 to index
            %get3A_640 = arith.constant 16 : index
            %get3A_641 = tpu.vector_load %arg5[%get3A_639, %get3A_640] {strides = array<i32>} : memref<128x300xf32, #tpu.memory_space<vmem>>, vector<16xf32>,
            %add3A_642 = arith.addf %add3A_558, %get3A_641 : vector<16xf32>
            %get3A_643 = arith.index_cast %add3A_634 : i32 to index
            %get3A_644 = arith.constant 32 : index
            %get3A_645 = tpu.vector_load %arg5[%get3A_643, %get3A_644] {strides = array<i32>} : memref<128x300xf32, #tpu.memory_space<vmem>>, vector<16xf32>,
            %add3A_646 = arith.addf %add3A_562, %get3A_645 : vector<16xf32>
            %get3A_647 = arith.index_cast %add3A_634 : i32 to index
            %get3A_648 = arith.constant 48 : index
            %get3A_649 = tpu.vector_load %arg5[%get3A_647, %get3A_648] {strides = array<i32>} : memref<128x300xf32, #tpu.memory_space<vmem>>, vector<16xf32>,
            %add3A_650 = arith.addf %add3A_566, %get3A_649 : vector<16xf32>
            %get3A_651 = arith.index_cast %add3A_634 : i32 to index
            %get3A_652 = arith.constant 64 : index
            %get3A_653 = tpu.vector_load %arg5[%get3A_651, %get3A_652] {strides = array<i32>} : memref<128x300xf32, #tpu.memory_space<vmem>>, vector<16xf32>,
            %add3A_654 = arith.addf %add3A_570, %get3A_653 : vector<16xf32>
            %get3A_655 = arith.index_cast %add3A_634 : i32 to index
            %get3A_656 = arith.constant 80 : index
            %get3A_657 = tpu.vector_load %arg5[%get3A_655, %get3A_656] {strides = array<i32>} : memref<128x300xf32, #tpu.memory_space<vmem>>, vector<16xf32>,
            %add3A_658 = arith.addf %add3A_574, %get3A_657 : vector<16xf32>
            %get3A_659 = arith.index_cast %add3A_634 : i32 to index
            %get3A_660 = arith.constant 96 : index
            %get3A_661 = tpu.vector_load %arg5[%get3A_659, %get3A_660] {strides = array<i32>} : memref<128x300xf32, #tpu.memory_space<vmem>>, vector<16xf32>,
            %add3A_662 = arith.addf %add3A_578, %get3A_661 : vector<16xf32>
            %get3A_663 = arith.index_cast %add3A_634 : i32 to index
            %get3A_664 = arith.constant 112 : index
            %get3A_665 = tpu.vector_load %arg5[%get3A_663, %get3A_664] {strides = array<i32>} : memref<128x300xf32, #tpu.memory_space<vmem>>, vector<16xf32>,
            %add3A_666 = arith.addf %add3A_582, %get3A_665 : vector<16xf32>
            %get3A_667 = arith.index_cast %add3A_634 : i32 to index
            %get3A_668 = arith.constant 128 : index
            %get3A_669 = tpu.vector_load %arg5[%get3A_667, %get3A_668] {strides = array<i32>} : memref<128x300xf32, #tpu.memory_space<vmem>>, vector<16xf32>,
            %add3A_670 = arith.addf %add3A_586, %get3A_669 : vector<16xf32>
            %get3A_671 = arith.index_cast %add3A_634 : i32 to index
            %get3A_672 = arith.constant 144 : index
            %get3A_673 = tpu.vector_load %arg5[%get3A_671, %get3A_672] {strides = array<i32>} : memref<128x300xf32, #tpu.memory_space<vmem>>, vector<16xf32>,
            %add3A_674 = arith.addf %add3A_590, %get3A_673 : vector<16xf32>
            %get3A_675 = arith.index_cast %add3A_634 : i32 to index
            %get3A_676 = arith.constant 160 : index
            %get3A_677 = tpu.vector_load %arg5[%get3A_675, %get3A_676] {strides = array<i32>} : memref<128x300xf32, #tpu.memory_space<vmem>>, vector<16xf32>,
            %add3A_678 = arith.addf %add3A_594, %get3A_677 : vector<16xf32>
            %get3A_679 = arith.index_cast %add3A_634 : i32 to index
            %get3A_680 = arith.constant 176 : index
            %get3A_681 = tpu.vector_load %arg5[%get3A_679, %get3A_680] {strides = array<i32>} : memref<128x300xf32, #tpu.memory_space<vmem>>, vector<16xf32>,
            %add3A_682 = arith.addf %add3A_598, %get3A_681 : vector<16xf32>
            %get3A_683 = arith.index_cast %add3A_634 : i32 to index
            %get3A_684 = arith.constant 192 : index
            %get3A_685 = tpu.vector_load %arg5[%get3A_683, %get3A_684] {strides = array<i32>} : memref<128x300xf32, #tpu.memory_space<vmem>>, vector<16xf32>,
            %add3A_686 = arith.addf %add3A_602, %get3A_685 : vector<16xf32>
            %get3A_687 = arith.index_cast %add3A_634 : i32 to index
            %get3A_688 = arith.constant 208 : index
            %get3A_689 = tpu.vector_load %arg5[%get3A_687, %get3A_688] {strides = array<i32>} : memref<128x300xf32, #tpu.memory_space<vmem>>, vector<16xf32>,
            %add3A_690 = arith.addf %add3A_606, %get3A_689 : vector<16xf32>
            %get3A_691 = arith.index_cast %add3A_634 : i32 to index
            %get3A_692 = arith.constant 224 : index
            %get3A_693 = tpu.vector_load %arg5[%get3A_691, %get3A_692] {strides = array<i32>} : memref<128x300xf32, #tpu.memory_space<vmem>>, vector<16xf32>,
            %add3A_694 = arith.addf %add3A_610, %get3A_693 : vector<16xf32>
            %get3A_695 = arith.index_cast %add3A_634 : i32 to index
            %get3A_696 = arith.constant 240 : index
            %get3A_697 = tpu.vector_load %arg5[%get3A_695, %get3A_696] {strides = array<i32>} : memref<128x300xf32, #tpu.memory_space<vmem>>, vector<16xf32>,
            %add3A_698 = arith.addf %add3A_614, %get3A_697 : vector<16xf32>
            %get3A_699 = arith.index_cast %add3A_634 : i32 to index
            %get3A_700 = arith.constant 256 : index
            %get3A_701 = tpu.vector_load %arg5[%get3A_699, %get3A_700] {strides = array<i32>} : memref<128x300xf32, #tpu.memory_space<vmem>>, vector<16xf32>,
            %add3A_702 = arith.addf %add3A_618, %get3A_701 : vector<16xf32>
            %get3A_703 = arith.index_cast %add3A_634 : i32 to index
            %get3A_704 = arith.constant 272 : index
            %get3A_705 = tpu.vector_load %arg5[%get3A_703, %get3A_704] {strides = array<i32>} : memref<128x300xf32, #tpu.memory_space<vmem>>, vector<16xf32>,
            %add3A_706 = arith.addf %add3A_622, %get3A_705 : vector<16xf32>
            %get3A_707 = arith.index_cast %add3A_634 : i32 to index
            %get3A_708 = arith.constant 284 : index
            %get3A_709 = tpu.vector_load %arg5[%get3A_707, %get3A_708] {strides = array<i32>} : memref<128x300xf32, #tpu.memory_space<vmem>>, vector<16xf32>,
            %ge3A_710 = arith.constant 4 : i32
            %ge3A_711 = vector.broadcast %ge3A_710 : i32 to vector<16xi32>
            %ge3A_712 = arith.cmpi sge, %iota3A, %ge3A_711 : vector<16xi32>
            %jit3A_713 = arith.constant 0.000000e+00 : f32
            %broadcast_in_dim3A_714 = vector.broadcast %jit3A_713 : f32 to vector<16xf32>
            %select_n3A_715 = arith.select %ge3A_712, %get3A_709, %broadcast_in_dim3A_714 : vector<16xi1>, vector<16xf32>
            %add3A_716 = arith.addf %add3A_632, %select_n3A_715 : vector<16xf32>
            scf.yield %add3A_638, %add3A_642, %add3A_646, %add3A_650, %add3A_654, %add3A_658, %add3A_662, %add3A_666, %add3A_670, %add3A_674, %add3A_678, %add3A_682, %add3A_686, %add3A_690, %add3A_694, %add3A_698, %add3A_702, %add3A_706, %add3A_716 : vector<16xf32>, vector<16xf32>, vector<16xf32>, vector<16xf32>, vector<16xf32>, vector<16xf32>, vector<16xf32>, vector<16xf32>, vector<16xf32>, vector<16xf32>, vector<16xf32>, vector<16xf32>, vector<16xf32>, vector<16xf32>, vector<16xf32>, vector<16xf32>, vector<16xf32>, vector<16xf32>, vector<16xf32>
          }
          %scan3A_359 = arith.constant 32 : i32
          scf.yield %scan3A_358#0, %scan3A_358#1, %scan3A_358#2, %scan3A_358#3, %scan3A_358#4, %scan3A_358#5, %scan3A_358#6, %scan3A_358#7, %scan3A_358#8, %scan3A_358#9, %scan3A_358#10, %scan3A_358#11, %scan3A_358#12, %scan3A_358#13, %scan3A_358#14, %scan3A_358#15, %scan3A_358#16, %scan3A_358#17, %scan3A_358#18 : vector<16xf32>, vector<16xf32>, vector<16xf32>, vector<16xf32>, vector<16xf32>, vector<16xf32>, vector<16xf32>, vector<16xf32>, vector<16xf32>, vector<16xf32>, vector<16xf32>, vector<16xf32>, vector<16xf32>, vector<16xf32>, vector<16xf32>, vector<16xf32>, vector<16xf32>, vector<16xf32>, vector<16xf32>
        } else {
          scf.yield %while3A_315#0, %while3A_315#1, %while3A_315#2, %while3A_315#3, %while3A_315#4, %while3A_315#5, %while3A_315#6, %while3A_315#7, %while3A_315#8, %while3A_315#9, %while3A_315#10, %while3A_315#11, %while3A_315#12, %while3A_315#13, %while3A_315#14, %while3A_315#15, %while3A_315#16, %while3A_315#17, %while3A_315#18 : vector<16xf32>, vector<16xf32>, vector<16xf32>, vector<16xf32>, vector<16xf32>, vector<16xf32>, vector<16xf32>, vector<16xf32>, vector<16xf32>, vector<16xf32>, vector<16xf32>, vector<16xf32>, vector<16xf32>, vector<16xf32>, vector<16xf32>, vector<16xf32>, vector<16xf32>, vector<16xf32>, vector<16xf32>
        }
        %while3A_336 = arith.constant 0 : i32
        %while3A_337 = arith.subi %sub3A_271, %while3A_336 : i32
        %while3A_338 = arith.addi %while3A_336, %while3A_337 : i32
        %while3A_339 = arith.constant 1 : i32
        %while3A_340 = arith.divsi %while3A_337, %while3A_339 : i32
        %while3A_341 = arith.muli %while3A_340, %while3A_339 : i32
        %while3A_342 = arith.addi %while3A_336, %while3A_341 : i32
        %while3A_343 = arith.constant 1 : i32
        %while3A_344:19 = scf.for %while3A_347 = %while3A_336 to %while3A_342 step %while3A_343 iter_args(%while3A_348 = %cond3A_335#0, %while3A_349 = %cond3A_335#1, %while3A_350 = %cond3A_335#2, %while3A_351 = %cond3A_335#3, %while3A_352 = %cond3A_335#4, %while3A_353 = %cond3A_335#5, %while3A_354 = %cond3A_335#6, %while3A_355 = %cond3A_335#7, %while3A_356 = %cond3A_335#8, %while3A_357 = %cond3A_335#9, %while3A_358 = %cond3A_335#10, %while3A_359 = %cond3A_335#11, %while3A_360 = %cond3A_335#12, %while3A_361 = %cond3A_335#13, %while3A_362 = %cond3A_335#14, %while3A_363 = %cond3A_335#15, %while3A_364 = %cond3A_335#16, %while3A_365 = %cond3A_335#17, %while3A_366 = %cond3A_335#18) -> (vector<16xf32>, vector<16xf32>, vector<16xf32>, vector<16xf32>, vector<16xf32>, vector<16xf32>, vector<16xf32>, vector<16xf32>, vector<16xf32>, vector<16xf32>, vector<16xf32>, vector<16xf32>, vector<16xf32>, vector<16xf32>, vector<16xf32>, vector<16xf32>, vector<16xf32>, vector<16xf32>, vector<16xf32>)  : i32 {
          %mul3A_367 = arith.constant 16 : i32
          %mul3A_368 = arith.muli %select_n3A_267, %mul3A_367 : i32
          %add3A_369 = arith.addi %min3A_169, %mul3A_368 : i32
          %add3A_370 = arith.addi %add3A_369, %while3A_347 : i32
          %mul3A_371 = arith.constant 8 : i32
          %mul3A_372 = arith.muli %add3A_370, %mul3A_371 : i32
          "tpu.region"() ({
            %run_scoped3A = tpu.sem_alloc : memref<!tpu.dma_semaphore, #tpu.memory_space<semaphore_mem>>
            %dma_start3A = arith.constant 0 : i32
            %dma_start3A_389 = arith.constant 0 : i32
            %dma_start3A_390 = tpu.memref_slice %arg5[%dma_start3A, %dma_start3A_389] : memref<128x300xf32, #tpu.memory_space<vmem>> -> memref<8x300xf32, #tpu.memory_space<vmem>>
            %dma_start3A_391 = arith.constant 0 : i32
            %dma_start3A_392 = tpu.memref_slice %arg2[%scan3A_161, %mul3A_372, %dma_start3A_391] : memref<16x4096x300xf32, #tpu.memory_space<hbm>> -> memref<1x8x300xf32, #tpu.memory_space<hbm>>
            %dma_start3A_393 = tpu.memref_squeeze %dma_start3A_392 : memref<1x8x300xf32, #tpu.memory_space<hbm>> -> memref<8x300xf32, #tpu.memory_space<hbm>>
            %dma_start3A_394 = arith.constant 0 : i32
            %dma_start3A_395 = arith.constant 0 : i32
            %dma_start3A_396 = tpu.memref_slice %arg5[%dma_start3A_394, %dma_start3A_395] : memref<128x300xf32, #tpu.memory_space<vmem>> -> memref<8x300xf32, #tpu.memory_space<vmem>>
            %dma_start3A_397 = arith.constant 0 : i32
            %dma_start3A_398 = tpu.memref_slice %arg2[%scan3A_161, %mul3A_372, %dma_start3A_397] : memref<16x4096x300xf32, #tpu.memory_space<hbm>> -> memref<1x8x300xf32, #tpu.memory_space<hbm>>
            %dma_start3A_399 = tpu.memref_squeeze %dma_start3A_398 : memref<1x8x300xf32, #tpu.memory_space<hbm>> -> memref<8x300xf32, #tpu.memory_space<hbm>>
            tpu.enqueue_dma source(%dma_start3A_399 : memref<8x300xf32, #tpu.memory_space<hbm>>) target(%dma_start3A_396 : memref<8x300xf32, #tpu.memory_space<vmem>>) target_semaphore(%run_scoped3A : memref<!tpu.dma_semaphore, #tpu.memory_space<semaphore_mem>>)
            %dma_wait3A = arith.constant 0 : i32
            %dma_wait3A_400 = arith.constant 0 : i32
            %dma_wait3A_401 = tpu.memref_slice %arg5[%dma_wait3A, %dma_wait3A_400] : memref<128x300xf32, #tpu.memory_space<vmem>> -> memref<8x300xf32, #tpu.memory_space<vmem>>
            %dma_wait3A_402 = arith.constant 0 : i32
            %dma_wait3A_403 = tpu.memref_slice %arg2[%scan3A_161, %mul3A_372, %dma_wait3A_402] : memref<16x4096x300xf32, #tpu.memory_space<hbm>> -> memref<1x8x300xf32, #tpu.memory_space<hbm>>
            %dma_wait3A_404 = tpu.memref_squeeze %dma_wait3A_403 : memref<1x8x300xf32, #tpu.memory_space<hbm>> -> memref<8x300xf32, #tpu.memory_space<hbm>>
            %dma_wait3A_405 = arith.constant 0 : i32
            %dma_wait3A_406 = arith.constant 0 : i32
            %dma_wait3A_407 = tpu.memref_slice %arg5[%dma_wait3A_405, %dma_wait3A_406] : memref<128x300xf32, #tpu.memory_space<vmem>> -> memref<8x300xf32, #tpu.memory_space<vmem>>
            %dma_wait3A_408 = arith.constant 0 : i32
            %dma_wait3A_409 = tpu.memref_slice %arg2[%scan3A_161, %mul3A_372, %dma_wait3A_408] : memref<16x4096x300xf32, #tpu.memory_space<hbm>> -> memref<1x8x300xf32, #tpu.memory_space<hbm>>
            %dma_wait3A_410 = tpu.memref_squeeze %dma_wait3A_409 : memref<1x8x300xf32, #tpu.memory_space<hbm>> -> memref<8x300xf32, #tpu.memory_space<hbm>>
            tpu.wait_dma2 semaphore(%run_scoped3A : memref<!tpu.dma_semaphore, #tpu.memory_space<semaphore_mem>>) src(%dma_wait3A_410 : memref<8x300xf32, #tpu.memory_space<hbm>>) dst(%dma_wait3A_407 : memref<8x300xf32, #tpu.memory_space<vmem>>)
            tpu.yield
          }) : () -> ()
          %sub3A_373 = arith.subi %squeeze3A_177, %mul3A_372 : i32
          %jit3A_374 = arith.constant 0 : i32
          %jit3A_375 = arith.constant 8 : i32
          %max3A_376 = arith.maxsi %jit3A_374, %sub3A_373 : i32
          %min3A_377 = arith.minsi %jit3A_375, %max3A_376 : i32
          %while3A_378 = arith.constant 0 : i32
          %while3A_379 = arith.subi %min3A_377, %while3A_378 : i32
          %while3A_380 = arith.addi %while3A_378, %while3A_379 : i32
          %while3A_381 = arith.constant 1 : i32
          %while3A_382 = arith.divsi %while3A_379, %while3A_381 : i32
          %while3A_383 = arith.muli %while3A_382, %while3A_381 : i32
          %while3A_384 = arith.addi %while3A_378, %while3A_383 : i32
          %while3A_385 = arith.constant 1 : i32
          %while3A_386:19 = scf.for %while3A_389 = %while3A_378 to %while3A_384 step %while3A_385 iter_args(%while3A_390 = %while3A_348, %while3A_391 = %while3A_349, %while3A_392 = %while3A_350, %while3A_393 = %while3A_351, %while3A_394 = %while3A_352, %while3A_395 = %while3A_353, %while3A_396 = %while3A_354, %while3A_397 = %while3A_355, %while3A_398 = %while3A_356, %while3A_399 = %while3A_357, %while3A_400 = %while3A_358, %while3A_401 = %while3A_359, %while3A_402 = %while3A_360, %while3A_403 = %while3A_361, %while3A_404 = %while3A_362, %while3A_405 = %while3A_363, %while3A_406 = %while3A_364, %while3A_407 = %while3A_365, %while3A_408 = %while3A_366) -> (vector<16xf32>, vector<16xf32>, vector<16xf32>, vector<16xf32>, vector<16xf32>, vector<16xf32>, vector<16xf32>, vector<16xf32>, vector<16xf32>, vector<16xf32>, vector<16xf32>, vector<16xf32>, vector<16xf32>, vector<16xf32>, vector<16xf32>, vector<16xf32>, vector<16xf32>, vector<16xf32>, vector<16xf32>)  : i32 {
            %get3A_409 = arith.index_cast %while3A_389 : i32 to index
            %get3A_410 = arith.constant 0 : index
            %get3A_411 = tpu.vector_load %arg5[%get3A_409, %get3A_410] {strides = array<i32>} : memref<128x300xf32, #tpu.memory_space<vmem>>, vector<16xf32>,
            %add3A_412 = arith.addf %while3A_390, %get3A_411 : vector<16xf32>
            %get3A_413 = arith.index_cast %while3A_389 : i32 to index
            %get3A_414 = arith.constant 16 : index
            %get3A_415 = tpu.vector_load %arg5[%get3A_413, %get3A_414] {strides = array<i32>} : memref<128x300xf32, #tpu.memory_space<vmem>>, vector<16xf32>,
            %add3A_416 = arith.addf %while3A_391, %get3A_415 : vector<16xf32>
            %get3A_417 = arith.index_cast %while3A_389 : i32 to index
            %get3A_418 = arith.constant 32 : index
            %get3A_419 = tpu.vector_load %arg5[%get3A_417, %get3A_418] {strides = array<i32>} : memref<128x300xf32, #tpu.memory_space<vmem>>, vector<16xf32>,
            %add3A_420 = arith.addf %while3A_392, %get3A_419 : vector<16xf32>
            %get3A_421 = arith.index_cast %while3A_389 : i32 to index
            %get3A_422 = arith.constant 48 : index
            %get3A_423 = tpu.vector_load %arg5[%get3A_421, %get3A_422] {strides = array<i32>} : memref<128x300xf32, #tpu.memory_space<vmem>>, vector<16xf32>,
            %add3A_424 = arith.addf %while3A_393, %get3A_423 : vector<16xf32>
            %get3A_425 = arith.index_cast %while3A_389 : i32 to index
            %get3A_426 = arith.constant 64 : index
            %get3A_427 = tpu.vector_load %arg5[%get3A_425, %get3A_426] {strides = array<i32>} : memref<128x300xf32, #tpu.memory_space<vmem>>, vector<16xf32>,
            %add3A_428 = arith.addf %while3A_394, %get3A_427 : vector<16xf32>
            %get3A_429 = arith.index_cast %while3A_389 : i32 to index
            %get3A_430 = arith.constant 80 : index
            %get3A_431 = tpu.vector_load %arg5[%get3A_429, %get3A_430] {strides = array<i32>} : memref<128x300xf32, #tpu.memory_space<vmem>>, vector<16xf32>,
            %add3A_432 = arith.addf %while3A_395, %get3A_431 : vector<16xf32>
            %get3A_433 = arith.index_cast %while3A_389 : i32 to index
            %get3A_434 = arith.constant 96 : index
            %get3A_435 = tpu.vector_load %arg5[%get3A_433, %get3A_434] {strides = array<i32>} : memref<128x300xf32, #tpu.memory_space<vmem>>, vector<16xf32>,
            %add3A_436 = arith.addf %while3A_396, %get3A_435 : vector<16xf32>
            %get3A_437 = arith.index_cast %while3A_389 : i32 to index
            %get3A_438 = arith.constant 112 : index
            %get3A_439 = tpu.vector_load %arg5[%get3A_437, %get3A_438] {strides = array<i32>} : memref<128x300xf32, #tpu.memory_space<vmem>>, vector<16xf32>,
            %add3A_440 = arith.addf %while3A_397, %get3A_439 : vector<16xf32>
            %get3A_441 = arith.index_cast %while3A_389 : i32 to index
            %get3A_442 = arith.constant 128 : index
            %get3A_443 = tpu.vector_load %arg5[%get3A_441, %get3A_442] {strides = array<i32>} : memref<128x300xf32, #tpu.memory_space<vmem>>, vector<16xf32>,
            %add3A_444 = arith.addf %while3A_398, %get3A_443 : vector<16xf32>
            %get3A_445 = arith.index_cast %while3A_389 : i32 to index
            %get3A_446 = arith.constant 144 : index
            %get3A_447 = tpu.vector_load %arg5[%get3A_445, %get3A_446] {strides = array<i32>} : memref<128x300xf32, #tpu.memory_space<vmem>>, vector<16xf32>,
            %add3A_448 = arith.addf %while3A_399, %get3A_447 : vector<16xf32>
            %get3A_449 = arith.index_cast %while3A_389 : i32 to index
            %get3A_450 = arith.constant 160 : index
            %get3A_451 = tpu.vector_load %arg5[%get3A_449, %get3A_450] {strides = array<i32>} : memref<128x300xf32, #tpu.memory_space<vmem>>, vector<16xf32>,
            %add3A_452 = arith.addf %while3A_400, %get3A_451 : vector<16xf32>
            %get3A_453 = arith.index_cast %while3A_389 : i32 to index
            %get3A_454 = arith.constant 176 : index
            %get3A_455 = tpu.vector_load %arg5[%get3A_453, %get3A_454] {strides = array<i32>} : memref<128x300xf32, #tpu.memory_space<vmem>>, vector<16xf32>,
            %add3A_456 = arith.addf %while3A_401, %get3A_455 : vector<16xf32>
            %get3A_457 = arith.index_cast %while3A_389 : i32 to index
            %get3A_458 = arith.constant 192 : index
            %get3A_459 = tpu.vector_load %arg5[%get3A_457, %get3A_458] {strides = array<i32>} : memref<128x300xf32, #tpu.memory_space<vmem>>, vector<16xf32>,
            %add3A_460 = arith.addf %while3A_402, %get3A_459 : vector<16xf32>
            %get3A_461 = arith.index_cast %while3A_389 : i32 to index
            %get3A_462 = arith.constant 208 : index
            %get3A_463 = tpu.vector_load %arg5[%get3A_461, %get3A_462] {strides = array<i32>} : memref<128x300xf32, #tpu.memory_space<vmem>>, vector<16xf32>,
            %add3A_464 = arith.addf %while3A_403, %get3A_463 : vector<16xf32>
            %get3A_465 = arith.index_cast %while3A_389 : i32 to index
            %get3A_466 = arith.constant 224 : index
            %get3A_467 = tpu.vector_load %arg5[%get3A_465, %get3A_466] {strides = array<i32>} : memref<128x300xf32, #tpu.memory_space<vmem>>, vector<16xf32>,
            %add3A_468 = arith.addf %while3A_404, %get3A_467 : vector<16xf32>
            %get3A_469 = arith.index_cast %while3A_389 : i32 to index
            %get3A_470 = arith.constant 240 : index
            %get3A_471 = tpu.vector_load %arg5[%get3A_469, %get3A_470] {strides = array<i32>} : memref<128x300xf32, #tpu.memory_space<vmem>>, vector<16xf32>,
            %add3A_472 = arith.addf %while3A_405, %get3A_471 : vector<16xf32>
            %get3A_473 = arith.index_cast %while3A_389 : i32 to index
            %get3A_474 = arith.constant 256 : index
            %get3A_475 = tpu.vector_load %arg5[%get3A_473, %get3A_474] {strides = array<i32>} : memref<128x300xf32, #tpu.memory_space<vmem>>, vector<16xf32>,
            %add3A_476 = arith.addf %while3A_406, %get3A_475 : vector<16xf32>
            %get3A_477 = arith.index_cast %while3A_389 : i32 to index
            %get3A_478 = arith.constant 272 : index
            %get3A_479 = tpu.vector_load %arg5[%get3A_477, %get3A_478] {strides = array<i32>} : memref<128x300xf32, #tpu.memory_space<vmem>>, vector<16xf32>,
            %add3A_480 = arith.addf %while3A_407, %get3A_479 : vector<16xf32>
            %get3A_481 = arith.index_cast %while3A_389 : i32 to index
            %get3A_482 = arith.constant 284 : index
            %get3A_483 = tpu.vector_load %arg5[%get3A_481, %get3A_482] {strides = array<i32>} : memref<128x300xf32, #tpu.memory_space<vmem>>, vector<16xf32>,
            %ge3A = arith.constant 4 : i32
            %ge3A_484 = vector.broadcast %ge3A : i32 to vector<16xi32>
            %ge3A_485 = arith.cmpi sge, %iota3A, %ge3A_484 : vector<16xi32>
            %jit3A_486 = arith.constant 0.000000e+00 : f32
            %broadcast_in_dim3A_487 = vector.broadcast %jit3A_486 : f32 to vector<16xf32>
            %select_n3A_488 = arith.select %ge3A_485, %get3A_483, %broadcast_in_dim3A_487 : vector<16xi1>, vector<16xf32>
            %add3A_489 = arith.addf %while3A_408, %select_n3A_488 : vector<16xf32>
            scf.yield %add3A_412, %add3A_416, %add3A_420, %add3A_424, %add3A_428, %add3A_432, %add3A_436, %add3A_440, %add3A_444, %add3A_448, %add3A_452, %add3A_456, %add3A_460, %add3A_464, %add3A_468, %add3A_472, %add3A_476, %add3A_480, %add3A_489 : vector<16xf32>, vector<16xf32>, vector<16xf32>, vector<16xf32>, vector<16xf32>, vector<16xf32>, vector<16xf32>, vector<16xf32>, vector<16xf32>, vector<16xf32>, vector<16xf32>, vector<16xf32>, vector<16xf32>, vector<16xf32>, vector<16xf32>, vector<16xf32>, vector<16xf32>, vector<16xf32>, vector<16xf32>
          }
          %while3A_387 = arith.constant 1 : i32
          %while3A_388:19 = scf.for %while3A_389 = %while3A_384 to %while3A_380 step %while3A_387 iter_args(%while3A_390 = %while3A_386#0, %while3A_391 = %while3A_386#1, %while3A_392 = %while3A_386#2, %while3A_393 = %while3A_386#3, %while3A_394 = %while3A_386#4, %while3A_395 = %while3A_386#5, %while3A_396 = %while3A_386#6, %while3A_397 = %while3A_386#7, %while3A_398 = %while3A_386#8, %while3A_399 = %while3A_386#9, %while3A_400 = %while3A_386#10, %while3A_401 = %while3A_386#11, %while3A_402 = %while3A_386#12, %while3A_403 = %while3A_386#13, %while3A_404 = %while3A_386#14, %while3A_405 = %while3A_386#15, %while3A_406 = %while3A_386#16, %while3A_407 = %while3A_386#17, %while3A_408 = %while3A_386#18) -> (vector<16xf32>, vector<16xf32>, vector<16xf32>, vector<16xf32>, vector<16xf32>, vector<16xf32>, vector<16xf32>, vector<16xf32>, vector<16xf32>, vector<16xf32>, vector<16xf32>, vector<16xf32>, vector<16xf32>, vector<16xf32>, vector<16xf32>, vector<16xf32>, vector<16xf32>, vector<16xf32>, vector<16xf32>)  : i32 {
            %get3A_409 = arith.index_cast %while3A_389 : i32 to index
            %get3A_410 = arith.constant 0 : index
            %get3A_411 = tpu.vector_load %arg5[%get3A_409, %get3A_410] {strides = array<i32>} : memref<128x300xf32, #tpu.memory_space<vmem>>, vector<16xf32>,
            %add3A_412 = arith.addf %while3A_390, %get3A_411 : vector<16xf32>
            %get3A_413 = arith.index_cast %while3A_389 : i32 to index
            %get3A_414 = arith.constant 16 : index
            %get3A_415 = tpu.vector_load %arg5[%get3A_413, %get3A_414] {strides = array<i32>} : memref<128x300xf32, #tpu.memory_space<vmem>>, vector<16xf32>,
            %add3A_416 = arith.addf %while3A_391, %get3A_415 : vector<16xf32>
            %get3A_417 = arith.index_cast %while3A_389 : i32 to index
            %get3A_418 = arith.constant 32 : index
            %get3A_419 = tpu.vector_load %arg5[%get3A_417, %get3A_418] {strides = array<i32>} : memref<128x300xf32, #tpu.memory_space<vmem>>, vector<16xf32>,
            %add3A_420 = arith.addf %while3A_392, %get3A_419 : vector<16xf32>
            %get3A_421 = arith.index_cast %while3A_389 : i32 to index
            %get3A_422 = arith.constant 48 : index
            %get3A_423 = tpu.vector_load %arg5[%get3A_421, %get3A_422] {strides = array<i32>} : memref<128x300xf32, #tpu.memory_space<vmem>>, vector<16xf32>,
            %add3A_424 = arith.addf %while3A_393, %get3A_423 : vector<16xf32>
            %get3A_425 = arith.index_cast %while3A_389 : i32 to index
            %get3A_426 = arith.constant 64 : index
            %get3A_427 = tpu.vector_load %arg5[%get3A_425, %get3A_426] {strides = array<i32>} : memref<128x300xf32, #tpu.memory_space<vmem>>, vector<16xf32>,
            %add3A_428 = arith.addf %while3A_394, %get3A_427 : vector<16xf32>
            %get3A_429 = arith.index_cast %while3A_389 : i32 to index
            %get3A_430 = arith.constant 80 : index
            %get3A_431 = tpu.vector_load %arg5[%get3A_429, %get3A_430] {strides = array<i32>} : memref<128x300xf32, #tpu.memory_space<vmem>>, vector<16xf32>,
            %add3A_432 = arith.addf %while3A_395, %get3A_431 : vector<16xf32>
            %get3A_433 = arith.index_cast %while3A_389 : i32 to index
            %get3A_434 = arith.constant 96 : index
            %get3A_435 = tpu.vector_load %arg5[%get3A_433, %get3A_434] {strides = array<i32>} : memref<128x300xf32, #tpu.memory_space<vmem>>, vector<16xf32>,
            %add3A_436 = arith.addf %while3A_396, %get3A_435 : vector<16xf32>
            %get3A_437 = arith.index_cast %while3A_389 : i32 to index
            %get3A_438 = arith.constant 112 : index
            %get3A_439 = tpu.vector_load %arg5[%get3A_437, %get3A_438] {strides = array<i32>} : memref<128x300xf32, #tpu.memory_space<vmem>>, vector<16xf32>,
            %add3A_440 = arith.addf %while3A_397, %get3A_439 : vector<16xf32>
            %get3A_441 = arith.index_cast %while3A_389 : i32 to index
            %get3A_442 = arith.constant 128 : index
            %get3A_443 = tpu.vector_load %arg5[%get3A_441, %get3A_442] {strides = array<i32>} : memref<128x300xf32, #tpu.memory_space<vmem>>, vector<16xf32>,
            %add3A_444 = arith.addf %while3A_398, %get3A_443 : vector<16xf32>
            %get3A_445 = arith.index_cast %while3A_389 : i32 to index
            %get3A_446 = arith.constant 144 : index
            %get3A_447 = tpu.vector_load %arg5[%get3A_445, %get3A_446] {strides = array<i32>} : memref<128x300xf32, #tpu.memory_space<vmem>>, vector<16xf32>,
            %add3A_448 = arith.addf %while3A_399, %get3A_447 : vector<16xf32>
            %get3A_449 = arith.index_cast %while3A_389 : i32 to index
            %get3A_450 = arith.constant 160 : index
            %get3A_451 = tpu.vector_load %arg5[%get3A_449, %get3A_450] {strides = array<i32>} : memref<128x300xf32, #tpu.memory_space<vmem>>, vector<16xf32>,
            %add3A_452 = arith.addf %while3A_400, %get3A_451 : vector<16xf32>
            %get3A_453 = arith.index_cast %while3A_389 : i32 to index
            %get3A_454 = arith.constant 176 : index
            %get3A_455 = tpu.vector_load %arg5[%get3A_453, %get3A_454] {strides = array<i32>} : memref<128x300xf32, #tpu.memory_space<vmem>>, vector<16xf32>,
            %add3A_456 = arith.addf %while3A_401, %get3A_455 : vector<16xf32>
            %get3A_457 = arith.index_cast %while3A_389 : i32 to index
            %get3A_458 = arith.constant 192 : index
            %get3A_459 = tpu.vector_load %arg5[%get3A_457, %get3A_458] {strides = array<i32>} : memref<128x300xf32, #tpu.memory_space<vmem>>, vector<16xf32>,
            %add3A_460 = arith.addf %while3A_402, %get3A_459 : vector<16xf32>
            %get3A_461 = arith.index_cast %while3A_389 : i32 to index
            %get3A_462 = arith.constant 208 : index
            %get3A_463 = tpu.vector_load %arg5[%get3A_461, %get3A_462] {strides = array<i32>} : memref<128x300xf32, #tpu.memory_space<vmem>>, vector<16xf32>,
            %add3A_464 = arith.addf %while3A_403, %get3A_463 : vector<16xf32>
            %get3A_465 = arith.index_cast %while3A_389 : i32 to index
            %get3A_466 = arith.constant 224 : index
            %get3A_467 = tpu.vector_load %arg5[%get3A_465, %get3A_466] {strides = array<i32>} : memref<128x300xf32, #tpu.memory_space<vmem>>, vector<16xf32>,
            %add3A_468 = arith.addf %while3A_404, %get3A_467 : vector<16xf32>
            %get3A_469 = arith.index_cast %while3A_389 : i32 to index
            %get3A_470 = arith.constant 240 : index
            %get3A_471 = tpu.vector_load %arg5[%get3A_469, %get3A_470] {strides = array<i32>} : memref<128x300xf32, #tpu.memory_space<vmem>>, vector<16xf32>,
            %add3A_472 = arith.addf %while3A_405, %get3A_471 : vector<16xf32>
            %get3A_473 = arith.index_cast %while3A_389 : i32 to index
            %get3A_474 = arith.constant 256 : index
            %get3A_475 = tpu.vector_load %arg5[%get3A_473, %get3A_474] {strides = array<i32>} : memref<128x300xf32, #tpu.memory_space<vmem>>, vector<16xf32>,
            %add3A_476 = arith.addf %while3A_406, %get3A_475 : vector<16xf32>
            %get3A_477 = arith.index_cast %while3A_389 : i32 to index
            %get3A_478 = arith.constant 272 : index
            %get3A_479 = tpu.vector_load %arg5[%get3A_477, %get3A_478] {strides = array<i32>} : memref<128x300xf32, #tpu.memory_space<vmem>>, vector<16xf32>,
            %add3A_480 = arith.addf %while3A_407, %get3A_479 : vector<16xf32>
            %get3A_481 = arith.index_cast %while3A_389 : i32 to index
            %get3A_482 = arith.constant 284 : index
            %get3A_483 = tpu.vector_load %arg5[%get3A_481, %get3A_482] {strides = array<i32>} : memref<128x300xf32, #tpu.memory_space<vmem>>, vector<16xf32>,
            %ge3A = arith.constant 4 : i32
            %ge3A_484 = vector.broadcast %ge3A : i32 to vector<16xi32>
            %ge3A_485 = arith.cmpi sge, %iota3A, %ge3A_484 : vector<16xi32>
            %jit3A_486 = arith.constant 0.000000e+00 : f32
            %broadcast_in_dim3A_487 = vector.broadcast %jit3A_486 : f32 to vector<16xf32>
            %select_n3A_488 = arith.select %ge3A_485, %get3A_483, %broadcast_in_dim3A_487 : vector<16xi1>, vector<16xf32>
            %add3A_489 = arith.addf %while3A_408, %select_n3A_488 : vector<16xf32>
            scf.yield %add3A_412, %add3A_416, %add3A_420, %add3A_424, %add3A_428, %add3A_432, %add3A_436, %add3A_440, %add3A_444, %add3A_448, %add3A_452, %add3A_456, %add3A_460, %add3A_464, %add3A_468, %add3A_472, %add3A_476, %add3A_480, %add3A_489 : vector<16xf32>, vector<16xf32>, vector<16xf32>, vector<16xf32>, vector<16xf32>, vector<16xf32>, vector<16xf32>, vector<16xf32>, vector<16xf32>, vector<16xf32>, vector<16xf32>, vector<16xf32>, vector<16xf32>, vector<16xf32>, vector<16xf32>, vector<16xf32>, vector<16xf32>, vector<16xf32>, vector<16xf32>
          }
          scf.yield %while3A_388#0, %while3A_388#1, %while3A_388#2, %while3A_388#3, %while3A_388#4, %while3A_388#5, %while3A_388#6, %while3A_388#7, %while3A_388#8, %while3A_388#9, %while3A_388#10, %while3A_388#11, %while3A_388#12, %while3A_388#13, %while3A_388#14, %while3A_388#15, %while3A_388#16, %while3A_388#17, %while3A_388#18 : vector<16xf32>, vector<16xf32>, vector<16xf32>, vector<16xf32>, vector<16xf32>, vector<16xf32>, vector<16xf32>, vector<16xf32>, vector<16xf32>, vector<16xf32>, vector<16xf32>, vector<16xf32>, vector<16xf32>, vector<16xf32>, vector<16xf32>, vector<16xf32>, vector<16xf32>, vector<16xf32>, vector<16xf32>
        }
        %while3A_345 = arith.constant 1 : i32
        %while3A_346:19 = scf.for %while3A_347 = %while3A_342 to %while3A_338 step %while3A_345 iter_args(%while3A_348 = %while3A_344#0, %while3A_349 = %while3A_344#1, %while3A_350 = %while3A_344#2, %while3A_351 = %while3A_344#3, %while3A_352 = %while3A_344#4, %while3A_353 = %while3A_344#5, %while3A_354 = %while3A_344#6, %while3A_355 = %while3A_344#7, %while3A_356 = %while3A_344#8, %while3A_357 = %while3A_344#9, %while3A_358 = %while3A_344#10, %while3A_359 = %while3A_344#11, %while3A_360 = %while3A_344#12, %while3A_361 = %while3A_344#13, %while3A_362 = %while3A_344#14, %while3A_363 = %while3A_344#15, %while3A_364 = %while3A_344#16, %while3A_365 = %while3A_344#17, %while3A_366 = %while3A_344#18) -> (vector<16xf32>, vector<16xf32>, vector<16xf32>, vector<16xf32>, vector<16xf32>, vector<16xf32>, vector<16xf32>, vector<16xf32>, vector<16xf32>, vector<16xf32>, vector<16xf32>, vector<16xf32>, vector<16xf32>, vector<16xf32>, vector<16xf32>, vector<16xf32>, vector<16xf32>, vector<16xf32>, vector<16xf32>)  : i32 {
          %mul3A_367 = arith.constant 16 : i32
          %mul3A_368 = arith.muli %select_n3A_267, %mul3A_367 : i32
          %add3A_369 = arith.addi %min3A_169, %mul3A_368 : i32
          %add3A_370 = arith.addi %add3A_369, %while3A_347 : i32
          %mul3A_371 = arith.constant 8 : i32
          %mul3A_372 = arith.muli %add3A_370, %mul3A_371 : i32
          "tpu.region"() ({
            %run_scoped3A = tpu.sem_alloc : memref<!tpu.dma_semaphore, #tpu.memory_space<semaphore_mem>>
            %dma_start3A = arith.constant 0 : i32
            %dma_start3A_389 = arith.constant 0 : i32
            %dma_start3A_390 = tpu.memref_slice %arg5[%dma_start3A, %dma_start3A_389] : memref<128x300xf32, #tpu.memory_space<vmem>> -> memref<8x300xf32, #tpu.memory_space<vmem>>
            %dma_start3A_391 = arith.constant 0 : i32
            %dma_start3A_392 = tpu.memref_slice %arg2[%scan3A_161, %mul3A_372, %dma_start3A_391] : memref<16x4096x300xf32, #tpu.memory_space<hbm>> -> memref<1x8x300xf32, #tpu.memory_space<hbm>>
            %dma_start3A_393 = tpu.memref_squeeze %dma_start3A_392 : memref<1x8x300xf32, #tpu.memory_space<hbm>> -> memref<8x300xf32, #tpu.memory_space<hbm>>
            %dma_start3A_394 = arith.constant 0 : i32
            %dma_start3A_395 = arith.constant 0 : i32
            %dma_start3A_396 = tpu.memref_slice %arg5[%dma_start3A_394, %dma_start3A_395] : memref<128x300xf32, #tpu.memory_space<vmem>> -> memref<8x300xf32, #tpu.memory_space<vmem>>
            %dma_start3A_397 = arith.constant 0 : i32
            %dma_start3A_398 = tpu.memref_slice %arg2[%scan3A_161, %mul3A_372, %dma_start3A_397] : memref<16x4096x300xf32, #tpu.memory_space<hbm>> -> memref<1x8x300xf32, #tpu.memory_space<hbm>>
            %dma_start3A_399 = tpu.memref_squeeze %dma_start3A_398 : memref<1x8x300xf32, #tpu.memory_space<hbm>> -> memref<8x300xf32, #tpu.memory_space<hbm>>
            tpu.enqueue_dma source(%dma_start3A_399 : memref<8x300xf32, #tpu.memory_space<hbm>>) target(%dma_start3A_396 : memref<8x300xf32, #tpu.memory_space<vmem>>) target_semaphore(%run_scoped3A : memref<!tpu.dma_semaphore, #tpu.memory_space<semaphore_mem>>)
            %dma_wait3A = arith.constant 0 : i32
            %dma_wait3A_400 = arith.constant 0 : i32
            %dma_wait3A_401 = tpu.memref_slice %arg5[%dma_wait3A, %dma_wait3A_400] : memref<128x300xf32, #tpu.memory_space<vmem>> -> memref<8x300xf32, #tpu.memory_space<vmem>>
            %dma_wait3A_402 = arith.constant 0 : i32
            %dma_wait3A_403 = tpu.memref_slice %arg2[%scan3A_161, %mul3A_372, %dma_wait3A_402] : memref<16x4096x300xf32, #tpu.memory_space<hbm>> -> memref<1x8x300xf32, #tpu.memory_space<hbm>>
            %dma_wait3A_404 = tpu.memref_squeeze %dma_wait3A_403 : memref<1x8x300xf32, #tpu.memory_space<hbm>> -> memref<8x300xf32, #tpu.memory_space<hbm>>
            %dma_wait3A_405 = arith.constant 0 : i32
            %dma_wait3A_406 = arith.constant 0 : i32
            %dma_wait3A_407 = tpu.memref_slice %arg5[%dma_wait3A_405, %dma_wait3A_406] : memref<128x300xf32, #tpu.memory_space<vmem>> -> memref<8x300xf32, #tpu.memory_space<vmem>>
            %dma_wait3A_408 = arith.constant 0 : i32
            %dma_wait3A_409 = tpu.memref_slice %arg2[%scan3A_161, %mul3A_372, %dma_wait3A_408] : memref<16x4096x300xf32, #tpu.memory_space<hbm>> -> memref<1x8x300xf32, #tpu.memory_space<hbm>>
            %dma_wait3A_410 = tpu.memref_squeeze %dma_wait3A_409 : memref<1x8x300xf32, #tpu.memory_space<hbm>> -> memref<8x300xf32, #tpu.memory_space<hbm>>
            tpu.wait_dma2 semaphore(%run_scoped3A : memref<!tpu.dma_semaphore, #tpu.memory_space<semaphore_mem>>) src(%dma_wait3A_410 : memref<8x300xf32, #tpu.memory_space<hbm>>) dst(%dma_wait3A_407 : memref<8x300xf32, #tpu.memory_space<vmem>>)
            tpu.yield
          }) : () -> ()
          %sub3A_373 = arith.subi %squeeze3A_177, %mul3A_372 : i32
          %jit3A_374 = arith.constant 0 : i32
          %jit3A_375 = arith.constant 8 : i32
          %max3A_376 = arith.maxsi %jit3A_374, %sub3A_373 : i32
          %min3A_377 = arith.minsi %jit3A_375, %max3A_376 : i32
          %while3A_378 = arith.constant 0 : i32
          %while3A_379 = arith.subi %min3A_377, %while3A_378 : i32
          %while3A_380 = arith.addi %while3A_378, %while3A_379 : i32
          %while3A_381 = arith.constant 1 : i32
          %while3A_382 = arith.divsi %while3A_379, %while3A_381 : i32
          %while3A_383 = arith.muli %while3A_382, %while3A_381 : i32
          %while3A_384 = arith.addi %while3A_378, %while3A_383 : i32
          %while3A_385 = arith.constant 1 : i32
          %while3A_386:19 = scf.for %while3A_389 = %while3A_378 to %while3A_384 step %while3A_385 iter_args(%while3A_390 = %while3A_348, %while3A_391 = %while3A_349, %while3A_392 = %while3A_350, %while3A_393 = %while3A_351, %while3A_394 = %while3A_352, %while3A_395 = %while3A_353, %while3A_396 = %while3A_354, %while3A_397 = %while3A_355, %while3A_398 = %while3A_356, %while3A_399 = %while3A_357, %while3A_400 = %while3A_358, %while3A_401 = %while3A_359, %while3A_402 = %while3A_360, %while3A_403 = %while3A_361, %while3A_404 = %while3A_362, %while3A_405 = %while3A_363, %while3A_406 = %while3A_364, %while3A_407 = %while3A_365, %while3A_408 = %while3A_366) -> (vector<16xf32>, vector<16xf32>, vector<16xf32>, vector<16xf32>, vector<16xf32>, vector<16xf32>, vector<16xf32>, vector<16xf32>, vector<16xf32>, vector<16xf32>, vector<16xf32>, vector<16xf32>, vector<16xf32>, vector<16xf32>, vector<16xf32>, vector<16xf32>, vector<16xf32>, vector<16xf32>, vector<16xf32>)  : i32 {
            %get3A_409 = arith.index_cast %while3A_389 : i32 to index
            %get3A_410 = arith.constant 0 : index
            %get3A_411 = tpu.vector_load %arg5[%get3A_409, %get3A_410] {strides = array<i32>} : memref<128x300xf32, #tpu.memory_space<vmem>>, vector<16xf32>,
            %add3A_412 = arith.addf %while3A_390, %get3A_411 : vector<16xf32>
            %get3A_413 = arith.index_cast %while3A_389 : i32 to index
            %get3A_414 = arith.constant 16 : index
            %get3A_415 = tpu.vector_load %arg5[%get3A_413, %get3A_414] {strides = array<i32>} : memref<128x300xf32, #tpu.memory_space<vmem>>, vector<16xf32>,
            %add3A_416 = arith.addf %while3A_391, %get3A_415 : vector<16xf32>
            %get3A_417 = arith.index_cast %while3A_389 : i32 to index
            %get3A_418 = arith.constant 32 : index
            %get3A_419 = tpu.vector_load %arg5[%get3A_417, %get3A_418] {strides = array<i32>} : memref<128x300xf32, #tpu.memory_space<vmem>>, vector<16xf32>,
            %add3A_420 = arith.addf %while3A_392, %get3A_419 : vector<16xf32>
            %get3A_421 = arith.index_cast %while3A_389 : i32 to index
            %get3A_422 = arith.constant 48 : index
            %get3A_423 = tpu.vector_load %arg5[%get3A_421, %get3A_422] {strides = array<i32>} : memref<128x300xf32, #tpu.memory_space<vmem>>, vector<16xf32>,
            %add3A_424 = arith.addf %while3A_393, %get3A_423 : vector<16xf32>
            %get3A_425 = arith.index_cast %while3A_389 : i32 to index
            %get3A_426 = arith.constant 64 : index
            %get3A_427 = tpu.vector_load %arg5[%get3A_425, %get3A_426] {strides = array<i32>} : memref<128x300xf32, #tpu.memory_space<vmem>>, vector<16xf32>,
            %add3A_428 = arith.addf %while3A_394, %get3A_427 : vector<16xf32>
            %get3A_429 = arith.index_cast %while3A_389 : i32 to index
            %get3A_430 = arith.constant 80 : index
            %get3A_431 = tpu.vector_load %arg5[%get3A_429, %get3A_430] {strides = array<i32>} : memref<128x300xf32, #tpu.memory_space<vmem>>, vector<16xf32>,
            %add3A_432 = arith.addf %while3A_395, %get3A_431 : vector<16xf32>
            %get3A_433 = arith.index_cast %while3A_389 : i32 to index
            %get3A_434 = arith.constant 96 : index
            %get3A_435 = tpu.vector_load %arg5[%get3A_433, %get3A_434] {strides = array<i32>} : memref<128x300xf32, #tpu.memory_space<vmem>>, vector<16xf32>,
            %add3A_436 = arith.addf %while3A_396, %get3A_435 : vector<16xf32>
            %get3A_437 = arith.index_cast %while3A_389 : i32 to index
            %get3A_438 = arith.constant 112 : index
            %get3A_439 = tpu.vector_load %arg5[%get3A_437, %get3A_438] {strides = array<i32>} : memref<128x300xf32, #tpu.memory_space<vmem>>, vector<16xf32>,
            %add3A_440 = arith.addf %while3A_397, %get3A_439 : vector<16xf32>
            %get3A_441 = arith.index_cast %while3A_389 : i32 to index
            %get3A_442 = arith.constant 128 : index
            %get3A_443 = tpu.vector_load %arg5[%get3A_441, %get3A_442] {strides = array<i32>} : memref<128x300xf32, #tpu.memory_space<vmem>>, vector<16xf32>,
            %add3A_444 = arith.addf %while3A_398, %get3A_443 : vector<16xf32>
            %get3A_445 = arith.index_cast %while3A_389 : i32 to index
            %get3A_446 = arith.constant 144 : index
            %get3A_447 = tpu.vector_load %arg5[%get3A_445, %get3A_446] {strides = array<i32>} : memref<128x300xf32, #tpu.memory_space<vmem>>, vector<16xf32>,
            %add3A_448 = arith.addf %while3A_399, %get3A_447 : vector<16xf32>
            %get3A_449 = arith.index_cast %while3A_389 : i32 to index
            %get3A_450 = arith.constant 160 : index
            %get3A_451 = tpu.vector_load %arg5[%get3A_449, %get3A_450] {strides = array<i32>} : memref<128x300xf32, #tpu.memory_space<vmem>>, vector<16xf32>,
            %add3A_452 = arith.addf %while3A_400, %get3A_451 : vector<16xf32>
            %get3A_453 = arith.index_cast %while3A_389 : i32 to index
            %get3A_454 = arith.constant 176 : index
            %get3A_455 = tpu.vector_load %arg5[%get3A_453, %get3A_454] {strides = array<i32>} : memref<128x300xf32, #tpu.memory_space<vmem>>, vector<16xf32>,
            %add3A_456 = arith.addf %while3A_401, %get3A_455 : vector<16xf32>
            %get3A_457 = arith.index_cast %while3A_389 : i32 to index
            %get3A_458 = arith.constant 192 : index
            %get3A_459 = tpu.vector_load %arg5[%get3A_457, %get3A_458] {strides = array<i32>} : memref<128x300xf32, #tpu.memory_space<vmem>>, vector<16xf32>,
            %add3A_460 = arith.addf %while3A_402, %get3A_459 : vector<16xf32>
            %get3A_461 = arith.index_cast %while3A_389 : i32 to index
            %get3A_462 = arith.constant 208 : index
            %get3A_463 = tpu.vector_load %arg5[%get3A_461, %get3A_462] {strides = array<i32>} : memref<128x300xf32, #tpu.memory_space<vmem>>, vector<16xf32>,
            %add3A_464 = arith.addf %while3A_403, %get3A_463 : vector<16xf32>
            %get3A_465 = arith.index_cast %while3A_389 : i32 to index
            %get3A_466 = arith.constant 224 : index
            %get3A_467 = tpu.vector_load %arg5[%get3A_465, %get3A_466] {strides = array<i32>} : memref<128x300xf32, #tpu.memory_space<vmem>>, vector<16xf32>,
            %add3A_468 = arith.addf %while3A_404, %get3A_467 : vector<16xf32>
            %get3A_469 = arith.index_cast %while3A_389 : i32 to index
            %get3A_470 = arith.constant 240 : index
            %get3A_471 = tpu.vector_load %arg5[%get3A_469, %get3A_470] {strides = array<i32>} : memref<128x300xf32, #tpu.memory_space<vmem>>, vector<16xf32>,
            %add3A_472 = arith.addf %while3A_405, %get3A_471 : vector<16xf32>
            %get3A_473 = arith.index_cast %while3A_389 : i32 to index
            %get3A_474 = arith.constant 256 : index
            %get3A_475 = tpu.vector_load %arg5[%get3A_473, %get3A_474] {strides = array<i32>} : memref<128x300xf32, #tpu.memory_space<vmem>>, vector<16xf32>,
            %add3A_476 = arith.addf %while3A_406, %get3A_475 : vector<16xf32>
            %get3A_477 = arith.index_cast %while3A_389 : i32 to index
            %get3A_478 = arith.constant 272 : index
            %get3A_479 = tpu.vector_load %arg5[%get3A_477, %get3A_478] {strides = array<i32>} : memref<128x300xf32, #tpu.memory_space<vmem>>, vector<16xf32>,
            %add3A_480 = arith.addf %while3A_407, %get3A_479 : vector<16xf32>
            %get3A_481 = arith.index_cast %while3A_389 : i32 to index
            %get3A_482 = arith.constant 284 : index
            %get3A_483 = tpu.vector_load %arg5[%get3A_481, %get3A_482] {strides = array<i32>} : memref<128x300xf32, #tpu.memory_space<vmem>>, vector<16xf32>,
            %ge3A = arith.constant 4 : i32
            %ge3A_484 = vector.broadcast %ge3A : i32 to vector<16xi32>
            %ge3A_485 = arith.cmpi sge, %iota3A, %ge3A_484 : vector<16xi32>
            %jit3A_486 = arith.constant 0.000000e+00 : f32
            %broadcast_in_dim3A_487 = vector.broadcast %jit3A_486 : f32 to vector<16xf32>
            %select_n3A_488 = arith.select %ge3A_485, %get3A_483, %broadcast_in_dim3A_487 : vector<16xi1>, vector<16xf32>
            %add3A_489 = arith.addf %while3A_408, %select_n3A_488 : vector<16xf32>
            scf.yield %add3A_412, %add3A_416, %add3A_420, %add3A_424, %add3A_428, %add3A_432, %add3A_436, %add3A_440, %add3A_444, %add3A_448, %add3A_452, %add3A_456, %add3A_460, %add3A_464, %add3A_468, %add3A_472, %add3A_476, %add3A_480, %add3A_489 : vector<16xf32>, vector<16xf32>, vector<16xf32>, vector<16xf32>, vector<16xf32>, vector<16xf32>, vector<16xf32>, vector<16xf32>, vector<16xf32>, vector<16xf32>, vector<16xf32>, vector<16xf32>, vector<16xf32>, vector<16xf32>, vector<16xf32>, vector<16xf32>, vector<16xf32>, vector<16xf32>, vector<16xf32>
          }
          %while3A_387 = arith.constant 1 : i32
          %while3A_388:19 = scf.for %while3A_389 = %while3A_384 to %while3A_380 step %while3A_387 iter_args(%while3A_390 = %while3A_386#0, %while3A_391 = %while3A_386#1, %while3A_392 = %while3A_386#2, %while3A_393 = %while3A_386#3, %while3A_394 = %while3A_386#4, %while3A_395 = %while3A_386#5, %while3A_396 = %while3A_386#6, %while3A_397 = %while3A_386#7, %while3A_398 = %while3A_386#8, %while3A_399 = %while3A_386#9, %while3A_400 = %while3A_386#10, %while3A_401 = %while3A_386#11, %while3A_402 = %while3A_386#12, %while3A_403 = %while3A_386#13, %while3A_404 = %while3A_386#14, %while3A_405 = %while3A_386#15, %while3A_406 = %while3A_386#16, %while3A_407 = %while3A_386#17, %while3A_408 = %while3A_386#18) -> (vector<16xf32>, vector<16xf32>, vector<16xf32>, vector<16xf32>, vector<16xf32>, vector<16xf32>, vector<16xf32>, vector<16xf32>, vector<16xf32>, vector<16xf32>, vector<16xf32>, vector<16xf32>, vector<16xf32>, vector<16xf32>, vector<16xf32>, vector<16xf32>, vector<16xf32>, vector<16xf32>, vector<16xf32>)  : i32 {
            %get3A_409 = arith.index_cast %while3A_389 : i32 to index
            %get3A_410 = arith.constant 0 : index
            %get3A_411 = tpu.vector_load %arg5[%get3A_409, %get3A_410] {strides = array<i32>} : memref<128x300xf32, #tpu.memory_space<vmem>>, vector<16xf32>,
            %add3A_412 = arith.addf %while3A_390, %get3A_411 : vector<16xf32>
            %get3A_413 = arith.index_cast %while3A_389 : i32 to index
            %get3A_414 = arith.constant 16 : index
            %get3A_415 = tpu.vector_load %arg5[%get3A_413, %get3A_414] {strides = array<i32>} : memref<128x300xf32, #tpu.memory_space<vmem>>, vector<16xf32>,
            %add3A_416 = arith.addf %while3A_391, %get3A_415 : vector<16xf32>
            %get3A_417 = arith.index_cast %while3A_389 : i32 to index
            %get3A_418 = arith.constant 32 : index
            %get3A_419 = tpu.vector_load %arg5[%get3A_417, %get3A_418] {strides = array<i32>} : memref<128x300xf32, #tpu.memory_space<vmem>>, vector<16xf32>,
            %add3A_420 = arith.addf %while3A_392, %get3A_419 : vector<16xf32>
            %get3A_421 = arith.index_cast %while3A_389 : i32 to index
            %get3A_422 = arith.constant 48 : index
            %get3A_423 = tpu.vector_load %arg5[%get3A_421, %get3A_422] {strides = array<i32>} : memref<128x300xf32, #tpu.memory_space<vmem>>, vector<16xf32>,
            %add3A_424 = arith.addf %while3A_393, %get3A_423 : vector<16xf32>
            %get3A_425 = arith.index_cast %while3A_389 : i32 to index
            %get3A_426 = arith.constant 64 : index
            %get3A_427 = tpu.vector_load %arg5[%get3A_425, %get3A_426] {strides = array<i32>} : memref<128x300xf32, #tpu.memory_space<vmem>>, vector<16xf32>,
            %add3A_428 = arith.addf %while3A_394, %get3A_427 : vector<16xf32>
            %get3A_429 = arith.index_cast %while3A_389 : i32 to index
            %get3A_430 = arith.constant 80 : index
            %get3A_431 = tpu.vector_load %arg5[%get3A_429, %get3A_430] {strides = array<i32>} : memref<128x300xf32, #tpu.memory_space<vmem>>, vector<16xf32>,
            %add3A_432 = arith.addf %while3A_395, %get3A_431 : vector<16xf32>
            %get3A_433 = arith.index_cast %while3A_389 : i32 to index
            %get3A_434 = arith.constant 96 : index
            %get3A_435 = tpu.vector_load %arg5[%get3A_433, %get3A_434] {strides = array<i32>} : memref<128x300xf32, #tpu.memory_space<vmem>>, vector<16xf32>,
            %add3A_436 = arith.addf %while3A_396, %get3A_435 : vector<16xf32>
            %get3A_437 = arith.index_cast %while3A_389 : i32 to index
            %get3A_438 = arith.constant 112 : index
            %get3A_439 = tpu.vector_load %arg5[%get3A_437, %get3A_438] {strides = array<i32>} : memref<128x300xf32, #tpu.memory_space<vmem>>, vector<16xf32>,
            %add3A_440 = arith.addf %while3A_397, %get3A_439 : vector<16xf32>
            %get3A_441 = arith.index_cast %while3A_389 : i32 to index
            %get3A_442 = arith.constant 128 : index
            %get3A_443 = tpu.vector_load %arg5[%get3A_441, %get3A_442] {strides = array<i32>} : memref<128x300xf32, #tpu.memory_space<vmem>>, vector<16xf32>,
            %add3A_444 = arith.addf %while3A_398, %get3A_443 : vector<16xf32>
            %get3A_445 = arith.index_cast %while3A_389 : i32 to index
            %get3A_446 = arith.constant 144 : index
            %get3A_447 = tpu.vector_load %arg5[%get3A_445, %get3A_446] {strides = array<i32>} : memref<128x300xf32, #tpu.memory_space<vmem>>, vector<16xf32>,
            %add3A_448 = arith.addf %while3A_399, %get3A_447 : vector<16xf32>
            %get3A_449 = arith.index_cast %while3A_389 : i32 to index
            %get3A_450 = arith.constant 160 : index
            %get3A_451 = tpu.vector_load %arg5[%get3A_449, %get3A_450] {strides = array<i32>} : memref<128x300xf32, #tpu.memory_space<vmem>>, vector<16xf32>,
            %add3A_452 = arith.addf %while3A_400, %get3A_451 : vector<16xf32>
            %get3A_453 = arith.index_cast %while3A_389 : i32 to index
            %get3A_454 = arith.constant 176 : index
            %get3A_455 = tpu.vector_load %arg5[%get3A_453, %get3A_454] {strides = array<i32>} : memref<128x300xf32, #tpu.memory_space<vmem>>, vector<16xf32>,
            %add3A_456 = arith.addf %while3A_401, %get3A_455 : vector<16xf32>
            %get3A_457 = arith.index_cast %while3A_389 : i32 to index
            %get3A_458 = arith.constant 192 : index
            %get3A_459 = tpu.vector_load %arg5[%get3A_457, %get3A_458] {strides = array<i32>} : memref<128x300xf32, #tpu.memory_space<vmem>>, vector<16xf32>,
            %add3A_460 = arith.addf %while3A_402, %get3A_459 : vector<16xf32>
            %get3A_461 = arith.index_cast %while3A_389 : i32 to index
            %get3A_462 = arith.constant 208 : index
            %get3A_463 = tpu.vector_load %arg5[%get3A_461, %get3A_462] {strides = array<i32>} : memref<128x300xf32, #tpu.memory_space<vmem>>, vector<16xf32>,
            %add3A_464 = arith.addf %while3A_403, %get3A_463 : vector<16xf32>
            %get3A_465 = arith.index_cast %while3A_389 : i32 to index
            %get3A_466 = arith.constant 224 : index
            %get3A_467 = tpu.vector_load %arg5[%get3A_465, %get3A_466] {strides = array<i32>} : memref<128x300xf32, #tpu.memory_space<vmem>>, vector<16xf32>,
            %add3A_468 = arith.addf %while3A_404, %get3A_467 : vector<16xf32>
            %get3A_469 = arith.index_cast %while3A_389 : i32 to index
            %get3A_470 = arith.constant 240 : index
            %get3A_471 = tpu.vector_load %arg5[%get3A_469, %get3A_470] {strides = array<i32>} : memref<128x300xf32, #tpu.memory_space<vmem>>, vector<16xf32>,
            %add3A_472 = arith.addf %while3A_405, %get3A_471 : vector<16xf32>
            %get3A_473 = arith.index_cast %while3A_389 : i32 to index
            %get3A_474 = arith.constant 256 : index
            %get3A_475 = tpu.vector_load %arg5[%get3A_473, %get3A_474] {strides = array<i32>} : memref<128x300xf32, #tpu.memory_space<vmem>>, vector<16xf32>,
            %add3A_476 = arith.addf %while3A_406, %get3A_475 : vector<16xf32>
            %get3A_477 = arith.index_cast %while3A_389 : i32 to index
            %get3A_478 = arith.constant 272 : index
            %get3A_479 = tpu.vector_load %arg5[%get3A_477, %get3A_478] {strides = array<i32>} : memref<128x300xf32, #tpu.memory_space<vmem>>, vector<16xf32>,
            %add3A_480 = arith.addf %while3A_407, %get3A_479 : vector<16xf32>
            %get3A_481 = arith.index_cast %while3A_389 : i32 to index
            %get3A_482 = arith.constant 284 : index
            %get3A_483 = tpu.vector_load %arg5[%get3A_481, %get3A_482] {strides = array<i32>} : memref<128x300xf32, #tpu.memory_space<vmem>>, vector<16xf32>,
            %ge3A = arith.constant 4 : i32
            %ge3A_484 = vector.broadcast %ge3A : i32 to vector<16xi32>
            %ge3A_485 = arith.cmpi sge, %iota3A, %ge3A_484 : vector<16xi32>
            %jit3A_486 = arith.constant 0.000000e+00 : f32
            %broadcast_in_dim3A_487 = vector.broadcast %jit3A_486 : f32 to vector<16xf32>
            %select_n3A_488 = arith.select %ge3A_485, %get3A_483, %broadcast_in_dim3A_487 : vector<16xi1>, vector<16xf32>
            %add3A_489 = arith.addf %while3A_408, %select_n3A_488 : vector<16xf32>
            scf.yield %add3A_412, %add3A_416, %add3A_420, %add3A_424, %add3A_428, %add3A_432, %add3A_436, %add3A_440, %add3A_444, %add3A_448, %add3A_452, %add3A_456, %add3A_460, %add3A_464, %add3A_468, %add3A_472, %add3A_476, %add3A_480, %add3A_489 : vector<16xf32>, vector<16xf32>, vector<16xf32>, vector<16xf32>, vector<16xf32>, vector<16xf32>, vector<16xf32>, vector<16xf32>, vector<16xf32>, vector<16xf32>, vector<16xf32>, vector<16xf32>, vector<16xf32>, vector<16xf32>, vector<16xf32>, vector<16xf32>, vector<16xf32>, vector<16xf32>, vector<16xf32>
          }
          scf.yield %while3A_388#0, %while3A_388#1, %while3A_388#2, %while3A_388#3, %while3A_388#4, %while3A_388#5, %while3A_388#6, %while3A_388#7, %while3A_388#8, %while3A_388#9, %while3A_388#10, %while3A_388#11, %while3A_388#12, %while3A_388#13, %while3A_388#14, %while3A_388#15, %while3A_388#16, %while3A_388#17, %while3A_388#18 : vector<16xf32>, vector<16xf32>, vector<16xf32>, vector<16xf32>, vector<16xf32>, vector<16xf32>, vector<16xf32>, vector<16xf32>, vector<16xf32>, vector<16xf32>, vector<16xf32>, vector<16xf32>, vector<16xf32>, vector<16xf32>, vector<16xf32>, vector<16xf32>, vector<16xf32>, vector<16xf32>, vector<16xf32>
        }
        scf.yield %while3A_346#0, %while3A_346#1, %while3A_346#2, %while3A_346#3, %while3A_346#4, %while3A_346#5, %while3A_346#6, %while3A_346#7, %while3A_346#8, %while3A_346#9, %while3A_346#10, %while3A_346#11, %while3A_346#12, %while3A_346#13, %while3A_346#14, %while3A_346#15, %while3A_346#16, %while3A_346#17, %while3A_346#18 : vector<16xf32>, vector<16xf32>, vector<16xf32>, vector<16xf32>, vector<16xf32>, vector<16xf32>, vector<16xf32>, vector<16xf32>, vector<16xf32>, vector<16xf32>, vector<16xf32>, vector<16xf32>, vector<16xf32>, vector<16xf32>, vector<16xf32>, vector<16xf32>, vector<16xf32>, vector<16xf32>, vector<16xf32>
      } else {
        scf.yield %broadcast_in_dim3A_1, %broadcast_in_dim3A_1, %broadcast_in_dim3A_1, %broadcast_in_dim3A_1, %broadcast_in_dim3A_1, %broadcast_in_dim3A_1, %broadcast_in_dim3A_1, %broadcast_in_dim3A_1, %broadcast_in_dim3A_1, %broadcast_in_dim3A_1, %broadcast_in_dim3A_1, %broadcast_in_dim3A_1, %broadcast_in_dim3A_1, %broadcast_in_dim3A_1, %broadcast_in_dim3A_1, %broadcast_in_dim3A_1, %broadcast_in_dim3A_1, %broadcast_in_dim3A_1, %broadcast_in_dim3A_1 : vector<16xf32>, vector<16xf32>, vector<16xf32>, vector<16xf32>, vector<16xf32>, vector<16xf32>, vector<16xf32>, vector<16xf32>, vector<16xf32>, vector<16xf32>, vector<16xf32>, vector<16xf32>, vector<16xf32>, vector<16xf32>, vector<16xf32>, vector<16xf32>, vector<16xf32>, vector<16xf32>, vector<16xf32>
      }
      %swap3A_180 = arith.index_cast %scan3A_161 : i32 to index
      %swap3A_181 = arith.constant 0 : index
      %swap3A_182 = tpu.vector_load %arg7[%swap3A_180, %swap3A_181] {strides = array<i32>} : memref<16x304xf32, #tpu.memory_space<vmem>>, vector<16xf32>,
      tpu.vector_store %arg7[%swap3A_180, %swap3A_181], %cond3A_179#0 {strides = array<i32>} : memref<16x304xf32, #tpu.memory_space<vmem>>, vector<16xf32>,
      %swap3A_183 = arith.index_cast %scan3A_161 : i32 to index
      %swap3A_184 = arith.constant 16 : index
      %swap3A_185 = tpu.vector_load %arg7[%swap3A_183, %swap3A_184] {strides = array<i32>} : memref<16x304xf32, #tpu.memory_space<vmem>>, vector<16xf32>,
      tpu.vector_store %arg7[%swap3A_183, %swap3A_184], %cond3A_179#1 {strides = array<i32>} : memref<16x304xf32, #tpu.memory_space<vmem>>, vector<16xf32>,
      %swap3A_186 = arith.index_cast %scan3A_161 : i32 to index
      %swap3A_187 = arith.constant 32 : index
      %swap3A_188 = tpu.vector_load %arg7[%swap3A_186, %swap3A_187] {strides = array<i32>} : memref<16x304xf32, #tpu.memory_space<vmem>>, vector<16xf32>,
      tpu.vector_store %arg7[%swap3A_186, %swap3A_187], %cond3A_179#2 {strides = array<i32>} : memref<16x304xf32, #tpu.memory_space<vmem>>, vector<16xf32>,
      %swap3A_189 = arith.index_cast %scan3A_161 : i32 to index
      %swap3A_190 = arith.constant 48 : index
      %swap3A_191 = tpu.vector_load %arg7[%swap3A_189, %swap3A_190] {strides = array<i32>} : memref<16x304xf32, #tpu.memory_space<vmem>>, vector<16xf32>,
      tpu.vector_store %arg7[%swap3A_189, %swap3A_190], %cond3A_179#3 {strides = array<i32>} : memref<16x304xf32, #tpu.memory_space<vmem>>, vector<16xf32>,
      %swap3A_192 = arith.index_cast %scan3A_161 : i32 to index
      %swap3A_193 = arith.constant 64 : index
      %swap3A_194 = tpu.vector_load %arg7[%swap3A_192, %swap3A_193] {strides = array<i32>} : memref<16x304xf32, #tpu.memory_space<vmem>>, vector<16xf32>,
      tpu.vector_store %arg7[%swap3A_192, %swap3A_193], %cond3A_179#4 {strides = array<i32>} : memref<16x304xf32, #tpu.memory_space<vmem>>, vector<16xf32>,
      %swap3A_195 = arith.index_cast %scan3A_161 : i32 to index
      %swap3A_196 = arith.constant 80 : index
      %swap3A_197 = tpu.vector_load %arg7[%swap3A_195, %swap3A_196] {strides = array<i32>} : memref<16x304xf32, #tpu.memory_space<vmem>>, vector<16xf32>,
      tpu.vector_store %arg7[%swap3A_195, %swap3A_196], %cond3A_179#5 {strides = array<i32>} : memref<16x304xf32, #tpu.memory_space<vmem>>, vector<16xf32>,
      %swap3A_198 = arith.index_cast %scan3A_161 : i32 to index
      %swap3A_199 = arith.constant 96 : index
      %swap3A_200 = tpu.vector_load %arg7[%swap3A_198, %swap3A_199] {strides = array<i32>} : memref<16x304xf32, #tpu.memory_space<vmem>>, vector<16xf32>,
      tpu.vector_store %arg7[%swap3A_198, %swap3A_199], %cond3A_179#6 {strides = array<i32>} : memref<16x304xf32, #tpu.memory_space<vmem>>, vector<16xf32>,
      %swap3A_201 = arith.index_cast %scan3A_161 : i32 to index
      %swap3A_202 = arith.constant 112 : index
      %swap3A_203 = tpu.vector_load %arg7[%swap3A_201, %swap3A_202] {strides = array<i32>} : memref<16x304xf32, #tpu.memory_space<vmem>>, vector<16xf32>,
      tpu.vector_store %arg7[%swap3A_201, %swap3A_202], %cond3A_179#7 {strides = array<i32>} : memref<16x304xf32, #tpu.memory_space<vmem>>, vector<16xf32>,
      %swap3A_204 = arith.index_cast %scan3A_161 : i32 to index
      %swap3A_205 = arith.constant 128 : index
      %swap3A_206 = tpu.vector_load %arg7[%swap3A_204, %swap3A_205] {strides = array<i32>} : memref<16x304xf32, #tpu.memory_space<vmem>>, vector<16xf32>,
      tpu.vector_store %arg7[%swap3A_204, %swap3A_205], %cond3A_179#8 {strides = array<i32>} : memref<16x304xf32, #tpu.memory_space<vmem>>, vector<16xf32>,
      %swap3A_207 = arith.index_cast %scan3A_161 : i32 to index
      %swap3A_208 = arith.constant 144 : index
      %swap3A_209 = tpu.vector_load %arg7[%swap3A_207, %swap3A_208] {strides = array<i32>} : memref<16x304xf32, #tpu.memory_space<vmem>>, vector<16xf32>,
      tpu.vector_store %arg7[%swap3A_207, %swap3A_208], %cond3A_179#9 {strides = array<i32>} : memref<16x304xf32, #tpu.memory_space<vmem>>, vector<16xf32>,
      %swap3A_210 = arith.index_cast %scan3A_161 : i32 to index
      %swap3A_211 = arith.constant 160 : index
      %swap3A_212 = tpu.vector_load %arg7[%swap3A_210, %swap3A_211] {strides = array<i32>} : memref<16x304xf32, #tpu.memory_space<vmem>>, vector<16xf32>,
      tpu.vector_store %arg7[%swap3A_210, %swap3A_211], %cond3A_179#10 {strides = array<i32>} : memref<16x304xf32, #tpu.memory_space<vmem>>, vector<16xf32>,
      %swap3A_213 = arith.index_cast %scan3A_161 : i32 to index
      %swap3A_214 = arith.constant 176 : index
      %swap3A_215 = tpu.vector_load %arg7[%swap3A_213, %swap3A_214] {strides = array<i32>} : memref<16x304xf32, #tpu.memory_space<vmem>>, vector<16xf32>,
      tpu.vector_store %arg7[%swap3A_213, %swap3A_214], %cond3A_179#11 {strides = array<i32>} : memref<16x304xf32, #tpu.memory_space<vmem>>, vector<16xf32>,
      %swap3A_216 = arith.index_cast %scan3A_161 : i32 to index
      %swap3A_217 = arith.constant 192 : index
      %swap3A_218 = tpu.vector_load %arg7[%swap3A_216, %swap3A_217] {strides = array<i32>} : memref<16x304xf32, #tpu.memory_space<vmem>>, vector<16xf32>,
      tpu.vector_store %arg7[%swap3A_216, %swap3A_217], %cond3A_179#12 {strides = array<i32>} : memref<16x304xf32, #tpu.memory_space<vmem>>, vector<16xf32>,
      %swap3A_219 = arith.index_cast %scan3A_161 : i32 to index
      %swap3A_220 = arith.constant 208 : index
      %swap3A_221 = tpu.vector_load %arg7[%swap3A_219, %swap3A_220] {strides = array<i32>} : memref<16x304xf32, #tpu.memory_space<vmem>>, vector<16xf32>,
      tpu.vector_store %arg7[%swap3A_219, %swap3A_220], %cond3A_179#13 {strides = array<i32>} : memref<16x304xf32, #tpu.memory_space<vmem>>, vector<16xf32>,
      %swap3A_222 = arith.index_cast %scan3A_161 : i32 to index
      %swap3A_223 = arith.constant 224 : index
      %swap3A_224 = tpu.vector_load %arg7[%swap3A_222, %swap3A_223] {strides = array<i32>} : memref<16x304xf32, #tpu.memory_space<vmem>>, vector<16xf32>,
      tpu.vector_store %arg7[%swap3A_222, %swap3A_223], %cond3A_179#14 {strides = array<i32>} : memref<16x304xf32, #tpu.memory_space<vmem>>, vector<16xf32>,
      %swap3A_225 = arith.index_cast %scan3A_161 : i32 to index
      %swap3A_226 = arith.constant 240 : index
      %swap3A_227 = tpu.vector_load %arg7[%swap3A_225, %swap3A_226] {strides = array<i32>} : memref<16x304xf32, #tpu.memory_space<vmem>>, vector<16xf32>,
      tpu.vector_store %arg7[%swap3A_225, %swap3A_226], %cond3A_179#15 {strides = array<i32>} : memref<16x304xf32, #tpu.memory_space<vmem>>, vector<16xf32>,
      %swap3A_228 = arith.index_cast %scan3A_161 : i32 to index
      %swap3A_229 = arith.constant 256 : index
      %swap3A_230 = tpu.vector_load %arg7[%swap3A_228, %swap3A_229] {strides = array<i32>} : memref<16x304xf32, #tpu.memory_space<vmem>>, vector<16xf32>,
      tpu.vector_store %arg7[%swap3A_228, %swap3A_229], %cond3A_179#16 {strides = array<i32>} : memref<16x304xf32, #tpu.memory_space<vmem>>, vector<16xf32>,
      %swap3A_231 = arith.index_cast %scan3A_161 : i32 to index
      %swap3A_232 = arith.constant 272 : index
      %swap3A_233 = tpu.vector_load %arg7[%swap3A_231, %swap3A_232] {strides = array<i32>} : memref<16x304xf32, #tpu.memory_space<vmem>>, vector<16xf32>,
      tpu.vector_store %arg7[%swap3A_231, %swap3A_232], %cond3A_179#17 {strides = array<i32>} : memref<16x304xf32, #tpu.memory_space<vmem>>, vector<16xf32>,
      %swap3A_234 = arith.index_cast %scan3A_161 : i32 to index
      %swap3A_235 = arith.constant 288 : index
      %swap3A_236 = tpu.vector_load %arg7[%swap3A_234, %swap3A_235] {strides = array<i32>} : memref<16x304xf32, #tpu.memory_space<vmem>>, vector<16xf32>,
      tpu.vector_store %arg7[%swap3A_234, %swap3A_235], %cond3A_179#18 {strides = array<i32>} : memref<16x304xf32, #tpu.memory_space<vmem>>, vector<16xf32>,
      %add3A_237 = arith.addi %scan3A_162, %squeeze3A_166 : i32
      scf.yield %add3A_237 : i32
    }
    %scan3A_160 = arith.constant 16 : i32
    "tpu.region"() ({
      %run_scoped3A = tpu.sem_alloc : memref<!tpu.dma_semaphore, #tpu.memory_space<semaphore_mem>>
      %dma_start3A = arith.constant 0 : i32
      %dma_start3A_161 = arith.constant 0 : i32
      %dma_start3A_162 = tpu.memref_slice %arg4[%add3A, %dma_start3A, %dma_start3A_161] : memref<32x16x304xf32, #tpu.memory_space<hbm>> -> memref<1x16x304xf32, #tpu.memory_space<hbm>>
      %dma_start3A_163 = tpu.memref_squeeze %dma_start3A_162 : memref<1x16x304xf32, #tpu.memory_space<hbm>> -> memref<16x304xf32, #tpu.memory_space<hbm>>
      %dma_start3A_164 = arith.constant 0 : i32
      %dma_start3A_165 = arith.constant 0 : i32
      %dma_start3A_166 = tpu.memref_slice %arg4[%add3A, %dma_start3A_164, %dma_start3A_165] : memref<32x16x304xf32, #tpu.memory_space<hbm>> -> memref<1x16x304xf32, #tpu.memory_space<hbm>>
      %dma_start3A_167 = tpu.memref_squeeze %dma_start3A_166 : memref<1x16x304xf32, #tpu.memory_space<hbm>> -> memref<16x304xf32, #tpu.memory_space<hbm>>
      tpu.enqueue_dma source(%arg7 : memref<16x304xf32, #tpu.memory_space<vmem>>) target(%dma_start3A_167 : memref<16x304xf32, #tpu.memory_space<hbm>>) target_semaphore(%run_scoped3A : memref<!tpu.dma_semaphore, #tpu.memory_space<semaphore_mem>>)
      %dma_wait3A = arith.constant 0 : i32
      %dma_wait3A_168 = arith.constant 0 : i32
      %dma_wait3A_169 = tpu.memref_slice %arg4[%add3A, %dma_wait3A, %dma_wait3A_168] : memref<32x16x304xf32, #tpu.memory_space<hbm>> -> memref<1x16x304xf32, #tpu.memory_space<hbm>>
      %dma_wait3A_170 = tpu.memref_squeeze %dma_wait3A_169 : memref<1x16x304xf32, #tpu.memory_space<hbm>> -> memref<16x304xf32, #tpu.memory_space<hbm>>
      %dma_wait3A_171 = arith.constant 0 : i32
      %dma_wait3A_172 = arith.constant 0 : i32
      %dma_wait3A_173 = tpu.memref_slice %arg4[%add3A, %dma_wait3A_171, %dma_wait3A_172] : memref<32x16x304xf32, #tpu.memory_space<hbm>> -> memref<1x16x304xf32, #tpu.memory_space<hbm>>
      %dma_wait3A_174 = tpu.memref_squeeze %dma_wait3A_173 : memref<1x16x304xf32, #tpu.memory_space<hbm>> -> memref<16x304xf32, #tpu.memory_space<hbm>>
      tpu.wait_dma2 semaphore(%run_scoped3A : memref<!tpu.dma_semaphore, #tpu.memory_space<semaphore_mem>>) src(%arg7 : memref<16x304xf32, #tpu.memory_space<vmem>>) dst(%dma_wait3A_174 : memref<16x304xf32, #tpu.memory_space<hbm>>)
      tpu.yield
    }) : () -> ()
    return
  }
}

module attributes {stable_mosaic.version = 14 : i64} {
  func.func @_combine_body(%arg0: memref<32x16x304xf32, #tpu.memory_space<vmem>>, %arg1: memref<16x1xf32, #tpu.memory_space<vmem>>, %arg2: memref<16x304xf32, #tpu.memory_space<vmem>>) attributes {dimension_semantics = [], scalar_prefetch = 0 : i64, scratch_operands = 0 : i64, tpu.core_type = #tpu.core_type<tc>} {
    %get3A = arith.constant 0 : index
    %get3A_0 = arith.constant 0 : index
    %get3A_1 = arith.constant 0 : index
    %get3A_2 = vector.load %arg0[%get3A, %get3A_0, %get3A_1] : memref<32x16x304xf32, #tpu.memory_space<vmem>>, vector<1x16x304xf32>
    %get3A_3 = vector.shape_cast %get3A_2 : vector<1x16x304xf32> to vector<16x304xf32>
    %get3A_4 = arith.constant 1 : index
    %get3A_5 = arith.constant 0 : index
    %get3A_6 = arith.constant 0 : index
    %get3A_7 = vector.load %arg0[%get3A_4, %get3A_5, %get3A_6] : memref<32x16x304xf32, #tpu.memory_space<vmem>>, vector<1x16x304xf32>
    %get3A_8 = vector.shape_cast %get3A_7 : vector<1x16x304xf32> to vector<16x304xf32>
    %add3A = arith.addf %get3A_3, %get3A_8 : vector<16x304xf32>
    %get3A_9 = arith.constant 2 : index
    %get3A_10 = arith.constant 0 : index
    %get3A_11 = arith.constant 0 : index
    %get3A_12 = vector.load %arg0[%get3A_9, %get3A_10, %get3A_11] : memref<32x16x304xf32, #tpu.memory_space<vmem>>, vector<1x16x304xf32>
    %get3A_13 = vector.shape_cast %get3A_12 : vector<1x16x304xf32> to vector<16x304xf32>
    %add3A_14 = arith.addf %add3A, %get3A_13 : vector<16x304xf32>
    %get3A_15 = arith.constant 3 : index
    %get3A_16 = arith.constant 0 : index
    %get3A_17 = arith.constant 0 : index
    %get3A_18 = vector.load %arg0[%get3A_15, %get3A_16, %get3A_17] : memref<32x16x304xf32, #tpu.memory_space<vmem>>, vector<1x16x304xf32>
    %get3A_19 = vector.shape_cast %get3A_18 : vector<1x16x304xf32> to vector<16x304xf32>
    %add3A_20 = arith.addf %add3A_14, %get3A_19 : vector<16x304xf32>
    %get3A_21 = arith.constant 4 : index
    %get3A_22 = arith.constant 0 : index
    %get3A_23 = arith.constant 0 : index
    %get3A_24 = vector.load %arg0[%get3A_21, %get3A_22, %get3A_23] : memref<32x16x304xf32, #tpu.memory_space<vmem>>, vector<1x16x304xf32>
    %get3A_25 = vector.shape_cast %get3A_24 : vector<1x16x304xf32> to vector<16x304xf32>
    %add3A_26 = arith.addf %add3A_20, %get3A_25 : vector<16x304xf32>
    %get3A_27 = arith.constant 5 : index
    %get3A_28 = arith.constant 0 : index
    %get3A_29 = arith.constant 0 : index
    %get3A_30 = vector.load %arg0[%get3A_27, %get3A_28, %get3A_29] : memref<32x16x304xf32, #tpu.memory_space<vmem>>, vector<1x16x304xf32>
    %get3A_31 = vector.shape_cast %get3A_30 : vector<1x16x304xf32> to vector<16x304xf32>
    %add3A_32 = arith.addf %add3A_26, %get3A_31 : vector<16x304xf32>
    %get3A_33 = arith.constant 6 : index
    %get3A_34 = arith.constant 0 : index
    %get3A_35 = arith.constant 0 : index
    %get3A_36 = vector.load %arg0[%get3A_33, %get3A_34, %get3A_35] : memref<32x16x304xf32, #tpu.memory_space<vmem>>, vector<1x16x304xf32>
    %get3A_37 = vector.shape_cast %get3A_36 : vector<1x16x304xf32> to vector<16x304xf32>
    %add3A_38 = arith.addf %add3A_32, %get3A_37 : vector<16x304xf32>
    %get3A_39 = arith.constant 7 : index
    %get3A_40 = arith.constant 0 : index
    %get3A_41 = arith.constant 0 : index
    %get3A_42 = vector.load %arg0[%get3A_39, %get3A_40, %get3A_41] : memref<32x16x304xf32, #tpu.memory_space<vmem>>, vector<1x16x304xf32>
    %get3A_43 = vector.shape_cast %get3A_42 : vector<1x16x304xf32> to vector<16x304xf32>
    %add3A_44 = arith.addf %add3A_38, %get3A_43 : vector<16x304xf32>
    %get3A_45 = arith.constant 8 : index
    %get3A_46 = arith.constant 0 : index
    %get3A_47 = arith.constant 0 : index
    %get3A_48 = vector.load %arg0[%get3A_45, %get3A_46, %get3A_47] : memref<32x16x304xf32, #tpu.memory_space<vmem>>, vector<1x16x304xf32>
    %get3A_49 = vector.shape_cast %get3A_48 : vector<1x16x304xf32> to vector<16x304xf32>
    %add3A_50 = arith.addf %add3A_44, %get3A_49 : vector<16x304xf32>
    %get3A_51 = arith.constant 9 : index
    %get3A_52 = arith.constant 0 : index
    %get3A_53 = arith.constant 0 : index
    %get3A_54 = vector.load %arg0[%get3A_51, %get3A_52, %get3A_53] : memref<32x16x304xf32, #tpu.memory_space<vmem>>, vector<1x16x304xf32>
    %get3A_55 = vector.shape_cast %get3A_54 : vector<1x16x304xf32> to vector<16x304xf32>
    %add3A_56 = arith.addf %add3A_50, %get3A_55 : vector<16x304xf32>
    %get3A_57 = arith.constant 10 : index
    %get3A_58 = arith.constant 0 : index
    %get3A_59 = arith.constant 0 : index
    %get3A_60 = vector.load %arg0[%get3A_57, %get3A_58, %get3A_59] : memref<32x16x304xf32, #tpu.memory_space<vmem>>, vector<1x16x304xf32>
    %get3A_61 = vector.shape_cast %get3A_60 : vector<1x16x304xf32> to vector<16x304xf32>
    %add3A_62 = arith.addf %add3A_56, %get3A_61 : vector<16x304xf32>
    %get3A_63 = arith.constant 11 : index
    %get3A_64 = arith.constant 0 : index
    %get3A_65 = arith.constant 0 : index
    %get3A_66 = vector.load %arg0[%get3A_63, %get3A_64, %get3A_65] : memref<32x16x304xf32, #tpu.memory_space<vmem>>, vector<1x16x304xf32>
    %get3A_67 = vector.shape_cast %get3A_66 : vector<1x16x304xf32> to vector<16x304xf32>
    %add3A_68 = arith.addf %add3A_62, %get3A_67 : vector<16x304xf32>
    %get3A_69 = arith.constant 12 : index
    %get3A_70 = arith.constant 0 : index
    %get3A_71 = arith.constant 0 : index
    %get3A_72 = vector.load %arg0[%get3A_69, %get3A_70, %get3A_71] : memref<32x16x304xf32, #tpu.memory_space<vmem>>, vector<1x16x304xf32>
    %get3A_73 = vector.shape_cast %get3A_72 : vector<1x16x304xf32> to vector<16x304xf32>
    %add3A_74 = arith.addf %add3A_68, %get3A_73 : vector<16x304xf32>
    %get3A_75 = arith.constant 13 : index
    %get3A_76 = arith.constant 0 : index
    %get3A_77 = arith.constant 0 : index
    %get3A_78 = vector.load %arg0[%get3A_75, %get3A_76, %get3A_77] : memref<32x16x304xf32, #tpu.memory_space<vmem>>, vector<1x16x304xf32>
    %get3A_79 = vector.shape_cast %get3A_78 : vector<1x16x304xf32> to vector<16x304xf32>
    %add3A_80 = arith.addf %add3A_74, %get3A_79 : vector<16x304xf32>
    %get3A_81 = arith.constant 14 : index
    %get3A_82 = arith.constant 0 : index
    %get3A_83 = arith.constant 0 : index
    %get3A_84 = vector.load %arg0[%get3A_81, %get3A_82, %get3A_83] : memref<32x16x304xf32, #tpu.memory_space<vmem>>, vector<1x16x304xf32>
    %get3A_85 = vector.shape_cast %get3A_84 : vector<1x16x304xf32> to vector<16x304xf32>
    %add3A_86 = arith.addf %add3A_80, %get3A_85 : vector<16x304xf32>
    %get3A_87 = arith.constant 15 : index
    %get3A_88 = arith.constant 0 : index
    %get3A_89 = arith.constant 0 : index
    %get3A_90 = vector.load %arg0[%get3A_87, %get3A_88, %get3A_89] : memref<32x16x304xf32, #tpu.memory_space<vmem>>, vector<1x16x304xf32>
    %get3A_91 = vector.shape_cast %get3A_90 : vector<1x16x304xf32> to vector<16x304xf32>
    %add3A_92 = arith.addf %add3A_86, %get3A_91 : vector<16x304xf32>
    %get3A_93 = arith.constant 16 : index
    %get3A_94 = arith.constant 0 : index
    %get3A_95 = arith.constant 0 : index
    %get3A_96 = vector.load %arg0[%get3A_93, %get3A_94, %get3A_95] : memref<32x16x304xf32, #tpu.memory_space<vmem>>, vector<1x16x304xf32>
    %get3A_97 = vector.shape_cast %get3A_96 : vector<1x16x304xf32> to vector<16x304xf32>
    %add3A_98 = arith.addf %add3A_92, %get3A_97 : vector<16x304xf32>
    %get3A_99 = arith.constant 17 : index
    %get3A_100 = arith.constant 0 : index
    %get3A_101 = arith.constant 0 : index
    %get3A_102 = vector.load %arg0[%get3A_99, %get3A_100, %get3A_101] : memref<32x16x304xf32, #tpu.memory_space<vmem>>, vector<1x16x304xf32>
    %get3A_103 = vector.shape_cast %get3A_102 : vector<1x16x304xf32> to vector<16x304xf32>
    %add3A_104 = arith.addf %add3A_98, %get3A_103 : vector<16x304xf32>
    %get3A_105 = arith.constant 18 : index
    %get3A_106 = arith.constant 0 : index
    %get3A_107 = arith.constant 0 : index
    %get3A_108 = vector.load %arg0[%get3A_105, %get3A_106, %get3A_107] : memref<32x16x304xf32, #tpu.memory_space<vmem>>, vector<1x16x304xf32>
    %get3A_109 = vector.shape_cast %get3A_108 : vector<1x16x304xf32> to vector<16x304xf32>
    %add3A_110 = arith.addf %add3A_104, %get3A_109 : vector<16x304xf32>
    %get3A_111 = arith.constant 19 : index
    %get3A_112 = arith.constant 0 : index
    %get3A_113 = arith.constant 0 : index
    %get3A_114 = vector.load %arg0[%get3A_111, %get3A_112, %get3A_113] : memref<32x16x304xf32, #tpu.memory_space<vmem>>, vector<1x16x304xf32>
    %get3A_115 = vector.shape_cast %get3A_114 : vector<1x16x304xf32> to vector<16x304xf32>
    %add3A_116 = arith.addf %add3A_110, %get3A_115 : vector<16x304xf32>
    %get3A_117 = arith.constant 20 : index
    %get3A_118 = arith.constant 0 : index
    %get3A_119 = arith.constant 0 : index
    %get3A_120 = vector.load %arg0[%get3A_117, %get3A_118, %get3A_119] : memref<32x16x304xf32, #tpu.memory_space<vmem>>, vector<1x16x304xf32>
    %get3A_121 = vector.shape_cast %get3A_120 : vector<1x16x304xf32> to vector<16x304xf32>
    %add3A_122 = arith.addf %add3A_116, %get3A_121 : vector<16x304xf32>
    %get3A_123 = arith.constant 21 : index
    %get3A_124 = arith.constant 0 : index
    %get3A_125 = arith.constant 0 : index
    %get3A_126 = vector.load %arg0[%get3A_123, %get3A_124, %get3A_125] : memref<32x16x304xf32, #tpu.memory_space<vmem>>, vector<1x16x304xf32>
    %get3A_127 = vector.shape_cast %get3A_126 : vector<1x16x304xf32> to vector<16x304xf32>
    %add3A_128 = arith.addf %add3A_122, %get3A_127 : vector<16x304xf32>
    %get3A_129 = arith.constant 22 : index
    %get3A_130 = arith.constant 0 : index
    %get3A_131 = arith.constant 0 : index
    %get3A_132 = vector.load %arg0[%get3A_129, %get3A_130, %get3A_131] : memref<32x16x304xf32, #tpu.memory_space<vmem>>, vector<1x16x304xf32>
    %get3A_133 = vector.shape_cast %get3A_132 : vector<1x16x304xf32> to vector<16x304xf32>
    %add3A_134 = arith.addf %add3A_128, %get3A_133 : vector<16x304xf32>
    %get3A_135 = arith.constant 23 : index
    %get3A_136 = arith.constant 0 : index
    %get3A_137 = arith.constant 0 : index
    %get3A_138 = vector.load %arg0[%get3A_135, %get3A_136, %get3A_137] : memref<32x16x304xf32, #tpu.memory_space<vmem>>, vector<1x16x304xf32>
    %get3A_139 = vector.shape_cast %get3A_138 : vector<1x16x304xf32> to vector<16x304xf32>
    %add3A_140 = arith.addf %add3A_134, %get3A_139 : vector<16x304xf32>
    %get3A_141 = arith.constant 24 : index
    %get3A_142 = arith.constant 0 : index
    %get3A_143 = arith.constant 0 : index
    %get3A_144 = vector.load %arg0[%get3A_141, %get3A_142, %get3A_143] : memref<32x16x304xf32, #tpu.memory_space<vmem>>, vector<1x16x304xf32>
    %get3A_145 = vector.shape_cast %get3A_144 : vector<1x16x304xf32> to vector<16x304xf32>
    %add3A_146 = arith.addf %add3A_140, %get3A_145 : vector<16x304xf32>
    %get3A_147 = arith.constant 25 : index
    %get3A_148 = arith.constant 0 : index
    %get3A_149 = arith.constant 0 : index
    %get3A_150 = vector.load %arg0[%get3A_147, %get3A_148, %get3A_149] : memref<32x16x304xf32, #tpu.memory_space<vmem>>, vector<1x16x304xf32>
    %get3A_151 = vector.shape_cast %get3A_150 : vector<1x16x304xf32> to vector<16x304xf32>
    %add3A_152 = arith.addf %add3A_146, %get3A_151 : vector<16x304xf32>
    %get3A_153 = arith.constant 26 : index
    %get3A_154 = arith.constant 0 : index
    %get3A_155 = arith.constant 0 : index
    %get3A_156 = vector.load %arg0[%get3A_153, %get3A_154, %get3A_155] : memref<32x16x304xf32, #tpu.memory_space<vmem>>, vector<1x16x304xf32>
    %get3A_157 = vector.shape_cast %get3A_156 : vector<1x16x304xf32> to vector<16x304xf32>
    %add3A_158 = arith.addf %add3A_152, %get3A_157 : vector<16x304xf32>
    %get3A_159 = arith.constant 27 : index
    %get3A_160 = arith.constant 0 : index
    %get3A_161 = arith.constant 0 : index
    %get3A_162 = vector.load %arg0[%get3A_159, %get3A_160, %get3A_161] : memref<32x16x304xf32, #tpu.memory_space<vmem>>, vector<1x16x304xf32>
    %get3A_163 = vector.shape_cast %get3A_162 : vector<1x16x304xf32> to vector<16x304xf32>
    %add3A_164 = arith.addf %add3A_158, %get3A_163 : vector<16x304xf32>
    %get3A_165 = arith.constant 28 : index
    %get3A_166 = arith.constant 0 : index
    %get3A_167 = arith.constant 0 : index
    %get3A_168 = vector.load %arg0[%get3A_165, %get3A_166, %get3A_167] : memref<32x16x304xf32, #tpu.memory_space<vmem>>, vector<1x16x304xf32>
    %get3A_169 = vector.shape_cast %get3A_168 : vector<1x16x304xf32> to vector<16x304xf32>
    %add3A_170 = arith.addf %add3A_164, %get3A_169 : vector<16x304xf32>
    %get3A_171 = arith.constant 29 : index
    %get3A_172 = arith.constant 0 : index
    %get3A_173 = arith.constant 0 : index
    %get3A_174 = vector.load %arg0[%get3A_171, %get3A_172, %get3A_173] : memref<32x16x304xf32, #tpu.memory_space<vmem>>, vector<1x16x304xf32>
    %get3A_175 = vector.shape_cast %get3A_174 : vector<1x16x304xf32> to vector<16x304xf32>
    %add3A_176 = arith.addf %add3A_170, %get3A_175 : vector<16x304xf32>
    %get3A_177 = arith.constant 30 : index
    %get3A_178 = arith.constant 0 : index
    %get3A_179 = arith.constant 0 : index
    %get3A_180 = vector.load %arg0[%get3A_177, %get3A_178, %get3A_179] : memref<32x16x304xf32, #tpu.memory_space<vmem>>, vector<1x16x304xf32>
    %get3A_181 = vector.shape_cast %get3A_180 : vector<1x16x304xf32> to vector<16x304xf32>
    %add3A_182 = arith.addf %add3A_176, %get3A_181 : vector<16x304xf32>
    %get3A_183 = arith.constant 31 : index
    %get3A_184 = arith.constant 0 : index
    %get3A_185 = arith.constant 0 : index
    %get3A_186 = vector.load %arg0[%get3A_183, %get3A_184, %get3A_185] : memref<32x16x304xf32, #tpu.memory_space<vmem>>, vector<1x16x304xf32>
    %get3A_187 = vector.shape_cast %get3A_186 : vector<1x16x304xf32> to vector<16x304xf32>
    %add3A_188 = arith.addf %add3A_182, %get3A_187 : vector<16x304xf32>
    %slice3A = vector.extract_strided_slice %add3A_188 {offsets = [0, 0], sizes = [16, 288], strides = [1, 1]} : vector<16x304xf32> to vector<16x288xf32>
    %slice3A_189 = vector.extract_strided_slice %add3A_188 {offsets = [0, 292], sizes = [16, 12], strides = [1, 1]} : vector<16x304xf32> to vector<16x12xf32>
    %broadcast_in_dim3A = arith.constant 0.000000e+00 : f32
    %broadcast_in_dim3A_190 = vector.broadcast %broadcast_in_dim3A : f32 to vector<16x4xf32>
    %concatenate3A = tpu.concatenate %slice3A, %slice3A_189, %broadcast_in_dim3A_190 in 1 : vector<16x288xf32>, vector<16x12xf32>, vector<16x4xf32> -> vector<16x304xf32>
    %get3A_191 = arith.constant 0 : index
    %get3A_192 = arith.constant 0 : index
    %get3A_193 = vector.load %arg1[%get3A_191, %get3A_192] : memref<16x1xf32, #tpu.memory_space<vmem>>, vector<16x1xf32>
    %div3A = vector.broadcast %get3A_193 : vector<16x1xf32> to vector<16x304xf32>
    %div3A_194 = arith.divf %concatenate3A, %div3A : vector<16x304xf32>
    %swap3A = arith.constant 0 : index
    %swap3A_195 = arith.constant 0 : index
    %swap3A_196 = vector.load %arg2[%swap3A, %swap3A_195] : memref<16x304xf32, #tpu.memory_space<vmem>>, vector<16x304xf32>
    tpu.vector_store %arg2[%swap3A, %swap3A_195], %div3A_194 {strides = array<i32>} : memref<16x304xf32, #tpu.memory_space<vmem>>, vector<16x304xf32>,
    return
  }
}

</mosaic_0001>

<sc_bundles>
// kernel: kernel.4.cloned.1.call-start
scs
__scs_entry_jumppad:
0x0: {  	(pc) =	sbr.rel $0x88, $3  }
0x1: {  	(tag) =	ssettag $0x0;
	lr =	simm.s32 $0x1  }
0x2: {  	[smem:$0x3F9F] =	sst lr;
	_ =	strace $0xD0000000  }
0x3: {  	_ = 	snop  }
0x4: {  	_ = 	snop  }
0x5: {  	_ = 	snop  }
0x6: {  	_ = 	snop  }
0x7: {  	_ = 	snop  }
__scs_overlays_trampoline_lowered:
0x8: {  	[smem:$0x3FAE] =	sst s0  }
0x9: {  	[smem:$0x3FAF] =	sst s1  }
0xa: {  	[smem:$0x3FB0] =	sst s2  }
0xb: {  	[smem:$0x3FB1] =	sst s3  }
0xc: {  	[smem:$0x3FB2] =	sst s4  }
0xd: {  	[smem:$0x3FB3] =	sst s5  }
0xe: {  	[smem:$0x3FB4] =	sst s6  }
0xf: {  	[smem:$0x3FB5] =	sst s7  }
0x10: {  	[smem:$0x3FB6] =	sst s8  }
0x11: {  	[smem:$0x3FB7] =	sst s9;
	s0 =	simm.s32 @!p0 $0x0  }
0x12: {  	s1 =	sld [smem:$0x3F9D];
	s0 =	simm.s32 @p0 $0x1  }
0x13: {  	[smem:$0x3FB8] =	sst s0;
	s0 =	simm.s32 @!p1 $0x0  }
0x14: {  	s2 =	sld [smem:$0x3F9C];
	s0 =	simm.s32 @p1 $0x1  }
0x15: {  	[smem:$0x3FB9] =	sst s0;
	s0 =	simm.s32 @!p2 $0x0  }
0x16: {  	s3 =	sld [smem:$0x3FDB];
	s0 =	simm.s32 @p2 $0x1  }
0x17: {  	s4 =	simm.s32 $0x1BF5;
	[smem:$0x3FBB] =	sst s0  }
0x18: {  	s0 =	sld [smem:$0x3F9E];
	_ =	swait.ge [sflag:s4], $0x0  }
0x19: {  	s7 =	sld [smem:$0x3F9F]  }
0x1a: {  	s8 =	sadd.s32 $0xFFFFE003, lr  }
0x1b: {  	s9 =	sadd.s32 $0xFFFFFEF7, lr;
	s5 =	simm.s32 $0xFFFFFFFF;
	p2 =	slt.u32 s8, $0xFFFFF086  }
0x1c: {  	p1 =	slt.u32 s9, $0xF7A;
	s5 =	simm.s32 @!p2 $0x0  }
0x1d: {  	s5 =	simm.s32 @p1 $0x1;
	p0 =	seq.s32 s7, s2  }
0x1e: {  	s7 =	smul.u32 @!p0 $0xF7A, s2;
	p2 =	seq.s32 @!p0 s5, $0x0  }
0x1f: {  	s9 =	smul.u32 $0xF7A, s1;
	s8 =	simm.s32 @!p0 $0x1BF5;
	p2 =	por !p2, p0  }
0x20: {  	[sflag:s8] =	ssyncset.s32 @!p0 $0xFFFFF086;
	s6 =	sadd.s32 @!p0 s3, s7;
	s7 =	simm.s32 @!p0 $0x108  }
0x21: {  	s3 =	sadd.s32 s3, s9;
	s6 =	sadd.s32 @!p0 $0x88, s6;
	s7 =	simm.s32 @p2 $0x1082  }
0x22: {  	[simem:s7], [sflag:s8] =	dma.local @!p0 [hbm:s6], $0xF7A  }
0x23: {  	s9 =	sor.u32 $0xD0000000, s2;
	s6 =	simm.s32 $0x108;
	_ =	swait.ge @!p0 [sflag:s8], $0x0  }
0x24: {  	s3 =	sadd.s32 $0x88, s3;
	s6 =	simm.s32 @!p1 $0x1082;
	[sflag:s4] =	ssyncset.s32 $0xFFFFF086  }
0x25: {  	[simem:s6], [sflag:s4] =	dma.local [hbm:s3], $0xF7A  }
0x26: {  	[smem:$0x3F9F] =	sst s1;
	(tag) =	ssettag s2;
	_ =	strace s9  }
0x27: {  	s1 =	sld [smem:$0x3FAF]  }
0x28: {  	s2 =	sld [smem:$0x3FB0]  }
0x29: {  	s4 =	sld [smem:$0x3FB2]  }
0x2a: {  	p0 =	seq.s32 s5, $0x0;
	s5 =	sld [smem:$0x3FB3]  }
0x2b: {  	s6 =	sld [smem:$0x3FB4]  }
0x2c: {  	s7 =	sld [smem:$0x3FB5]  }
0x2d: {  	s3 =	simm.s32 $0x108;
	s8 =	sld [smem:$0x3FB6]  }
0x2e: {  	s3 =	simm.s32 @!p0 $0x1082;
	s9 =	sld [smem:$0x3FB7]  }
0x2f: {  	lr =	sadd.s32 s0, s3;
	s0 =	sld [smem:$0x3FAE]  }
0x30: {  	s3 =	sld [smem:$0x3FB1]  }
0x31: {  	[smem:$0x3FBA] =	sst s10  }
0x32: {  	s10 =	sld [smem:$0x3FB8];
	_ =	sdelay $0x3  }
0x33: {  	p0 =	seq.s32 s10, $0x1;
	s10 =	sld [smem:$0x3FBA];
	_ =	sdelay $0x3  }
0x34: {  	[smem:$0x3FBA] =	sst s10  }
0x35: {  	s10 =	sld [smem:$0x3FB9];
	_ =	sdelay $0x3  }
0x36: {  	p1 =	seq.s32 s10, $0x1;
	s10 =	sld [smem:$0x3FBA];
	_ =	sdelay $0x3  }
0x37: {  	[smem:$0x3FBA] =	sst s10  }
0x38: {  	s10 =	sld [smem:$0x3FBB]  }
0x39: {  	_ = 	snop;
	(pc) =	sbr.ind lr, $3  }
0x3a: {  	_ = 	snop  }
0x3b: {  	_ = 	snop  }
0x3c: {  	p2 =	seq.s32 s10, $0x1;
	s10 =	sld [smem:$0x3FBA]  }
0x3d: {  	_ =	shalt  }
0x3e: {  	_ =	shalt  }
0x3f: {  	_ =	shalt  }
0x40: {  	_ =	shalt  }
0x41: {  	_ =	shalt  }
0x42: {  	_ =	shalt  }
0x43: {  	_ =	shalt  }
0x44: {  	_ =	shalt  }
0x45: {  	_ =	shalt  }
0x46: {  	_ =	shalt  }
0x47: {  	_ =	shalt  }
0x48: {  	_ =	shalt  }
0x49: {  	_ =	shalt  }
0x4a: {  	_ =	shalt  }
0x4b: {  	_ =	shalt  }
0x4c: {  	_ =	shalt  }
0x4d: {  	_ =	shalt  }
0x4e: {  	_ =	shalt  }
0x4f: {  	_ =	shalt  }
0x50: {  	_ =	shalt  }
0x51: {  	_ =	shalt  }
0x52: {  	_ =	shalt  }
0x53: {  	_ =	shalt  }
0x54: {  	_ =	shalt  }
0x55: {  	_ =	shalt  }
0x56: {  	_ =	shalt  }
0x57: {  	_ =	shalt  }
0x58: {  	_ =	shalt  }
0x59: {  	_ =	shalt  }
0x5a: {  	_ =	shalt  }
0x5b: {  	_ =	shalt  }
0x5c: {  	_ =	shalt  }
0x5d: {  	_ =	shalt  }
0x5e: {  	_ =	shalt  }
0x5f: {  	_ =	shalt  }
0x60: {  	_ =	shalt  }
0x61: {  	_ =	shalt  }
0x62: {  	_ =	shalt  }
0x63: {  	_ =	shalt  }
0x64: {  	_ =	shalt  }
0x65: {  	_ =	shalt  }
0x66: {  	_ =	shalt  }
0x67: {  	_ =	shalt  }
0x68: {  	_ =	shalt  }
0x69: {  	_ =	shalt  }
0x6a: {  	_ =	shalt  }
0x6b: {  	_ =	shalt  }
0x6c: {  	_ =	shalt  }
0x6d: {  	_ =	shalt  }
0x6e: {  	_ =	shalt  }
0x6f: {  	_ =	shalt  }
0x70: {  	_ =	shalt  }
0x71: {  	_ =	shalt  }
0x72: {  	_ =	shalt  }
0x73: {  	_ =	shalt  }
0x74: {  	_ =	shalt  }
0x75: {  	_ =	shalt  }
0x76: {  	_ =	shalt  }
0x77: {  	_ =	shalt  }
0x78: {  	_ =	shalt  }
0x79: {  	_ =	shalt  }
0x7a: {  	_ =	shalt  }
0x7b: {  	_ =	shalt  }
0x7c: {  	_ =	shalt  }
0x7d: {  	_ =	shalt  }
0x7e: {  	_ =	shalt  }
0x7f: {  	_ =	shalt  }
0x80: {  	_ =	shalt  }
0x81: {  	_ =	shalt  }
0x82: {  	_ =	shalt  }
0x83: {  	_ =	shalt  }
0x84: {  	_ =	shalt  }
0x85: {  	_ =	shalt  }
0x86: {  	_ =	shalt  }
0x87: {  	_ =	shalt  }
.Lfunc_end0:
.L_simem_size_0:
called_computation_lowered:
.L_overlay_start_0:
0x88: {  	s2 =	sld [smem:$0x3FD9]  }
0x89: {  	s3 =	sld [smem:$0x3FFE];
	_ =	sdelay $0x1  }
0x8a: {  	s1 =	srdreg.scid  }
0x8b: {  	s0 =	sand.u32 $0x1, s1  }
0x8c: {  	s17 =	sshll.u32 s0, $0xA;
	s2 =	sadd.s32 s3, s2  }
0x8d: {  	s2 =	sadd.s32 s2, s17  }
0x8e: {  	[smem:$0x3FC6] =	sst s2  }
0x8f: {  	_ = 	snop  }
0x90: {  	s2 =	sld [smem:$0x3FC8];
	(tm) =	ssettm $0x1  }
0x91: {  	s18 =	sld [smem:$0x3FFB];
	_ =	sdelay $0x3  }
0x92: {  	_ =	strace s18  }
0x93: {  	s3 =	sld [smem:$0x3FFC];
	_ =	sdelay $0x3  }
0x94: {  	_ =	strace s3  }
0x95: {  	s3 =	sld [smem:$0x3FFD];
	_ =	sdelay $0x3  }
0x96: {  	_ =	strace s3  }
0x97: {  	_ =	strace $0x8FFFFFFF  }
0x98: {  	s19 =	sld [smem:$0x3FDB];
	_ =	sdelay $0x1  }
0x99: {  	s4 =	simm.s32 $_scs_section_size  }
0x9a: {  	s5 =	simm.s32 $_size__tile_overlayer_lowered;
	s6 =	simm.s32 $_tile_overlayer_lowered  }
0x9b: {  	s22 =	simm.s32 $0x1BFF;
	s21 =	sshll.u32 s6, $0x1;
	s3 =	sadd.s32 s4, s19  }
0x9c: {  	s7 =	simm.s32 $0x0;
	s20 =	sshll.u32 s5, $0x1;
	s5 =	sadd.s32 s21, s3  }
0x9d: {  	[timem:s7], [sflag:s22] =	dma.local [hbm:s5], s20  }
0x9e: {  	_ =	swait.ge [sflag:s22], s20  }
0x9f: {  	s4 =	ssub.s32 $0x0, s20;
	[sflag:s22] =	ssyncset.done $0x0  }
0xa0: {  	[sflag:s22] =	ssyncadd.s32 s4;
	_ =	sdelay $0x1  }
0xa1: {  	s23 =	simm.s32 $0x1B8B  }
0xa2: {  	_ =	swait.ge [sflag:s23], $0x1  }
0xa3: {  	[sflag:s23] =	ssyncset.done $0x0  }
0xa4: {  	s25 =	simm.s32 $0x1B8E;
	s24 =	sld [smem:$0x3FFE];
	[sflag:s23] =	ssyncadd.s32 $0xFFFFFFFF  }
0xa5: {  	s26 =	simm.s32 $execute0_lowered;
	[smem:$0x3FD2] =	sst s25  }
0xa6: {  	s5 =	sshll.u32 s26, $0x1;
	_ =	strace $0x80000046;
	[dreg:$0x1] =	wrdreg $0xFFFFFFFF  }
0xa7: {  	s28 =	simm.s32 $_size_execute0_lowered;
	s3 =	sadd.s32 s3, s5;
	[dreg:$0x0] =	wrdreg $0x0  }
0xa8: {  	s5 =	sshll.u32 s28, $0x1;
	[dreg:$0x2] =	wrdreg s3  }
0xa9: {  	[dreg:$0x3] =	wrdreg s5  }
0xaa: {  	[dreg:$0x4] =	wrdreg $0xC0  }
0xab: {  	_ =	task [dreg:s7], $0x5FFFF  }
0xac: {  	[dreg:$0x1] =	wrdreg $0xFFFFFFFF  }
0xad: {  	[dreg:$0x0] =	wrdreg $0x60  }
0xae: {  	[dreg:$0x2] =	wrdreg s24  }
0xaf: {  	[dreg:$0x3] =	wrdreg s2  }
0xb0: {  	[dreg:$0x4] =	wrdreg $0x9  }
0xb1: {  	_ =	task.clear_ibuf [dreg:s7], $0x5FFFF;
	_ =	strace $0x90000046  }
0xb2: {  	s29 =	simm.s32 $0x9;
	_ =	strace $0x80000048  }
0xb3: {  	_ =	swait.ge [sflag:s29], $0x1  }
0xb4: {  	[sflag:s29] =	ssyncadd.s32 $0xFFFFFFFF  }
0xb5: {  	_ =	strace $0x90000048  }
0xb6: {  	_ =	sfence  }
0xb7: {  	s30 =	sld [smem:$0x0];
	_ =	sdelay $0x2  }
0xb8: {  	s31 =	sshll.u32 s1, $0xD;
	s1 =	sshrl.u32 s1, $0x2  }
0xb9: {  	s3 =	sand.u32 $0x4000, s31;
	s1 =	sadd.s32 s1, s30  }
0xba: {  	s0 =	sor.u32 s3, s0;
	s1 =	sshll.u32 s1, $0x11  }
0xbb: {  	s0 =	sor.u32 s1, s0  }
0xbc: {  	s0 =	sadd.s32 $0x8F2B, s0  }
0xbd: {  	[sflag:s0] =	ssyncadd.remote.s32 $0x1  }
0xbe: {  	_ =	sfence.sel $0xFFFF  }
0xbf: {  	[dreg:$0x0] =	wrdreg $0xFFFFFFFF;
	(pc) =	sbr.abs _section_cstart, $3  }
0xc0: {  	[dreg:$0x1] =	wrdreg $0xFFFFFFFF  }
0xc1: {  	_ =	task.clear_ibuf [dreg:s7], $0x2FFFF;
	_ =	strace $0x9FFFFFFF  }
0xc2: {  	(tm) =	ssettm $0x7FFFFFFF  }
0xc3: {  	_ =	shalt  }
tec
execute0_lowered:
.L_overlay_start_1:
0x0: {  	(tag) =	ssettag $0x1  }
0x1: {  	s0 =	srdreg.scid  }
0x2: {  	s1 =	rddreg [dreg:$0x0];
	s0 =	sand.u32 $0x1, s0  }
0x3: {  	s3 =	stileid.u32;
	s4 =	simm.s32 $0x0;
	s2 =	sshll.u32 s0, $0x4  }
0x4: {  	s8 =	simm.s32 $0x19800;
	s9 =	simm.s32 $0x3;
	s2 =	sor.u32 s3, s2  }
0x5: {  	s0 =	ssub.s32 $0x2, s0;
	[dreg:$0x3] =	wrdreg s2;
	s2 =	smul.u32 $0x300, s2  }
.Ltmp0:
0x6: {  	s10 =	simm.s32 $0x19880;
	s31 =	sshrl.u32 s0, $0x1;
	(pc) =	sbr.rel .LBB2_1-.Ltmp0, $4  }
0x7: {  	s11 =	simm.s32 $0x1;
	[smem:$0x7FF] =	sst s4;
	s0 =	ssub.s32 s0, s31  }
0x8: {  	s5 =	sadd.s32 $0x800, s1;
	s0 =	smax.u32 s0, $0x1;
	s1 =	sadd.s32 s2, s1  }
0x9: {  	_ =	strace $0x80000047;
	[dreg:$0x5] =	wrdreg s0;
	s1 =	sadd.s32 $0x300800, s1  }
0xa: {  	vm0 =	vmmov $0xf;
	s12 =	simm.s32 $0x2;
	[dreg:$0x4] =	wrdreg s1;
	s1 =	simm.s32 $0x0  }
.LBB2_23:
0xb: {  	s4 =	simm.s32 $0x0;
	s0 =	rddreg [dreg:$0x4];
	s1 =	simm.s32 $0x18000  }
0xc: {  	[hbm4b:s0+s4] =	stream.linear.scatter [tilespmem:s1], [sflag:$0x3], $0x1800, $0x38;
	[tilespmem:$0x19900] =	vst v63  }
0xd: {  	_ =	swait.ge [sflag:s9], $0x1800  }
0xe: {  	s30 =	rddreg [dreg:$0x6]  }
0xf: {  	s31 =	rddreg [dreg:$0x5];
	s1 =	sadd.s32 $0x1, s30  }
0x10: {  	p0 =	sne.s32 s1, s31  }
.Ltmp1:
0x11: {  	_ = 	snop;
	(pc) =	sbr.rel @!p0 .LBB2_24-.Ltmp1, $3  }
0x12: {  	_ =	sdelay $0x1  }
0x13: {  	[sflag:s9] =	ssyncset.done $0x0  }
0x14: {  	[sflag:s9] =	ssyncadd.s32 $0xFFFFE800  }
.LBB2_1:
0x15: {  	[dreg:$0x6] =	wrdreg s1  }
0x16: {  	s0 =	rddreg [dreg:$0x1]  }
0x17: {  	[tilespmem:s8], [sflag:$0x3] =	stream.linear.gather [hbm4b:s0+s4], $0x80, $0x38;
	[tilespmem:$0x19900] =	vst v63  }
0x18: {  	_ =	swait.ge [sflag:s9], $0x80  }
0x19: {  	[sflag:s9] =	ssyncset.done $0x0  }
0x1a: {  	[sflag:s9] =	ssyncadd.s32 $0xFFFFFF80  }
0x1b: {  	v0 =	vld [tilespmem:$0x19800];
	_ =	sdelay $0x4  }
0x1c: {  	v0 =	vadd.s32 $0x7, v0  }
0x1d: {  	v50 =	vimm.s32 $0x0;
	v1 =	vshra.s32 v0, $0x1F;
	v2 =	vand.u32 $0x7, v0  }
0x1e: {  	vm1 =	vlt.s32 v0, $0x1;
	v1 =	vshrl.u32 v1, $0x1D;
	vm2 =	vne.s32 v2, $0x0  }
0x1f: {  	v51 =	vimm.s32 $0x1;
	v0 =	vadd.s32 v1, v0;
	vm1 =	vmand vm1, vm2  }
0x20: {  	v52 =	vimm.s32 $0x2;
	v0 =	vshra.s32 v0, $0x3;
	v1 =	vsel vm1, $0xFFFFFFFF, v50  }
0x21: {  	v3 =	vimm.s32 $0x3;
	v0 =	vadd.s32 v1, v0  }
0x22: {  	v4 =	vimm.s32 $0x4;
	[tilespmem:$0x19880] =	vst v0  }
0x23: {  	v53 =	vimm.s32 $0x5;
	v0 =	vld.msk [tilespmem:s10+$0x0], $0xffff  }
0x24: {  	v54 =	vimm.s32 $0x6;
	v1 =	vld.idx.msk [tilespmem:v51+s10+$0x0], $0xffff  }
0x25: {  	v55 =	vimm.s32 $0x7;
	v2 =	vld.idx.msk [tilespmem:v52+s10+$0x0], $0xffff  }
0x26: {  	v56 =	vimm.s32 $0x8;
	v3 =	vld.idx.msk [tilespmem:v3+s10+$0x0], $0xffff  }
0x27: {  	v57 =	vimm.s32 $0x9;
	v4 =	vld.idx.msk [tilespmem:v4+s10+$0x0], $0xffff  }
0x28: {  	v58 =	vimm.s32 $0xA;
	(v2sf) =	vpush v0, $0x0;
	v0 =	vld.idx.msk [tilespmem:v53+s10+$0x0], $0xffff  }
0x29: {  	v59 =	vimm.s32 $0xB;
	(v2sf) =	vpush v1, $0x0;
	v1 =	vld.idx.msk [tilespmem:v54+s10+$0x0], $0xffff  }
0x2a: {  	v60 =	vimm.s32 $0xC;
	(v2sf) =	vpush v2, $0x0;
	v2 =	vld.idx.msk [tilespmem:v55+s10+$0x0], $0xffff  }
0x2b: {  	v61 =	vimm.s32 $0xD;
	(v2sf) =	vpush v3, $0x0;
	v3 =	vld.idx.msk [tilespmem:v56+s10+$0x0], $0xffff  }
0x2c: {  	v62 =	vimm.s32 $0xE;
	(v2sf) =	vpush v4, $0x0;
	v4 =	vld.idx.msk [tilespmem:v57+s10+$0x0], $0xffff  }
0x2d: {  	v63 =	vimm.s32 $0xF;
	(v2sf) =	vpush v0, $0x0;
	v0 =	vld.idx.msk [tilespmem:v58+s10+$0x0], $0xffff  }
0x2e: {  	(v2sf) =	vpush v1, $0x0;
	v1 =	vld.idx.msk [tilespmem:v59+s10+$0x0], $0xffff  }
0x2f: {  	(v2sf) =	vpush v2, $0x0;
	v2 =	vld.idx.msk [tilespmem:v60+s10+$0x0], $0xffff  }
0x30: {  	(v2sf) =	vpush v3, $0x0;
	v3 =	vld.idx.msk [tilespmem:v61+s10+$0x0], $0xffff  }
0x31: {  	(v2sf) =	vpush v4, $0x0;
	v4 =	vld.idx.msk [tilespmem:v62+s10+$0x0], $0xffff  }
0x32: {  	(v2sf) =	vpush v0, $0x0;
	v0 =	vld.idx.msk [tilespmem:v63+s10+$0x0], $0xffff  }
0x33: {  	(v2sf) =	vpush v1, $0x0  }
0x34: {  	(v2sf) =	vpush v2, $0x0  }
0x35: {  	(v2sf) =	vpush v3, $0x0  }
0x36: {  	(v2sf) =	vpush v4, $0x0  }
0x37: {  	s7 =	spop (v2sf);
	(v2sf) =	vpush v0, $0x0  }
0x38: {  	s13 =	spop (v2sf)  }
0x39: {  	s2 =	spop (v2sf);
	s0 =	sadd.s32 s7, s13  }
0x3a: {  	s14 =	spop (v2sf);
	s0 =	sadd.s32 s2, s0  }
0x3b: {  	s15 =	spop (v2sf);
	s0 =	sadd.s32 s14, s0  }
0x3c: {  	s16 =	spop (v2sf);
	s0 =	sadd.s32 s15, s0  }
0x3d: {  	s17 =	spop (v2sf);
	s0 =	sadd.s32 s16, s0  }
0x3e: {  	s18 =	spop (v2sf);
	s0 =	sadd.s32 s17, s0  }
0x3f: {  	s19 =	spop (v2sf);
	s0 =	sadd.s32 s18, s0  }
0x40: {  	s20 =	spop (v2sf);
	s0 =	sadd.s32 s19, s0  }
0x41: {  	s21 =	spop (v2sf);
	s0 =	sadd.s32 s20, s0  }
0x42: {  	s22 =	spop (v2sf);
	s0 =	sadd.s32 s21, s0  }
0x43: {  	s23 =	spop (v2sf);
	s0 =	sadd.s32 s22, s0  }
0x44: {  	s24 =	spop (v2sf);
	s0 =	sadd.s32 s23, s0  }
0x45: {  	s25 =	spop (v2sf);
	s0 =	sadd.s32 s24, s0  }
0x46: {  	s0 =	sadd.s32 s25, s0;
	s26 =	spop (v2sf)  }
0x47: {  	s15 =	sadd.s32 s26, s0  }
0x48: {  	s0 =	sadd.s32 $0x1F, s15  }
0x49: {  	s28 =	sand.u32 $0x1F, s0  }
0x4a: {  	s29 =	sshra.s32 s0, $0x1F;
	p0 =	slt.s32 s0, $0x1;
	p1 =	sne.s32 s28, $0x0  }
0x4b: {  	s30 =	sshrl.u32 s29, $0x1B;
	p0 =	por !p0, !p1  }
0x4c: {  	s1 =	simm.s32 $0x1;
	s0 =	sadd.s32 s30, s0;
	p0 =	por !p0, !p0  }
0x4d: {  	s0 =	sshra.s32 s0, $0x5;
	s1 =	simm.s32 @!p0 $0x0  }
0x4e: {  	s31 =	rddreg [dreg:$0x3];
	s0 =	ssub.s32 s0, s1  }
0x4f: {  	s1 =	smul.u32 s31, s0;
	_ =	sdelay $0x1  }
.Ltmp2:
0x50: {  	s16 =	smov.u32 s15;
	p0 =	slt.s32 s1, s15;
	(pc) =	sbr.rel .LBB2_2-.Ltmp2, $4  }
0x51: {  	s16 =	smov.u32 @p0 s1  }
0x52: {  	s0 =	sadd.s32 s0, s16  }
0x53: {  	p0 =	slt.s32 s0, s15  }
0x54: {  	s17 =	simm.s32 $0x0;
	s18 =	simm.s32 $0x0;
	s15 =	smov.u32 @p0 s0  }
.LBB2_22:
0x55: {  	s0 =	sshrl.u32 s18, $0x3  }
0x56: {  	s0 =	smul.u32 $0x3000, s0  }
0x57: {  	s1 =	sshll.u32 s18, $0x7  }
0x58: {  	s1 =	sand.u32 $0x380, s1;
	s0 =	sshra.s32 s0, $0x2  }
0x59: {  	s0 =	sor.u32 s1, s0  }
0x5a: {  	s1 =	sadd.s32 $0x18000, s0;
	[tilespmem:s0+$0x18000] =	vst v24  }
0x5b: {  	[tilespmem:s1+$0x10] =	vst v25  }
0x5c: {  	[tilespmem:s1+$0x20] =	vst v26  }
0x5d: {  	[tilespmem:s1+$0x30] =	vst v27  }
0x5e: {  	[tilespmem:s1+$0x40] =	vst v30  }
0x5f: {  	[tilespmem:s1+$0x50] =	vst v28  }
0x60: {  	[tilespmem:s1+$0x60] =	vst v29  }
0x61: {  	[tilespmem:s1+$0x70] =	vst v15  }
0x62: {  	s30 =	sadd.s32 $0x18400, s0;
	[tilespmem:s0+$0x18400] =	vst v31  }
0x63: {  	[tilespmem:s30+$0x40] =	vst v20  }
0x64: {  	[tilespmem:s30+$0x50] =	vst v21  }
0x65: {  	[tilespmem:s30+$0x60] =	vst v18  }
0x66: {  	s18 =	sadd.s32 $0x1, s18;
	[tilespmem:s30+$0x70] =	vst v32  }
0x67: {  	p0 =	sne.s32 s18, $0x10;
	[tilespmem:s30+$0x10] =	vst v33  }
.Ltmp3:
0x68: {  	[tilespmem:s30+$0x20] =	vst v34;
	(pc) =	sbr.rel @!p0 .LBB2_23-.Ltmp3, $4  }
0x69: {  	[tilespmem:s30+$0x30] =	vst v19  }
0x6a: {  	s31 =	sadd.s32 $0x18800, s0;
	[tilespmem:s0+$0x18800] =	vst v22  }
0x6b: {  	[tilespmem:s31+$0x10] =	vst v23  }
0x6c: {  	s17 =	sadd.s32 s17, s19;
	[tilespmem:s31+$0x20] =	vst v10  }
.LBB2_2:
0x6d: {  	v0 =	vmov s18;
	_ =	sdelay $0x4  }
0x6e: {  	v1 =	vld.idx.msk [tilespmem:v0+s10+$0x0], $0xffff;
	_ =	sdelay $0x4  }
0x6f: {  	(v2sf) =	vpush v1, $0x0;
	_ =	sdelay $0x2  }
0x70: {  	v0 =	vld.idx.msk [tilespmem:v0+s8+$0x0], $0xffff;
	_ =	sdelay $0x4  }
0x71: {  	(v2sf) =	vpush v0, $0x0;
	_ =	sdelay $0x4  }
0x72: {  	s0 =	ssub.s32 s15, s17  }
0x73: {  	p0 =	sgt.s32 s0, $0x0  }
0x74: {  	s22 =	ssub.s32 s16, s17;
	s0 =	simm.s32 @!p0 $0x0;
	s19 =	spop (v2sf)  }
0x75: {  	p0 =	sgt.s32 s22, $0x0;
	p1 =	slt.s32 s19, s0  }
0x76: {  	v24 =	vimm.f32 $0.0e+00;
	s22 =	simm.s32 @!p0 $0x0;
	s0 =	smov.u32 @p1 s19  }
0x77: {  	v25 =	vimm.f32 $0.0e+00;
	v26 =	vimm.f32 $0.0e+00;
	v27 =	vimm.f32 $0.0e+00;
	p0 =	sge.s32 s22, s0  }
.Ltmp4:
0x78: {  	v30 =	vimm.f32 $0.0e+00;
	v28 =	vimm.f32 $0.0e+00;
	v29 =	vimm.f32 $0.0e+00;
	(pc) =	sbr.rel @p0 .LBB2_22-.Ltmp4, $4  }
0x79: {  	v15 =	vimm.f32 $0.0e+00;
	v31 =	vimm.f32 $0.0e+00;
	v33 =	vimm.f32 $0.0e+00  }
0x7a: {  	v34 =	vimm.f32 $0.0e+00;
	v19 =	vimm.f32 $0.0e+00;
	v20 =	vimm.f32 $0.0e+00  }
0x7b: {  	v21 =	vimm.f32 $0.0e+00;
	v18 =	vimm.f32 $0.0e+00;
	v32 =	vimm.f32 $0.0e+00  }
0x7c: {  	v22 =	vimm.f32 $0.0e+00;
	v23 =	vimm.f32 $0.0e+00;
	v10 =	vimm.f32 $0.0e+00;
	s20 =	spop (v2sf)  }
0x7d: {  	p0 =	slt.s32 s19, s22;
	s1 =	sshll.u32 s0, $0x3  }
0x7e: {  	s22 =	smov.u32 @p0 s19;
	p0 =	sgt.s32 s1, s20;
	s1 =	simm.s32 $0x1  }
0x7f: {  	s23 =	ssub.s32 s0, s22;
	s1 =	simm.s32 @!p0 $0x0  }
0x80: {  	s0 =	ssub.s32 s23, s1  }
0x81: {  	s1 =	sand.u32 $0xF, s0  }
0x82: {  	s2 =	sshra.s32 s0, $0x1F;
	p4 =	slt.s32 s0, $0x1;
	p1 =	sne.s32 s1, $0x0  }
0x83: {  	s28 =	sshrl.u32 s2, $0x1C;
	p0 =	por !p4, !p1  }
0x84: {  	s1 =	simm.s32 $0x1;
	s0 =	sadd.s32 s28, s0;
	p0 =	por !p0, !p0  }
0x85: {  	s0 =	sshra.s32 s0, $0x4;
	s1 =	simm.s32 @!p0 $0x0  }
0x86: {  	s24 =	ssub.s32 s0, s1  }
0x87: {  	p0 =	slt.s32 s24, $0x1  }
0x88: {  	s0 =	smul.u32 @!p0 $0x180000, s18  }
0x89: {  	s1 =	smul.u32 @!p0 $0xC00, s22;
	p1 =	seq.s32 @!p0 s24, $0x1  }
0x8a: {  	p1 =	por p1, p0  }
0x8b: {  	s1 =	sadd.s32 @!p0 s0, s1;
	s3 =	smul.u32 @!p1 $0xC00, s22  }
0x8c: {  	s1 =	sshrl.u32 @!p0 s1, $0x3  }
0x8d: {  	s2 =	simm.s32 @!p0 $0x0;
	s1 =	sadd.s32 @!p0 s5, s1;
	s0 =	sadd.s32 @!p1 s0, s3  }
0x8e: {  	[tilespmem:s2], [sflag:$0x1] =	stream.linear.gather @!p0 [hbm4b:s1+s2], $0xC000, $0x38;
	[tilespmem:$0x19900] =	vst v63  }
0x8f: {  	s0 =	sadd.s32 @!p1 $0xC000, s0  }
0x90: {  	s0 =	sshrl.u32 @!p1 s0, $0x3  }
0x91: {  	s1 =	simm.s32 @!p1 $0x0;
	s2 =	simm.s32 @!p1 $0xC000;
	s0 =	sadd.s32 @!p1 s5, s0  }
0x92: {  	[tilespmem:s2], [sflag:$0x2] =	stream.linear.gather @!p1 [hbm4b:s0+s1], $0xC000, $0x38;
	[tilespmem:$0x19900] =	vst v63  }
0x93: {  	s29 =	sshrl.u32 s24, $0x1F;
	p0 =	sgt.s32 s24, $0x0;
	s1 =	simm.s32 $0x1  }
0x94: {  	s30 =	sshra.s32 s24, $0x1F;
	s0 =	sadd.s32 s29, s24;
	s1 =	simm.s32 @!p0 $0x0  }
0x95: {  	s31 =	sand.u32 $0xFFFFFFFE, s0;
	s1 =	sadd.s32 s1, s30  }
0x96: {  	p6 =	sne.s32 s24, s31;
	p5 =	sne.s32 s1, $0x1  }
0x97: {  	p0 =	por !p6, !p5  }
0x98: {  	s1 =	simm.s32 $0x1;
	p0 =	por !p0, !p0  }
0x99: {  	s0 =	sshra.s32 s0, $0x1;
	s1 =	simm.s32 @!p0 $0x0  }
0x9a: {  	s25 =	ssub.s32 s0, s1  }
0x9b: {  	p0 =	slt.s32 s25, $0x1  }
.Ltmp5:
0x9c: {  	_ = 	snop;
	(pc) =	sbr.rel @p0 .LBB2_4-.Ltmp5, $2  }
0x9d: {  	_ =	sdelay $0x2  }
0x9e: {  	s21 =	smul.u32 $0x180000, s18  }
0x9f: {  	v10 =	vimm.f32 $0.0e+00  }
0xa0: {  	v23 =	vimm.f32 $0.0e+00;
	v22 =	vimm.f32 $0.0e+00;
	v32 =	vimm.f32 $0.0e+00  }
0xa1: {  	v18 =	vimm.f32 $0.0e+00;
	v21 =	vimm.f32 $0.0e+00;
	v20 =	vimm.f32 $0.0e+00  }
0xa2: {  	v19 =	vimm.f32 $0.0e+00;
	v34 =	vimm.f32 $0.0e+00;
	v33 =	vimm.f32 $0.0e+00  }
0xa3: {  	v31 =	vimm.f32 $0.0e+00;
	v15 =	vimm.f32 $0.0e+00;
	v29 =	vimm.f32 $0.0e+00  }
0xa4: {  	v28 =	vimm.f32 $0.0e+00;
	v30 =	vimm.f32 $0.0e+00;
	v27 =	vimm.f32 $0.0e+00  }
0xa5: {  	s26 =	simm.s32 $0x0;
	v26 =	vimm.f32 $0.0e+00;
	v25 =	vimm.f32 $0.0e+00;
	v24 =	vimm.f32 $0.0e+00;
	s28 =	simm.s32 $0x0  }
.LBB2_6:
0xa6: {  	s29 =	sshll.u32 s28, $0x1  }
0xa7: {  	s0 =	sadd.s32 $0x2, s29  }
0xa8: {  	p0 =	sge.s32 s0, s24  }
0xa9: {  	s0 =	sshll.u32 @!p0 s0, $0x4  }
0xaa: {  	s0 =	sadd.s32 @!p0 s22, s0  }
0xab: {  	s0 =	smul.u32 @!p0 $0xC00, s0  }
0xac: {  	[tilespmem:$0x1FFF0] =	vst v10  }
0xad: {  	_ =	swait.ge [sflag:s11], $0xC000;
	s0 =	sadd.s32 @!p0 s21, s0  }
0xae: {  	s13 =	simm.s32 $0x0;
	[sflag:s11] =	ssyncset.done $0x0;
	s0 =	sshrl.u32 @!p0 s0, $0x3  }
0xaf: {  	[sflag:s11] =	ssyncadd.s32 $0xFFFF4000;
	s1 =	simm.s32 @!p0 $0x0;
	s0 =	sadd.s32 @!p0 s5, s0  }
0xb0: {  	[tilespmem:s1], [sflag:$0x1] =	stream.linear.gather @!p0 [hbm4b:s0+s1], $0xC000, $0x38;
	[tilespmem:$0x19900] =	vst v63  }
0xb1: {  	s0 =	smul.u32 $0x3000, s13  }
0xb2: {  	s30 =	sand.u32 $0x200, s26  }
0xb3: {  	s3 =	sor.u32 $0x180, s30;
	s2 =	sshra.s32 s0, $0x2  }
0xb4: {  	s0 =	sor.u32 s3, s2  }
0xb5: {  	v0 =	vld [tilespmem:s0+$0x0]  }
0xb6: {  	v1 =	vld [tilespmem:s0+$0x10]  }
0xb7: {  	v2 =	vld [tilespmem:s0+$0x20]  }
0xb8: {  	v3 =	vld [tilespmem:s0+$0x30]  }
0xb9: {  	v4 =	vld [tilespmem:s0+$0x40]  }
0xba: {  	v5 =	vld [tilespmem:s0+$0x50]  }
0xbb: {  	s1 =	sor.u32 $0x100, s30;
	v6 =	vld [tilespmem:s0+$0x60]  }
0xbc: {  	s6 =	sor.u32 s1, s2;
	v43 =	vld [tilespmem:s0+$0x70]  }
0xbd: {  	v7 =	vld [tilespmem:s6+$0x0]  }
0xbe: {  	v35 =	vld [tilespmem:s6+$0x10]  }
0xbf: {  	v36 =	vld [tilespmem:s6+$0x20]  }
0xc0: {  	v39 =	vld [tilespmem:s6+$0x30]  }
0xc1: {  	v40 =	vld [tilespmem:s6+$0x40]  }
0xc2: {  	v41 =	vld [tilespmem:s6+$0x50]  }
0xc3: {  	v42 =	vld [tilespmem:s6+$0x60]  }
0xc4: {  	s14 =	sor.u32 s30, s2;
	v46 =	vld [tilespmem:s6+$0x70]  }
0xc5: {  	v55 =	vld [tilespmem:s14+$0x0]  }
0xc6: {  	v56 =	vld [tilespmem:s14+$0x10]  }
0xc7: {  	v57 =	vld [tilespmem:s14+$0x20]  }
0xc8: {  	v63 =	vld [tilespmem:s14+$0x30]  }
0xc9: {  	v8 =	vld [tilespmem:s14+$0x40]  }
0xca: {  	v9 =	vld [tilespmem:s14+$0x50]  }
0xcb: {  	s13 =	sadd.s32 $0x800, s2;
	v10 =	vld [tilespmem:s14+$0x60]  }
0xcc: {  	s4 =	sadd.s32 $0x400, s2;
	v11 =	vld [tilespmem:s14+$0x70];
	s31 =	sor.u32 s3, s13  }
0xcd: {  	s14 =	sor.u32 s1, s4;
	v38 =	vld [tilespmem:s31+$0x0]  }
0xce: {  	v12 =	vld [tilespmem:s14+$0x0]  }
0xcf: {  	s0 =	sor.u32 $0x80, s30;
	v13 =	vld [tilespmem:s14+$0x10]  }
0xd0: {  	s7 =	sor.u32 s0, s2;
	v14 =	vld [tilespmem:s14+$0x20]  }
0xd1: {  	v49 =	vld [tilespmem:s7+$0x0]  }
0xd2: {  	v50 =	vld [tilespmem:s7+$0x10]  }
0xd3: {  	v54 =	vld [tilespmem:s7+$0x20]  }
0xd4: {  	v58 =	vld [tilespmem:s7+$0x30]  }
0xd5: {  	v59 =	vld [tilespmem:s7+$0x40]  }
0xd6: {  	v60 =	vld [tilespmem:s7+$0x50]  }
0xd7: {  	v61 =	vld [tilespmem:s7+$0x60]  }
0xd8: {  	v62 =	vld [tilespmem:s7+$0x70];
	s7 =	sor.u32 s3, s4  }
0xd9: {  	v53 =	vld [tilespmem:s7+$0x0]  }
0xda: {  	v51 =	vld [tilespmem:s7+$0x10]  }
0xdb: {  	v52 =	vld [tilespmem:s7+$0x20]  }
0xdc: {  	v44 =	vld [tilespmem:s7+$0x30]  }
0xdd: {  	v48 =	vld [tilespmem:s7+$0x40]  }
0xde: {  	v45 =	vld [tilespmem:s7+$0x50];
	v24 =	vadd.f32 v55, v24  }
0xdf: {  	v47 =	vld [tilespmem:s7+$0x60];
	v25 =	vadd.f32 v56, v25;
	v26 =	vadd.f32 v57, v26  }
0xe0: {  	v37 =	vld [tilespmem:s7+$0x70];
	v24 =	vadd.f32 v49, v24  }
0xe1: {  	v55 =	vld [tilespmem:s14+$0x40];
	v25 =	vadd.f32 v50, v25;
	v26 =	vadd.f32 v54, v26  }
0xe2: {  	v56 =	vld [tilespmem:s14+$0x50];
	v7 =	vadd.f32 v7, v24  }
0xe3: {  	v57 =	vld [tilespmem:s14+$0x60];
	v25 =	vadd.f32 v35, v25;
	v26 =	vadd.f32 v36, v26  }
0xe4: {  	v54 =	vld [tilespmem:s14+$0x30];
	v24 =	vadd.f32 v0, v7  }
0xe5: {  	s3 =	sor.u32 s1, s13;
	v49 =	vld [tilespmem:s14+$0x70];
	v25 =	vadd.f32 v1, v25;
	v26 =	vadd.f32 v2, v26  }
0xe6: {  	s7 =	sor.u32 s0, s4;
	v50 =	vld [tilespmem:s3+$0x0];
	v0 =	vadd.f32 v63, v27;
	v1 =	vadd.f32 v8, v30  }
0xe7: {  	s6 =	sor.u32 s30, s4;
	v36 =	vld [tilespmem:s7+$0x10];
	v2 =	vadd.f32 v9, v28;
	v7 =	vadd.f32 v10, v29  }
0xe8: {  	v9 =	vld [tilespmem:s6+$0x0];
	v0 =	vadd.f32 v58, v0;
	v1 =	vadd.f32 v59, v1  }
0xe9: {  	v10 =	vld [tilespmem:s6+$0x10];
	v2 =	vadd.f32 v60, v2;
	v7 =	vadd.f32 v61, v7  }
0xea: {  	v63 =	vld [tilespmem:s6+$0x20];
	v0 =	vadd.f32 v39, v0;
	v1 =	vadd.f32 v40, v1  }
0xeb: {  	v8 =	vld [tilespmem:s7+$0x0];
	v2 =	vadd.f32 v41, v2;
	v7 =	vadd.f32 v42, v7  }
0xec: {  	v42 =	vld [tilespmem:s7+$0x20];
	v29 =	vadd.f32 v3, v0;
	v30 =	vadd.f32 v4, v1  }
0xed: {  	v58 =	vld [tilespmem:s7+$0x30];
	v27 =	vadd.f32 v5, v2;
	v28 =	vadd.f32 v6, v7  }
0xee: {  	v59 =	vld [tilespmem:s7+$0x40];
	v1 =	vadd.f32 v11, v15;
	v2 =	vadd.f32 v9, v31  }
0xef: {  	v3 =	vadd.f32 v10, v33;
	v4 =	vadd.f32 v63, v34;
	v63 =	vld [tilespmem:s6+$0x30]  }
0xf0: {  	v0 =	vld [tilespmem:s6+$0x40];
	v1 =	vadd.f32 v62, v1;
	v5 =	vadd.f32 v8, v2  }
0xf1: {  	v2 =	vld [tilespmem:s6+$0x50];
	v8 =	vadd.f32 v36, v3;
	v62 =	vadd.f32 v42, v4  }
0xf2: {  	v3 =	vld [tilespmem:s6+$0x60];
	v6 =	vadd.f32 v46, v1;
	v7 =	vadd.f32 v12, v5  }
0xf3: {  	s2 =	simm.s32 $0x0;
	s1 =	simm.s32 $0x1;
	v1 =	vld [tilespmem:s7+$0x50];
	v4 =	vadd.f32 v13, v8;
	v5 =	vadd.f32 v14, v62  }
.LBB2_7:
0xf4: {  	v8 =	vld [tilespmem:s7+$0x60]  }
0xf5: {  	v13 =	vld [tilespmem:$0x1FFF0]  }
0xf6: {  	s4 =	sor.u32 s30, s13;
	v14 =	vld [tilespmem:s31+$0x1C]  }
0xf7: {  	v9 =	vld [tilespmem:s4+$0x0]  }
0xf8: {  	s0 =	sor.u32 s0, s13;
	v31 =	vadd.f32 v43, v6;
	v10 =	vld [tilespmem:s4+$0x1C]  }
0xf9: {  	v11 =	vld [tilespmem:s0+$0x10];
	v6 =	vadd.f32 v53, v7;
	v0 =	vadd.f32 v0, v20  }
0xfa: {  	v34 =	vadd.f32 v52, v5;
	v5 =	vld [tilespmem:s0+$0x0];
	v2 =	vadd.f32 v2, v21  }
0xfb: {  	v3 =	vadd.f32 v3, v18;
	v7 =	vld [tilespmem:s6+$0x70];
	v0 =	vadd.f32 v59, v0  }
0xfc: {  	s6 =	sshrl.u32 s1, $0x1;
	[tilespmem:$0x1FFE0] =	vst v6;
	v6 =	vld [tilespmem:s7+$0x70];
	v1 =	vadd.f32 v1, v2  }
0xfd: {  	s2 =	sadd.s32 $0x200, s2;
	v2 =	vadd.f32 v8, v3;
	v3 =	vld [tilespmem:s4+$0x10];
	s7 =	smul.u32 $0x3000, s6;
	v0 =	vadd.f32 v55, v0  }
0xfe: {  	s30 =	sand.u32 $0x200, s2;
	v33 =	vadd.f32 v51, v4;
	v8 =	vld [tilespmem:s0+$0x1C];
	v1 =	vadd.f32 v56, v1  }
0xff: {  	v4 =	vadd.f32 v63, v19;
	s6 =	sshra.s32 s7, $0x2;
	s7 =	sor.u32 $0x100, s30;
	v20 =	vadd.f32 v48, v0;
	v0 =	vld [tilespmem:s3+$0x1C]  }
0x100: {  	s13 =	sor.u32 s7, s6;
	v21 =	vadd.f32 v45, v1;
	v1 =	vadd.f32 v7, v32;
	v7 =	vld [tilespmem:s3+$0x10]  }
0x101: {  	v4 =	vadd.f32 v58, v4;
	s4 =	sor.u32 s30, s6;
	v41 =	vld [tilespmem:s13+$0x70]  }
0x102: {  	v15 =	vld [tilespmem:s4+$0x0]  }
0x103: {  	v4 =	vadd.f32 v54, v4;
	v54 =	vld [tilespmem:s4+$0x20]  }
0x104: {  	v58 =	vld [tilespmem:s4+$0x30]  }
0x105: {  	v59 =	vld [tilespmem:s4+$0x40]  }
0x106: {  	v2 =	vadd.f32 v57, v2;
	v61 =	vld [tilespmem:s4+$0x50]  }
0x107: {  	v62 =	vld [tilespmem:s4+$0x60]  }
0x108: {  	v18 =	vadd.f32 v47, v2;
	v2 =	vadd.f32 v9, v22;
	s3 =	sor.u32 $0x180, s30;
	v63 =	vld [tilespmem:s4+$0x70]  }
0x109: {  	s0 =	sor.u32 s3, s6;
	v1 =	vadd.f32 v6, v1;
	v6 =	vld [tilespmem:s31+$0x10]  }
0x10a: {  	v2 =	vadd.f32 v5, v2;
	v5 =	vsel vm0, $0x0, v8;
	v8 =	vld [tilespmem:s0+$0x0]  }
0x10b: {  	v19 =	vadd.f32 v44, v4;
	v4 =	vsel vm0, $0x0, v10;
	v10 =	vld [tilespmem:s0+$0x20]  }
0x10c: {  	v35 =	vld [tilespmem:s0+$0x30]  }
0x10d: {  	v36 =	vld [tilespmem:s0+$0x40]  }
0x10e: {  	v39 =	vld [tilespmem:s0+$0x50]  }
0x10f: {  	v3 =	vadd.f32 v3, v23;
	v4 =	vadd.f32 v4, v13;
	v40 =	vld [tilespmem:s0+$0x60]  }
0x110: {  	v43 =	vld [tilespmem:s0+$0x70]  }
0x111: {  	v3 =	vadd.f32 v11, v3;
	v4 =	vadd.f32 v5, v4;
	v5 =	vld [tilespmem:s0+$0x10]  }
0x112: {  	s0 =	sor.u32 $0x80, s30;
	v2 =	vadd.f32 v50, v2;
	v50 =	vld [tilespmem:s4+$0x10]  }
0x113: {  	s14 =	sor.u32 s0, s6;
	v3 =	vadd.f32 v7, v3;
	v7 =	vld [tilespmem:s13+$0x60]  }
0x114: {  	v9 =	vld [tilespmem:s14+$0x0]  }
0x115: {  	v11 =	vld [tilespmem:s14+$0x10]  }
0x116: {  	v12 =	vld [tilespmem:s14+$0x20]  }
0x117: {  	v13 =	vld [tilespmem:s14+$0x30]  }
0x118: {  	v42 =	vld [tilespmem:s14+$0x50]  }
0x119: {  	v46 =	vld [tilespmem:s14+$0x60]  }
0x11a: {  	v60 =	vld [tilespmem:s14+$0x70]  }
0x11b: {  	v1 =	vadd.f32 v49, v1;
	v0 =	vsel vm0, $0x0, v0;
	v22 =	vadd.f32 v38, v2;
	v2 =	vld [tilespmem:s13+$0x20]  }
0x11c: {  	v0 =	vadd.f32 v0, v4;
	v4 =	vld [tilespmem:s13+$0x40]  }
0x11d: {  	v32 =	vadd.f32 v37, v1;
	v1 =	vsel vm0, $0x0, v14;
	v14 =	vld [tilespmem:s14+$0x40]  }
0x11e: {  	v23 =	vadd.f32 v6, v3;
	v3 =	vld [tilespmem:s13+$0x30]  }
0x11f: {  	s14 =	sadd.s32 $0x400, s6;
	v6 =	vld [tilespmem:s13+$0x50]  }
0x120: {  	s4 =	sor.u32 s3, s14;
	v0 =	vadd.f32 v1, v0;
	v1 =	vld [tilespmem:s13+$0x10]  }
0x121: {  	v53 =	vld [tilespmem:s4+$0x0]  }
0x122: {  	v51 =	vld [tilespmem:s4+$0x10]  }
0x123: {  	v52 =	vld [tilespmem:s4+$0x20]  }
0x124: {  	v44 =	vld [tilespmem:s4+$0x30]  }
0x125: {  	v48 =	vld [tilespmem:s4+$0x40]  }
0x126: {  	v45 =	vld [tilespmem:s4+$0x50]  }
0x127: {  	v47 =	vld [tilespmem:s4+$0x60]  }
0x128: {  	v37 =	vld [tilespmem:s4+$0x70]  }
0x129: {  	[tilespmem:$0x1FFF0] =	vst v0;
	v0 =	vld [tilespmem:s13+$0x0];
	s13 =	sadd.s32 $0x800, s6;
	s6 =	sor.u32 s7, s14  }
0x12a: {  	v24 =	vadd.f32 v15, v24;
	v15 =	vld [tilespmem:s6+$0x0]  }
0x12b: {  	v16 =	vld [tilespmem:s6+$0x10]  }
0x12c: {  	v17 =	vld [tilespmem:s6+$0x20]  }
0x12d: {  	v26 =	vadd.f32 v54, v26;
	v25 =	vadd.f32 v50, v25;
	v54 =	vld [tilespmem:s6+$0x30]  }
0x12e: {  	v9 =	vadd.f32 v9, v24;
	v55 =	vld [tilespmem:s6+$0x40]  }
0x12f: {  	v12 =	vadd.f32 v12, v26;
	v11 =	vadd.f32 v11, v25;
	v56 =	vld [tilespmem:s6+$0x50]  }
0x130: {  	v57 =	vld [tilespmem:s6+$0x60];
	v0 =	vadd.f32 v0, v9  }
0x131: {  	s31 =	sor.u32 s3, s13;
	v49 =	vld [tilespmem:s6+$0x70];
	v2 =	vadd.f32 v2, v12;
	v1 =	vadd.f32 v1, v11  }
0x132: {  	s3 =	sor.u32 s7, s13;
	v38 =	vld [tilespmem:s31+$0x0];
	v24 =	vadd.f32 v8, v0;
	v0 =	vadd.f32 v58, v29  }
0x133: {  	s6 =	sor.u32 s30, s14;
	v50 =	vld [tilespmem:s3+$0x0];
	v26 =	vadd.f32 v10, v2;
	v25 =	vadd.f32 v5, v1  }
0x134: {  	v12 =	vld [tilespmem:s6+$0x0];
	v1 =	vadd.f32 v59, v30;
	v0 =	vadd.f32 v13, v0  }
0x135: {  	v2 =	vadd.f32 v61, v27;
	v61 =	vld [tilespmem:s6+$0x10];
	v5 =	vadd.f32 v62, v28  }
0x136: {  	s7 =	sor.u32 s0, s14;
	v62 =	vld [tilespmem:s6+$0x20];
	v1 =	vadd.f32 v14, v1;
	v0 =	vadd.f32 v3, v0  }
0x137: {  	v2 =	vadd.f32 v42, v2;
	v8 =	vld [tilespmem:s7+$0x0];
	v5 =	vadd.f32 v46, v5  }
0x138: {  	v1 =	vadd.f32 v4, v1;
	v29 =	vadd.f32 v35, v0;
	v0 =	vld [tilespmem:$0x1FFE0]  }
0x139: {  	v2 =	vadd.f32 v6, v2;
	v4 =	vadd.f32 v7, v5;
	v5 =	vld [tilespmem:s7+$0x20]  }
0x13a: {  	v3 =	vld [tilespmem:s7+$0x10];
	v30 =	vadd.f32 v36, v1;
	v1 =	vadd.f32 v63, v31  }
0x13b: {  	v59 =	vld [tilespmem:s7+$0x40];
	v27 =	vadd.f32 v39, v2;
	v6 =	vadd.f32 v62, v34  }
0x13c: {  	p0 =	sne.s32 s1, $0x1F;
	v58 =	vld [tilespmem:s7+$0x30];
	v28 =	vadd.f32 v40, v4;
	v1 =	vadd.f32 v60, v1  }
.Ltmp6:
0x13d: {  	v4 =	vadd.f32 v61, v33;
	v63 =	vld [tilespmem:s6+$0x30];
	v2 =	vadd.f32 v12, v0;
	(pc) =	sbr.rel @p0 .LBB2_7-.Ltmp6, $4  }
0x13e: {  	v5 =	vadd.f32 v5, v6;
	v6 =	vadd.f32 v41, v1;
	v1 =	vld [tilespmem:s7+$0x50]  }
0x13f: {  	v4 =	vadd.f32 v3, v4;
	v3 =	vld [tilespmem:s6+$0x60];
	v7 =	vadd.f32 v8, v2  }
0x140: {  	v5 =	vadd.f32 v17, v5;
	v0 =	vld [tilespmem:s6+$0x40]  }
0x141: {  	s1 =	sadd.s32 $0x1, s1;
	v4 =	vadd.f32 v16, v4;
	v2 =	vld [tilespmem:s6+$0x50];
	v7 =	vadd.f32 v15, v7  }
0x142: {  	v8 =	vld [tilespmem:s7+$0x70];
	_ =	sdelay $0x3  }
0x143: {  	s0 =	sor.u32 s0, s13  }
0x144: {  	[tilespmem:$0x1FEC0] =	vst v8;
	v8 =	vld [tilespmem:s0+$0x0];
	_ =	sdelay $0x4  }
0x145: {  	[tilespmem:$0x1FED0] =	vst v8;
	v8 =	vld [tilespmem:s0+$0x10];
	_ =	sdelay $0x4  }
0x146: {  	[tilespmem:$0x1FEE0] =	vst v8;
	v8 =	vld [tilespmem:s3+$0x1C];
	_ =	sdelay $0x4  }
0x147: {  	[tilespmem:$0x1FEF0] =	vst v8;
	v8 =	vld [tilespmem:s3+$0x10];
	_ =	sdelay $0x4  }
0x148: {  	[tilespmem:$0x1FF00] =	vst v8;
	v8 =	vld [tilespmem:s31+$0x1C];
	_ =	sdelay $0x3  }
0x149: {  	v16 =	vld [tilespmem:s0+$0x1C]  }
0x14a: {  	s0 =	sadd.s32 $0x3, s29;
	[tilespmem:$0x1FF20] =	vst v8;
	v8 =	vld [tilespmem:s31+$0x10]  }
0x14b: {  	p0 =	sge.s32 s0, s24  }
0x14c: {  	v11 =	vld [tilespmem:s7+$0x60];
	s0 =	sshll.u32 @!p0 s0, $0x4  }
0x14d: {  	v15 =	vld [tilespmem:s6+$0x70];
	s1 =	sor.u32 s30, s13;
	s0 =	sadd.s32 @!p0 s22, s0  }
0x14e: {  	v12 =	vld [tilespmem:s1+$0x0];
	s0 =	smul.u32 @!p0 $0xC00, s0  }
0x14f: {  	v13 =	vld [tilespmem:s1+$0x1C];
	[tilespmem:$0x1FF10] =	vst v8  }
0x150: {  	s13 =	simm.s32 $0x0;
	v14 =	vld [tilespmem:s1+$0x10];
	s0 =	sadd.s32 @!p0 s21, s0;
	_ =	swait.ge [sflag:s12], $0xC000  }
0x151: {  	s1 =	simm.s32 @!p0 $0x0;
	s0 =	sshrl.u32 @!p0 s0, $0x3;
	[sflag:s12] =	ssyncset.done $0x0  }
0x152: {  	s2 =	simm.s32 @!p0 $0xC000;
	s0 =	sadd.s32 @!p0 s5, s0;
	[sflag:s12] =	ssyncadd.s32 $0xFFFF4000  }
0x153: {  	[tilespmem:s2], [sflag:$0x2] =	stream.linear.gather @!p0 [hbm4b:s0+s1], $0xC000, $0x38;
	[tilespmem:$0x19900] =	vst v63  }
0x154: {  	s0 =	smul.u32 $0x3000, s13  }
0x155: {  	s29 =	simm.s32 $0x0  }
0x156: {  	s30 =	sand.u32 $0x200, s29;
	s0 =	sshra.s32 s0, $0x2  }
0x157: {  	s14 =	sor.u32 $0x180, s30;
	s3 =	sadd.s32 $0xC000, s0  }
0x158: {  	s4 =	sor.u32 s14, s3  }
0x159: {  	v8 =	vld [tilespmem:s4+$0x0];
	_ =	sdelay $0x4  }
0x15a: {  	v0 =	vadd.f32 v0, v20;
	[tilespmem:$0x1FF30] =	vst v8;
	v8 =	vld [tilespmem:s4+$0x10]  }
0x15b: {  	v3 =	vadd.f32 v3, v18;
	v2 =	vadd.f32 v2, v21  }
0x15c: {  	v0 =	vadd.f32 v59, v0  }
0x15d: {  	v1 =	vadd.f32 v1, v2;
	v2 =	vadd.f32 v11, v3  }
0x15e: {  	v19 =	vadd.f32 v63, v19;
	v0 =	vadd.f32 v55, v0;
	v55 =	vsel vm0, $0x0, v16;
	v16 =	vld [tilespmem:$0x1FEE0]  }
0x15f: {  	v2 =	vadd.f32 v57, v2;
	[tilespmem:$0x1FF40] =	vst v8;
	v8 =	vld [tilespmem:s4+$0x20]  }
0x160: {  	v18 =	vadd.f32 v58, v19;
	v59 =	vld [tilespmem:$0x1FFF0]  }
0x161: {  	v58 =	vadd.f32 v14, v23;
	v21 =	vadd.f32 v47, v2;
	v47 =	vld [tilespmem:$0x1FEC0]  }
0x162: {  	v19 =	vadd.f32 v48, v0;
	v48 =	vld [tilespmem:$0x1FED0]  }
0x163: {  	v2 =	vadd.f32 v12, v22;
	s7 =	sor.u32 $0x100, s30;
	v12 =	vadd.f32 v16, v58;
	v16 =	vld [tilespmem:$0x1FEF0]  }
0x164: {  	s13 =	sor.u32 s7, s3;
	[tilespmem:$0x1FF50] =	vst v8;
	v8 =	vld [tilespmem:s4+$0x30]  }
0x165: {  	v9 =	vld [tilespmem:s13+$0x10]  }
0x166: {  	v10 =	vld [tilespmem:s13+$0x20]  }
0x167: {  	v17 =	vld [tilespmem:s13+$0x50]  }
0x168: {  	v61 =	vld [tilespmem:s13+$0x30]  }
0x169: {  	[tilespmem:$0x1FF70] =	vst v8;
	v8 =	vld [tilespmem:s4+$0x40]  }
0x16a: {  	v60 =	vld [tilespmem:s13+$0x40]  }
0x16b: {  	s2 =	sadd.s32 $0xC400, s0;
	s0 =	sadd.s32 $0xC800, s0;
	v62 =	vld [tilespmem:s13+$0x60]  }
0x16c: {  	s6 =	sor.u32 s14, s2;
	s31 =	sor.u32 s14, s0;
	s14 =	sor.u32 s7, s2;
	[tilespmem:$0x1FF60] =	vst v17;
	v17 =	vld [tilespmem:s13+$0x70]  }
0x16d: {  	v63 =	vld [tilespmem:s14+$0x20]  }
0x16e: {  	[tilespmem:$0x1FF80] =	vst v8;
	v8 =	vld [tilespmem:s4+$0x50]  }
0x16f: {  	v4 =	vadd.f32 v51, v4;
	v51 =	vld [tilespmem:s14+$0x30]  }
0x170: {  	v7 =	vadd.f32 v53, v7;
	v53 =	vld [tilespmem:s14+$0x40]  }
0x171: {  	[tilespmem:$0x1FFB0] =	vst v17;
	v17 =	vld [tilespmem:s14+$0x0]  }
0x172: {  	v5 =	vadd.f32 v52, v5;
	v52 =	vld [tilespmem:s14+$0x50]  }
0x173: {  	[tilespmem:$0x1FF90] =	vst v8;
	v8 =	vld [tilespmem:s4+$0x60]  }
0x174: {  	v3 =	vadd.f32 v54, v18;
	v54 =	vld [tilespmem:s14+$0x60]  }
0x175: {  	v6 =	vadd.f32 v43, v6;
	v1 =	vadd.f32 v56, v1;
	v43 =	vld [tilespmem:s14+$0x70]  }
0x176: {  	v18 =	vadd.f32 v44, v3;
	[tilespmem:$0x1FFC0] =	vst v17;
	v17 =	vld [tilespmem:s14+$0x10];
	s14 =	sor.u32 s30, s3  }
0x177: {  	v3 =	vsel vm0, $0x0, v13;
	v20 =	vadd.f32 v45, v1;
	v1 =	vadd.f32 v15, v32;
	v11 =	vld [tilespmem:s14+$0x0]  }
0x178: {  	v3 =	vadd.f32 v3, v59;
	[tilespmem:$0x1FFA0] =	vst v8;
	v8 =	vld [tilespmem:s13+$0x0];
	s13 =	sor.u32 $0x80, s30  }
0x179: {  	v1 =	vadd.f32 v47, v1;
	s1 =	sor.u32 s7, s0;
	v31 =	vld [tilespmem:s4+$0x70];
	s7 =	sor.u32 s13, s3  }
0x17a: {  	v3 =	vadd.f32 v55, v3;
	v0 =	vld [tilespmem:s7+$0x0]  }
0x17b: {  	v46 =	vld [tilespmem:s6+$0x0];
	v1 =	vadd.f32 v49, v1;
	v16 =	vsel vm0, $0x0, v16  }
0x17c: {  	v33 =	vld [tilespmem:s6+$0x10];
	v3 =	vadd.f32 v16, v3  }
0x17d: {  	v34 =	vld [tilespmem:s6+$0x20];
	v16 =	vadd.f32 v37, v1;
	v1 =	vadd.f32 v11, v24  }
0x17e: {  	v40 =	vld [tilespmem:s6+$0x30]  }
0x17f: {  	v41 =	vld [tilespmem:s6+$0x40];
	v0 =	vadd.f32 v0, v1  }
0x180: {  	v39 =	vld [tilespmem:s6+$0x50]  }
0x181: {  	v0 =	vadd.f32 v8, v0;
	v8 =	vld [tilespmem:$0x1FF20]  }
0x182: {  	v42 =	vld [tilespmem:s6+$0x60]  }
0x183: {  	v35 =	vld [tilespmem:s6+$0x70]  }
0x184: {  	v36 =	vld [tilespmem:s31+$0x0]  }
0x185: {  	v32 =	vld [tilespmem:s14+$0x10]  }
0x186: {  	[tilespmem:$0x1FFD0] =	vst v17;
	v17 =	vld [tilespmem:$0x1FF00];
	v8 =	vsel vm0, $0x0, v8  }
0x187: {  	v23 =	vadd.f32 v8, v3;
	v8 =	vld [tilespmem:$0x1FF30]  }
0x188: {  	v56 =	vld [tilespmem:s7+$0x10]  }
0x189: {  	v2 =	vadd.f32 v48, v2;
	v44 =	vld [tilespmem:s1+$0x0]  }
0x18a: {  	v15 =	vld [tilespmem:s14+$0x20]  }
0x18b: {  	v2 =	vadd.f32 v50, v2;
	v59 =	vld [tilespmem:s14+$0x30];
	v13 =	vadd.f32 v32, v25  }
0x18c: {  	v12 =	vadd.f32 v17, v12;
	v24 =	vadd.f32 v8, v0;
	v0 =	vld [tilespmem:$0x1FF40]  }
0x18d: {  	v17 =	vadd.f32 v38, v2;
	v22 =	vld [tilespmem:s7+$0x20];
	v2 =	vadd.f32 v56, v13  }
0x18e: {  	v47 =	vld [tilespmem:s14+$0x60]  }
0x18f: {  	v38 =	vld [tilespmem:s14+$0x50];
	v2 =	vadd.f32 v9, v2  }
0x190: {  	v15 =	vadd.f32 v15, v26;
	v57 =	vld [tilespmem:s7+$0x30]  }
0x191: {  	v25 =	vadd.f32 v0, v2;
	v0 =	vld [tilespmem:$0x1FF50]  }
0x192: {  	v32 =	vadd.f32 v22, v15;
	v15 =	vld [tilespmem:$0x1FF10]  }
0x193: {  	v1 =	vld [tilespmem:s14+$0x40]  }
0x194: {  	v55 =	vld [tilespmem:s14+$0x70];
	v48 =	vadd.f32 v10, v32  }
0x195: {  	v49 =	vadd.f32 v38, v27;
	v58 =	vld [tilespmem:s7+$0x40]  }
0x196: {  	v27 =	vld [tilespmem:$0x1FF70];
	v26 =	vadd.f32 v0, v48;
	v0 =	vadd.f32 v59, v29  }
0x197: {  	v22 =	vadd.f32 v15, v12;
	v3 =	vld [tilespmem:s7+$0x60]  }
0x198: {  	s6 =	sor.u32 s30, s2;
	v15 =	vld [tilespmem:s7+$0x50];
	v1 =	vadd.f32 v1, v30;
	v0 =	vadd.f32 v57, v0  }
0x199: {  	v50 =	vadd.f32 v47, v28;
	v56 =	vld [tilespmem:s6+$0x0]  }
0x19a: {  	v1 =	vadd.f32 v58, v1;
	v58 =	vld [tilespmem:s6+$0x20];
	v0 =	vadd.f32 v61, v0  }
0x19b: {  	v8 =	vld [tilespmem:s7+$0x70]  }
0x19c: {  	v3 =	vadd.f32 v3, v50;
	v27 =	vadd.f32 v27, v0;
	v0 =	vld [tilespmem:$0x1FF80]  }
0x19d: {  	v9 =	vadd.f32 v15, v49;
	v15 =	vld [tilespmem:$0x1FF60]  }
0x19e: {  	v6 =	vadd.f32 v55, v6;
	v3 =	vadd.f32 v62, v3;
	v62 =	vld [tilespmem:$0x1FFB0]  }
0x19f: {  	s3 =	sor.u32 s13, s2;
	v1 =	vadd.f32 v60, v1;
	v10 =	vadd.f32 v58, v5;
	v5 =	vld [tilespmem:s6+$0x50]  }
0x1a0: {  	v2 =	vld [tilespmem:s3+$0x0]  }
0x1a1: {  	v8 =	vadd.f32 v8, v6;
	v30 =	vadd.f32 v0, v1;
	v1 =	vld [tilespmem:$0x1FF90]  }
0x1a2: {  	v9 =	vadd.f32 v15, v9;
	v15 =	vld [tilespmem:s3+$0x20]  }
0x1a3: {  	v32 =	vadd.f32 v62, v8;
	v8 =	vld [tilespmem:$0x1FFC0]  }
0x1a4: {  	v7 =	vadd.f32 v56, v7;
	v57 =	vld [tilespmem:s6+$0x10]  }
0x1a5: {  	v59 =	vld [tilespmem:s3+$0x10]  }
0x1a6: {  	v2 =	vadd.f32 v2, v7;
	v28 =	vadd.f32 v1, v9;
	v1 =	vld [tilespmem:$0x1FFA0]  }
0x1a7: {  	v6 =	vld [tilespmem:s6+$0x60]  }
0x1a8: {  	v37 =	vadd.f32 v8, v2;
	v8 =	vld [tilespmem:$0x1FFD0]  }
0x1a9: {  	v2 =	vld [tilespmem:s3+$0x50];
	v60 =	vadd.f32 v57, v4  }
0x1aa: {  	v61 =	vadd.f32 v15, v10;
	v4 =	vld [tilespmem:s6+$0x40]  }
0x1ab: {  	v7 =	vadd.f32 v59, v60;
	v29 =	vadd.f32 v1, v3;
	v3 =	vld [tilespmem:s6+$0x30]  }
0x1ac: {  	v0 =	vld [tilespmem:s3+$0x30]  }
0x1ad: {  	s2 =	simm.s32 $0x1;
	v45 =	vadd.f32 v63, v61;
	v7 =	vadd.f32 v8, v7;
	v1 =	vld [tilespmem:s3+$0x40]  }
.LBB2_9:
0x1ae: {  	p0 =	sne.s32 s2, $0x1F;
	v8 =	vld [tilespmem:s3+$0x60];
	v32 =	vadd.f32 v31, v32;
	v37 =	vadd.f32 v46, v37  }
0x1af: {  	v9 =	vld [tilespmem:s3+$0x70];
	s3 =	sor.u32 s13, s0;
	v38 =	vadd.f32 v33, v7;
	v45 =	vadd.f32 v34, v45  }
0x1b0: {  	v3 =	vadd.f32 v3, v18;
	v4 =	vadd.f32 v4, v19;
	v7 =	vld [tilespmem:s3+$0x0]  }
0x1b1: {  	s0 =	sor.u32 s30, s0;
	v5 =	vadd.f32 v5, v20;
	v6 =	vadd.f32 v6, v21;
	v10 =	vld [tilespmem:s6+$0x70]  }
0x1b2: {  	v0 =	vadd.f32 v0, v3;
	v1 =	vadd.f32 v1, v4;
	v11 =	vld [tilespmem:s0+$0x0]  }
0x1b3: {  	v2 =	vadd.f32 v2, v5;
	v3 =	vld [tilespmem:s0+$0x1C];
	v4 =	vadd.f32 v8, v6  }
0x1b4: {  	v0 =	vadd.f32 v51, v0;
	v1 =	vadd.f32 v53, v1;
	v5 =	vld [tilespmem:s0+$0x10]  }
0x1b5: {  	s0 =	sshrl.u32 s2, $0x1;
	v2 =	vadd.f32 v52, v2;
	v6 =	vld [tilespmem:s3+$0x1C];
	v4 =	vadd.f32 v54, v4  }
0x1b6: {  	v18 =	vadd.f32 v40, v0;
	s0 =	smul.u32 $0x3000, s0;
	v19 =	vadd.f32 v41, v1;
	v8 =	vld [tilespmem:s3+$0x10]  }
0x1b7: {  	s29 =	sadd.s32 $0x200, s29;
	v20 =	vadd.f32 v39, v2;
	v0 =	vld [tilespmem:s1+$0x1C];
	v21 =	vadd.f32 v42, v4  }
0x1b8: {  	s30 =	sand.u32 $0x200, s29;
	v1 =	vadd.f32 v10, v16;
	s0 =	sshra.s32 s0, $0x2;
	v2 =	vadd.f32 v11, v17;
	v3 =	vsel vm0, $0x0, v3;
	v4 =	vld [tilespmem:s1+$0x10]  }
0x1b9: {  	s3 =	sadd.s32 $0xC000, s0;
	s1 =	sor.u32 $0x180, s30;
	v5 =	vadd.f32 v5, v22;
	v3 =	vadd.f32 v3, v23;
	v10 =	vld [tilespmem:s31+$0x1C]  }
0x1ba: {  	v1 =	vadd.f32 v9, v1;
	s4 =	sor.u32 s1, s3;
	v2 =	vadd.f32 v7, v2;
	v6 =	vsel vm0, $0x0, v6;
	v7 =	vld [tilespmem:s31+$0x10]  }
0x1bb: {  	v9 =	vld [tilespmem:s4+$0x0];
	v5 =	vadd.f32 v8, v5;
	v3 =	vadd.f32 v6, v3  }
0x1bc: {  	v1 =	vadd.f32 v43, v1;
	v2 =	vadd.f32 v44, v2;
	v6 =	vld [tilespmem:s4+$0x10];
	v0 =	vsel vm0, $0x0, v0  }
0x1bd: {  	v8 =	vld [tilespmem:s4+$0x20];
	v4 =	vadd.f32 v4, v5;
	v0 =	vadd.f32 v0, v3  }
0x1be: {  	v16 =	vadd.f32 v35, v1;
	v17 =	vadd.f32 v36, v2;
	v47 =	vld [tilespmem:s4+$0x30];
	v1 =	vsel vm0, $0x0, v10  }
0x1bf: {  	v48 =	vld [tilespmem:s4+$0x40];
	v22 =	vadd.f32 v7, v4;
	v23 =	vadd.f32 v1, v0  }
0x1c0: {  	v49 =	vld [tilespmem:s4+$0x50]  }
0x1c1: {  	s6 =	sadd.s32 $0xC400, s0;
	v50 =	vld [tilespmem:s4+$0x60]  }
0x1c2: {  	v31 =	vld [tilespmem:s4+$0x70];
	s4 =	sor.u32 s1, s6  }
0x1c3: {  	v46 =	vld [tilespmem:s4+$0x0]  }
0x1c4: {  	v33 =	vld [tilespmem:s4+$0x10]  }
0x1c5: {  	v34 =	vld [tilespmem:s4+$0x20]  }
0x1c6: {  	v40 =	vld [tilespmem:s4+$0x30]  }
0x1c7: {  	v41 =	vld [tilespmem:s4+$0x40]  }
0x1c8: {  	v39 =	vld [tilespmem:s4+$0x50]  }
0x1c9: {  	s0 =	sadd.s32 $0xC800, s0;
	v42 =	vld [tilespmem:s4+$0x60]  }
0x1ca: {  	s7 =	sor.u32 $0x100, s30;
	s31 =	sor.u32 s1, s0;
	v35 =	vld [tilespmem:s4+$0x70]  }
0x1cb: {  	s1 =	sor.u32 s7, s3;
	v36 =	vld [tilespmem:s31+$0x0]  }
0x1cc: {  	v0 =	vld [tilespmem:s1+$0x0]  }
0x1cd: {  	v1 =	vld [tilespmem:s1+$0x10]  }
0x1ce: {  	v2 =	vld [tilespmem:s1+$0x20]  }
0x1cf: {  	v3 =	vld [tilespmem:s1+$0x30]  }
0x1d0: {  	v4 =	vld [tilespmem:s1+$0x40]  }
0x1d1: {  	v5 =	vld [tilespmem:s1+$0x50]  }
0x1d2: {  	v7 =	vld [tilespmem:s1+$0x60]  }
0x1d3: {  	v10 =	vld [tilespmem:s1+$0x70];
	s1 =	sor.u32 s7, s6  }
0x1d4: {  	v11 =	vld [tilespmem:s1+$0x0]  }
0x1d5: {  	v12 =	vld [tilespmem:s1+$0x10]  }
0x1d6: {  	v13 =	vld [tilespmem:s1+$0x20]  }
0x1d7: {  	v51 =	vld [tilespmem:s1+$0x30]  }
0x1d8: {  	v53 =	vld [tilespmem:s1+$0x40]  }
0x1d9: {  	v52 =	vld [tilespmem:s1+$0x50]  }
0x1da: {  	v54 =	vld [tilespmem:s1+$0x60]  }
0x1db: {  	s13 =	sor.u32 $0x80, s30;
	v43 =	vld [tilespmem:s1+$0x70];
	s1 =	sor.u32 s7, s0  }
0x1dc: {  	s4 =	sor.u32 s13, s3;
	v44 =	vld [tilespmem:s1+$0x0]  }
0x1dd: {  	s7 =	sor.u32 s30, s3;
	v14 =	vld [tilespmem:s4+$0x0]  }
0x1de: {  	v15 =	vld [tilespmem:s7+$0x0]  }
0x1df: {  	v55 =	vld [tilespmem:s7+$0x10]  }
0x1e0: {  	v56 =	vld [tilespmem:s7+$0x20]  }
0x1e1: {  	v57 =	vld [tilespmem:s4+$0x10]  }
0x1e2: {  	v58 =	vld [tilespmem:s4+$0x20]  }
0x1e3: {  	v59 =	vld [tilespmem:s4+$0x30]  }
0x1e4: {  	v15 =	vadd.f32 v15, v24;
	v60 =	vld [tilespmem:s4+$0x40]  }
0x1e5: {  	v24 =	vadd.f32 v55, v25;
	v25 =	vadd.f32 v56, v26;
	v55 =	vld [tilespmem:s7+$0x30]  }
0x1e6: {  	v14 =	vadd.f32 v14, v15;
	v56 =	vld [tilespmem:s7+$0x40]  }
0x1e7: {  	v24 =	vadd.f32 v57, v24;
	v15 =	vld [tilespmem:s7+$0x50];
	v25 =	vadd.f32 v58, v25  }
0x1e8: {  	v0 =	vadd.f32 v0, v14;
	v57 =	vld [tilespmem:s7+$0x60]  }
0x1e9: {  	v1 =	vadd.f32 v1, v24;
	v14 =	vld [tilespmem:s4+$0x50];
	v2 =	vadd.f32 v2, v25  }
0x1ea: {  	v24 =	vadd.f32 v9, v0;
	v58 =	vld [tilespmem:s4+$0x60]  }
0x1eb: {  	s3 =	sor.u32 s13, s6;
	v25 =	vadd.f32 v6, v1;
	v9 =	vld [tilespmem:s4+$0x70];
	v26 =	vadd.f32 v8, v2  }
0x1ec: {  	v0 =	vadd.f32 v55, v27;
	v1 =	vadd.f32 v56, v30;
	v2 =	vld [tilespmem:s3+$0x0]  }
0x1ed: {  	s6 =	sor.u32 s30, s6;
	v6 =	vadd.f32 v15, v28;
	v8 =	vadd.f32 v57, v29;
	v15 =	vld [tilespmem:s7+$0x70]  }
0x1ee: {  	v0 =	vadd.f32 v59, v0;
	v1 =	vadd.f32 v60, v1;
	v55 =	vld [tilespmem:s6+$0x0]  }
0x1ef: {  	v6 =	vadd.f32 v14, v6;
	v56 =	vld [tilespmem:s6+$0x10];
	v8 =	vadd.f32 v58, v8  }
0x1f0: {  	v0 =	vadd.f32 v3, v0;
	v1 =	vadd.f32 v4, v1;
	v14 =	vld [tilespmem:s6+$0x20]  }
0x1f1: {  	v3 =	vadd.f32 v5, v6;
	v57 =	vld [tilespmem:s3+$0x10];
	v4 =	vadd.f32 v7, v8  }
0x1f2: {  	v27 =	vadd.f32 v47, v0;
	v30 =	vadd.f32 v48, v1;
	v6 =	vld [tilespmem:s3+$0x20]  }
0x1f3: {  	v28 =	vadd.f32 v49, v3;
	v0 =	vld [tilespmem:s3+$0x30];
	v29 =	vadd.f32 v50, v4  }
0x1f4: {  	v5 =	vadd.f32 v15, v32;
	v7 =	vadd.f32 v55, v37;
	v1 =	vld [tilespmem:s3+$0x40]  }
.Ltmp7:
0x1f5: {  	v8 =	vadd.f32 v56, v38;
	v14 =	vadd.f32 v14, v45;
	v3 =	vld [tilespmem:s6+$0x30];
	(pc) =	sbr.rel @p0 .LBB2_9-.Ltmp7, $4  }
0x1f6: {  	v9 =	vadd.f32 v9, v5;
	v2 =	vadd.f32 v2, v7;
	v4 =	vld [tilespmem:s6+$0x40]  }
0x1f7: {  	v7 =	vadd.f32 v57, v8;
	v5 =	vld [tilespmem:s6+$0x50];
	v8 =	vadd.f32 v6, v14  }
0x1f8: {  	v32 =	vadd.f32 v10, v9;
	v37 =	vadd.f32 v11, v2;
	v6 =	vld [tilespmem:s6+$0x60]  }
0x1f9: {  	s2 =	sadd.s32 $0x1, s2;
	v7 =	vadd.f32 v12, v7;
	v2 =	vld [tilespmem:s3+$0x50];
	v45 =	vadd.f32 v13, v8  }
0x1fa: {  	v8 =	vld [tilespmem:s3+$0x60];
	v15 =	vadd.f32 v31, v32;
	v31 =	vadd.f32 v46, v37  }
0x1fb: {  	v3 =	vadd.f32 v3, v18;
	v10 =	vld [tilespmem:s6+$0x70];
	s30 =	sor.u32 s30, s0;
	v33 =	vadd.f32 v33, v7  }
0x1fc: {  	v34 =	vadd.f32 v34, v45;
	v4 =	vadd.f32 v4, v19;
	v11 =	vld [tilespmem:s30+$0x0]  }
0x1fd: {  	v50 =	vld [tilespmem:s30+$0x1C];
	v5 =	vadd.f32 v5, v20;
	v0 =	vadd.f32 v0, v3  }
0x1fe: {  	v56 =	vld [tilespmem:s30+$0x10];
	v6 =	vadd.f32 v6, v21;
	v1 =	vadd.f32 v1, v4  }
0x1ff: {  	v9 =	vld [tilespmem:s3+$0x70];
	s2 =	sor.u32 s13, s0;
	v2 =	vadd.f32 v2, v5;
	v0 =	vadd.f32 v51, v0  }
0x200: {  	v49 =	vld [tilespmem:s2+$0x0];
	v55 =	vadd.f32 v8, v6;
	v1 =	vadd.f32 v53, v1  }
0x201: {  	v57 =	vld [tilespmem:s2+$0x1C];
	v59 =	vadd.f32 v10, v16;
	v2 =	vadd.f32 v52, v2  }
0x202: {  	v8 =	vld [tilespmem:s2+$0x10];
	v19 =	vadd.f32 v40, v0;
	v60 =	vadd.f32 v11, v17  }
0x203: {  	v58 =	vld [tilespmem:s1+$0x1C];
	v3 =	vsel vm0, $0x0, v50;
	v5 =	vadd.f32 v56, v22;
	v4 =	vadd.f32 v54, v55  }
0x204: {  	v61 =	vld [tilespmem:s1+$0x10];
	v20 =	vadd.f32 v41, v1;
	v3 =	vadd.f32 v3, v23  }
0x205: {  	s28 =	sadd.s32 $0x1, s28;
	v10 =	vld [tilespmem:s31+$0x1C];
	v1 =	vadd.f32 v9, v59;
	v21 =	vadd.f32 v39, v2  }
0x206: {  	v62 =	vld [tilespmem:s31+$0x10];
	p0 =	sne.s32 s28, s25;
	v6 =	vsel vm0, $0x0, v57;
	v2 =	vadd.f32 v49, v60;
	v18 =	vadd.f32 v42, v4  }
.Ltmp8:
0x207: {  	v3 =	vadd.f32 v6, v3;
	v5 =	vadd.f32 v8, v5;
	(pc) =	sbr.rel @p0 .LBB2_6-.Ltmp8, $4  }
.Ltmp9:
0x208: {  	v0 =	vsel vm0, $0x0, v58;
	v1 =	vadd.f32 v43, v1;
	v2 =	vadd.f32 v44, v2;
	(pc) =	sbr.rel @!p0 .LBB2_11-.Ltmp9, $4  }
0x209: {  	v0 =	vadd.f32 v0, v3;
	v4 =	vadd.f32 v61, v5  }
0x20a: {  	v63 =	vsel vm0, $0x0, v10;
	v32 =	vadd.f32 v35, v1;
	v22 =	vadd.f32 v36, v2  }
0x20b: {  	v10 =	vadd.f32 v63, v0;
	v23 =	vadd.f32 v62, v4  }
0x20c: {  	_ = 	snop  }
.LBB2_4:
0x20d: {  	v24 =	vimm.f32 $0.0e+00  }
0x20e: {  	v25 =	vimm.f32 $0.0e+00;
	v26 =	vimm.f32 $0.0e+00;
	v27 =	vimm.f32 $0.0e+00  }
0x20f: {  	v30 =	vimm.f32 $0.0e+00;
	v28 =	vimm.f32 $0.0e+00;
	v29 =	vimm.f32 $0.0e+00  }
0x210: {  	v15 =	vimm.f32 $0.0e+00;
	v31 =	vimm.f32 $0.0e+00;
	v33 =	vimm.f32 $0.0e+00  }
0x211: {  	v34 =	vimm.f32 $0.0e+00;
	v19 =	vimm.f32 $0.0e+00;
	v20 =	vimm.f32 $0.0e+00  }
0x212: {  	v21 =	vimm.f32 $0.0e+00;
	v18 =	vimm.f32 $0.0e+00;
	v32 =	vimm.f32 $0.0e+00  }
0x213: {  	v22 =	vimm.f32 $0.0e+00;
	v23 =	vimm.f32 $0.0e+00;
	v10 =	vimm.f32 $0.0e+00  }
.LBB2_11:
0x214: {  	s0 =	sand.u32 $0x1, s24  }
0x215: {  	p0 =	seq.s32 s0, $0x0  }
.Ltmp10:
0x216: {  	_ = 	snop;
	(pc) =	sbr.rel @p0 .LBB2_15-.Ltmp10, $1  }
0x217: {  	_ =	sdelay $0x3  }
0x218: {  	s0 =	simm.s32 $0x0  }
0x219: {  	s25 =	simm.s32 $0x0;
	s0 =	smul.u32 $0x3000, s0  }
0x21a: {  	_ =	swait.ge [sflag:s11], $0xC000;
	s26 =	sand.u32 $0x200, s25  }
0x21b: {  	[sflag:s11] =	ssyncset.done $0x0;
	s3 =	sor.u32 $0x180, s26;
	s0 =	sshra.s32 s0, $0x2  }
0x21c: {  	[sflag:s11] =	ssyncadd.s32 $0xFFFF4000;
	s1 =	sor.u32 s3, s0  }
0x21d: {  	v0 =	vld [tilespmem:s1+$0x0]  }
0x21e: {  	v1 =	vld [tilespmem:s1+$0x10]  }
0x21f: {  	v2 =	vld [tilespmem:s1+$0x20]  }
0x220: {  	v3 =	vld [tilespmem:s1+$0x30]  }
0x221: {  	v4 =	vld [tilespmem:s1+$0x40]  }
0x222: {  	v5 =	vld [tilespmem:s1+$0x50]  }
0x223: {  	s2 =	sor.u32 $0x100, s26;
	v6 =	vld [tilespmem:s1+$0x60]  }
0x224: {  	s4 =	sor.u32 s2, s0;
	v37 =	vld [tilespmem:s1+$0x70]  }
0x225: {  	v7 =	vld [tilespmem:s4+$0x0]  }
0x226: {  	v8 =	vld [tilespmem:s4+$0x10]  }
0x227: {  	v9 =	vld [tilespmem:s4+$0x20]  }
0x228: {  	[tilespmem:$0x1FFF0] =	vst v10;
	v10 =	vld [tilespmem:s4+$0x30]  }
0x229: {  	v11 =	vld [tilespmem:s4+$0x40]  }
0x22a: {  	v12 =	vld [tilespmem:s4+$0x50]  }
0x22b: {  	v13 =	vld [tilespmem:s4+$0x60]  }
0x22c: {  	s29 =	sor.u32 s26, s0;
	v14 =	vld [tilespmem:s4+$0x70]  }
0x22d: {  	v42 =	vld [tilespmem:s29+$0x0]  }
0x22e: {  	v43 =	vld [tilespmem:s29+$0x10]  }
0x22f: {  	v47 =	vld [tilespmem:s29+$0x20]  }
0x230: {  	v56 =	vld [tilespmem:s29+$0x30]  }
0x231: {  	v57 =	vld [tilespmem:s29+$0x40]  }
0x232: {  	v58 =	vld [tilespmem:s29+$0x50]  }
0x233: {  	s7 =	sadd.s32 $0x400, s0;
	v59 =	vld [tilespmem:s29+$0x60]  }
0x234: {  	v60 =	vld [tilespmem:s29+$0x70];
	s30 =	sor.u32 s3, s7  }
0x235: {  	v46 =	vld [tilespmem:s30+$0x0]  }
0x236: {  	v44 =	vld [tilespmem:s30+$0x10]  }
0x237: {  	v45 =	vld [tilespmem:s30+$0x20]  }
0x238: {  	v39 =	vld [tilespmem:s30+$0x30]  }
0x239: {  	v40 =	vld [tilespmem:s30+$0x40]  }
0x23a: {  	v38 =	vld [tilespmem:s30+$0x50]  }
0x23b: {  	v41 =	vld [tilespmem:s30+$0x60]  }
0x23c: {  	s31 =	sor.u32 s2, s7;
	v35 =	vld [tilespmem:s30+$0x70]  }
0x23d: {  	v61 =	vld [tilespmem:s31+$0x0]  }
0x23e: {  	v62 =	vld [tilespmem:s31+$0x10]  }
0x23f: {  	v63 =	vld [tilespmem:s31+$0x20]  }
0x240: {  	s1 =	sor.u32 $0x80, s26;
	v49 =	vld [tilespmem:s31+$0x50]  }
0x241: {  	s6 =	sor.u32 s1, s0;
	v50 =	vld [tilespmem:s31+$0x60]  }
0x242: {  	v48 =	vld [tilespmem:s6+$0x0]  }
0x243: {  	v16 =	vld [tilespmem:s6+$0x10]  }
0x244: {  	v17 =	vld [tilespmem:s6+$0x20]  }
0x245: {  	v51 =	vld [tilespmem:s6+$0x30]  }
0x246: {  	v52 =	vld [tilespmem:s6+$0x40];
	v24 =	vadd.f32 v42, v24  }
0x247: {  	v53 =	vld [tilespmem:s6+$0x50];
	v25 =	vadd.f32 v43, v25;
	v26 =	vadd.f32 v47, v26  }
0x248: {  	s13 =	sadd.s32 $0x800, s0;
	v54 =	vld [tilespmem:s6+$0x60];
	v24 =	vadd.f32 v48, v24  }
0x249: {  	s0 =	sor.u32 s3, s13;
	v55 =	vld [tilespmem:s6+$0x70];
	v16 =	vadd.f32 v16, v25;
	v17 =	vadd.f32 v17, v26  }
0x24a: {  	v36 =	vld [tilespmem:s0+$0x0];
	v7 =	vadd.f32 v7, v24  }
0x24b: {  	v47 =	vld [tilespmem:s31+$0x30];
	v8 =	vadd.f32 v8, v16;
	v9 =	vadd.f32 v9, v17  }
0x24c: {  	s28 =	sor.u32 s2, s13;
	v42 =	vld [tilespmem:s31+$0x70];
	v24 =	vadd.f32 v0, v7  }
0x24d: {  	v43 =	vld [tilespmem:s28+$0x0];
	v25 =	vadd.f32 v1, v8;
	v26 =	vadd.f32 v2, v9  }
0x24e: {  	s3 =	sor.u32 s26, s7;
	v48 =	vld [tilespmem:s31+$0x40];
	v0 =	vadd.f32 v56, v27;
	v1 =	vadd.f32 v57, v30  }
0x24f: {  	v17 =	vld [tilespmem:s3+$0x10];
	v2 =	vadd.f32 v58, v28;
	v7 =	vadd.f32 v59, v29  }
0x250: {  	v16 =	vld [tilespmem:s3+$0x20];
	v0 =	vadd.f32 v51, v0;
	v1 =	vadd.f32 v52, v1  }
0x251: {  	s6 =	sor.u32 s1, s7;
	v56 =	vld [tilespmem:s3+$0x0];
	v2 =	vadd.f32 v53, v2;
	v7 =	vadd.f32 v54, v7  }
0x252: {  	v8 =	vld [tilespmem:s6+$0x0];
	v0 =	vadd.f32 v10, v0;
	v1 =	vadd.f32 v11, v1  }
0x253: {  	v57 =	vld [tilespmem:s6+$0x10];
	v2 =	vadd.f32 v12, v2;
	v7 =	vadd.f32 v13, v7  }
0x254: {  	v58 =	vld [tilespmem:s6+$0x20];
	v27 =	vadd.f32 v3, v0;
	v30 =	vadd.f32 v4, v1  }
0x255: {  	v0 =	vld [tilespmem:s6+$0x30];
	v28 =	vadd.f32 v5, v2;
	v29 =	vadd.f32 v6, v7  }
0x256: {  	v2 =	vadd.f32 v60, v15;
	v5 =	vadd.f32 v56, v31;
	v1 =	vld [tilespmem:s6+$0x40]  }
0x257: {  	v6 =	vadd.f32 v17, v33;
	v7 =	vadd.f32 v16, v34;
	v3 =	vld [tilespmem:s3+$0x30]  }
0x258: {  	v4 =	vld [tilespmem:s3+$0x40];
	v2 =	vadd.f32 v55, v2;
	v8 =	vadd.f32 v8, v5  }
0x259: {  	v5 =	vld [tilespmem:s3+$0x50];
	v59 =	vadd.f32 v57, v6;
	v60 =	vadd.f32 v58, v7  }
0x25a: {  	v6 =	vld [tilespmem:s3+$0x60];
	v31 =	vadd.f32 v14, v2;
	v33 =	vadd.f32 v61, v8  }
0x25b: {  	s2 =	simm.s32 $0x1;
	v2 =	vld [tilespmem:s6+$0x50];
	v7 =	vadd.f32 v62, v59;
	v34 =	vadd.f32 v63, v60  }
.LBB2_13:
0x25c: {  	v8 =	vld [tilespmem:s6+$0x60]  }
0x25d: {  	v10 =	vld [tilespmem:s3+$0x70];
	s30 =	sshrl.u32 s2, $0x1  }
0x25e: {  	s29 =	sor.u32 s26, s13;
	s25 =	sadd.s32 $0x200, s25;
	v31 =	vadd.f32 v37, v31;
	v37 =	vld [tilespmem:s6+$0x70];
	s31 =	smul.u32 $0x3000, s30  }
0x25f: {  	s1 =	sor.u32 s1, s13;
	v11 =	vld [tilespmem:s29+$0x0];
	s26 =	sand.u32 $0x200, s25  }
0x260: {  	s7 =	sor.u32 $0x100, s26;
	s3 =	sshra.s32 s31, $0x2;
	v9 =	vadd.f32 v46, v33;
	v33 =	vadd.f32 v44, v7;
	v7 =	vld [tilespmem:s1+$0x0]  }
0x261: {  	v46 =	vld [tilespmem:$0x1FFF0];
	s13 =	sor.u32 s7, s3  }
0x262: {  	s14 =	sor.u32 s26, s3;
	v55 =	vld [tilespmem:s13+$0x70]  }
0x263: {  	v56 =	vld [tilespmem:s14+$0x30]  }
0x264: {  	v57 =	vld [tilespmem:s14+$0x40]  }
0x265: {  	v58 =	vld [tilespmem:s14+$0x50]  }
0x266: {  	v3 =	vadd.f32 v3, v19;
	v59 =	vld [tilespmem:s14+$0x60]  }
0x267: {  	v4 =	vadd.f32 v4, v20;
	v5 =	vadd.f32 v5, v21;
	v60 =	vld [tilespmem:s14+$0x70]  }
0x268: {  	v6 =	vadd.f32 v6, v18;
	v0 =	vadd.f32 v0, v3;
	v3 =	vld [tilespmem:s29+$0x1C]  }
0x269: {  	v2 =	vadd.f32 v2, v5;
	v5 =	vld [tilespmem:s29+$0x10]  }
0x26a: {  	s31 =	sor.u32 $0x180, s26;
	v1 =	vadd.f32 v1, v4;
	v4 =	vadd.f32 v8, v6;
	v6 =	vld [tilespmem:s1+$0x1C]  }
0x26b: {  	v8 =	vld [tilespmem:s1+$0x10];
	s1 =	sor.u32 s31, s3  }
0x26c: {  	[tilespmem:$0x1FEB0] =	vst v9;
	v9 =	vld [tilespmem:s1+$0x0]  }
0x26d: {  	v51 =	vld [tilespmem:s1+$0x30]  }
0x26e: {  	v52 =	vld [tilespmem:s1+$0x40]  }
0x26f: {  	v53 =	vld [tilespmem:s1+$0x50]  }
0x270: {  	v54 =	vld [tilespmem:s1+$0x60]  }
0x271: {  	v0 =	vadd.f32 v47, v0;
	v47 =	vld [tilespmem:s0+$0x1C]  }
0x272: {  	v1 =	vadd.f32 v48, v1;
	v48 =	vld [tilespmem:s14+$0x0]  }
0x273: {  	s29 =	sadd.s32 $0x400, s3;
	v2 =	vadd.f32 v49, v2;
	v49 =	vld [tilespmem:s14+$0x10]  }
0x274: {  	s30 =	sor.u32 s31, s29;
	v4 =	vadd.f32 v50, v4;
	v50 =	vld [tilespmem:s14+$0x20]  }
0x275: {  	v44 =	vld [tilespmem:s30+$0x10]  }
0x276: {  	v34 =	vadd.f32 v45, v34;
	v45 =	vld [tilespmem:s30+$0x20]  }
0x277: {  	v19 =	vadd.f32 v39, v0;
	v0 =	vld [tilespmem:s28+$0x1C]  }
0x278: {  	v18 =	vadd.f32 v41, v4;
	v4 =	vld [tilespmem:s28+$0x10]  }
0x279: {  	v39 =	vld [tilespmem:s30+$0x30]  }
0x27a: {  	v20 =	vadd.f32 v40, v1;
	v40 =	vld [tilespmem:s30+$0x40]  }
0x27b: {  	v21 =	vadd.f32 v38, v2;
	v2 =	vadd.f32 v11, v22;
	v38 =	vld [tilespmem:s30+$0x50]  }
0x27c: {  	v1 =	vadd.f32 v10, v32;
	v41 =	vld [tilespmem:s30+$0x60]  }
0x27d: {  	v2 =	vadd.f32 v7, v2;
	v7 =	vld [tilespmem:s0+$0x10]  }
0x27e: {  	v3 =	vsel vm0, $0x0, v3;
	v5 =	vadd.f32 v5, v23;
	v1 =	vadd.f32 v37, v1;
	v37 =	vld [tilespmem:s1+$0x70]  }
0x27f: {  	v3 =	vadd.f32 v3, v46;
	v46 =	vld [tilespmem:s30+$0x0]  }
0x280: {  	v6 =	vsel vm0, $0x0, v6;
	v5 =	vadd.f32 v8, v5;
	v8 =	vld [tilespmem:s1+$0x20]  }
0x281: {  	v3 =	vadd.f32 v6, v3;
	v6 =	vld [tilespmem:s1+$0x10];
	v2 =	vadd.f32 v43, v2  }
0x282: {  	v4 =	vadd.f32 v4, v5;
	v5 =	vld [tilespmem:s13+$0x50]  }
0x283: {  	s1 =	sor.u32 $0x80, s26;
	v0 =	vsel vm0, $0x0, v0;
	v22 =	vadd.f32 v36, v2;
	v2 =	vld [tilespmem:s13+$0x20]  }
0x284: {  	s4 =	sor.u32 s1, s3;
	v0 =	vadd.f32 v0, v3;
	v3 =	vld [tilespmem:s13+$0x30]  }
0x285: {  	v10 =	vld [tilespmem:s4+$0x0]  }
0x286: {  	v11 =	vld [tilespmem:s4+$0x10]  }
0x287: {  	v12 =	vld [tilespmem:s4+$0x20]  }
0x288: {  	v13 =	vld [tilespmem:s4+$0x30]  }
0x289: {  	v14 =	vld [tilespmem:s4+$0x40]  }
0x28a: {  	v15 =	vld [tilespmem:s4+$0x50]  }
0x28b: {  	v1 =	vadd.f32 v42, v1;
	v16 =	vld [tilespmem:s4+$0x60]  }
0x28c: {  	v17 =	vld [tilespmem:s4+$0x70]  }
0x28d: {  	v32 =	vadd.f32 v35, v1;
	v1 =	vsel vm0, $0x0, v47;
	v23 =	vadd.f32 v7, v4;
	v4 =	vld [tilespmem:s13+$0x40]  }
0x28e: {  	v7 =	vld [tilespmem:s13+$0x60];
	v0 =	vadd.f32 v1, v0  }
0x28f: {  	v1 =	vld [tilespmem:s13+$0x10]  }
0x290: {  	[tilespmem:$0x1FFF0] =	vst v0;
	v0 =	vld [tilespmem:s13+$0x0];
	s13 =	sadd.s32 $0x800, s3  }
0x291: {  	v35 =	vld [tilespmem:s30+$0x70];
	s0 =	sor.u32 s31, s13  }
0x292: {  	s31 =	sor.u32 s7, s29;
	v36 =	vld [tilespmem:s0+$0x0]  }
0x293: {  	v61 =	vld [tilespmem:s31+$0x0]  }
0x294: {  	v25 =	vadd.f32 v49, v25;
	v62 =	vld [tilespmem:s31+$0x10]  }
0x295: {  	v24 =	vadd.f32 v48, v24;
	v26 =	vadd.f32 v50, v26;
	v63 =	vld [tilespmem:s31+$0x20]  }
0x296: {  	v11 =	vadd.f32 v11, v25;
	v47 =	vld [tilespmem:s31+$0x30]  }
0x297: {  	v10 =	vadd.f32 v10, v24;
	v12 =	vadd.f32 v12, v26;
	v48 =	vld [tilespmem:s31+$0x40]  }
0x298: {  	v49 =	vld [tilespmem:s31+$0x50];
	v1 =	vadd.f32 v1, v11  }
0x299: {  	v50 =	vld [tilespmem:s31+$0x60];
	v2 =	vadd.f32 v2, v12;
	v0 =	vadd.f32 v0, v10  }
0x29a: {  	s28 =	sor.u32 s7, s13;
	v42 =	vld [tilespmem:s31+$0x70];
	v25 =	vadd.f32 v6, v1;
	v1 =	vadd.f32 v57, v30  }
0x29b: {  	s6 =	sor.u32 s1, s29;
	v43 =	vld [tilespmem:s28+$0x0];
	v26 =	vadd.f32 v8, v2;
	v2 =	vadd.f32 v58, v28  }
0x29c: {  	s3 =	sor.u32 s26, s29;
	v6 =	vadd.f32 v59, v29;
	v8 =	vld [tilespmem:s6+$0x0];
	v1 =	vadd.f32 v14, v1  }
0x29d: {  	v57 =	vld [tilespmem:s3+$0x10];
	v24 =	vadd.f32 v9, v0;
	v0 =	vadd.f32 v56, v27  }
0x29e: {  	v58 =	vld [tilespmem:s3+$0x20];
	v2 =	vadd.f32 v15, v2;
	v1 =	vadd.f32 v4, v1  }
0x29f: {  	v56 =	vld [tilespmem:s3+$0x0];
	v6 =	vadd.f32 v16, v6;
	v0 =	vadd.f32 v13, v0  }
0x2a0: {  	v2 =	vadd.f32 v5, v2;
	v30 =	vadd.f32 v52, v1;
	v1 =	vld [tilespmem:$0x1FEB0]  }
0x2a1: {  	v59 =	vld [tilespmem:s6+$0x10];
	v0 =	vadd.f32 v3, v0;
	v3 =	vadd.f32 v7, v6  }
0x2a2: {  	v6 =	vld [tilespmem:s6+$0x20];
	v28 =	vadd.f32 v53, v2;
	v2 =	vadd.f32 v60, v31  }
0x2a3: {  	v4 =	vld [tilespmem:s3+$0x40];
	v7 =	vadd.f32 v57, v33;
	v60 =	vadd.f32 v58, v34  }
0x2a4: {  	p0 =	sne.s32 s2, $0x1F;
	v27 =	vadd.f32 v51, v0;
	v0 =	vld [tilespmem:s6+$0x30];
	v2 =	vadd.f32 v17, v2  }
.Ltmp11:
0x2a5: {  	v29 =	vadd.f32 v54, v3;
	v3 =	vld [tilespmem:s3+$0x30];
	v5 =	vadd.f32 v56, v1;
	(pc) =	sbr.rel @p0 .LBB2_13-.Ltmp11, $4  }
0x2a6: {  	v7 =	vadd.f32 v59, v7;
	v31 =	vadd.f32 v55, v2;
	v2 =	vld [tilespmem:s6+$0x50]  }
0x2a7: {  	v1 =	vld [tilespmem:s6+$0x40];
	v9 =	vadd.f32 v6, v60;
	v8 =	vadd.f32 v8, v5  }
0x2a8: {  	v7 =	vadd.f32 v62, v7;
	v6 =	vld [tilespmem:s3+$0x60]  }
0x2a9: {  	s2 =	sadd.s32 $0x1, s2;
	v5 =	vld [tilespmem:s3+$0x50];
	v34 =	vadd.f32 v63, v9;
	v33 =	vadd.f32 v61, v8  }
0x2aa: {  	v8 =	vld [tilespmem:s6+$0x60]  }
0x2ab: {  	v15 =	vadd.f32 v37, v31;
	v9 =	vld [tilespmem:s6+$0x70];
	v3 =	vadd.f32 v3, v19  }
0x2ac: {  	s1 =	sor.u32 s1, s13;
	v4 =	vadd.f32 v4, v20;
	v10 =	vld [tilespmem:s3+$0x70];
	v31 =	vadd.f32 v46, v33  }
0x2ad: {  	s2 =	sor.u32 s26, s13;
	v33 =	vadd.f32 v44, v7;
	v34 =	vadd.f32 v45, v34;
	v53 =	vld [tilespmem:s1+$0x0]  }
0x2ae: {  	v11 =	vld [tilespmem:s2+$0x0];
	v0 =	vadd.f32 v0, v3;
	v1 =	vadd.f32 v1, v4  }
0x2af: {  	v56 =	vld [tilespmem:s2+$0x10];
	v6 =	vadd.f32 v6, v18;
	v5 =	vadd.f32 v5, v21  }
0x2b0: {  	v54 =	vld [tilespmem:s2+$0x1C];
	v0 =	vadd.f32 v47, v0;
	v1 =	vadd.f32 v48, v1  }
0x2b1: {  	v55 =	vadd.f32 v8, v6;
	v59 =	vadd.f32 v10, v32;
	v10 =	vld [tilespmem:$0x1FFF0]  }
0x2b2: {  	v57 =	vld [tilespmem:s1+$0x1C];
	v2 =	vadd.f32 v2, v5;
	v19 =	vadd.f32 v39, v0  }
0x2b3: {  	v8 =	vld [tilespmem:s1+$0x10];
	v20 =	vadd.f32 v40, v1;
	v60 =	vadd.f32 v11, v22  }
0x2b4: {  	v58 =	vld [tilespmem:s28+$0x1C];
	v5 =	vadd.f32 v56, v23;
	v4 =	vadd.f32 v50, v55  }
0x2b5: {  	v61 =	vld [tilespmem:s28+$0x10];
	v3 =	vsel vm0, $0x0, v54;
	v1 =	vadd.f32 v9, v59;
	v2 =	vadd.f32 v49, v2  }
0x2b6: {  	v18 =	vadd.f32 v41, v4;
	v3 =	vadd.f32 v3, v10;
	v10 =	vld [tilespmem:s0+$0x1C]  }
0x2b7: {  	v62 =	vld [tilespmem:s0+$0x10];
	v6 =	vsel vm0, $0x0, v57;
	v21 =	vadd.f32 v38, v2;
	v2 =	vadd.f32 v53, v60  }
0x2b8: {  	v5 =	vadd.f32 v8, v5;
	v3 =	vadd.f32 v6, v3  }
0x2b9: {  	v0 =	vsel vm0, $0x0, v58;
	v1 =	vadd.f32 v42, v1;
	v2 =	vadd.f32 v43, v2  }
0x2ba: {  	v4 =	vadd.f32 v61, v5;
	v0 =	vadd.f32 v0, v3  }
0x2bb: {  	v32 =	vadd.f32 v35, v1;
	v22 =	vadd.f32 v36, v2;
	v63 =	vsel vm0, $0x0, v10  }
0x2bc: {  	v23 =	vadd.f32 v62, v4;
	v10 =	vadd.f32 v63, v0  }
.LBB2_15:
0x2bd: {  	s1 =	sshll.u32 s24, $0x4  }
0x2be: {  	s0 =	ssub.s32 s23, s1  }
0x2bf: {  	p0 =	slt.s32 s0, $0x1  }
.Ltmp12:
0x2c0: {  	_ = 	snop;
	(pc) =	sbr.rel @p0 .LBB2_22-.Ltmp12, $1  }
0x2c1: {  	_ =	sdelay $0x3  }
.Ltmp13:
0x2c2: {  	(pc) =	sbr.rel .LBB2_17-.Ltmp13, $4  }
0x2c3: {  	_ = 	snop  }
0x2c4: {  	s2 =	sshll.u32 s22, $0x3;
	s3 =	sshll.u32 s24, $0x7  }
0x2c5: {  	s1 =	sadd.s32 s22, s1;
	s2 =	sadd.s32 s3, s2  }
0x2c6: {  	s13 =	simm.s32 $0x0;
	s3 =	simm.s32 $0x0;
	s2 =	ssub.s32 s20, s2  }
.LBB2_20:
0x2c7: {  	v5 =	vld [tilespmem:s6+$0x450]  }
0x2c8: {  	v6 =	vld [tilespmem:s6+$0x460]  }
0x2c9: {  	v7 =	vld [tilespmem:s6+$0x470]  }
0x2ca: {  	v8 =	vld [tilespmem:s6+$0x800]  }
0x2cb: {  	v9 =	vld [tilespmem:s6+$0x810]  }
0x2cc: {  	v31 =	vadd.f32 v1, v31;
	v33 =	vadd.f32 v0, v33  }
0x2cd: {  	v34 =	vadd.f32 v2, v34;
	v19 =	vadd.f32 v3, v19  }
0x2ce: {  	v20 =	vadd.f32 v4, v20;
	v21 =	vadd.f32 v5, v21  }
0x2cf: {  	v18 =	vadd.f32 v6, v18;
	v32 =	vadd.f32 v7, v32  }
0x2d0: {  	v22 =	vadd.f32 v8, v22;
	v23 =	vadd.f32 v9, v23  }
.LBB2_21:
0x2d1: {  	s13 =	sadd.s32 $0x1, s13  }
0x2d2: {  	p0 =	slt.s32 s13, s0  }
.Ltmp14:
0x2d3: {  	_ = 	snop;
	(pc) =	sbr.rel @!p0 .LBB2_22-.Ltmp14, $2  }
0x2d4: {  	_ =	sdelay $0x2  }
0x2d5: {  	s2 =	sadd.s32 $0xFFFFFFF8, s2  }
.LBB2_17:
0x2d6: {  	s4 =	sadd.s32 s13, s1  }
0x2d7: {  	s6 =	smul.u32 $0xC00, s4  }
0x2d8: {  	s4 =	sshll.u32 s4, $0x3  }
0x2d9: {  	s4 =	ssub.s32 s20, s4;
	s6 =	sadd.s32 s21, s6  }
0x2da: {  	p0 =	slt.s32 s4, $0x1;
	s6 =	sshrl.u32 s6, $0x3  }
.Ltmp15:
0x2db: {  	s6 =	sadd.s32 s5, s6;
	(pc) =	sbr.rel @p0 .LBB2_21-.Ltmp15, $4  }
0x2dc: {  	[tilespmem:s3], [sflag:$0x3] =	stream.linear.gather [hbm4b:s6+s3], $0xC00, $0x38;
	[tilespmem:$0x19900] =	vst v63  }
0x2dd: {  	_ =	swait.ge [sflag:s9], $0xC00  }
0x2de: {  	[sflag:s9] =	ssyncset.done $0x0  }
0x2df: {  	[sflag:s9] =	ssyncadd.s32 $0xFFFFF400  }
0x2e0: {  	s4 =	simm.s32 $0x0  }
0x2e1: {  	s4 =	smul.u32 $0x3000, s4;
	_ =	sdelay $0x1  }
0x2e2: {  	s4 =	sshra.s32 s4, $0x2  }
0x2e3: {  	s6 =	sadd.s32 $0x0, s4  }
0x2e4: {  	v0 =	vld [tilespmem:s6+$0x81C]  }
0x2e5: {  	v1 =	vld [tilespmem:s6+$0x0]  }
0x2e6: {  	v2 =	vld [tilespmem:s6+$0x10]  }
0x2e7: {  	v3 =	vld [tilespmem:s6+$0x20]  }
0x2e8: {  	p0 =	sgt.s32 s2, $0x1;
	s4 =	smov.u32 s2;
	v4 =	vld [tilespmem:s6+$0x30]  }
0x2e9: {  	v5 =	vld [tilespmem:s6+$0x40];
	s4 =	simm.s32 @!p0 $0x1  }
0x2ea: {  	v6 =	vld [tilespmem:s6+$0x50];
	s4 =	smin.u32 s4, $0x8  }
0x2eb: {  	v7 =	vld [tilespmem:s6+$0x60];
	s7 =	sshll.u32 s4, $0x9  }
0x2ec: {  	v8 =	vld [tilespmem:s6+$0x70];
	p0 =	sne.s32 s7, $0x200  }
.Ltmp16:
0x2ed: {  	v0 =	vsel vm0, $0x0, v0;
	v24 =	vadd.f32 v1, v24;
	v1 =	vld [tilespmem:s6+$0x400];
	(pc) =	sbr.rel @!p0 .LBB2_20-.Ltmp16, $4  }
0x2ee: {  	v25 =	vadd.f32 v2, v25;
	v10 =	vadd.f32 v0, v10;
	v0 =	vld [tilespmem:s6+$0x410]  }
0x2ef: {  	v26 =	vadd.f32 v3, v26;
	v27 =	vadd.f32 v4, v27;
	v2 =	vld [tilespmem:s6+$0x420]  }
0x2f0: {  	v30 =	vadd.f32 v5, v30;
	v28 =	vadd.f32 v6, v28;
	v3 =	vld [tilespmem:s6+$0x430]  }
0x2f1: {  	s22 =	simm.s32 $0x200;
	s23 =	simm.s32 $0x1;
	v29 =	vadd.f32 v7, v29;
	v15 =	vadd.f32 v8, v15;
	v4 =	vld [tilespmem:s6+$0x440]  }
.LBB2_19:
0x2f2: {  	s4 =	sshrl.u32 s23, $0x3;
	v31 =	vadd.f32 v1, v31;
	v1 =	vld [tilespmem:s6+$0x450];
	s14 =	smov.u32 s22;
	s22 =	sadd.s32 $0x200, s22  }
0x2f3: {  	v33 =	vadd.f32 v0, v33;
	s4 =	smul.u32 $0x3000, s4;
	p0 =	sne.s32 s7, s22;
	v0 =	vld [tilespmem:s6+$0x460]  }
0x2f4: {  	v34 =	vadd.f32 v2, v34;
	v2 =	vld [tilespmem:s6+$0x470]  }
0x2f5: {  	v19 =	vadd.f32 v3, v19;
	s14 =	sshra.s32 s14, $0x2;
	s4 =	sshra.s32 s4, $0x2;
	v3 =	vld [tilespmem:s6+$0x800]  }
0x2f6: {  	v20 =	vadd.f32 v4, v20;
	v4 =	vld [tilespmem:s6+$0x810];
	s6 =	sadd.s32 s14, s4  }
0x2f7: {  	v5 =	vld [tilespmem:s6+$0x81C];
	v21 =	vadd.f32 v1, v21  }
0x2f8: {  	v1 =	vld [tilespmem:s6+$0x0];
	v18 =	vadd.f32 v0, v18  }
0x2f9: {  	v0 =	vld [tilespmem:s6+$0x10];
	v32 =	vadd.f32 v2, v32  }
0x2fa: {  	v2 =	vld [tilespmem:s6+$0x20];
	v22 =	vadd.f32 v3, v22  }
0x2fb: {  	v3 =	vld [tilespmem:s6+$0x30];
	v23 =	vadd.f32 v4, v23  }
0x2fc: {  	v4 =	vld [tilespmem:s6+$0x40];
	v5 =	vsel vm0, $0x0, v5  }
0x2fd: {  	v24 =	vadd.f32 v1, v24;
	v6 =	vld [tilespmem:s6+$0x50];
	v10 =	vadd.f32 v5, v10  }
0x2fe: {  	v25 =	vadd.f32 v0, v25;
	v5 =	vld [tilespmem:s6+$0x60]  }
0x2ff: {  	v26 =	vadd.f32 v2, v26;
	v7 =	vld [tilespmem:s6+$0x70]  }
.Ltmp17:
0x300: {  	v27 =	vadd.f32 v3, v27;
	v1 =	vld [tilespmem:s6+$0x400];
	(pc) =	sbr.rel @p0 .LBB2_19-.Ltmp17, $4  }
0x301: {  	v30 =	vadd.f32 v4, v30;
	v0 =	vld [tilespmem:s6+$0x410]  }
0x302: {  	v28 =	vadd.f32 v6, v28;
	v2 =	vld [tilespmem:s6+$0x420]  }
0x303: {  	v29 =	vadd.f32 v5, v29;
	v3 =	vld [tilespmem:s6+$0x430]  }
0x304: {  	s23 =	sadd.s32 $0x1, s23;
	v15 =	vadd.f32 v7, v15;
	v4 =	vld [tilespmem:s6+$0x440]  }
.Ltmp18:
0x305: {  	_ = 	snop;
	(pc) =	sbr.rel .LBB2_20-.Ltmp18, $1  }
0x306: {  	_ =	sdelay $0x3  }
.LBB2_24:
0x307: {  	_ =	sfence.sel $0x180000  }
0x308: {  	[bflag:$0x0] =	sbarrier.arrive $0xFFFF  }
0x309: {  	_ =	strace $0x90000047  }
0x30a: {  	s0 =	stileid.u32;
	[bflag:$0x2] =	sbarrier.arrive $0xFFFF  }
0x30b: {  	p0 =	sne.s32 s0, $0x0;
	s0 =	rddreg [dreg:$0x2]  }
0x30c: {  	s0 =	sadd.s32 @!p0 $0x100000, s0  }
0x30d: {  	[sflag:s0] =	ssyncadd.tile.s32 @!p0 $0x1;
	_ =	shalt  }
.Lfunc_end2:
_tile_overlayer_lowered:
.L_overlay_start_2:
0x30e: {  	(tag) =	ssettag $0x2  }
0x30f: {  	s0 =	rddreg [dreg:$0x0];
	s2 =	stileid.u32  }
0x310: {  	s1 =	rddreg [dreg:$0x1];
	p0 =	sne.s32 s2, $0x0  }
0x311: {  	s3 =	rddreg [dreg:$0x2];
	[bflag:$0x3] =	sbarrier.arrive $0xFFFF;
	s2 =	simm.s32 @!p0 $0x1C03  }
0x312: {  	[timem:s3], [sflag:s2] =	dma.local @!p0 [hbm:s0], s1  }
0x313: {  	s0 =	simm.s32 @!p0 $0x3  }
0x314: {  	_ =	swait.ge @!p0 [sflag:s0], s1  }
0x315: {  	s1 =	ssub.s32 @!p0 $0x0, s1;
	[sflag:s0] =	ssyncset.done @!p0 $0x0  }
0x316: {  	[sflag:s0] =	ssyncadd.s32 @!p0 s1  }
0x317: {  	[bflag:$0x3] =	sbarrier.arrive $0xFFFF  }
0x318: {  	_ =	shalt  }

</sc_bundles>
